<compile_context>
chip_gen: v7x
topology: tpu7x:2x2x1
jax: 0.10.2.dev20260603
libtpu: 0.0.44.dev20260713+nightly
codegen_flags: <defaults>
</compile_context>

<pallas_src>
import functools

import jax
import jax.numpy as jnp
from jax import lax
from jax.experimental import pallas as pl
from jax.experimental.pallas import tpu as pltpu
from jax.experimental.pallas import tpu_sc as plsc

B = 8
N = 20000
J = 17
P = 300
S = B * P
DJ = J * 3
NW = 32
L = 16
C = 128
PW = 384
PO = 304
MJ = 13


@functools.partial(
    pl.kernel,
    out_type=[
        jax.ShapeDtypeStruct((B,), jnp.int32),
        jax.ShapeDtypeStruct((DJ * B, PO), jnp.float32),
        jax.ShapeDtypeStruct((4 * B, PO), jnp.float32),
        jax.ShapeDtypeStruct((B, PO), jnp.float32),
    ],
    mesh=plsc.VectorSubcoreMesh(core_axis_name="c", subcore_axis_name="s"),
    compiler_params=pltpu.CompilerParams(
        needs_layout_passes=False, use_tc_tiling_on_sc=False),
    scratch_types=[
        pltpu.VMEM((S,), jnp.int32),
        pltpu.VMEM((S,), jnp.int32),
        pltpu.VMEM((PW,), jnp.int32),
        pltpu.VMEM(((MJ + 2) * PW,), jnp.float32),
        pltpu.VMEM((L,), jnp.int32),
        pltpu.VMEM((L,), jnp.int32),
        pltpu.SemaphoreType.DMA,
        pltpu.SemaphoreType.DMA,
    ],
)
def _sc_route(bi_hbm, xi_hbm, jt_hbm, bx_hbm, sc_hbm,
              num_out, j_out, b_out, s_out,
              bi_v, xi_v, xw_v, data, lb_v, cnt_v, sem, wsem):
    cid = lax.axis_index("c")
    sid = lax.axis_index("s")
    wid = sid * 2 + cid

    cpb = pltpu.async_copy(bi_hbm, bi_v, sem)
    cpx = pltpu.async_copy(xi_hbm, xi_v, sem)
    cpb.wait()
    cpx.wait()

    lane = lax.iota(jnp.int32, L)
    zeros_i = jnp.zeros((L,), jnp.int32)

    def bs_step(_, carry):
        lo, hi = carry
        unc = lo < hi
        mid = (lo + hi) // 2
        v = plsc.load_gather(bi_v, [jnp.minimum(mid, S - 1)])
        lt = unc & (v < lane)
        return (jnp.where(lt, mid + 1, lo),
                jnp.where(unc & jnp.logical_not(lt), mid, hi))

    lo, _ = lax.fori_loop(
        0, 13, bs_step, (zeros_i, jnp.full((L,), S, jnp.int32)))
    lb_v[...] = lo
    nxt = plsc.load_gather(lb_v, [jnp.minimum(lane + 1, L - 1)])
    cnt_v[...] = nxt - lo

    @pl.when(wid == 0)
    def _():
        pltpu.sync_copy(cnt_v.at[pl.ds(0, B)], num_out)

    b = wid // 4
    q = wid % 4
    start_b = jnp.max(plsc.load_gather(lb_v, [jnp.full((L,), b, jnp.int32)]))
    cnt_b = jnp.max(plsc.load_gather(cnt_v, [jnp.full((L,), b, jnp.int32)]))
    nv = jnp.minimum(cnt_b, P)

    def xw_step(c, carry):
        p = c * L + lane
        seli = jnp.minimum(start_b + p, S - 1)
        xw_v[pl.ds(c * L, L)] = jnp.where(
            p < nv, plsc.load_gather(xi_v, [seli]), 0)
        return carry

    lax.fori_loop(0, PW // L, xw_step, 0)

    copies = []

    def plane_gathers(table, row, slot):
        for c, w in ((0, C), (1, C), (2, P - 2 * C)):
            copies.append(pltpu.async_copy(
                table.at[row].at[xw_v.at[pl.ds(c * C, w)]],
                data.at[pl.ds(slot * PW + c * C, w)], sem))

    for m in range(MJ):
        k = q + 4 * m
        plane_gathers(jt_hbm, jnp.minimum(k, DJ - 1) * B + b, m)

    plane_gathers(bx_hbm, b * 4 + q, MJ)
    plane_gathers(sc_hbm, b, MJ + 1)

    for cp in copies:
        cp.wait()

    zeros_f = jnp.zeros((L,), jnp.float32)

    def zero_tail(slot):
        base = slot * PW

        def body(c, carry):
            f = c * L + lane
            v = data[pl.ds(base + c * L, L)]
            data[pl.ds(base + c * L, L)] = jnp.where(f >= nv, zeros_f, v)
            return carry

        lax.fori_loop(nv // L, PW // L, body, 0)

    wcopies = []

    def plane_write(out, row, slot):
        zero_tail(slot)
        wcopies.append(pltpu.async_copy(
            data.at[pl.ds(slot * PW, PO)], out.at[row], wsem))

    def plane_write_sync(out, row, slot):
        zero_tail(slot)
        pltpu.sync_copy(data.at[pl.ds(slot * PW, PO)], out.at[row])

    for m in range(MJ - 1):
        k = q + 4 * m
        plane_write(j_out, k * B + b, m)

    k12 = q + 4 * (MJ - 1)

    @pl.when(k12 < DJ)
    def _():
        plane_write_sync(j_out, k12 * B + b, MJ - 1)

    plane_write(b_out, b * 4 + q, MJ)

    @pl.when(q == 0)
    def _():
        plane_write_sync(s_out, b, MJ + 1)

    for wc in wcopies:
        wc.wait()


def kernel(pred_boxes, pred_scores, pred_joints, selected_indexes):
    jt = jnp.transpose(pred_joints, (2, 3, 0, 1)).reshape(DJ * B, N)
    bx = jnp.transpose(pred_boxes, (0, 2, 1)).reshape(B * 4, N)
    sc = jnp.transpose(pred_scores, (0, 2, 1)).reshape(B, N)
    bi = selected_indexes[:, 0]
    xi = selected_indexes[:, 2]
    num, jr, br, sr = _sc_route(bi, xi, jt, bx, sc)
    num_predictions = num.reshape(B, 1)
    out_joints = jr[:, :P].reshape(J, 3, B, P).transpose(2, 3, 0, 1)
    out_boxes = br[:, :P].reshape(B, 4, P).transpose(0, 2, 1)
    out_scores = sr[:, :P]
    return num_predictions, out_boxes, out_scores, out_joints

# --- scband reference (transcript-rebuilt; emitter-appended) ---
"""Pipeline reference for scband-pose-nmsand-return-as-batched-result-5153960755741 (READ-ONLY COPY).

The authoritative reference and input builder live on the scoring server;
editing this copy changes nothing except your own understanding.
"""

import jax, jax.numpy as jnp
import numpy as np

B = 8
N = 20000
J = 17
P = 300  # max_predictions_per_image


def setup_inputs(seed: int = 0) -> dict:
    key = jax.random.key(seed)
    k1, k2, k3, k4, k5 = jax.random.split(key, 5)
    pred_boxes = jax.random.normal(k1, (B, N, 4), dtype=jnp.float32)
    pred_scores = jax.random.uniform(k2, (B, N, 1), dtype=jnp.float32)
    pred_joints = jax.random.normal(k3, (B, N, J, 3), dtype=jnp.float32)
    S = B * P
    batch_idx = jnp.sort(jax.random.randint(k4, (S,), 0, B))
    label_idx = jnp.zeros((S,), dtype=jnp.int32)  # score tensor has a single class channel
    box_idx = jax.random.randint(k5, (S,), 0, N)
    selected_indexes = jnp.stack([batch_idx, label_idx, box_idx], axis=1).astype(jnp.int32)
    return {
        "pred_boxes": pred_boxes,
        "pred_scores": pred_scores,
        "pred_joints": pred_joints,
        "selected_indexes": selected_indexes,
    }


def reference(pred_boxes, pred_scores, pred_joints, selected_indexes):
    bi = selected_indexes[:, 0]
    li = selected_indexes[:, 1]
    xi = selected_indexes[:, 2]
    # gathers (memory bound)
    sel_boxes = pred_boxes[bi, xi]                 # [S, 4]
    sel_scores = pred_scores[bi, xi, li]           # [S]
    sel_poses = pred_joints[bi, xi]                # [S, J, 3]
    S = bi.shape[0]
    preds = jnp.concatenate(
        [bi[:, None].astype(jnp.float32), sel_boxes, sel_scores[:, None], sel_poses.reshape(S, -1)],
        axis=1,
    )
    total = B * P
    pad_rows = total - S
    if pad_rows > 0:
        preds = jnp.pad(preds, ((0, pad_rows), (0, 0)), constant_values=-1.0)
    batch_ids = jnp.arange(B, dtype=jnp.float32)
    masks = batch_ids[:, None] == preds[:, 0][None, :]   # [B, total]
    num_predictions = jnp.sum(masks, axis=1).astype(jnp.int32)
    # position of each selected row within its image (stable, order-preserving),
    # equivalent to the per-batch gather + pad/crop loop in the torch module
    b_int = preds[:, 0].astype(jnp.int32)
    cum = jnp.cumsum(masks.astype(jnp.int32), axis=1)    # [B, total]
    rows = jnp.arange(preds.shape[0])
    b_safe = jnp.clip(b_int, 0, B - 1)
    pos = cum[b_safe, rows] - 1
    valid = (b_int >= 0) & (pos >= 0) & (pos < P)
    D = preds.shape[1] - 1
    idx_b = jnp.where(valid, b_safe, B)   # out-of-range -> dropped
    idx_p = jnp.where(valid, pos, P)
    batch_predictions = jnp.zeros((B, P, D), dtype=jnp.float32).at[idx_b, idx_p].set(preds[:, 1:], mode="drop")
    out_boxes = batch_predictions[:, :, 0:4]
    out_scores = batch_predictions[:, :, 4]
    out_joints = batch_predictions[:, :, 5:].reshape(B, P, -1, 3)
    return num_predictions[:, None], out_boxes, out_scores, out_joints

if __name__ == "__main__":
    import jax
    _d = setup_inputs()
    print(jax.jit(kernel)(*tuple(_d.values())))

</pallas_src>

<mosaic_0001>
#map = affine_map<(d0, d1) -> (0)>
#map1 = affine_map<(d0, d1) -> (0, 0)>
module attributes {stable_mosaic.version = 14 : i64} {
  func.func @_sc_route(%arg0: i32, %arg1: i32, %arg2: memref<2400xi32, #tpu.memory_space<hbm>>, %arg3: memref<2400xi32, #tpu.memory_space<hbm>>, %arg4: memref<408x20000xf32, #tpu.memory_space<hbm>>, %arg5: memref<32x20000xf32, #tpu.memory_space<hbm>>, %arg6: memref<8x20000xf32, #tpu.memory_space<hbm>>, %arg7: memref<8xi32, #tpu.memory_space<hbm>>, %arg8: memref<408x304xf32, #tpu.memory_space<hbm>>, %arg9: memref<32x304xf32, #tpu.memory_space<hbm>>, %arg10: memref<8x304xf32, #tpu.memory_space<hbm>>, %arg11: memref<2400xi32, #tpu.memory_space<vmem>>, %arg12: memref<2400xi32, #tpu.memory_space<vmem>>, %arg13: memref<384xi32, #tpu.memory_space<vmem>>, %arg14: memref<5760xf32, #tpu.memory_space<vmem>>, %arg15: memref<16xi32, #tpu.memory_space<vmem>>, %arg16: memref<16xi32, #tpu.memory_space<vmem>>, %arg17: memref<!tpu.dma_semaphore, #tpu.memory_space<semaphore_mem>>, %arg18: memref<!tpu.dma_semaphore, #tpu.memory_space<semaphore_mem>>) attributes {dimension_semantics = [#tpu.dimension_semantics<core_parallel>, #tpu.dimension_semantics<subcore_parallel>], iteration_bounds = array<i64: 2, 16>, scalar_prefetch = 0 : i64, scratch_operands = 8 : i64, tpu.core_type = #tpu.core_type<sc_vector_subcore>, window_params = [{transform_indices = #map}, {transform_indices = #map}, {transform_indices = #map1}, {transform_indices = #map1}, {transform_indices = #map1}, {transform_indices = #map}, {transform_indices = #map1}, {transform_indices = #map1}, {transform_indices = #map1}]} {
    %mul3A = arith.constant 2 : i32
    %mul3A_0 = arith.muli %arg1, %mul3A : i32
    %add3A = arith.addi %mul3A_0, %arg0 : i32
    tpu.enqueue_dma source(%arg2 : memref<2400xi32, #tpu.memory_space<hbm>>) target(%arg11 : memref<2400xi32, #tpu.memory_space<vmem>>) target_semaphore(%arg17 : memref<!tpu.dma_semaphore, #tpu.memory_space<semaphore_mem>>)
    tpu.enqueue_dma source(%arg3 : memref<2400xi32, #tpu.memory_space<hbm>>) target(%arg12 : memref<2400xi32, #tpu.memory_space<vmem>>) target_semaphore(%arg17 : memref<!tpu.dma_semaphore, #tpu.memory_space<semaphore_mem>>)
    tpu.wait_dma2 semaphore(%arg17 : memref<!tpu.dma_semaphore, #tpu.memory_space<semaphore_mem>>) src(%arg2 : memref<2400xi32, #tpu.memory_space<hbm>>) dst(%arg11 : memref<2400xi32, #tpu.memory_space<vmem>>)
    tpu.wait_dma2 semaphore(%arg17 : memref<!tpu.dma_semaphore, #tpu.memory_space<semaphore_mem>>) src(%arg3 : memref<2400xi32, #tpu.memory_space<hbm>>) dst(%arg12 : memref<2400xi32, #tpu.memory_space<vmem>>)
    %iota3A = tpu.iota {dimensions = array<i32: 0>} : vector<16xi32>
    %broadcast_in_dim3A = arith.constant 0 : i32
    %broadcast_in_dim3A_1 = vector.broadcast %broadcast_in_dim3A : i32 to vector<16xi32>
    %broadcast_in_dim3A_2 = arith.constant 2400 : i32
    %broadcast_in_dim3A_3 = vector.broadcast %broadcast_in_dim3A_2 : i32 to vector<16xi32>
    %scan3A = arith.constant 0 : i32
    %scan3A_4 = arith.constant 13 : i32
    %scan3A_5 = arith.addi %scan3A, %scan3A_4 : i32
    %scan3A_6 = arith.constant 1 : i32
    %scan3A_7:2 = scf.for %scan3A_1758 = %scan3A to %scan3A_5 step %scan3A_6 iter_args(%scan3A_1759 = %broadcast_in_dim3A_1, %scan3A_1760 = %broadcast_in_dim3A_3) -> (vector<16xi32>, vector<16xi32>)  : i32 {
      %lt3A_1761 = arith.cmpi slt, %scan3A_1759, %scan3A_1760 : vector<16xi32>
      %add3A_1762 = arith.addi %scan3A_1759, %scan3A_1760 : vector<16xi32>
      %jit3A_1763 = arith.constant 2 : i32
      %div3A_1764 = vector.broadcast %jit3A_1763 : i32 to vector<16xi32>
      %div3A_1765 = arith.divsi %add3A_1762, %div3A_1764 : vector<16xi32>
      %sign3A_1766 = arith.constant 0 : i32
      %sign3A_1767 = vector.broadcast %sign3A_1766 : i32 to vector<16xi32>
      %sign3A_1768 = arith.cmpi sgt, %add3A_1762, %sign3A_1767 : vector<16xi32>
      %sign3A_1769 = arith.extui %sign3A_1768 : vector<16xi1> to vector<16xi32>
      %sign3A_1770 = arith.constant 0 : i32
      %sign3A_1771 = vector.broadcast %sign3A_1770 : i32 to vector<16xi32>
      %sign3A_1772 = arith.cmpi slt, %add3A_1762, %sign3A_1771 : vector<16xi32>
      %sign3A_1773 = arith.extui %sign3A_1772 : vector<16xi1> to vector<16xi32>
      %sign3A_1774 = arith.subi %sign3A_1769, %sign3A_1773 : vector<16xi32>
      %sign3A_1775 = arith.constant 0 : i32
      %sign3A_1776 = arith.cmpi sgt, %jit3A_1763, %sign3A_1775 : i32
      %sign3A_1777 = arith.extui %sign3A_1776 : i1 to i32
      %sign3A_1778 = arith.constant 0 : i32
      %sign3A_1779 = arith.cmpi slt, %jit3A_1763, %sign3A_1778 : i32
      %sign3A_1780 = arith.extui %sign3A_1779 : i1 to i32
      %sign3A_1781 = arith.subi %sign3A_1777, %sign3A_1780 : i32
      %ne3A_1782 = vector.broadcast %sign3A_1781 : i32 to vector<16xi32>
      %ne3A_1783 = arith.cmpi ne, %sign3A_1774, %ne3A_1782 : vector<16xi32>
      %rem3A_1784 = vector.broadcast %jit3A_1763 : i32 to vector<16xi32>
      %rem3A_1785 = arith.remsi %add3A_1762, %rem3A_1784 : vector<16xi32>
      %ne3A_1786 = arith.constant 0 : i32
      %ne3A_1787 = vector.broadcast %ne3A_1786 : i32 to vector<16xi32>
      %ne3A_1788 = arith.cmpi ne, %rem3A_1785, %ne3A_1787 : vector<16xi32>
      %and3A_1789 = arith.andi %ne3A_1783, %ne3A_1788 : vector<16xi1>
      %sub3A_1790 = arith.constant 1 : i32
      %sub3A_1791 = vector.broadcast %sub3A_1790 : i32 to vector<16xi32>
      %sub3A_1792 = arith.subi %div3A_1765, %sub3A_1791 : vector<16xi32>
      %select_n3A_1793 = arith.select %and3A_1789, %sub3A_1792, %div3A_1765 : vector<16xi1>, vector<16xi32>
      %min3A_1794 = arith.constant 2399 : i32
      %min3A_1795 = vector.broadcast %min3A_1794 : i32 to vector<16xi32>
      %min3A_1796 = arith.minsi %select_n3A_1793, %min3A_1795 : vector<16xi32>
      %gather3A_1797 = tpu.vector_load_idx %arg11[%min3A_1796] : memref<2400xi32, #tpu.memory_space<vmem>>[vector<16xi32>], vector<16xi32>,
      %lt3A_1798 = arith.cmpi slt, %gather3A_1797, %iota3A : vector<16xi32>
      %and3A_1799 = arith.andi %lt3A_1761, %lt3A_1798 : vector<16xi1>
      %add3A_1800 = arith.constant 1 : i32
      %add3A_1801 = vector.broadcast %add3A_1800 : i32 to vector<16xi32>
      %add3A_1802 = arith.addi %select_n3A_1793, %add3A_1801 : vector<16xi32>
      %select_n3A_1803 = arith.select %and3A_1799, %add3A_1802, %scan3A_1759 : vector<16xi1>, vector<16xi32>
      %not3A = arith.constant dense<true> : vector<16xi1>
      %not3A_1804 = arith.xori %and3A_1799, %not3A : vector<16xi1>
      %and3A_1805 = arith.andi %lt3A_1761, %not3A_1804 : vector<16xi1>
      %select_n3A_1806 = arith.select %and3A_1805, %select_n3A_1793, %scan3A_1760 : vector<16xi1>, vector<16xi32>
      scf.yield %select_n3A_1803, %select_n3A_1806 : vector<16xi32>, vector<16xi32>
    }
    %scan3A_8 = arith.constant 13 : i32
    %swap3A = arith.constant 0 : index
    %swap3A_9 = tpu.vector_load %arg15[%swap3A] {strides = array<i32>} : memref<16xi32, #tpu.memory_space<vmem>>, vector<16xi32>,
    tpu.vector_store %arg15[%swap3A], %scan3A_7#0 {strides = array<i32>} : memref<16xi32, #tpu.memory_space<vmem>>, vector<16xi32>,
    %add3A_10 = arith.constant 1 : i32
    %add3A_11 = vector.broadcast %add3A_10 : i32 to vector<16xi32>
    %add3A_12 = arith.addi %iota3A, %add3A_11 : vector<16xi32>
    %min3A = arith.constant 15 : i32
    %min3A_13 = vector.broadcast %min3A : i32 to vector<16xi32>
    %min3A_14 = arith.minsi %add3A_12, %min3A_13 : vector<16xi32>
    %gather3A = tpu.vector_load_idx %arg15[%min3A_14] : memref<16xi32, #tpu.memory_space<vmem>>[vector<16xi32>], vector<16xi32>,
    %sub3A = arith.subi %gather3A, %scan3A_7#0 : vector<16xi32>
    %swap3A_15 = arith.constant 0 : index
    %swap3A_16 = tpu.vector_load %arg16[%swap3A_15] {strides = array<i32>} : memref<16xi32, #tpu.memory_space<vmem>>, vector<16xi32>,
    tpu.vector_store %arg16[%swap3A_15], %sub3A {strides = array<i32>} : memref<16xi32, #tpu.memory_space<vmem>>, vector<16xi32>,
    %eq3A = arith.constant 0 : i32
    %eq3A_17 = arith.cmpi eq, %add3A, %eq3A : i32
    %convert_element_type3A = arith.extui %eq3A_17 : i1 to i32
    %cond3A = arith.constant 0 : i32
    %cond3A_18 = arith.cmpi ne, %convert_element_type3A, %cond3A : i32
    scf.if %cond3A_18 {
      "tpu.region"() ({
        %run_scoped3A = tpu.sem_alloc : memref<!tpu.dma_semaphore, #tpu.memory_space<semaphore_mem>>
        %dma_start3A_1758 = arith.constant 0 : i32
        %dma_start3A_1759 = tpu.memref_slice %arg16[%dma_start3A_1758] : memref<16xi32, #tpu.memory_space<vmem>> -> memref<8xi32, #tpu.memory_space<vmem>>
        %dma_start3A_1760 = arith.constant 0 : i32
        %dma_start3A_1761 = tpu.memref_slice %arg16[%dma_start3A_1760] : memref<16xi32, #tpu.memory_space<vmem>> -> memref<8xi32, #tpu.memory_space<vmem>>
        tpu.enqueue_dma source(%dma_start3A_1761 : memref<8xi32, #tpu.memory_space<vmem>>) target(%arg7 : memref<8xi32, #tpu.memory_space<hbm>>) target_semaphore(%run_scoped3A : memref<!tpu.dma_semaphore, #tpu.memory_space<semaphore_mem>>)
        %dma_wait3A_1762 = arith.constant 0 : i32
        %dma_wait3A_1763 = tpu.memref_slice %arg16[%dma_wait3A_1762] : memref<16xi32, #tpu.memory_space<vmem>> -> memref<8xi32, #tpu.memory_space<vmem>>
        %dma_wait3A_1764 = arith.constant 0 : i32
        %dma_wait3A_1765 = tpu.memref_slice %arg16[%dma_wait3A_1764] : memref<16xi32, #tpu.memory_space<vmem>> -> memref<8xi32, #tpu.memory_space<vmem>>
        tpu.wait_dma2 semaphore(%run_scoped3A : memref<!tpu.dma_semaphore, #tpu.memory_space<semaphore_mem>>) src(%dma_wait3A_1765 : memref<8xi32, #tpu.memory_space<vmem>>) dst(%arg7 : memref<8xi32, #tpu.memory_space<hbm>>)
        tpu.yield
      }) : () -> ()
    } else {
    }
    %jit3A = arith.constant 4 : i32
    %div3A = arith.divsi %add3A, %jit3A : i32
    %sign3A = arith.constant 0 : i32
    %sign3A_19 = arith.cmpi sgt, %add3A, %sign3A : i32
    %sign3A_20 = arith.extui %sign3A_19 : i1 to i32
    %sign3A_21 = arith.constant 0 : i32
    %sign3A_22 = arith.cmpi slt, %add3A, %sign3A_21 : i32
    %sign3A_23 = arith.extui %sign3A_22 : i1 to i32
    %sign3A_24 = arith.subi %sign3A_20, %sign3A_23 : i32
    %sign3A_25 = arith.constant 0 : i32
    %sign3A_26 = arith.cmpi sgt, %jit3A, %sign3A_25 : i32
    %sign3A_27 = arith.extui %sign3A_26 : i1 to i32
    %sign3A_28 = arith.constant 0 : i32
    %sign3A_29 = arith.cmpi slt, %jit3A, %sign3A_28 : i32
    %sign3A_30 = arith.extui %sign3A_29 : i1 to i32
    %sign3A_31 = arith.subi %sign3A_27, %sign3A_30 : i32
    %ne3A = arith.cmpi ne, %sign3A_24, %sign3A_31 : i32
    %rem3A = arith.remsi %add3A, %jit3A : i32
    %ne3A_32 = arith.constant 0 : i32
    %ne3A_33 = arith.cmpi ne, %rem3A, %ne3A_32 : i32
    %and3A = arith.andi %ne3A, %ne3A_33 : i1
    %sub3A_34 = arith.constant 1 : i32
    %sub3A_35 = arith.subi %div3A, %sub3A_34 : i32
    %select_n3A = arith.select %and3A, %sub3A_35, %div3A : i32
    %jit3A_36 = arith.constant 4 : i32
    %eq3A_37 = arith.constant 0 : i32
    %eq3A_38 = arith.cmpi eq, %jit3A_36, %eq3A_37 : i32
    %jit3A_39 = arith.constant 1 : i32
    %select_n3A_40 = arith.select %eq3A_38, %jit3A_39, %jit3A_36 : i32
    %rem3A_41 = arith.remsi %add3A, %select_n3A_40 : i32
    %ne3A_42 = arith.constant 0 : i32
    %ne3A_43 = arith.cmpi ne, %rem3A_41, %ne3A_42 : i32
    %lt3A = arith.constant 0 : i32
    %lt3A_44 = arith.cmpi slt, %rem3A_41, %lt3A : i32
    %lt3A_45 = arith.constant 0 : i32
    %lt3A_46 = arith.cmpi slt, %select_n3A_40, %lt3A_45 : i32
    %ne3A_47 = arith.xori %lt3A_44, %lt3A_46 : i1
    %and3A_48 = arith.andi %ne3A_47, %ne3A_43 : i1
    %add3A_49 = arith.addi %rem3A_41, %select_n3A_40 : i32
    %select_n3A_50 = arith.select %and3A_48, %add3A_49, %rem3A_41 : i32
    %broadcast_in_dim3A_51 = vector.broadcast %select_n3A : i32 to vector<16xi32>
    %gather3A_52 = tpu.vector_load_idx %arg15[%broadcast_in_dim3A_51] : memref<16xi32, #tpu.memory_space<vmem>>[vector<16xi32>], vector<16xi32>,
    %reduce_max3A = arith.constant true
    %reduce_max3A_53 = vector.broadcast %reduce_max3A : i1 to vector<16xi1>
    %reduce_max3A_54 = arith.constant -2147483648 : i32
    %reduce_max3A_55 = vector.broadcast %reduce_max3A_54 : i32 to vector<16xi32>
    %reduce_max3A_56 = arith.xori %gather3A_52, %reduce_max3A_55 : vector<16xi32>
    %reduce_max3A_57 = tpu.scan <max>, %reduce_max3A_56 masked %reduce_max3A_53 : vector<16xi32>, vector<16xi1> -> vector<16xi32>
    %reduce_max3A_58 = arith.xori %reduce_max3A_57, %reduce_max3A_55 : vector<16xi32>
    %reduce_max3A_59 = vector.extract %reduce_max3A_58[15] : i32 from vector<16xi32>
    %broadcast_in_dim3A_60 = vector.broadcast %select_n3A : i32 to vector<16xi32>
    %gather3A_61 = tpu.vector_load_idx %arg16[%broadcast_in_dim3A_60] : memref<16xi32, #tpu.memory_space<vmem>>[vector<16xi32>], vector<16xi32>,
    %reduce_max3A_62 = arith.constant true
    %reduce_max3A_63 = vector.broadcast %reduce_max3A_62 : i1 to vector<16xi1>
    %reduce_max3A_64 = arith.constant -2147483648 : i32
    %reduce_max3A_65 = vector.broadcast %reduce_max3A_64 : i32 to vector<16xi32>
    %reduce_max3A_66 = arith.xori %gather3A_61, %reduce_max3A_65 : vector<16xi32>
    %reduce_max3A_67 = tpu.scan <max>, %reduce_max3A_66 masked %reduce_max3A_63 : vector<16xi32>, vector<16xi1> -> vector<16xi32>
    %reduce_max3A_68 = arith.xori %reduce_max3A_67, %reduce_max3A_65 : vector<16xi32>
    %reduce_max3A_69 = vector.extract %reduce_max3A_68[15] : i32 from vector<16xi32>
    %min3A_70 = arith.constant 300 : i32
    %min3A_71 = arith.minsi %reduce_max3A_69, %min3A_70 : i32
    %scan3A_72 = arith.constant 0 : i32
    %scan3A_73 = arith.constant 0 : i32
    %scan3A_74 = arith.constant 24 : i32
    %scan3A_75 = arith.addi %scan3A_73, %scan3A_74 : i32
    %scan3A_76 = arith.constant 1 : i32
    scf.for %scan3A_1758 = %scan3A_73 to %scan3A_75 step %scan3A_76  : i32 {
      %mul3A_1759 = arith.constant 16 : i32
      %mul3A_1760 = arith.muli %scan3A_1758, %mul3A_1759 : i32
      %add3A_1761 = vector.broadcast %mul3A_1760 : i32 to vector<16xi32>
      %add3A_1762 = arith.addi %add3A_1761, %iota3A : vector<16xi32>
      %add3A_1763 = vector.broadcast %reduce_max3A_59 : i32 to vector<16xi32>
      %add3A_1764 = arith.addi %add3A_1763, %add3A_1762 : vector<16xi32>
      %min3A_1765 = arith.constant 2399 : i32
      %min3A_1766 = vector.broadcast %min3A_1765 : i32 to vector<16xi32>
      %min3A_1767 = arith.minsi %add3A_1764, %min3A_1766 : vector<16xi32>
      %lt3A_1768 = vector.broadcast %min3A_71 : i32 to vector<16xi32>
      %lt3A_1769 = arith.cmpi slt, %add3A_1762, %lt3A_1768 : vector<16xi32>
      %gather3A_1770 = tpu.vector_load_idx %arg12[%min3A_1767] : memref<2400xi32, #tpu.memory_space<vmem>>[vector<16xi32>], vector<16xi32>,
      %jit3A_1771 = arith.constant 0 : i32
      %broadcast_in_dim3A_1772 = vector.broadcast %jit3A_1771 : i32 to vector<16xi32>
      %select_n3A_1773 = arith.select %lt3A_1769, %gather3A_1770, %broadcast_in_dim3A_1772 : vector<16xi1>, vector<16xi32>
      %mul3A_1774 = arith.constant 16 : i32
      %mul3A_1775 = arith.muli %scan3A_1758, %mul3A_1774 : i32
      %swap3A_1776 = arith.index_cast %mul3A_1775 : i32 to index
      %swap3A_1777 = tpu.vector_load %arg13[%swap3A_1776] {strides = array<i32>} : memref<384xi32, #tpu.memory_space<vmem>>, vector<16xi32>,
      tpu.vector_store %arg13[%swap3A_1776], %select_n3A_1773 {strides = array<i32>} : memref<384xi32, #tpu.memory_space<vmem>>, vector<16xi32>,
    }
    %scan3A_77 = arith.constant 24 : i32
    %add3A_78 = arith.constant 0 : i32
    %add3A_79 = arith.addi %select_n3A_50, %add3A_78 : i32
    %min3A_80 = arith.constant 50 : i32
    %min3A_81 = arith.minsi %add3A_79, %min3A_80 : i32
    %mul3A_82 = arith.constant 8 : i32
    %mul3A_83 = arith.muli %min3A_81, %mul3A_82 : i32
    %add3A_84 = arith.addi %mul3A_83, %select_n3A : i32
    %dma_start3A = arith.constant 0 : i32
    %dma_start3A_85 = tpu.memref_slice %arg14[%dma_start3A] : memref<5760xf32, #tpu.memory_space<vmem>> -> memref<128xf32, #tpu.memory_space<vmem>>
    %dma_start3A_86 = arith.constant 0 : i32
    %dma_start3A_87 = tpu.memref_slice %arg13[%dma_start3A_86] : memref<384xi32, #tpu.memory_space<vmem>> -> memref<128xi32, #tpu.memory_space<vmem>>
    %dma_start3A_88 = arith.constant 0 : i32
    %dma_start3A_89 = tpu.memref_slice %arg4[%add3A_84, %dma_start3A_88] : memref<408x20000xf32, #tpu.memory_space<hbm>> -> memref<1x20000xf32, #tpu.memory_space<hbm>>
    %dma_start3A_90 = tpu.memref_squeeze %dma_start3A_89 : memref<1x20000xf32, #tpu.memory_space<hbm>> -> memref<20000xf32, #tpu.memory_space<hbm>>
    %dma_start3A_91 = arith.constant 0 : i32
    %dma_start3A_92 = tpu.memref_slice %dma_start3A_90[%dma_start3A_91] : memref<20000xf32, #tpu.memory_space<hbm>> -> memref<20000xf32, #tpu.memory_space<hbm>>
    tpu.enqueue_indirect_dma source(%dma_start3A_92 : memref<20000xf32, #tpu.memory_space<hbm>>) target(%dma_start3A_85 : memref<128xf32, #tpu.memory_space<vmem>>) offsets(%dma_start3A_87 : memref<128xi32, #tpu.memory_space<vmem>>) semaphore(%arg17 : memref<!tpu.dma_semaphore, #tpu.memory_space<semaphore_mem>>)
    %dma_start3A_93 = arith.constant 128 : i32
    %dma_start3A_94 = tpu.memref_slice %arg14[%dma_start3A_93] : memref<5760xf32, #tpu.memory_space<vmem>> -> memref<128xf32, #tpu.memory_space<vmem>>
    %dma_start3A_95 = arith.constant 128 : i32
    %dma_start3A_96 = tpu.memref_slice %arg13[%dma_start3A_95] : memref<384xi32, #tpu.memory_space<vmem>> -> memref<128xi32, #tpu.memory_space<vmem>>
    %dma_start3A_97 = arith.constant 0 : i32
    %dma_start3A_98 = tpu.memref_slice %arg4[%add3A_84, %dma_start3A_97] : memref<408x20000xf32, #tpu.memory_space<hbm>> -> memref<1x20000xf32, #tpu.memory_space<hbm>>
    %dma_start3A_99 = tpu.memref_squeeze %dma_start3A_98 : memref<1x20000xf32, #tpu.memory_space<hbm>> -> memref<20000xf32, #tpu.memory_space<hbm>>
    %dma_start3A_100 = arith.constant 0 : i32
    %dma_start3A_101 = tpu.memref_slice %dma_start3A_99[%dma_start3A_100] : memref<20000xf32, #tpu.memory_space<hbm>> -> memref<20000xf32, #tpu.memory_space<hbm>>
    tpu.enqueue_indirect_dma source(%dma_start3A_101 : memref<20000xf32, #tpu.memory_space<hbm>>) target(%dma_start3A_94 : memref<128xf32, #tpu.memory_space<vmem>>) offsets(%dma_start3A_96 : memref<128xi32, #tpu.memory_space<vmem>>) semaphore(%arg17 : memref<!tpu.dma_semaphore, #tpu.memory_space<semaphore_mem>>)
    %dma_start3A_102 = arith.constant 256 : i32
    %dma_start3A_103 = tpu.memref_slice %arg14[%dma_start3A_102] : memref<5760xf32, #tpu.memory_space<vmem>> -> memref<44xf32, #tpu.memory_space<vmem>>
    %dma_start3A_104 = arith.constant 256 : i32
    %dma_start3A_105 = tpu.memref_slice %arg13[%dma_start3A_104] : memref<384xi32, #tpu.memory_space<vmem>> -> memref<44xi32, #tpu.memory_space<vmem>>
    %dma_start3A_106 = arith.constant 0 : i32
    %dma_start3A_107 = tpu.memref_slice %arg4[%add3A_84, %dma_start3A_106] : memref<408x20000xf32, #tpu.memory_space<hbm>> -> memref<1x20000xf32, #tpu.memory_space<hbm>>
    %dma_start3A_108 = tpu.memref_squeeze %dma_start3A_107 : memref<1x20000xf32, #tpu.memory_space<hbm>> -> memref<20000xf32, #tpu.memory_space<hbm>>
    %dma_start3A_109 = arith.constant 0 : i32
    %dma_start3A_110 = tpu.memref_slice %dma_start3A_108[%dma_start3A_109] : memref<20000xf32, #tpu.memory_space<hbm>> -> memref<20000xf32, #tpu.memory_space<hbm>>
    tpu.enqueue_indirect_dma source(%dma_start3A_110 : memref<20000xf32, #tpu.memory_space<hbm>>) target(%dma_start3A_103 : memref<44xf32, #tpu.memory_space<vmem>>) offsets(%dma_start3A_105 : memref<44xi32, #tpu.memory_space<vmem>>) semaphore(%arg17 : memref<!tpu.dma_semaphore, #tpu.memory_space<semaphore_mem>>)
    %add3A_111 = arith.constant 4 : i32
    %add3A_112 = arith.addi %select_n3A_50, %add3A_111 : i32
    %min3A_113 = arith.constant 50 : i32
    %min3A_114 = arith.minsi %add3A_112, %min3A_113 : i32
    %mul3A_115 = arith.constant 8 : i32
    %mul3A_116 = arith.muli %min3A_114, %mul3A_115 : i32
    %add3A_117 = arith.addi %mul3A_116, %select_n3A : i32
    %dma_start3A_118 = arith.constant 384 : i32
    %dma_start3A_119 = tpu.memref_slice %arg14[%dma_start3A_118] : memref<5760xf32, #tpu.memory_space<vmem>> -> memref<128xf32, #tpu.memory_space<vmem>>
    %dma_start3A_120 = arith.constant 0 : i32
    %dma_start3A_121 = tpu.memref_slice %arg13[%dma_start3A_120] : memref<384xi32, #tpu.memory_space<vmem>> -> memref<128xi32, #tpu.memory_space<vmem>>
    %dma_start3A_122 = arith.constant 0 : i32
    %dma_start3A_123 = tpu.memref_slice %arg4[%add3A_117, %dma_start3A_122] : memref<408x20000xf32, #tpu.memory_space<hbm>> -> memref<1x20000xf32, #tpu.memory_space<hbm>>
    %dma_start3A_124 = tpu.memref_squeeze %dma_start3A_123 : memref<1x20000xf32, #tpu.memory_space<hbm>> -> memref<20000xf32, #tpu.memory_space<hbm>>
    %dma_start3A_125 = arith.constant 0 : i32
    %dma_start3A_126 = tpu.memref_slice %dma_start3A_124[%dma_start3A_125] : memref<20000xf32, #tpu.memory_space<hbm>> -> memref<20000xf32, #tpu.memory_space<hbm>>
    tpu.enqueue_indirect_dma source(%dma_start3A_126 : memref<20000xf32, #tpu.memory_space<hbm>>) target(%dma_start3A_119 : memref<128xf32, #tpu.memory_space<vmem>>) offsets(%dma_start3A_121 : memref<128xi32, #tpu.memory_space<vmem>>) semaphore(%arg17 : memref<!tpu.dma_semaphore, #tpu.memory_space<semaphore_mem>>)
    %dma_start3A_127 = arith.constant 512 : i32
    %dma_start3A_128 = tpu.memref_slice %arg14[%dma_start3A_127] : memref<5760xf32, #tpu.memory_space<vmem>> -> memref<128xf32, #tpu.memory_space<vmem>>
    %dma_start3A_129 = arith.constant 128 : i32
    %dma_start3A_130 = tpu.memref_slice %arg13[%dma_start3A_129] : memref<384xi32, #tpu.memory_space<vmem>> -> memref<128xi32, #tpu.memory_space<vmem>>
    %dma_start3A_131 = arith.constant 0 : i32
    %dma_start3A_132 = tpu.memref_slice %arg4[%add3A_117, %dma_start3A_131] : memref<408x20000xf32, #tpu.memory_space<hbm>> -> memref<1x20000xf32, #tpu.memory_space<hbm>>
    %dma_start3A_133 = tpu.memref_squeeze %dma_start3A_132 : memref<1x20000xf32, #tpu.memory_space<hbm>> -> memref<20000xf32, #tpu.memory_space<hbm>>
    %dma_start3A_134 = arith.constant 0 : i32
    %dma_start3A_135 = tpu.memref_slice %dma_start3A_133[%dma_start3A_134] : memref<20000xf32, #tpu.memory_space<hbm>> -> memref<20000xf32, #tpu.memory_space<hbm>>
    tpu.enqueue_indirect_dma source(%dma_start3A_135 : memref<20000xf32, #tpu.memory_space<hbm>>) target(%dma_start3A_128 : memref<128xf32, #tpu.memory_space<vmem>>) offsets(%dma_start3A_130 : memref<128xi32, #tpu.memory_space<vmem>>) semaphore(%arg17 : memref<!tpu.dma_semaphore, #tpu.memory_space<semaphore_mem>>)
    %dma_start3A_136 = arith.constant 640 : i32
    %dma_start3A_137 = tpu.memref_slice %arg14[%dma_start3A_136] : memref<5760xf32, #tpu.memory_space<vmem>> -> memref<44xf32, #tpu.memory_space<vmem>>
    %dma_start3A_138 = arith.constant 256 : i32
    %dma_start3A_139 = tpu.memref_slice %arg13[%dma_start3A_138] : memref<384xi32, #tpu.memory_space<vmem>> -> memref<44xi32, #tpu.memory_space<vmem>>
    %dma_start3A_140 = arith.constant 0 : i32
    %dma_start3A_141 = tpu.memref_slice %arg4[%add3A_117, %dma_start3A_140] : memref<408x20000xf32, #tpu.memory_space<hbm>> -> memref<1x20000xf32, #tpu.memory_space<hbm>>
    %dma_start3A_142 = tpu.memref_squeeze %dma_start3A_141 : memref<1x20000xf32, #tpu.memory_space<hbm>> -> memref<20000xf32, #tpu.memory_space<hbm>>
    %dma_start3A_143 = arith.constant 0 : i32
    %dma_start3A_144 = tpu.memref_slice %dma_start3A_142[%dma_start3A_143] : memref<20000xf32, #tpu.memory_space<hbm>> -> memref<20000xf32, #tpu.memory_space<hbm>>
    tpu.enqueue_indirect_dma source(%dma_start3A_144 : memref<20000xf32, #tpu.memory_space<hbm>>) target(%dma_start3A_137 : memref<44xf32, #tpu.memory_space<vmem>>) offsets(%dma_start3A_139 : memref<44xi32, #tpu.memory_space<vmem>>) semaphore(%arg17 : memref<!tpu.dma_semaphore, #tpu.memory_space<semaphore_mem>>)
    %add3A_145 = arith.constant 8 : i32
    %add3A_146 = arith.addi %select_n3A_50, %add3A_145 : i32
    %min3A_147 = arith.constant 50 : i32
    %min3A_148 = arith.minsi %add3A_146, %min3A_147 : i32
    %mul3A_149 = arith.constant 8 : i32
    %mul3A_150 = arith.muli %min3A_148, %mul3A_149 : i32
    %add3A_151 = arith.addi %mul3A_150, %select_n3A : i32
    %dma_start3A_152 = arith.constant 768 : i32
    %dma_start3A_153 = tpu.memref_slice %arg14[%dma_start3A_152] : memref<5760xf32, #tpu.memory_space<vmem>> -> memref<128xf32, #tpu.memory_space<vmem>>
    %dma_start3A_154 = arith.constant 0 : i32
    %dma_start3A_155 = tpu.memref_slice %arg13[%dma_start3A_154] : memref<384xi32, #tpu.memory_space<vmem>> -> memref<128xi32, #tpu.memory_space<vmem>>
    %dma_start3A_156 = arith.constant 0 : i32
    %dma_start3A_157 = tpu.memref_slice %arg4[%add3A_151, %dma_start3A_156] : memref<408x20000xf32, #tpu.memory_space<hbm>> -> memref<1x20000xf32, #tpu.memory_space<hbm>>
    %dma_start3A_158 = tpu.memref_squeeze %dma_start3A_157 : memref<1x20000xf32, #tpu.memory_space<hbm>> -> memref<20000xf32, #tpu.memory_space<hbm>>
    %dma_start3A_159 = arith.constant 0 : i32
    %dma_start3A_160 = tpu.memref_slice %dma_start3A_158[%dma_start3A_159] : memref<20000xf32, #tpu.memory_space<hbm>> -> memref<20000xf32, #tpu.memory_space<hbm>>
    tpu.enqueue_indirect_dma source(%dma_start3A_160 : memref<20000xf32, #tpu.memory_space<hbm>>) target(%dma_start3A_153 : memref<128xf32, #tpu.memory_space<vmem>>) offsets(%dma_start3A_155 : memref<128xi32, #tpu.memory_space<vmem>>) semaphore(%arg17 : memref<!tpu.dma_semaphore, #tpu.memory_space<semaphore_mem>>)
    %dma_start3A_161 = arith.constant 896 : i32
    %dma_start3A_162 = tpu.memref_slice %arg14[%dma_start3A_161] : memref<5760xf32, #tpu.memory_space<vmem>> -> memref<128xf32, #tpu.memory_space<vmem>>
    %dma_start3A_163 = arith.constant 128 : i32
    %dma_start3A_164 = tpu.memref_slice %arg13[%dma_start3A_163] : memref<384xi32, #tpu.memory_space<vmem>> -> memref<128xi32, #tpu.memory_space<vmem>>
    %dma_start3A_165 = arith.constant 0 : i32
    %dma_start3A_166 = tpu.memref_slice %arg4[%add3A_151, %dma_start3A_165] : memref<408x20000xf32, #tpu.memory_space<hbm>> -> memref<1x20000xf32, #tpu.memory_space<hbm>>
    %dma_start3A_167 = tpu.memref_squeeze %dma_start3A_166 : memref<1x20000xf32, #tpu.memory_space<hbm>> -> memref<20000xf32, #tpu.memory_space<hbm>>
    %dma_start3A_168 = arith.constant 0 : i32
    %dma_start3A_169 = tpu.memref_slice %dma_start3A_167[%dma_start3A_168] : memref<20000xf32, #tpu.memory_space<hbm>> -> memref<20000xf32, #tpu.memory_space<hbm>>
    tpu.enqueue_indirect_dma source(%dma_start3A_169 : memref<20000xf32, #tpu.memory_space<hbm>>) target(%dma_start3A_162 : memref<128xf32, #tpu.memory_space<vmem>>) offsets(%dma_start3A_164 : memref<128xi32, #tpu.memory_space<vmem>>) semaphore(%arg17 : memref<!tpu.dma_semaphore, #tpu.memory_space<semaphore_mem>>)
    %dma_start3A_170 = arith.constant 1024 : i32
    %dma_start3A_171 = tpu.memref_slice %arg14[%dma_start3A_170] : memref<5760xf32, #tpu.memory_space<vmem>> -> memref<44xf32, #tpu.memory_space<vmem>>
    %dma_start3A_172 = arith.constant 256 : i32
    %dma_start3A_173 = tpu.memref_slice %arg13[%dma_start3A_172] : memref<384xi32, #tpu.memory_space<vmem>> -> memref<44xi32, #tpu.memory_space<vmem>>
    %dma_start3A_174 = arith.constant 0 : i32
    %dma_start3A_175 = tpu.memref_slice %arg4[%add3A_151, %dma_start3A_174] : memref<408x20000xf32, #tpu.memory_space<hbm>> -> memref<1x20000xf32, #tpu.memory_space<hbm>>
    %dma_start3A_176 = tpu.memref_squeeze %dma_start3A_175 : memref<1x20000xf32, #tpu.memory_space<hbm>> -> memref<20000xf32, #tpu.memory_space<hbm>>
    %dma_start3A_177 = arith.constant 0 : i32
    %dma_start3A_178 = tpu.memref_slice %dma_start3A_176[%dma_start3A_177] : memref<20000xf32, #tpu.memory_space<hbm>> -> memref<20000xf32, #tpu.memory_space<hbm>>
    tpu.enqueue_indirect_dma source(%dma_start3A_178 : memref<20000xf32, #tpu.memory_space<hbm>>) target(%dma_start3A_171 : memref<44xf32, #tpu.memory_space<vmem>>) offsets(%dma_start3A_173 : memref<44xi32, #tpu.memory_space<vmem>>) semaphore(%arg17 : memref<!tpu.dma_semaphore, #tpu.memory_space<semaphore_mem>>)
    %add3A_179 = arith.constant 12 : i32
    %add3A_180 = arith.addi %select_n3A_50, %add3A_179 : i32
    %min3A_181 = arith.constant 50 : i32
    %min3A_182 = arith.minsi %add3A_180, %min3A_181 : i32
    %mul3A_183 = arith.constant 8 : i32
    %mul3A_184 = arith.muli %min3A_182, %mul3A_183 : i32
    %add3A_185 = arith.addi %mul3A_184, %select_n3A : i32
    %dma_start3A_186 = arith.constant 1152 : i32
    %dma_start3A_187 = tpu.memref_slice %arg14[%dma_start3A_186] : memref<5760xf32, #tpu.memory_space<vmem>> -> memref<128xf32, #tpu.memory_space<vmem>>
    %dma_start3A_188 = arith.constant 0 : i32
    %dma_start3A_189 = tpu.memref_slice %arg13[%dma_start3A_188] : memref<384xi32, #tpu.memory_space<vmem>> -> memref<128xi32, #tpu.memory_space<vmem>>
    %dma_start3A_190 = arith.constant 0 : i32
    %dma_start3A_191 = tpu.memref_slice %arg4[%add3A_185, %dma_start3A_190] : memref<408x20000xf32, #tpu.memory_space<hbm>> -> memref<1x20000xf32, #tpu.memory_space<hbm>>
    %dma_start3A_192 = tpu.memref_squeeze %dma_start3A_191 : memref<1x20000xf32, #tpu.memory_space<hbm>> -> memref<20000xf32, #tpu.memory_space<hbm>>
    %dma_start3A_193 = arith.constant 0 : i32
    %dma_start3A_194 = tpu.memref_slice %dma_start3A_192[%dma_start3A_193] : memref<20000xf32, #tpu.memory_space<hbm>> -> memref<20000xf32, #tpu.memory_space<hbm>>
    tpu.enqueue_indirect_dma source(%dma_start3A_194 : memref<20000xf32, #tpu.memory_space<hbm>>) target(%dma_start3A_187 : memref<128xf32, #tpu.memory_space<vmem>>) offsets(%dma_start3A_189 : memref<128xi32, #tpu.memory_space<vmem>>) semaphore(%arg17 : memref<!tpu.dma_semaphore, #tpu.memory_space<semaphore_mem>>)
    %dma_start3A_195 = arith.constant 1280 : i32
    %dma_start3A_196 = tpu.memref_slice %arg14[%dma_start3A_195] : memref<5760xf32, #tpu.memory_space<vmem>> -> memref<128xf32, #tpu.memory_space<vmem>>
    %dma_start3A_197 = arith.constant 128 : i32
    %dma_start3A_198 = tpu.memref_slice %arg13[%dma_start3A_197] : memref<384xi32, #tpu.memory_space<vmem>> -> memref<128xi32, #tpu.memory_space<vmem>>
    %dma_start3A_199 = arith.constant 0 : i32
    %dma_start3A_200 = tpu.memref_slice %arg4[%add3A_185, %dma_start3A_199] : memref<408x20000xf32, #tpu.memory_space<hbm>> -> memref<1x20000xf32, #tpu.memory_space<hbm>>
    %dma_start3A_201 = tpu.memref_squeeze %dma_start3A_200 : memref<1x20000xf32, #tpu.memory_space<hbm>> -> memref<20000xf32, #tpu.memory_space<hbm>>
    %dma_start3A_202 = arith.constant 0 : i32
    %dma_start3A_203 = tpu.memref_slice %dma_start3A_201[%dma_start3A_202] : memref<20000xf32, #tpu.memory_space<hbm>> -> memref<20000xf32, #tpu.memory_space<hbm>>
    tpu.enqueue_indirect_dma source(%dma_start3A_203 : memref<20000xf32, #tpu.memory_space<hbm>>) target(%dma_start3A_196 : memref<128xf32, #tpu.memory_space<vmem>>) offsets(%dma_start3A_198 : memref<128xi32, #tpu.memory_space<vmem>>) semaphore(%arg17 : memref<!tpu.dma_semaphore, #tpu.memory_space<semaphore_mem>>)
    %dma_start3A_204 = arith.constant 1408 : i32
    %dma_start3A_205 = tpu.memref_slice %arg14[%dma_start3A_204] : memref<5760xf32, #tpu.memory_space<vmem>> -> memref<44xf32, #tpu.memory_space<vmem>>
    %dma_start3A_206 = arith.constant 256 : i32
    %dma_start3A_207 = tpu.memref_slice %arg13[%dma_start3A_206] : memref<384xi32, #tpu.memory_space<vmem>> -> memref<44xi32, #tpu.memory_space<vmem>>
    %dma_start3A_208 = arith.constant 0 : i32
    %dma_start3A_209 = tpu.memref_slice %arg4[%add3A_185, %dma_start3A_208] : memref<408x20000xf32, #tpu.memory_space<hbm>> -> memref<1x20000xf32, #tpu.memory_space<hbm>>
    %dma_start3A_210 = tpu.memref_squeeze %dma_start3A_209 : memref<1x20000xf32, #tpu.memory_space<hbm>> -> memref<20000xf32, #tpu.memory_space<hbm>>
    %dma_start3A_211 = arith.constant 0 : i32
    %dma_start3A_212 = tpu.memref_slice %dma_start3A_210[%dma_start3A_211] : memref<20000xf32, #tpu.memory_space<hbm>> -> memref<20000xf32, #tpu.memory_space<hbm>>
    tpu.enqueue_indirect_dma source(%dma_start3A_212 : memref<20000xf32, #tpu.memory_space<hbm>>) target(%dma_start3A_205 : memref<44xf32, #tpu.memory_space<vmem>>) offsets(%dma_start3A_207 : memref<44xi32, #tpu.memory_space<vmem>>) semaphore(%arg17 : memref<!tpu.dma_semaphore, #tpu.memory_space<semaphore_mem>>)
    %add3A_213 = arith.constant 16 : i32
    %add3A_214 = arith.addi %select_n3A_50, %add3A_213 : i32
    %min3A_215 = arith.constant 50 : i32
    %min3A_216 = arith.minsi %add3A_214, %min3A_215 : i32
    %mul3A_217 = arith.constant 8 : i32
    %mul3A_218 = arith.muli %min3A_216, %mul3A_217 : i32
    %add3A_219 = arith.addi %mul3A_218, %select_n3A : i32
    %dma_start3A_220 = arith.constant 1536 : i32
    %dma_start3A_221 = tpu.memref_slice %arg14[%dma_start3A_220] : memref<5760xf32, #tpu.memory_space<vmem>> -> memref<128xf32, #tpu.memory_space<vmem>>
    %dma_start3A_222 = arith.constant 0 : i32
    %dma_start3A_223 = tpu.memref_slice %arg13[%dma_start3A_222] : memref<384xi32, #tpu.memory_space<vmem>> -> memref<128xi32, #tpu.memory_space<vmem>>
    %dma_start3A_224 = arith.constant 0 : i32
    %dma_start3A_225 = tpu.memref_slice %arg4[%add3A_219, %dma_start3A_224] : memref<408x20000xf32, #tpu.memory_space<hbm>> -> memref<1x20000xf32, #tpu.memory_space<hbm>>
    %dma_start3A_226 = tpu.memref_squeeze %dma_start3A_225 : memref<1x20000xf32, #tpu.memory_space<hbm>> -> memref<20000xf32, #tpu.memory_space<hbm>>
    %dma_start3A_227 = arith.constant 0 : i32
    %dma_start3A_228 = tpu.memref_slice %dma_start3A_226[%dma_start3A_227] : memref<20000xf32, #tpu.memory_space<hbm>> -> memref<20000xf32, #tpu.memory_space<hbm>>
    tpu.enqueue_indirect_dma source(%dma_start3A_228 : memref<20000xf32, #tpu.memory_space<hbm>>) target(%dma_start3A_221 : memref<128xf32, #tpu.memory_space<vmem>>) offsets(%dma_start3A_223 : memref<128xi32, #tpu.memory_space<vmem>>) semaphore(%arg17 : memref<!tpu.dma_semaphore, #tpu.memory_space<semaphore_mem>>)
    %dma_start3A_229 = arith.constant 1664 : i32
    %dma_start3A_230 = tpu.memref_slice %arg14[%dma_start3A_229] : memref<5760xf32, #tpu.memory_space<vmem>> -> memref<128xf32, #tpu.memory_space<vmem>>
    %dma_start3A_231 = arith.constant 128 : i32
    %dma_start3A_232 = tpu.memref_slice %arg13[%dma_start3A_231] : memref<384xi32, #tpu.memory_space<vmem>> -> memref<128xi32, #tpu.memory_space<vmem>>
    %dma_start3A_233 = arith.constant 0 : i32
    %dma_start3A_234 = tpu.memref_slice %arg4[%add3A_219, %dma_start3A_233] : memref<408x20000xf32, #tpu.memory_space<hbm>> -> memref<1x20000xf32, #tpu.memory_space<hbm>>
    %dma_start3A_235 = tpu.memref_squeeze %dma_start3A_234 : memref<1x20000xf32, #tpu.memory_space<hbm>> -> memref<20000xf32, #tpu.memory_space<hbm>>
    %dma_start3A_236 = arith.constant 0 : i32
    %dma_start3A_237 = tpu.memref_slice %dma_start3A_235[%dma_start3A_236] : memref<20000xf32, #tpu.memory_space<hbm>> -> memref<20000xf32, #tpu.memory_space<hbm>>
    tpu.enqueue_indirect_dma source(%dma_start3A_237 : memref<20000xf32, #tpu.memory_space<hbm>>) target(%dma_start3A_230 : memref<128xf32, #tpu.memory_space<vmem>>) offsets(%dma_start3A_232 : memref<128xi32, #tpu.memory_space<vmem>>) semaphore(%arg17 : memref<!tpu.dma_semaphore, #tpu.memory_space<semaphore_mem>>)
    %dma_start3A_238 = arith.constant 1792 : i32
    %dma_start3A_239 = tpu.memref_slice %arg14[%dma_start3A_238] : memref<5760xf32, #tpu.memory_space<vmem>> -> memref<44xf32, #tpu.memory_space<vmem>>
    %dma_start3A_240 = arith.constant 256 : i32
    %dma_start3A_241 = tpu.memref_slice %arg13[%dma_start3A_240] : memref<384xi32, #tpu.memory_space<vmem>> -> memref<44xi32, #tpu.memory_space<vmem>>
    %dma_start3A_242 = arith.constant 0 : i32
    %dma_start3A_243 = tpu.memref_slice %arg4[%add3A_219, %dma_start3A_242] : memref<408x20000xf32, #tpu.memory_space<hbm>> -> memref<1x20000xf32, #tpu.memory_space<hbm>>
    %dma_start3A_244 = tpu.memref_squeeze %dma_start3A_243 : memref<1x20000xf32, #tpu.memory_space<hbm>> -> memref<20000xf32, #tpu.memory_space<hbm>>
    %dma_start3A_245 = arith.constant 0 : i32
    %dma_start3A_246 = tpu.memref_slice %dma_start3A_244[%dma_start3A_245] : memref<20000xf32, #tpu.memory_space<hbm>> -> memref<20000xf32, #tpu.memory_space<hbm>>
    tpu.enqueue_indirect_dma source(%dma_start3A_246 : memref<20000xf32, #tpu.memory_space<hbm>>) target(%dma_start3A_239 : memref<44xf32, #tpu.memory_space<vmem>>) offsets(%dma_start3A_241 : memref<44xi32, #tpu.memory_space<vmem>>) semaphore(%arg17 : memref<!tpu.dma_semaphore, #tpu.memory_space<semaphore_mem>>)
    %add3A_247 = arith.constant 20 : i32
    %add3A_248 = arith.addi %select_n3A_50, %add3A_247 : i32
    %min3A_249 = arith.constant 50 : i32
    %min3A_250 = arith.minsi %add3A_248, %min3A_249 : i32
    %mul3A_251 = arith.constant 8 : i32
    %mul3A_252 = arith.muli %min3A_250, %mul3A_251 : i32
    %add3A_253 = arith.addi %mul3A_252, %select_n3A : i32
    %dma_start3A_254 = arith.constant 1920 : i32
    %dma_start3A_255 = tpu.memref_slice %arg14[%dma_start3A_254] : memref<5760xf32, #tpu.memory_space<vmem>> -> memref<128xf32, #tpu.memory_space<vmem>>
    %dma_start3A_256 = arith.constant 0 : i32
    %dma_start3A_257 = tpu.memref_slice %arg13[%dma_start3A_256] : memref<384xi32, #tpu.memory_space<vmem>> -> memref<128xi32, #tpu.memory_space<vmem>>
    %dma_start3A_258 = arith.constant 0 : i32
    %dma_start3A_259 = tpu.memref_slice %arg4[%add3A_253, %dma_start3A_258] : memref<408x20000xf32, #tpu.memory_space<hbm>> -> memref<1x20000xf32, #tpu.memory_space<hbm>>
    %dma_start3A_260 = tpu.memref_squeeze %dma_start3A_259 : memref<1x20000xf32, #tpu.memory_space<hbm>> -> memref<20000xf32, #tpu.memory_space<hbm>>
    %dma_start3A_261 = arith.constant 0 : i32
    %dma_start3A_262 = tpu.memref_slice %dma_start3A_260[%dma_start3A_261] : memref<20000xf32, #tpu.memory_space<hbm>> -> memref<20000xf32, #tpu.memory_space<hbm>>
    tpu.enqueue_indirect_dma source(%dma_start3A_262 : memref<20000xf32, #tpu.memory_space<hbm>>) target(%dma_start3A_255 : memref<128xf32, #tpu.memory_space<vmem>>) offsets(%dma_start3A_257 : memref<128xi32, #tpu.memory_space<vmem>>) semaphore(%arg17 : memref<!tpu.dma_semaphore, #tpu.memory_space<semaphore_mem>>)
    %dma_start3A_263 = arith.constant 2048 : i32
    %dma_start3A_264 = tpu.memref_slice %arg14[%dma_start3A_263] : memref<5760xf32, #tpu.memory_space<vmem>> -> memref<128xf32, #tpu.memory_space<vmem>>
    %dma_start3A_265 = arith.constant 128 : i32
    %dma_start3A_266 = tpu.memref_slice %arg13[%dma_start3A_265] : memref<384xi32, #tpu.memory_space<vmem>> -> memref<128xi32, #tpu.memory_space<vmem>>
    %dma_start3A_267 = arith.constant 0 : i32
    %dma_start3A_268 = tpu.memref_slice %arg4[%add3A_253, %dma_start3A_267] : memref<408x20000xf32, #tpu.memory_space<hbm>> -> memref<1x20000xf32, #tpu.memory_space<hbm>>
    %dma_start3A_269 = tpu.memref_squeeze %dma_start3A_268 : memref<1x20000xf32, #tpu.memory_space<hbm>> -> memref<20000xf32, #tpu.memory_space<hbm>>
    %dma_start3A_270 = arith.constant 0 : i32
    %dma_start3A_271 = tpu.memref_slice %dma_start3A_269[%dma_start3A_270] : memref<20000xf32, #tpu.memory_space<hbm>> -> memref<20000xf32, #tpu.memory_space<hbm>>
    tpu.enqueue_indirect_dma source(%dma_start3A_271 : memref<20000xf32, #tpu.memory_space<hbm>>) target(%dma_start3A_264 : memref<128xf32, #tpu.memory_space<vmem>>) offsets(%dma_start3A_266 : memref<128xi32, #tpu.memory_space<vmem>>) semaphore(%arg17 : memref<!tpu.dma_semaphore, #tpu.memory_space<semaphore_mem>>)
    %dma_start3A_272 = arith.constant 2176 : i32
    %dma_start3A_273 = tpu.memref_slice %arg14[%dma_start3A_272] : memref<5760xf32, #tpu.memory_space<vmem>> -> memref<44xf32, #tpu.memory_space<vmem>>
    %dma_start3A_274 = arith.constant 256 : i32
    %dma_start3A_275 = tpu.memref_slice %arg13[%dma_start3A_274] : memref<384xi32, #tpu.memory_space<vmem>> -> memref<44xi32, #tpu.memory_space<vmem>>
    %dma_start3A_276 = arith.constant 0 : i32
    %dma_start3A_277 = tpu.memref_slice %arg4[%add3A_253, %dma_start3A_276] : memref<408x20000xf32, #tpu.memory_space<hbm>> -> memref<1x20000xf32, #tpu.memory_space<hbm>>
    %dma_start3A_278 = tpu.memref_squeeze %dma_start3A_277 : memref<1x20000xf32, #tpu.memory_space<hbm>> -> memref<20000xf32, #tpu.memory_space<hbm>>
    %dma_start3A_279 = arith.constant 0 : i32
    %dma_start3A_280 = tpu.memref_slice %dma_start3A_278[%dma_start3A_279] : memref<20000xf32, #tpu.memory_space<hbm>> -> memref<20000xf32, #tpu.memory_space<hbm>>
    tpu.enqueue_indirect_dma source(%dma_start3A_280 : memref<20000xf32, #tpu.memory_space<hbm>>) target(%dma_start3A_273 : memref<44xf32, #tpu.memory_space<vmem>>) offsets(%dma_start3A_275 : memref<44xi32, #tpu.memory_space<vmem>>) semaphore(%arg17 : memref<!tpu.dma_semaphore, #tpu.memory_space<semaphore_mem>>)
    %add3A_281 = arith.constant 24 : i32
    %add3A_282 = arith.addi %select_n3A_50, %add3A_281 : i32
    %min3A_283 = arith.constant 50 : i32
    %min3A_284 = arith.minsi %add3A_282, %min3A_283 : i32
    %mul3A_285 = arith.constant 8 : i32
    %mul3A_286 = arith.muli %min3A_284, %mul3A_285 : i32
    %add3A_287 = arith.addi %mul3A_286, %select_n3A : i32
    %dma_start3A_288 = arith.constant 2304 : i32
    %dma_start3A_289 = tpu.memref_slice %arg14[%dma_start3A_288] : memref<5760xf32, #tpu.memory_space<vmem>> -> memref<128xf32, #tpu.memory_space<vmem>>
    %dma_start3A_290 = arith.constant 0 : i32
    %dma_start3A_291 = tpu.memref_slice %arg13[%dma_start3A_290] : memref<384xi32, #tpu.memory_space<vmem>> -> memref<128xi32, #tpu.memory_space<vmem>>
    %dma_start3A_292 = arith.constant 0 : i32
    %dma_start3A_293 = tpu.memref_slice %arg4[%add3A_287, %dma_start3A_292] : memref<408x20000xf32, #tpu.memory_space<hbm>> -> memref<1x20000xf32, #tpu.memory_space<hbm>>
    %dma_start3A_294 = tpu.memref_squeeze %dma_start3A_293 : memref<1x20000xf32, #tpu.memory_space<hbm>> -> memref<20000xf32, #tpu.memory_space<hbm>>
    %dma_start3A_295 = arith.constant 0 : i32
    %dma_start3A_296 = tpu.memref_slice %dma_start3A_294[%dma_start3A_295] : memref<20000xf32, #tpu.memory_space<hbm>> -> memref<20000xf32, #tpu.memory_space<hbm>>
    tpu.enqueue_indirect_dma source(%dma_start3A_296 : memref<20000xf32, #tpu.memory_space<hbm>>) target(%dma_start3A_289 : memref<128xf32, #tpu.memory_space<vmem>>) offsets(%dma_start3A_291 : memref<128xi32, #tpu.memory_space<vmem>>) semaphore(%arg17 : memref<!tpu.dma_semaphore, #tpu.memory_space<semaphore_mem>>)
    %dma_start3A_297 = arith.constant 2432 : i32
    %dma_start3A_298 = tpu.memref_slice %arg14[%dma_start3A_297] : memref<5760xf32, #tpu.memory_space<vmem>> -> memref<128xf32, #tpu.memory_space<vmem>>
    %dma_start3A_299 = arith.constant 128 : i32
    %dma_start3A_300 = tpu.memref_slice %arg13[%dma_start3A_299] : memref<384xi32, #tpu.memory_space<vmem>> -> memref<128xi32, #tpu.memory_space<vmem>>
    %dma_start3A_301 = arith.constant 0 : i32
    %dma_start3A_302 = tpu.memref_slice %arg4[%add3A_287, %dma_start3A_301] : memref<408x20000xf32, #tpu.memory_space<hbm>> -> memref<1x20000xf32, #tpu.memory_space<hbm>>
    %dma_start3A_303 = tpu.memref_squeeze %dma_start3A_302 : memref<1x20000xf32, #tpu.memory_space<hbm>> -> memref<20000xf32, #tpu.memory_space<hbm>>
    %dma_start3A_304 = arith.constant 0 : i32
    %dma_start3A_305 = tpu.memref_slice %dma_start3A_303[%dma_start3A_304] : memref<20000xf32, #tpu.memory_space<hbm>> -> memref<20000xf32, #tpu.memory_space<hbm>>
    tpu.enqueue_indirect_dma source(%dma_start3A_305 : memref<20000xf32, #tpu.memory_space<hbm>>) target(%dma_start3A_298 : memref<128xf32, #tpu.memory_space<vmem>>) offsets(%dma_start3A_300 : memref<128xi32, #tpu.memory_space<vmem>>) semaphore(%arg17 : memref<!tpu.dma_semaphore, #tpu.memory_space<semaphore_mem>>)
    %dma_start3A_306 = arith.constant 2560 : i32
    %dma_start3A_307 = tpu.memref_slice %arg14[%dma_start3A_306] : memref<5760xf32, #tpu.memory_space<vmem>> -> memref<44xf32, #tpu.memory_space<vmem>>
    %dma_start3A_308 = arith.constant 256 : i32
    %dma_start3A_309 = tpu.memref_slice %arg13[%dma_start3A_308] : memref<384xi32, #tpu.memory_space<vmem>> -> memref<44xi32, #tpu.memory_space<vmem>>
    %dma_start3A_310 = arith.constant 0 : i32
    %dma_start3A_311 = tpu.memref_slice %arg4[%add3A_287, %dma_start3A_310] : memref<408x20000xf32, #tpu.memory_space<hbm>> -> memref<1x20000xf32, #tpu.memory_space<hbm>>
    %dma_start3A_312 = tpu.memref_squeeze %dma_start3A_311 : memref<1x20000xf32, #tpu.memory_space<hbm>> -> memref<20000xf32, #tpu.memory_space<hbm>>
    %dma_start3A_313 = arith.constant 0 : i32
    %dma_start3A_314 = tpu.memref_slice %dma_start3A_312[%dma_start3A_313] : memref<20000xf32, #tpu.memory_space<hbm>> -> memref<20000xf32, #tpu.memory_space<hbm>>
    tpu.enqueue_indirect_dma source(%dma_start3A_314 : memref<20000xf32, #tpu.memory_space<hbm>>) target(%dma_start3A_307 : memref<44xf32, #tpu.memory_space<vmem>>) offsets(%dma_start3A_309 : memref<44xi32, #tpu.memory_space<vmem>>) semaphore(%arg17 : memref<!tpu.dma_semaphore, #tpu.memory_space<semaphore_mem>>)
    %add3A_315 = arith.constant 28 : i32
    %add3A_316 = arith.addi %select_n3A_50, %add3A_315 : i32
    %min3A_317 = arith.constant 50 : i32
    %min3A_318 = arith.minsi %add3A_316, %min3A_317 : i32
    %mul3A_319 = arith.constant 8 : i32
    %mul3A_320 = arith.muli %min3A_318, %mul3A_319 : i32
    %add3A_321 = arith.addi %mul3A_320, %select_n3A : i32
    %dma_start3A_322 = arith.constant 2688 : i32
    %dma_start3A_323 = tpu.memref_slice %arg14[%dma_start3A_322] : memref<5760xf32, #tpu.memory_space<vmem>> -> memref<128xf32, #tpu.memory_space<vmem>>
    %dma_start3A_324 = arith.constant 0 : i32
    %dma_start3A_325 = tpu.memref_slice %arg13[%dma_start3A_324] : memref<384xi32, #tpu.memory_space<vmem>> -> memref<128xi32, #tpu.memory_space<vmem>>
    %dma_start3A_326 = arith.constant 0 : i32
    %dma_start3A_327 = tpu.memref_slice %arg4[%add3A_321, %dma_start3A_326] : memref<408x20000xf32, #tpu.memory_space<hbm>> -> memref<1x20000xf32, #tpu.memory_space<hbm>>
    %dma_start3A_328 = tpu.memref_squeeze %dma_start3A_327 : memref<1x20000xf32, #tpu.memory_space<hbm>> -> memref<20000xf32, #tpu.memory_space<hbm>>
    %dma_start3A_329 = arith.constant 0 : i32
    %dma_start3A_330 = tpu.memref_slice %dma_start3A_328[%dma_start3A_329] : memref<20000xf32, #tpu.memory_space<hbm>> -> memref<20000xf32, #tpu.memory_space<hbm>>
    tpu.enqueue_indirect_dma source(%dma_start3A_330 : memref<20000xf32, #tpu.memory_space<hbm>>) target(%dma_start3A_323 : memref<128xf32, #tpu.memory_space<vmem>>) offsets(%dma_start3A_325 : memref<128xi32, #tpu.memory_space<vmem>>) semaphore(%arg17 : memref<!tpu.dma_semaphore, #tpu.memory_space<semaphore_mem>>)
    %dma_start3A_331 = arith.constant 2816 : i32
    %dma_start3A_332 = tpu.memref_slice %arg14[%dma_start3A_331] : memref<5760xf32, #tpu.memory_space<vmem>> -> memref<128xf32, #tpu.memory_space<vmem>>
    %dma_start3A_333 = arith.constant 128 : i32
    %dma_start3A_334 = tpu.memref_slice %arg13[%dma_start3A_333] : memref<384xi32, #tpu.memory_space<vmem>> -> memref<128xi32, #tpu.memory_space<vmem>>
    %dma_start3A_335 = arith.constant 0 : i32
    %dma_start3A_336 = tpu.memref_slice %arg4[%add3A_321, %dma_start3A_335] : memref<408x20000xf32, #tpu.memory_space<hbm>> -> memref<1x20000xf32, #tpu.memory_space<hbm>>
    %dma_start3A_337 = tpu.memref_squeeze %dma_start3A_336 : memref<1x20000xf32, #tpu.memory_space<hbm>> -> memref<20000xf32, #tpu.memory_space<hbm>>
    %dma_start3A_338 = arith.constant 0 : i32
    %dma_start3A_339 = tpu.memref_slice %dma_start3A_337[%dma_start3A_338] : memref<20000xf32, #tpu.memory_space<hbm>> -> memref<20000xf32, #tpu.memory_space<hbm>>
    tpu.enqueue_indirect_dma source(%dma_start3A_339 : memref<20000xf32, #tpu.memory_space<hbm>>) target(%dma_start3A_332 : memref<128xf32, #tpu.memory_space<vmem>>) offsets(%dma_start3A_334 : memref<128xi32, #tpu.memory_space<vmem>>) semaphore(%arg17 : memref<!tpu.dma_semaphore, #tpu.memory_space<semaphore_mem>>)
    %dma_start3A_340 = arith.constant 2944 : i32
    %dma_start3A_341 = tpu.memref_slice %arg14[%dma_start3A_340] : memref<5760xf32, #tpu.memory_space<vmem>> -> memref<44xf32, #tpu.memory_space<vmem>>
    %dma_start3A_342 = arith.constant 256 : i32
    %dma_start3A_343 = tpu.memref_slice %arg13[%dma_start3A_342] : memref<384xi32, #tpu.memory_space<vmem>> -> memref<44xi32, #tpu.memory_space<vmem>>
    %dma_start3A_344 = arith.constant 0 : i32
    %dma_start3A_345 = tpu.memref_slice %arg4[%add3A_321, %dma_start3A_344] : memref<408x20000xf32, #tpu.memory_space<hbm>> -> memref<1x20000xf32, #tpu.memory_space<hbm>>
    %dma_start3A_346 = tpu.memref_squeeze %dma_start3A_345 : memref<1x20000xf32, #tpu.memory_space<hbm>> -> memref<20000xf32, #tpu.memory_space<hbm>>
    %dma_start3A_347 = arith.constant 0 : i32
    %dma_start3A_348 = tpu.memref_slice %dma_start3A_346[%dma_start3A_347] : memref<20000xf32, #tpu.memory_space<hbm>> -> memref<20000xf32, #tpu.memory_space<hbm>>
    tpu.enqueue_indirect_dma source(%dma_start3A_348 : memref<20000xf32, #tpu.memory_space<hbm>>) target(%dma_start3A_341 : memref<44xf32, #tpu.memory_space<vmem>>) offsets(%dma_start3A_343 : memref<44xi32, #tpu.memory_space<vmem>>) semaphore(%arg17 : memref<!tpu.dma_semaphore, #tpu.memory_space<semaphore_mem>>)
    %add3A_349 = arith.constant 32 : i32
    %add3A_350 = arith.addi %select_n3A_50, %add3A_349 : i32
    %min3A_351 = arith.constant 50 : i32
    %min3A_352 = arith.minsi %add3A_350, %min3A_351 : i32
    %mul3A_353 = arith.constant 8 : i32
    %mul3A_354 = arith.muli %min3A_352, %mul3A_353 : i32
    %add3A_355 = arith.addi %mul3A_354, %select_n3A : i32
    %dma_start3A_356 = arith.constant 3072 : i32
    %dma_start3A_357 = tpu.memref_slice %arg14[%dma_start3A_356] : memref<5760xf32, #tpu.memory_space<vmem>> -> memref<128xf32, #tpu.memory_space<vmem>>
    %dma_start3A_358 = arith.constant 0 : i32
    %dma_start3A_359 = tpu.memref_slice %arg13[%dma_start3A_358] : memref<384xi32, #tpu.memory_space<vmem>> -> memref<128xi32, #tpu.memory_space<vmem>>
    %dma_start3A_360 = arith.constant 0 : i32
    %dma_start3A_361 = tpu.memref_slice %arg4[%add3A_355, %dma_start3A_360] : memref<408x20000xf32, #tpu.memory_space<hbm>> -> memref<1x20000xf32, #tpu.memory_space<hbm>>
    %dma_start3A_362 = tpu.memref_squeeze %dma_start3A_361 : memref<1x20000xf32, #tpu.memory_space<hbm>> -> memref<20000xf32, #tpu.memory_space<hbm>>
    %dma_start3A_363 = arith.constant 0 : i32
    %dma_start3A_364 = tpu.memref_slice %dma_start3A_362[%dma_start3A_363] : memref<20000xf32, #tpu.memory_space<hbm>> -> memref<20000xf32, #tpu.memory_space<hbm>>
    tpu.enqueue_indirect_dma source(%dma_start3A_364 : memref<20000xf32, #tpu.memory_space<hbm>>) target(%dma_start3A_357 : memref<128xf32, #tpu.memory_space<vmem>>) offsets(%dma_start3A_359 : memref<128xi32, #tpu.memory_space<vmem>>) semaphore(%arg17 : memref<!tpu.dma_semaphore, #tpu.memory_space<semaphore_mem>>)
    %dma_start3A_365 = arith.constant 3200 : i32
    %dma_start3A_366 = tpu.memref_slice %arg14[%dma_start3A_365] : memref<5760xf32, #tpu.memory_space<vmem>> -> memref<128xf32, #tpu.memory_space<vmem>>
    %dma_start3A_367 = arith.constant 128 : i32
    %dma_start3A_368 = tpu.memref_slice %arg13[%dma_start3A_367] : memref<384xi32, #tpu.memory_space<vmem>> -> memref<128xi32, #tpu.memory_space<vmem>>
    %dma_start3A_369 = arith.constant 0 : i32
    %dma_start3A_370 = tpu.memref_slice %arg4[%add3A_355, %dma_start3A_369] : memref<408x20000xf32, #tpu.memory_space<hbm>> -> memref<1x20000xf32, #tpu.memory_space<hbm>>
    %dma_start3A_371 = tpu.memref_squeeze %dma_start3A_370 : memref<1x20000xf32, #tpu.memory_space<hbm>> -> memref<20000xf32, #tpu.memory_space<hbm>>
    %dma_start3A_372 = arith.constant 0 : i32
    %dma_start3A_373 = tpu.memref_slice %dma_start3A_371[%dma_start3A_372] : memref<20000xf32, #tpu.memory_space<hbm>> -> memref<20000xf32, #tpu.memory_space<hbm>>
    tpu.enqueue_indirect_dma source(%dma_start3A_373 : memref<20000xf32, #tpu.memory_space<hbm>>) target(%dma_start3A_366 : memref<128xf32, #tpu.memory_space<vmem>>) offsets(%dma_start3A_368 : memref<128xi32, #tpu.memory_space<vmem>>) semaphore(%arg17 : memref<!tpu.dma_semaphore, #tpu.memory_space<semaphore_mem>>)
    %dma_start3A_374 = arith.constant 3328 : i32
    %dma_start3A_375 = tpu.memref_slice %arg14[%dma_start3A_374] : memref<5760xf32, #tpu.memory_space<vmem>> -> memref<44xf32, #tpu.memory_space<vmem>>
    %dma_start3A_376 = arith.constant 256 : i32
    %dma_start3A_377 = tpu.memref_slice %arg13[%dma_start3A_376] : memref<384xi32, #tpu.memory_space<vmem>> -> memref<44xi32, #tpu.memory_space<vmem>>
    %dma_start3A_378 = arith.constant 0 : i32
    %dma_start3A_379 = tpu.memref_slice %arg4[%add3A_355, %dma_start3A_378] : memref<408x20000xf32, #tpu.memory_space<hbm>> -> memref<1x20000xf32, #tpu.memory_space<hbm>>
    %dma_start3A_380 = tpu.memref_squeeze %dma_start3A_379 : memref<1x20000xf32, #tpu.memory_space<hbm>> -> memref<20000xf32, #tpu.memory_space<hbm>>
    %dma_start3A_381 = arith.constant 0 : i32
    %dma_start3A_382 = tpu.memref_slice %dma_start3A_380[%dma_start3A_381] : memref<20000xf32, #tpu.memory_space<hbm>> -> memref<20000xf32, #tpu.memory_space<hbm>>
    tpu.enqueue_indirect_dma source(%dma_start3A_382 : memref<20000xf32, #tpu.memory_space<hbm>>) target(%dma_start3A_375 : memref<44xf32, #tpu.memory_space<vmem>>) offsets(%dma_start3A_377 : memref<44xi32, #tpu.memory_space<vmem>>) semaphore(%arg17 : memref<!tpu.dma_semaphore, #tpu.memory_space<semaphore_mem>>)
    %add3A_383 = arith.constant 36 : i32
    %add3A_384 = arith.addi %select_n3A_50, %add3A_383 : i32
    %min3A_385 = arith.constant 50 : i32
    %min3A_386 = arith.minsi %add3A_384, %min3A_385 : i32
    %mul3A_387 = arith.constant 8 : i32
    %mul3A_388 = arith.muli %min3A_386, %mul3A_387 : i32
    %add3A_389 = arith.addi %mul3A_388, %select_n3A : i32
    %dma_start3A_390 = arith.constant 3456 : i32
    %dma_start3A_391 = tpu.memref_slice %arg14[%dma_start3A_390] : memref<5760xf32, #tpu.memory_space<vmem>> -> memref<128xf32, #tpu.memory_space<vmem>>
    %dma_start3A_392 = arith.constant 0 : i32
    %dma_start3A_393 = tpu.memref_slice %arg13[%dma_start3A_392] : memref<384xi32, #tpu.memory_space<vmem>> -> memref<128xi32, #tpu.memory_space<vmem>>
    %dma_start3A_394 = arith.constant 0 : i32
    %dma_start3A_395 = tpu.memref_slice %arg4[%add3A_389, %dma_start3A_394] : memref<408x20000xf32, #tpu.memory_space<hbm>> -> memref<1x20000xf32, #tpu.memory_space<hbm>>
    %dma_start3A_396 = tpu.memref_squeeze %dma_start3A_395 : memref<1x20000xf32, #tpu.memory_space<hbm>> -> memref<20000xf32, #tpu.memory_space<hbm>>
    %dma_start3A_397 = arith.constant 0 : i32
    %dma_start3A_398 = tpu.memref_slice %dma_start3A_396[%dma_start3A_397] : memref<20000xf32, #tpu.memory_space<hbm>> -> memref<20000xf32, #tpu.memory_space<hbm>>
    tpu.enqueue_indirect_dma source(%dma_start3A_398 : memref<20000xf32, #tpu.memory_space<hbm>>) target(%dma_start3A_391 : memref<128xf32, #tpu.memory_space<vmem>>) offsets(%dma_start3A_393 : memref<128xi32, #tpu.memory_space<vmem>>) semaphore(%arg17 : memref<!tpu.dma_semaphore, #tpu.memory_space<semaphore_mem>>)
    %dma_start3A_399 = arith.constant 3584 : i32
    %dma_start3A_400 = tpu.memref_slice %arg14[%dma_start3A_399] : memref<5760xf32, #tpu.memory_space<vmem>> -> memref<128xf32, #tpu.memory_space<vmem>>
    %dma_start3A_401 = arith.constant 128 : i32
    %dma_start3A_402 = tpu.memref_slice %arg13[%dma_start3A_401] : memref<384xi32, #tpu.memory_space<vmem>> -> memref<128xi32, #tpu.memory_space<vmem>>
    %dma_start3A_403 = arith.constant 0 : i32
    %dma_start3A_404 = tpu.memref_slice %arg4[%add3A_389, %dma_start3A_403] : memref<408x20000xf32, #tpu.memory_space<hbm>> -> memref<1x20000xf32, #tpu.memory_space<hbm>>
    %dma_start3A_405 = tpu.memref_squeeze %dma_start3A_404 : memref<1x20000xf32, #tpu.memory_space<hbm>> -> memref<20000xf32, #tpu.memory_space<hbm>>
    %dma_start3A_406 = arith.constant 0 : i32
    %dma_start3A_407 = tpu.memref_slice %dma_start3A_405[%dma_start3A_406] : memref<20000xf32, #tpu.memory_space<hbm>> -> memref<20000xf32, #tpu.memory_space<hbm>>
    tpu.enqueue_indirect_dma source(%dma_start3A_407 : memref<20000xf32, #tpu.memory_space<hbm>>) target(%dma_start3A_400 : memref<128xf32, #tpu.memory_space<vmem>>) offsets(%dma_start3A_402 : memref<128xi32, #tpu.memory_space<vmem>>) semaphore(%arg17 : memref<!tpu.dma_semaphore, #tpu.memory_space<semaphore_mem>>)
    %dma_start3A_408 = arith.constant 3712 : i32
    %dma_start3A_409 = tpu.memref_slice %arg14[%dma_start3A_408] : memref<5760xf32, #tpu.memory_space<vmem>> -> memref<44xf32, #tpu.memory_space<vmem>>
    %dma_start3A_410 = arith.constant 256 : i32
    %dma_start3A_411 = tpu.memref_slice %arg13[%dma_start3A_410] : memref<384xi32, #tpu.memory_space<vmem>> -> memref<44xi32, #tpu.memory_space<vmem>>
    %dma_start3A_412 = arith.constant 0 : i32
    %dma_start3A_413 = tpu.memref_slice %arg4[%add3A_389, %dma_start3A_412] : memref<408x20000xf32, #tpu.memory_space<hbm>> -> memref<1x20000xf32, #tpu.memory_space<hbm>>
    %dma_start3A_414 = tpu.memref_squeeze %dma_start3A_413 : memref<1x20000xf32, #tpu.memory_space<hbm>> -> memref<20000xf32, #tpu.memory_space<hbm>>
    %dma_start3A_415 = arith.constant 0 : i32
    %dma_start3A_416 = tpu.memref_slice %dma_start3A_414[%dma_start3A_415] : memref<20000xf32, #tpu.memory_space<hbm>> -> memref<20000xf32, #tpu.memory_space<hbm>>
    tpu.enqueue_indirect_dma source(%dma_start3A_416 : memref<20000xf32, #tpu.memory_space<hbm>>) target(%dma_start3A_409 : memref<44xf32, #tpu.memory_space<vmem>>) offsets(%dma_start3A_411 : memref<44xi32, #tpu.memory_space<vmem>>) semaphore(%arg17 : memref<!tpu.dma_semaphore, #tpu.memory_space<semaphore_mem>>)
    %add3A_417 = arith.constant 40 : i32
    %add3A_418 = arith.addi %select_n3A_50, %add3A_417 : i32
    %min3A_419 = arith.constant 50 : i32
    %min3A_420 = arith.minsi %add3A_418, %min3A_419 : i32
    %mul3A_421 = arith.constant 8 : i32
    %mul3A_422 = arith.muli %min3A_420, %mul3A_421 : i32
    %add3A_423 = arith.addi %mul3A_422, %select_n3A : i32
    %dma_start3A_424 = arith.constant 3840 : i32
    %dma_start3A_425 = tpu.memref_slice %arg14[%dma_start3A_424] : memref<5760xf32, #tpu.memory_space<vmem>> -> memref<128xf32, #tpu.memory_space<vmem>>
    %dma_start3A_426 = arith.constant 0 : i32
    %dma_start3A_427 = tpu.memref_slice %arg13[%dma_start3A_426] : memref<384xi32, #tpu.memory_space<vmem>> -> memref<128xi32, #tpu.memory_space<vmem>>
    %dma_start3A_428 = arith.constant 0 : i32
    %dma_start3A_429 = tpu.memref_slice %arg4[%add3A_423, %dma_start3A_428] : memref<408x20000xf32, #tpu.memory_space<hbm>> -> memref<1x20000xf32, #tpu.memory_space<hbm>>
    %dma_start3A_430 = tpu.memref_squeeze %dma_start3A_429 : memref<1x20000xf32, #tpu.memory_space<hbm>> -> memref<20000xf32, #tpu.memory_space<hbm>>
    %dma_start3A_431 = arith.constant 0 : i32
    %dma_start3A_432 = tpu.memref_slice %dma_start3A_430[%dma_start3A_431] : memref<20000xf32, #tpu.memory_space<hbm>> -> memref<20000xf32, #tpu.memory_space<hbm>>
    tpu.enqueue_indirect_dma source(%dma_start3A_432 : memref<20000xf32, #tpu.memory_space<hbm>>) target(%dma_start3A_425 : memref<128xf32, #tpu.memory_space<vmem>>) offsets(%dma_start3A_427 : memref<128xi32, #tpu.memory_space<vmem>>) semaphore(%arg17 : memref<!tpu.dma_semaphore, #tpu.memory_space<semaphore_mem>>)
    %dma_start3A_433 = arith.constant 3968 : i32
    %dma_start3A_434 = tpu.memref_slice %arg14[%dma_start3A_433] : memref<5760xf32, #tpu.memory_space<vmem>> -> memref<128xf32, #tpu.memory_space<vmem>>
    %dma_start3A_435 = arith.constant 128 : i32
    %dma_start3A_436 = tpu.memref_slice %arg13[%dma_start3A_435] : memref<384xi32, #tpu.memory_space<vmem>> -> memref<128xi32, #tpu.memory_space<vmem>>
    %dma_start3A_437 = arith.constant 0 : i32
    %dma_start3A_438 = tpu.memref_slice %arg4[%add3A_423, %dma_start3A_437] : memref<408x20000xf32, #tpu.memory_space<hbm>> -> memref<1x20000xf32, #tpu.memory_space<hbm>>
    %dma_start3A_439 = tpu.memref_squeeze %dma_start3A_438 : memref<1x20000xf32, #tpu.memory_space<hbm>> -> memref<20000xf32, #tpu.memory_space<hbm>>
    %dma_start3A_440 = arith.constant 0 : i32
    %dma_start3A_441 = tpu.memref_slice %dma_start3A_439[%dma_start3A_440] : memref<20000xf32, #tpu.memory_space<hbm>> -> memref<20000xf32, #tpu.memory_space<hbm>>
    tpu.enqueue_indirect_dma source(%dma_start3A_441 : memref<20000xf32, #tpu.memory_space<hbm>>) target(%dma_start3A_434 : memref<128xf32, #tpu.memory_space<vmem>>) offsets(%dma_start3A_436 : memref<128xi32, #tpu.memory_space<vmem>>) semaphore(%arg17 : memref<!tpu.dma_semaphore, #tpu.memory_space<semaphore_mem>>)
    %dma_start3A_442 = arith.constant 4096 : i32
    %dma_start3A_443 = tpu.memref_slice %arg14[%dma_start3A_442] : memref<5760xf32, #tpu.memory_space<vmem>> -> memref<44xf32, #tpu.memory_space<vmem>>
    %dma_start3A_444 = arith.constant 256 : i32
    %dma_start3A_445 = tpu.memref_slice %arg13[%dma_start3A_444] : memref<384xi32, #tpu.memory_space<vmem>> -> memref<44xi32, #tpu.memory_space<vmem>>
    %dma_start3A_446 = arith.constant 0 : i32
    %dma_start3A_447 = tpu.memref_slice %arg4[%add3A_423, %dma_start3A_446] : memref<408x20000xf32, #tpu.memory_space<hbm>> -> memref<1x20000xf32, #tpu.memory_space<hbm>>
    %dma_start3A_448 = tpu.memref_squeeze %dma_start3A_447 : memref<1x20000xf32, #tpu.memory_space<hbm>> -> memref<20000xf32, #tpu.memory_space<hbm>>
    %dma_start3A_449 = arith.constant 0 : i32
    %dma_start3A_450 = tpu.memref_slice %dma_start3A_448[%dma_start3A_449] : memref<20000xf32, #tpu.memory_space<hbm>> -> memref<20000xf32, #tpu.memory_space<hbm>>
    tpu.enqueue_indirect_dma source(%dma_start3A_450 : memref<20000xf32, #tpu.memory_space<hbm>>) target(%dma_start3A_443 : memref<44xf32, #tpu.memory_space<vmem>>) offsets(%dma_start3A_445 : memref<44xi32, #tpu.memory_space<vmem>>) semaphore(%arg17 : memref<!tpu.dma_semaphore, #tpu.memory_space<semaphore_mem>>)
    %add3A_451 = arith.constant 44 : i32
    %add3A_452 = arith.addi %select_n3A_50, %add3A_451 : i32
    %min3A_453 = arith.constant 50 : i32
    %min3A_454 = arith.minsi %add3A_452, %min3A_453 : i32
    %mul3A_455 = arith.constant 8 : i32
    %mul3A_456 = arith.muli %min3A_454, %mul3A_455 : i32
    %add3A_457 = arith.addi %mul3A_456, %select_n3A : i32
    %dma_start3A_458 = arith.constant 4224 : i32
    %dma_start3A_459 = tpu.memref_slice %arg14[%dma_start3A_458] : memref<5760xf32, #tpu.memory_space<vmem>> -> memref<128xf32, #tpu.memory_space<vmem>>
    %dma_start3A_460 = arith.constant 0 : i32
    %dma_start3A_461 = tpu.memref_slice %arg13[%dma_start3A_460] : memref<384xi32, #tpu.memory_space<vmem>> -> memref<128xi32, #tpu.memory_space<vmem>>
    %dma_start3A_462 = arith.constant 0 : i32
    %dma_start3A_463 = tpu.memref_slice %arg4[%add3A_457, %dma_start3A_462] : memref<408x20000xf32, #tpu.memory_space<hbm>> -> memref<1x20000xf32, #tpu.memory_space<hbm>>
    %dma_start3A_464 = tpu.memref_squeeze %dma_start3A_463 : memref<1x20000xf32, #tpu.memory_space<hbm>> -> memref<20000xf32, #tpu.memory_space<hbm>>
    %dma_start3A_465 = arith.constant 0 : i32
    %dma_start3A_466 = tpu.memref_slice %dma_start3A_464[%dma_start3A_465] : memref<20000xf32, #tpu.memory_space<hbm>> -> memref<20000xf32, #tpu.memory_space<hbm>>
    tpu.enqueue_indirect_dma source(%dma_start3A_466 : memref<20000xf32, #tpu.memory_space<hbm>>) target(%dma_start3A_459 : memref<128xf32, #tpu.memory_space<vmem>>) offsets(%dma_start3A_461 : memref<128xi32, #tpu.memory_space<vmem>>) semaphore(%arg17 : memref<!tpu.dma_semaphore, #tpu.memory_space<semaphore_mem>>)
    %dma_start3A_467 = arith.constant 4352 : i32
    %dma_start3A_468 = tpu.memref_slice %arg14[%dma_start3A_467] : memref<5760xf32, #tpu.memory_space<vmem>> -> memref<128xf32, #tpu.memory_space<vmem>>
    %dma_start3A_469 = arith.constant 128 : i32
    %dma_start3A_470 = tpu.memref_slice %arg13[%dma_start3A_469] : memref<384xi32, #tpu.memory_space<vmem>> -> memref<128xi32, #tpu.memory_space<vmem>>
    %dma_start3A_471 = arith.constant 0 : i32
    %dma_start3A_472 = tpu.memref_slice %arg4[%add3A_457, %dma_start3A_471] : memref<408x20000xf32, #tpu.memory_space<hbm>> -> memref<1x20000xf32, #tpu.memory_space<hbm>>
    %dma_start3A_473 = tpu.memref_squeeze %dma_start3A_472 : memref<1x20000xf32, #tpu.memory_space<hbm>> -> memref<20000xf32, #tpu.memory_space<hbm>>
    %dma_start3A_474 = arith.constant 0 : i32
    %dma_start3A_475 = tpu.memref_slice %dma_start3A_473[%dma_start3A_474] : memref<20000xf32, #tpu.memory_space<hbm>> -> memref<20000xf32, #tpu.memory_space<hbm>>
    tpu.enqueue_indirect_dma source(%dma_start3A_475 : memref<20000xf32, #tpu.memory_space<hbm>>) target(%dma_start3A_468 : memref<128xf32, #tpu.memory_space<vmem>>) offsets(%dma_start3A_470 : memref<128xi32, #tpu.memory_space<vmem>>) semaphore(%arg17 : memref<!tpu.dma_semaphore, #tpu.memory_space<semaphore_mem>>)
    %dma_start3A_476 = arith.constant 4480 : i32
    %dma_start3A_477 = tpu.memref_slice %arg14[%dma_start3A_476] : memref<5760xf32, #tpu.memory_space<vmem>> -> memref<44xf32, #tpu.memory_space<vmem>>
    %dma_start3A_478 = arith.constant 256 : i32
    %dma_start3A_479 = tpu.memref_slice %arg13[%dma_start3A_478] : memref<384xi32, #tpu.memory_space<vmem>> -> memref<44xi32, #tpu.memory_space<vmem>>
    %dma_start3A_480 = arith.constant 0 : i32
    %dma_start3A_481 = tpu.memref_slice %arg4[%add3A_457, %dma_start3A_480] : memref<408x20000xf32, #tpu.memory_space<hbm>> -> memref<1x20000xf32, #tpu.memory_space<hbm>>
    %dma_start3A_482 = tpu.memref_squeeze %dma_start3A_481 : memref<1x20000xf32, #tpu.memory_space<hbm>> -> memref<20000xf32, #tpu.memory_space<hbm>>
    %dma_start3A_483 = arith.constant 0 : i32
    %dma_start3A_484 = tpu.memref_slice %dma_start3A_482[%dma_start3A_483] : memref<20000xf32, #tpu.memory_space<hbm>> -> memref<20000xf32, #tpu.memory_space<hbm>>
    tpu.enqueue_indirect_dma source(%dma_start3A_484 : memref<20000xf32, #tpu.memory_space<hbm>>) target(%dma_start3A_477 : memref<44xf32, #tpu.memory_space<vmem>>) offsets(%dma_start3A_479 : memref<44xi32, #tpu.memory_space<vmem>>) semaphore(%arg17 : memref<!tpu.dma_semaphore, #tpu.memory_space<semaphore_mem>>)
    %add3A_485 = arith.constant 48 : i32
    %add3A_486 = arith.addi %select_n3A_50, %add3A_485 : i32
    %min3A_487 = arith.constant 50 : i32
    %min3A_488 = arith.minsi %add3A_486, %min3A_487 : i32
    %mul3A_489 = arith.constant 8 : i32
    %mul3A_490 = arith.muli %min3A_488, %mul3A_489 : i32
    %add3A_491 = arith.addi %mul3A_490, %select_n3A : i32
    %dma_start3A_492 = arith.constant 4608 : i32
    %dma_start3A_493 = tpu.memref_slice %arg14[%dma_start3A_492] : memref<5760xf32, #tpu.memory_space<vmem>> -> memref<128xf32, #tpu.memory_space<vmem>>
    %dma_start3A_494 = arith.constant 0 : i32
    %dma_start3A_495 = tpu.memref_slice %arg13[%dma_start3A_494] : memref<384xi32, #tpu.memory_space<vmem>> -> memref<128xi32, #tpu.memory_space<vmem>>
    %dma_start3A_496 = arith.constant 0 : i32
    %dma_start3A_497 = tpu.memref_slice %arg4[%add3A_491, %dma_start3A_496] : memref<408x20000xf32, #tpu.memory_space<hbm>> -> memref<1x20000xf32, #tpu.memory_space<hbm>>
    %dma_start3A_498 = tpu.memref_squeeze %dma_start3A_497 : memref<1x20000xf32, #tpu.memory_space<hbm>> -> memref<20000xf32, #tpu.memory_space<hbm>>
    %dma_start3A_499 = arith.constant 0 : i32
    %dma_start3A_500 = tpu.memref_slice %dma_start3A_498[%dma_start3A_499] : memref<20000xf32, #tpu.memory_space<hbm>> -> memref<20000xf32, #tpu.memory_space<hbm>>
    tpu.enqueue_indirect_dma source(%dma_start3A_500 : memref<20000xf32, #tpu.memory_space<hbm>>) target(%dma_start3A_493 : memref<128xf32, #tpu.memory_space<vmem>>) offsets(%dma_start3A_495 : memref<128xi32, #tpu.memory_space<vmem>>) semaphore(%arg17 : memref<!tpu.dma_semaphore, #tpu.memory_space<semaphore_mem>>)
    %dma_start3A_501 = arith.constant 4736 : i32
    %dma_start3A_502 = tpu.memref_slice %arg14[%dma_start3A_501] : memref<5760xf32, #tpu.memory_space<vmem>> -> memref<128xf32, #tpu.memory_space<vmem>>
    %dma_start3A_503 = arith.constant 128 : i32
    %dma_start3A_504 = tpu.memref_slice %arg13[%dma_start3A_503] : memref<384xi32, #tpu.memory_space<vmem>> -> memref<128xi32, #tpu.memory_space<vmem>>
    %dma_start3A_505 = arith.constant 0 : i32
    %dma_start3A_506 = tpu.memref_slice %arg4[%add3A_491, %dma_start3A_505] : memref<408x20000xf32, #tpu.memory_space<hbm>> -> memref<1x20000xf32, #tpu.memory_space<hbm>>
    %dma_start3A_507 = tpu.memref_squeeze %dma_start3A_506 : memref<1x20000xf32, #tpu.memory_space<hbm>> -> memref<20000xf32, #tpu.memory_space<hbm>>
    %dma_start3A_508 = arith.constant 0 : i32
    %dma_start3A_509 = tpu.memref_slice %dma_start3A_507[%dma_start3A_508] : memref<20000xf32, #tpu.memory_space<hbm>> -> memref<20000xf32, #tpu.memory_space<hbm>>
    tpu.enqueue_indirect_dma source(%dma_start3A_509 : memref<20000xf32, #tpu.memory_space<hbm>>) target(%dma_start3A_502 : memref<128xf32, #tpu.memory_space<vmem>>) offsets(%dma_start3A_504 : memref<128xi32, #tpu.memory_space<vmem>>) semaphore(%arg17 : memref<!tpu.dma_semaphore, #tpu.memory_space<semaphore_mem>>)
    %dma_start3A_510 = arith.constant 4864 : i32
    %dma_start3A_511 = tpu.memref_slice %arg14[%dma_start3A_510] : memref<5760xf32, #tpu.memory_space<vmem>> -> memref<44xf32, #tpu.memory_space<vmem>>
    %dma_start3A_512 = arith.constant 256 : i32
    %dma_start3A_513 = tpu.memref_slice %arg13[%dma_start3A_512] : memref<384xi32, #tpu.memory_space<vmem>> -> memref<44xi32, #tpu.memory_space<vmem>>
    %dma_start3A_514 = arith.constant 0 : i32
    %dma_start3A_515 = tpu.memref_slice %arg4[%add3A_491, %dma_start3A_514] : memref<408x20000xf32, #tpu.memory_space<hbm>> -> memref<1x20000xf32, #tpu.memory_space<hbm>>
    %dma_start3A_516 = tpu.memref_squeeze %dma_start3A_515 : memref<1x20000xf32, #tpu.memory_space<hbm>> -> memref<20000xf32, #tpu.memory_space<hbm>>
    %dma_start3A_517 = arith.constant 0 : i32
    %dma_start3A_518 = tpu.memref_slice %dma_start3A_516[%dma_start3A_517] : memref<20000xf32, #tpu.memory_space<hbm>> -> memref<20000xf32, #tpu.memory_space<hbm>>
    tpu.enqueue_indirect_dma source(%dma_start3A_518 : memref<20000xf32, #tpu.memory_space<hbm>>) target(%dma_start3A_511 : memref<44xf32, #tpu.memory_space<vmem>>) offsets(%dma_start3A_513 : memref<44xi32, #tpu.memory_space<vmem>>) semaphore(%arg17 : memref<!tpu.dma_semaphore, #tpu.memory_space<semaphore_mem>>)
    %mul3A_519 = arith.constant 4 : i32
    %mul3A_520 = arith.muli %select_n3A, %mul3A_519 : i32
    %add3A_521 = arith.addi %mul3A_520, %select_n3A_50 : i32
    %dma_start3A_522 = arith.constant 4992 : i32
    %dma_start3A_523 = tpu.memref_slice %arg14[%dma_start3A_522] : memref<5760xf32, #tpu.memory_space<vmem>> -> memref<128xf32, #tpu.memory_space<vmem>>
    %dma_start3A_524 = arith.constant 0 : i32
    %dma_start3A_525 = tpu.memref_slice %arg13[%dma_start3A_524] : memref<384xi32, #tpu.memory_space<vmem>> -> memref<128xi32, #tpu.memory_space<vmem>>
    %dma_start3A_526 = arith.constant 0 : i32
    %dma_start3A_527 = tpu.memref_slice %arg5[%add3A_521, %dma_start3A_526] : memref<32x20000xf32, #tpu.memory_space<hbm>> -> memref<1x20000xf32, #tpu.memory_space<hbm>>
    %dma_start3A_528 = tpu.memref_squeeze %dma_start3A_527 : memref<1x20000xf32, #tpu.memory_space<hbm>> -> memref<20000xf32, #tpu.memory_space<hbm>>
    %dma_start3A_529 = arith.constant 0 : i32
    %dma_start3A_530 = tpu.memref_slice %dma_start3A_528[%dma_start3A_529] : memref<20000xf32, #tpu.memory_space<hbm>> -> memref<20000xf32, #tpu.memory_space<hbm>>
    tpu.enqueue_indirect_dma source(%dma_start3A_530 : memref<20000xf32, #tpu.memory_space<hbm>>) target(%dma_start3A_523 : memref<128xf32, #tpu.memory_space<vmem>>) offsets(%dma_start3A_525 : memref<128xi32, #tpu.memory_space<vmem>>) semaphore(%arg17 : memref<!tpu.dma_semaphore, #tpu.memory_space<semaphore_mem>>)
    %dma_start3A_531 = arith.constant 5120 : i32
    %dma_start3A_532 = tpu.memref_slice %arg14[%dma_start3A_531] : memref<5760xf32, #tpu.memory_space<vmem>> -> memref<128xf32, #tpu.memory_space<vmem>>
    %dma_start3A_533 = arith.constant 128 : i32
    %dma_start3A_534 = tpu.memref_slice %arg13[%dma_start3A_533] : memref<384xi32, #tpu.memory_space<vmem>> -> memref<128xi32, #tpu.memory_space<vmem>>
    %dma_start3A_535 = arith.constant 0 : i32
    %dma_start3A_536 = tpu.memref_slice %arg5[%add3A_521, %dma_start3A_535] : memref<32x20000xf32, #tpu.memory_space<hbm>> -> memref<1x20000xf32, #tpu.memory_space<hbm>>
    %dma_start3A_537 = tpu.memref_squeeze %dma_start3A_536 : memref<1x20000xf32, #tpu.memory_space<hbm>> -> memref<20000xf32, #tpu.memory_space<hbm>>
    %dma_start3A_538 = arith.constant 0 : i32
    %dma_start3A_539 = tpu.memref_slice %dma_start3A_537[%dma_start3A_538] : memref<20000xf32, #tpu.memory_space<hbm>> -> memref<20000xf32, #tpu.memory_space<hbm>>
    tpu.enqueue_indirect_dma source(%dma_start3A_539 : memref<20000xf32, #tpu.memory_space<hbm>>) target(%dma_start3A_532 : memref<128xf32, #tpu.memory_space<vmem>>) offsets(%dma_start3A_534 : memref<128xi32, #tpu.memory_space<vmem>>) semaphore(%arg17 : memref<!tpu.dma_semaphore, #tpu.memory_space<semaphore_mem>>)
    %dma_start3A_540 = arith.constant 5248 : i32
    %dma_start3A_541 = tpu.memref_slice %arg14[%dma_start3A_540] : memref<5760xf32, #tpu.memory_space<vmem>> -> memref<44xf32, #tpu.memory_space<vmem>>
    %dma_start3A_542 = arith.constant 256 : i32
    %dma_start3A_543 = tpu.memref_slice %arg13[%dma_start3A_542] : memref<384xi32, #tpu.memory_space<vmem>> -> memref<44xi32, #tpu.memory_space<vmem>>
    %dma_start3A_544 = arith.constant 0 : i32
    %dma_start3A_545 = tpu.memref_slice %arg5[%add3A_521, %dma_start3A_544] : memref<32x20000xf32, #tpu.memory_space<hbm>> -> memref<1x20000xf32, #tpu.memory_space<hbm>>
    %dma_start3A_546 = tpu.memref_squeeze %dma_start3A_545 : memref<1x20000xf32, #tpu.memory_space<hbm>> -> memref<20000xf32, #tpu.memory_space<hbm>>
    %dma_start3A_547 = arith.constant 0 : i32
    %dma_start3A_548 = tpu.memref_slice %dma_start3A_546[%dma_start3A_547] : memref<20000xf32, #tpu.memory_space<hbm>> -> memref<20000xf32, #tpu.memory_space<hbm>>
    tpu.enqueue_indirect_dma source(%dma_start3A_548 : memref<20000xf32, #tpu.memory_space<hbm>>) target(%dma_start3A_541 : memref<44xf32, #tpu.memory_space<vmem>>) offsets(%dma_start3A_543 : memref<44xi32, #tpu.memory_space<vmem>>) semaphore(%arg17 : memref<!tpu.dma_semaphore, #tpu.memory_space<semaphore_mem>>)
    %dma_start3A_549 = arith.constant 5376 : i32
    %dma_start3A_550 = tpu.memref_slice %arg14[%dma_start3A_549] : memref<5760xf32, #tpu.memory_space<vmem>> -> memref<128xf32, #tpu.memory_space<vmem>>
    %dma_start3A_551 = arith.constant 0 : i32
    %dma_start3A_552 = tpu.memref_slice %arg13[%dma_start3A_551] : memref<384xi32, #tpu.memory_space<vmem>> -> memref<128xi32, #tpu.memory_space<vmem>>
    %dma_start3A_553 = arith.constant 0 : i32
    %dma_start3A_554 = tpu.memref_slice %arg6[%select_n3A, %dma_start3A_553] : memref<8x20000xf32, #tpu.memory_space<hbm>> -> memref<1x20000xf32, #tpu.memory_space<hbm>>
    %dma_start3A_555 = tpu.memref_squeeze %dma_start3A_554 : memref<1x20000xf32, #tpu.memory_space<hbm>> -> memref<20000xf32, #tpu.memory_space<hbm>>
    %dma_start3A_556 = arith.constant 0 : i32
    %dma_start3A_557 = tpu.memref_slice %dma_start3A_555[%dma_start3A_556] : memref<20000xf32, #tpu.memory_space<hbm>> -> memref<20000xf32, #tpu.memory_space<hbm>>
    tpu.enqueue_indirect_dma source(%dma_start3A_557 : memref<20000xf32, #tpu.memory_space<hbm>>) target(%dma_start3A_550 : memref<128xf32, #tpu.memory_space<vmem>>) offsets(%dma_start3A_552 : memref<128xi32, #tpu.memory_space<vmem>>) semaphore(%arg17 : memref<!tpu.dma_semaphore, #tpu.memory_space<semaphore_mem>>)
    %dma_start3A_558 = arith.constant 5504 : i32
    %dma_start3A_559 = tpu.memref_slice %arg14[%dma_start3A_558] : memref<5760xf32, #tpu.memory_space<vmem>> -> memref<128xf32, #tpu.memory_space<vmem>>
    %dma_start3A_560 = arith.constant 128 : i32
    %dma_start3A_561 = tpu.memref_slice %arg13[%dma_start3A_560] : memref<384xi32, #tpu.memory_space<vmem>> -> memref<128xi32, #tpu.memory_space<vmem>>
    %dma_start3A_562 = arith.constant 0 : i32
    %dma_start3A_563 = tpu.memref_slice %arg6[%select_n3A, %dma_start3A_562] : memref<8x20000xf32, #tpu.memory_space<hbm>> -> memref<1x20000xf32, #tpu.memory_space<hbm>>
    %dma_start3A_564 = tpu.memref_squeeze %dma_start3A_563 : memref<1x20000xf32, #tpu.memory_space<hbm>> -> memref<20000xf32, #tpu.memory_space<hbm>>
    %dma_start3A_565 = arith.constant 0 : i32
    %dma_start3A_566 = tpu.memref_slice %dma_start3A_564[%dma_start3A_565] : memref<20000xf32, #tpu.memory_space<hbm>> -> memref<20000xf32, #tpu.memory_space<hbm>>
    tpu.enqueue_indirect_dma source(%dma_start3A_566 : memref<20000xf32, #tpu.memory_space<hbm>>) target(%dma_start3A_559 : memref<128xf32, #tpu.memory_space<vmem>>) offsets(%dma_start3A_561 : memref<128xi32, #tpu.memory_space<vmem>>) semaphore(%arg17 : memref<!tpu.dma_semaphore, #tpu.memory_space<semaphore_mem>>)
    %dma_start3A_567 = arith.constant 5632 : i32
    %dma_start3A_568 = tpu.memref_slice %arg14[%dma_start3A_567] : memref<5760xf32, #tpu.memory_space<vmem>> -> memref<44xf32, #tpu.memory_space<vmem>>
    %dma_start3A_569 = arith.constant 256 : i32
    %dma_start3A_570 = tpu.memref_slice %arg13[%dma_start3A_569] : memref<384xi32, #tpu.memory_space<vmem>> -> memref<44xi32, #tpu.memory_space<vmem>>
    %dma_start3A_571 = arith.constant 0 : i32
    %dma_start3A_572 = tpu.memref_slice %arg6[%select_n3A, %dma_start3A_571] : memref<8x20000xf32, #tpu.memory_space<hbm>> -> memref<1x20000xf32, #tpu.memory_space<hbm>>
    %dma_start3A_573 = tpu.memref_squeeze %dma_start3A_572 : memref<1x20000xf32, #tpu.memory_space<hbm>> -> memref<20000xf32, #tpu.memory_space<hbm>>
    %dma_start3A_574 = arith.constant 0 : i32
    %dma_start3A_575 = tpu.memref_slice %dma_start3A_573[%dma_start3A_574] : memref<20000xf32, #tpu.memory_space<hbm>> -> memref<20000xf32, #tpu.memory_space<hbm>>
    tpu.enqueue_indirect_dma source(%dma_start3A_575 : memref<20000xf32, #tpu.memory_space<hbm>>) target(%dma_start3A_568 : memref<44xf32, #tpu.memory_space<vmem>>) offsets(%dma_start3A_570 : memref<44xi32, #tpu.memory_space<vmem>>) semaphore(%arg17 : memref<!tpu.dma_semaphore, #tpu.memory_space<semaphore_mem>>)
    %dma_wait3A = arith.constant 0 : i32
    %dma_wait3A_576 = tpu.memref_slice %arg14[%dma_wait3A] : memref<5760xf32, #tpu.memory_space<vmem>> -> memref<128xf32, #tpu.memory_space<vmem>>
    %dma_wait3A_577 = arith.constant 0 : i32
    %dma_wait3A_578 = tpu.memref_slice %arg13[%dma_wait3A_577] : memref<384xi32, #tpu.memory_space<vmem>> -> memref<128xi32, #tpu.memory_space<vmem>>
    %dma_wait3A_579 = arith.constant 0 : i32
    %dma_wait3A_580 = tpu.memref_slice %arg4[%add3A_84, %dma_wait3A_579] : memref<408x20000xf32, #tpu.memory_space<hbm>> -> memref<1x20000xf32, #tpu.memory_space<hbm>>
    %dma_wait3A_581 = tpu.memref_squeeze %dma_wait3A_580 : memref<1x20000xf32, #tpu.memory_space<hbm>> -> memref<20000xf32, #tpu.memory_space<hbm>>
    %dma_wait3A_582 = arith.constant 0 : i32
    %dma_wait3A_583 = tpu.memref_slice %dma_wait3A_581[%dma_wait3A_582] : memref<20000xf32, #tpu.memory_space<hbm>> -> memref<20000xf32, #tpu.memory_space<hbm>>
    tpu.wait_indirect_dma semaphore(%arg17 : memref<!tpu.dma_semaphore, #tpu.memory_space<semaphore_mem>>) src(%dma_wait3A_583 : memref<20000xf32, #tpu.memory_space<hbm>>) dst(%dma_wait3A_576 : memref<128xf32, #tpu.memory_space<vmem>>)
    %dma_wait3A_584 = arith.constant 128 : i32
    %dma_wait3A_585 = tpu.memref_slice %arg14[%dma_wait3A_584] : memref<5760xf32, #tpu.memory_space<vmem>> -> memref<128xf32, #tpu.memory_space<vmem>>
    %dma_wait3A_586 = arith.constant 128 : i32
    %dma_wait3A_587 = tpu.memref_slice %arg13[%dma_wait3A_586] : memref<384xi32, #tpu.memory_space<vmem>> -> memref<128xi32, #tpu.memory_space<vmem>>
    %dma_wait3A_588 = arith.constant 0 : i32
    %dma_wait3A_589 = tpu.memref_slice %arg4[%add3A_84, %dma_wait3A_588] : memref<408x20000xf32, #tpu.memory_space<hbm>> -> memref<1x20000xf32, #tpu.memory_space<hbm>>
    %dma_wait3A_590 = tpu.memref_squeeze %dma_wait3A_589 : memref<1x20000xf32, #tpu.memory_space<hbm>> -> memref<20000xf32, #tpu.memory_space<hbm>>
    %dma_wait3A_591 = arith.constant 0 : i32
    %dma_wait3A_592 = tpu.memref_slice %dma_wait3A_590[%dma_wait3A_591] : memref<20000xf32, #tpu.memory_space<hbm>> -> memref<20000xf32, #tpu.memory_space<hbm>>
    tpu.wait_indirect_dma semaphore(%arg17 : memref<!tpu.dma_semaphore, #tpu.memory_space<semaphore_mem>>) src(%dma_wait3A_592 : memref<20000xf32, #tpu.memory_space<hbm>>) dst(%dma_wait3A_585 : memref<128xf32, #tpu.memory_space<vmem>>)
    %dma_wait3A_593 = arith.constant 256 : i32
    %dma_wait3A_594 = tpu.memref_slice %arg14[%dma_wait3A_593] : memref<5760xf32, #tpu.memory_space<vmem>> -> memref<44xf32, #tpu.memory_space<vmem>>
    %dma_wait3A_595 = arith.constant 256 : i32
    %dma_wait3A_596 = tpu.memref_slice %arg13[%dma_wait3A_595] : memref<384xi32, #tpu.memory_space<vmem>> -> memref<44xi32, #tpu.memory_space<vmem>>
    %dma_wait3A_597 = arith.constant 0 : i32
    %dma_wait3A_598 = tpu.memref_slice %arg4[%add3A_84, %dma_wait3A_597] : memref<408x20000xf32, #tpu.memory_space<hbm>> -> memref<1x20000xf32, #tpu.memory_space<hbm>>
    %dma_wait3A_599 = tpu.memref_squeeze %dma_wait3A_598 : memref<1x20000xf32, #tpu.memory_space<hbm>> -> memref<20000xf32, #tpu.memory_space<hbm>>
    %dma_wait3A_600 = arith.constant 0 : i32
    %dma_wait3A_601 = tpu.memref_slice %dma_wait3A_599[%dma_wait3A_600] : memref<20000xf32, #tpu.memory_space<hbm>> -> memref<20000xf32, #tpu.memory_space<hbm>>
    tpu.wait_indirect_dma semaphore(%arg17 : memref<!tpu.dma_semaphore, #tpu.memory_space<semaphore_mem>>) src(%dma_wait3A_601 : memref<20000xf32, #tpu.memory_space<hbm>>) dst(%dma_wait3A_594 : memref<44xf32, #tpu.memory_space<vmem>>)
    %dma_wait3A_602 = arith.constant 384 : i32
    %dma_wait3A_603 = tpu.memref_slice %arg14[%dma_wait3A_602] : memref<5760xf32, #tpu.memory_space<vmem>> -> memref<128xf32, #tpu.memory_space<vmem>>
    %dma_wait3A_604 = arith.constant 0 : i32
    %dma_wait3A_605 = tpu.memref_slice %arg13[%dma_wait3A_604] : memref<384xi32, #tpu.memory_space<vmem>> -> memref<128xi32, #tpu.memory_space<vmem>>
    %dma_wait3A_606 = arith.constant 0 : i32
    %dma_wait3A_607 = tpu.memref_slice %arg4[%add3A_117, %dma_wait3A_606] : memref<408x20000xf32, #tpu.memory_space<hbm>> -> memref<1x20000xf32, #tpu.memory_space<hbm>>
    %dma_wait3A_608 = tpu.memref_squeeze %dma_wait3A_607 : memref<1x20000xf32, #tpu.memory_space<hbm>> -> memref<20000xf32, #tpu.memory_space<hbm>>
    %dma_wait3A_609 = arith.constant 0 : i32
    %dma_wait3A_610 = tpu.memref_slice %dma_wait3A_608[%dma_wait3A_609] : memref<20000xf32, #tpu.memory_space<hbm>> -> memref<20000xf32, #tpu.memory_space<hbm>>
    tpu.wait_indirect_dma semaphore(%arg17 : memref<!tpu.dma_semaphore, #tpu.memory_space<semaphore_mem>>) src(%dma_wait3A_610 : memref<20000xf32, #tpu.memory_space<hbm>>) dst(%dma_wait3A_603 : memref<128xf32, #tpu.memory_space<vmem>>)
    %dma_wait3A_611 = arith.constant 512 : i32
    %dma_wait3A_612 = tpu.memref_slice %arg14[%dma_wait3A_611] : memref<5760xf32, #tpu.memory_space<vmem>> -> memref<128xf32, #tpu.memory_space<vmem>>
    %dma_wait3A_613 = arith.constant 128 : i32
    %dma_wait3A_614 = tpu.memref_slice %arg13[%dma_wait3A_613] : memref<384xi32, #tpu.memory_space<vmem>> -> memref<128xi32, #tpu.memory_space<vmem>>
    %dma_wait3A_615 = arith.constant 0 : i32
    %dma_wait3A_616 = tpu.memref_slice %arg4[%add3A_117, %dma_wait3A_615] : memref<408x20000xf32, #tpu.memory_space<hbm>> -> memref<1x20000xf32, #tpu.memory_space<hbm>>
    %dma_wait3A_617 = tpu.memref_squeeze %dma_wait3A_616 : memref<1x20000xf32, #tpu.memory_space<hbm>> -> memref<20000xf32, #tpu.memory_space<hbm>>
    %dma_wait3A_618 = arith.constant 0 : i32
    %dma_wait3A_619 = tpu.memref_slice %dma_wait3A_617[%dma_wait3A_618] : memref<20000xf32, #tpu.memory_space<hbm>> -> memref<20000xf32, #tpu.memory_space<hbm>>
    tpu.wait_indirect_dma semaphore(%arg17 : memref<!tpu.dma_semaphore, #tpu.memory_space<semaphore_mem>>) src(%dma_wait3A_619 : memref<20000xf32, #tpu.memory_space<hbm>>) dst(%dma_wait3A_612 : memref<128xf32, #tpu.memory_space<vmem>>)
    %dma_wait3A_620 = arith.constant 640 : i32
    %dma_wait3A_621 = tpu.memref_slice %arg14[%dma_wait3A_620] : memref<5760xf32, #tpu.memory_space<vmem>> -> memref<44xf32, #tpu.memory_space<vmem>>
    %dma_wait3A_622 = arith.constant 256 : i32
    %dma_wait3A_623 = tpu.memref_slice %arg13[%dma_wait3A_622] : memref<384xi32, #tpu.memory_space<vmem>> -> memref<44xi32, #tpu.memory_space<vmem>>
    %dma_wait3A_624 = arith.constant 0 : i32
    %dma_wait3A_625 = tpu.memref_slice %arg4[%add3A_117, %dma_wait3A_624] : memref<408x20000xf32, #tpu.memory_space<hbm>> -> memref<1x20000xf32, #tpu.memory_space<hbm>>
    %dma_wait3A_626 = tpu.memref_squeeze %dma_wait3A_625 : memref<1x20000xf32, #tpu.memory_space<hbm>> -> memref<20000xf32, #tpu.memory_space<hbm>>
    %dma_wait3A_627 = arith.constant 0 : i32
    %dma_wait3A_628 = tpu.memref_slice %dma_wait3A_626[%dma_wait3A_627] : memref<20000xf32, #tpu.memory_space<hbm>> -> memref<20000xf32, #tpu.memory_space<hbm>>
    tpu.wait_indirect_dma semaphore(%arg17 : memref<!tpu.dma_semaphore, #tpu.memory_space<semaphore_mem>>) src(%dma_wait3A_628 : memref<20000xf32, #tpu.memory_space<hbm>>) dst(%dma_wait3A_621 : memref<44xf32, #tpu.memory_space<vmem>>)
    %dma_wait3A_629 = arith.constant 768 : i32
    %dma_wait3A_630 = tpu.memref_slice %arg14[%dma_wait3A_629] : memref<5760xf32, #tpu.memory_space<vmem>> -> memref<128xf32, #tpu.memory_space<vmem>>
    %dma_wait3A_631 = arith.constant 0 : i32
    %dma_wait3A_632 = tpu.memref_slice %arg13[%dma_wait3A_631] : memref<384xi32, #tpu.memory_space<vmem>> -> memref<128xi32, #tpu.memory_space<vmem>>
    %dma_wait3A_633 = arith.constant 0 : i32
    %dma_wait3A_634 = tpu.memref_slice %arg4[%add3A_151, %dma_wait3A_633] : memref<408x20000xf32, #tpu.memory_space<hbm>> -> memref<1x20000xf32, #tpu.memory_space<hbm>>
    %dma_wait3A_635 = tpu.memref_squeeze %dma_wait3A_634 : memref<1x20000xf32, #tpu.memory_space<hbm>> -> memref<20000xf32, #tpu.memory_space<hbm>>
    %dma_wait3A_636 = arith.constant 0 : i32
    %dma_wait3A_637 = tpu.memref_slice %dma_wait3A_635[%dma_wait3A_636] : memref<20000xf32, #tpu.memory_space<hbm>> -> memref<20000xf32, #tpu.memory_space<hbm>>
    tpu.wait_indirect_dma semaphore(%arg17 : memref<!tpu.dma_semaphore, #tpu.memory_space<semaphore_mem>>) src(%dma_wait3A_637 : memref<20000xf32, #tpu.memory_space<hbm>>) dst(%dma_wait3A_630 : memref<128xf32, #tpu.memory_space<vmem>>)
    %dma_wait3A_638 = arith.constant 896 : i32
    %dma_wait3A_639 = tpu.memref_slice %arg14[%dma_wait3A_638] : memref<5760xf32, #tpu.memory_space<vmem>> -> memref<128xf32, #tpu.memory_space<vmem>>
    %dma_wait3A_640 = arith.constant 128 : i32
    %dma_wait3A_641 = tpu.memref_slice %arg13[%dma_wait3A_640] : memref<384xi32, #tpu.memory_space<vmem>> -> memref<128xi32, #tpu.memory_space<vmem>>
    %dma_wait3A_642 = arith.constant 0 : i32
    %dma_wait3A_643 = tpu.memref_slice %arg4[%add3A_151, %dma_wait3A_642] : memref<408x20000xf32, #tpu.memory_space<hbm>> -> memref<1x20000xf32, #tpu.memory_space<hbm>>
    %dma_wait3A_644 = tpu.memref_squeeze %dma_wait3A_643 : memref<1x20000xf32, #tpu.memory_space<hbm>> -> memref<20000xf32, #tpu.memory_space<hbm>>
    %dma_wait3A_645 = arith.constant 0 : i32
    %dma_wait3A_646 = tpu.memref_slice %dma_wait3A_644[%dma_wait3A_645] : memref<20000xf32, #tpu.memory_space<hbm>> -> memref<20000xf32, #tpu.memory_space<hbm>>
    tpu.wait_indirect_dma semaphore(%arg17 : memref<!tpu.dma_semaphore, #tpu.memory_space<semaphore_mem>>) src(%dma_wait3A_646 : memref<20000xf32, #tpu.memory_space<hbm>>) dst(%dma_wait3A_639 : memref<128xf32, #tpu.memory_space<vmem>>)
    %dma_wait3A_647 = arith.constant 1024 : i32
    %dma_wait3A_648 = tpu.memref_slice %arg14[%dma_wait3A_647] : memref<5760xf32, #tpu.memory_space<vmem>> -> memref<44xf32, #tpu.memory_space<vmem>>
    %dma_wait3A_649 = arith.constant 256 : i32
    %dma_wait3A_650 = tpu.memref_slice %arg13[%dma_wait3A_649] : memref<384xi32, #tpu.memory_space<vmem>> -> memref<44xi32, #tpu.memory_space<vmem>>
    %dma_wait3A_651 = arith.constant 0 : i32
    %dma_wait3A_652 = tpu.memref_slice %arg4[%add3A_151, %dma_wait3A_651] : memref<408x20000xf32, #tpu.memory_space<hbm>> -> memref<1x20000xf32, #tpu.memory_space<hbm>>
    %dma_wait3A_653 = tpu.memref_squeeze %dma_wait3A_652 : memref<1x20000xf32, #tpu.memory_space<hbm>> -> memref<20000xf32, #tpu.memory_space<hbm>>
    %dma_wait3A_654 = arith.constant 0 : i32
    %dma_wait3A_655 = tpu.memref_slice %dma_wait3A_653[%dma_wait3A_654] : memref<20000xf32, #tpu.memory_space<hbm>> -> memref<20000xf32, #tpu.memory_space<hbm>>
    tpu.wait_indirect_dma semaphore(%arg17 : memref<!tpu.dma_semaphore, #tpu.memory_space<semaphore_mem>>) src(%dma_wait3A_655 : memref<20000xf32, #tpu.memory_space<hbm>>) dst(%dma_wait3A_648 : memref<44xf32, #tpu.memory_space<vmem>>)
    %dma_wait3A_656 = arith.constant 1152 : i32
    %dma_wait3A_657 = tpu.memref_slice %arg14[%dma_wait3A_656] : memref<5760xf32, #tpu.memory_space<vmem>> -> memref<128xf32, #tpu.memory_space<vmem>>
    %dma_wait3A_658 = arith.constant 0 : i32
    %dma_wait3A_659 = tpu.memref_slice %arg13[%dma_wait3A_658] : memref<384xi32, #tpu.memory_space<vmem>> -> memref<128xi32, #tpu.memory_space<vmem>>
    %dma_wait3A_660 = arith.constant 0 : i32
    %dma_wait3A_661 = tpu.memref_slice %arg4[%add3A_185, %dma_wait3A_660] : memref<408x20000xf32, #tpu.memory_space<hbm>> -> memref<1x20000xf32, #tpu.memory_space<hbm>>
    %dma_wait3A_662 = tpu.memref_squeeze %dma_wait3A_661 : memref<1x20000xf32, #tpu.memory_space<hbm>> -> memref<20000xf32, #tpu.memory_space<hbm>>
    %dma_wait3A_663 = arith.constant 0 : i32
    %dma_wait3A_664 = tpu.memref_slice %dma_wait3A_662[%dma_wait3A_663] : memref<20000xf32, #tpu.memory_space<hbm>> -> memref<20000xf32, #tpu.memory_space<hbm>>
    tpu.wait_indirect_dma semaphore(%arg17 : memref<!tpu.dma_semaphore, #tpu.memory_space<semaphore_mem>>) src(%dma_wait3A_664 : memref<20000xf32, #tpu.memory_space<hbm>>) dst(%dma_wait3A_657 : memref<128xf32, #tpu.memory_space<vmem>>)
    %dma_wait3A_665 = arith.constant 1280 : i32
    %dma_wait3A_666 = tpu.memref_slice %arg14[%dma_wait3A_665] : memref<5760xf32, #tpu.memory_space<vmem>> -> memref<128xf32, #tpu.memory_space<vmem>>
    %dma_wait3A_667 = arith.constant 128 : i32
    %dma_wait3A_668 = tpu.memref_slice %arg13[%dma_wait3A_667] : memref<384xi32, #tpu.memory_space<vmem>> -> memref<128xi32, #tpu.memory_space<vmem>>
    %dma_wait3A_669 = arith.constant 0 : i32
    %dma_wait3A_670 = tpu.memref_slice %arg4[%add3A_185, %dma_wait3A_669] : memref<408x20000xf32, #tpu.memory_space<hbm>> -> memref<1x20000xf32, #tpu.memory_space<hbm>>
    %dma_wait3A_671 = tpu.memref_squeeze %dma_wait3A_670 : memref<1x20000xf32, #tpu.memory_space<hbm>> -> memref<20000xf32, #tpu.memory_space<hbm>>
    %dma_wait3A_672 = arith.constant 0 : i32
    %dma_wait3A_673 = tpu.memref_slice %dma_wait3A_671[%dma_wait3A_672] : memref<20000xf32, #tpu.memory_space<hbm>> -> memref<20000xf32, #tpu.memory_space<hbm>>
    tpu.wait_indirect_dma semaphore(%arg17 : memref<!tpu.dma_semaphore, #tpu.memory_space<semaphore_mem>>) src(%dma_wait3A_673 : memref<20000xf32, #tpu.memory_space<hbm>>) dst(%dma_wait3A_666 : memref<128xf32, #tpu.memory_space<vmem>>)
    %dma_wait3A_674 = arith.constant 1408 : i32
    %dma_wait3A_675 = tpu.memref_slice %arg14[%dma_wait3A_674] : memref<5760xf32, #tpu.memory_space<vmem>> -> memref<44xf32, #tpu.memory_space<vmem>>
    %dma_wait3A_676 = arith.constant 256 : i32
    %dma_wait3A_677 = tpu.memref_slice %arg13[%dma_wait3A_676] : memref<384xi32, #tpu.memory_space<vmem>> -> memref<44xi32, #tpu.memory_space<vmem>>
    %dma_wait3A_678 = arith.constant 0 : i32
    %dma_wait3A_679 = tpu.memref_slice %arg4[%add3A_185, %dma_wait3A_678] : memref<408x20000xf32, #tpu.memory_space<hbm>> -> memref<1x20000xf32, #tpu.memory_space<hbm>>
    %dma_wait3A_680 = tpu.memref_squeeze %dma_wait3A_679 : memref<1x20000xf32, #tpu.memory_space<hbm>> -> memref<20000xf32, #tpu.memory_space<hbm>>
    %dma_wait3A_681 = arith.constant 0 : i32
    %dma_wait3A_682 = tpu.memref_slice %dma_wait3A_680[%dma_wait3A_681] : memref<20000xf32, #tpu.memory_space<hbm>> -> memref<20000xf32, #tpu.memory_space<hbm>>
    tpu.wait_indirect_dma semaphore(%arg17 : memref<!tpu.dma_semaphore, #tpu.memory_space<semaphore_mem>>) src(%dma_wait3A_682 : memref<20000xf32, #tpu.memory_space<hbm>>) dst(%dma_wait3A_675 : memref<44xf32, #tpu.memory_space<vmem>>)
    %dma_wait3A_683 = arith.constant 1536 : i32
    %dma_wait3A_684 = tpu.memref_slice %arg14[%dma_wait3A_683] : memref<5760xf32, #tpu.memory_space<vmem>> -> memref<128xf32, #tpu.memory_space<vmem>>
    %dma_wait3A_685 = arith.constant 0 : i32
    %dma_wait3A_686 = tpu.memref_slice %arg13[%dma_wait3A_685] : memref<384xi32, #tpu.memory_space<vmem>> -> memref<128xi32, #tpu.memory_space<vmem>>
    %dma_wait3A_687 = arith.constant 0 : i32
    %dma_wait3A_688 = tpu.memref_slice %arg4[%add3A_219, %dma_wait3A_687] : memref<408x20000xf32, #tpu.memory_space<hbm>> -> memref<1x20000xf32, #tpu.memory_space<hbm>>
    %dma_wait3A_689 = tpu.memref_squeeze %dma_wait3A_688 : memref<1x20000xf32, #tpu.memory_space<hbm>> -> memref<20000xf32, #tpu.memory_space<hbm>>
    %dma_wait3A_690 = arith.constant 0 : i32
    %dma_wait3A_691 = tpu.memref_slice %dma_wait3A_689[%dma_wait3A_690] : memref<20000xf32, #tpu.memory_space<hbm>> -> memref<20000xf32, #tpu.memory_space<hbm>>
    tpu.wait_indirect_dma semaphore(%arg17 : memref<!tpu.dma_semaphore, #tpu.memory_space<semaphore_mem>>) src(%dma_wait3A_691 : memref<20000xf32, #tpu.memory_space<hbm>>) dst(%dma_wait3A_684 : memref<128xf32, #tpu.memory_space<vmem>>)
    %dma_wait3A_692 = arith.constant 1664 : i32
    %dma_wait3A_693 = tpu.memref_slice %arg14[%dma_wait3A_692] : memref<5760xf32, #tpu.memory_space<vmem>> -> memref<128xf32, #tpu.memory_space<vmem>>
    %dma_wait3A_694 = arith.constant 128 : i32
    %dma_wait3A_695 = tpu.memref_slice %arg13[%dma_wait3A_694] : memref<384xi32, #tpu.memory_space<vmem>> -> memref<128xi32, #tpu.memory_space<vmem>>
    %dma_wait3A_696 = arith.constant 0 : i32
    %dma_wait3A_697 = tpu.memref_slice %arg4[%add3A_219, %dma_wait3A_696] : memref<408x20000xf32, #tpu.memory_space<hbm>> -> memref<1x20000xf32, #tpu.memory_space<hbm>>
    %dma_wait3A_698 = tpu.memref_squeeze %dma_wait3A_697 : memref<1x20000xf32, #tpu.memory_space<hbm>> -> memref<20000xf32, #tpu.memory_space<hbm>>
    %dma_wait3A_699 = arith.constant 0 : i32
    %dma_wait3A_700 = tpu.memref_slice %dma_wait3A_698[%dma_wait3A_699] : memref<20000xf32, #tpu.memory_space<hbm>> -> memref<20000xf32, #tpu.memory_space<hbm>>
    tpu.wait_indirect_dma semaphore(%arg17 : memref<!tpu.dma_semaphore, #tpu.memory_space<semaphore_mem>>) src(%dma_wait3A_700 : memref<20000xf32, #tpu.memory_space<hbm>>) dst(%dma_wait3A_693 : memref<128xf32, #tpu.memory_space<vmem>>)
    %dma_wait3A_701 = arith.constant 1792 : i32
    %dma_wait3A_702 = tpu.memref_slice %arg14[%dma_wait3A_701] : memref<5760xf32, #tpu.memory_space<vmem>> -> memref<44xf32, #tpu.memory_space<vmem>>
    %dma_wait3A_703 = arith.constant 256 : i32
    %dma_wait3A_704 = tpu.memref_slice %arg13[%dma_wait3A_703] : memref<384xi32, #tpu.memory_space<vmem>> -> memref<44xi32, #tpu.memory_space<vmem>>
    %dma_wait3A_705 = arith.constant 0 : i32
    %dma_wait3A_706 = tpu.memref_slice %arg4[%add3A_219, %dma_wait3A_705] : memref<408x20000xf32, #tpu.memory_space<hbm>> -> memref<1x20000xf32, #tpu.memory_space<hbm>>
    %dma_wait3A_707 = tpu.memref_squeeze %dma_wait3A_706 : memref<1x20000xf32, #tpu.memory_space<hbm>> -> memref<20000xf32, #tpu.memory_space<hbm>>
    %dma_wait3A_708 = arith.constant 0 : i32
    %dma_wait3A_709 = tpu.memref_slice %dma_wait3A_707[%dma_wait3A_708] : memref<20000xf32, #tpu.memory_space<hbm>> -> memref<20000xf32, #tpu.memory_space<hbm>>
    tpu.wait_indirect_dma semaphore(%arg17 : memref<!tpu.dma_semaphore, #tpu.memory_space<semaphore_mem>>) src(%dma_wait3A_709 : memref<20000xf32, #tpu.memory_space<hbm>>) dst(%dma_wait3A_702 : memref<44xf32, #tpu.memory_space<vmem>>)
    %dma_wait3A_710 = arith.constant 1920 : i32
    %dma_wait3A_711 = tpu.memref_slice %arg14[%dma_wait3A_710] : memref<5760xf32, #tpu.memory_space<vmem>> -> memref<128xf32, #tpu.memory_space<vmem>>
    %dma_wait3A_712 = arith.constant 0 : i32
    %dma_wait3A_713 = tpu.memref_slice %arg13[%dma_wait3A_712] : memref<384xi32, #tpu.memory_space<vmem>> -> memref<128xi32, #tpu.memory_space<vmem>>
    %dma_wait3A_714 = arith.constant 0 : i32
    %dma_wait3A_715 = tpu.memref_slice %arg4[%add3A_253, %dma_wait3A_714] : memref<408x20000xf32, #tpu.memory_space<hbm>> -> memref<1x20000xf32, #tpu.memory_space<hbm>>
    %dma_wait3A_716 = tpu.memref_squeeze %dma_wait3A_715 : memref<1x20000xf32, #tpu.memory_space<hbm>> -> memref<20000xf32, #tpu.memory_space<hbm>>
    %dma_wait3A_717 = arith.constant 0 : i32
    %dma_wait3A_718 = tpu.memref_slice %dma_wait3A_716[%dma_wait3A_717] : memref<20000xf32, #tpu.memory_space<hbm>> -> memref<20000xf32, #tpu.memory_space<hbm>>
    tpu.wait_indirect_dma semaphore(%arg17 : memref<!tpu.dma_semaphore, #tpu.memory_space<semaphore_mem>>) src(%dma_wait3A_718 : memref<20000xf32, #tpu.memory_space<hbm>>) dst(%dma_wait3A_711 : memref<128xf32, #tpu.memory_space<vmem>>)
    %dma_wait3A_719 = arith.constant 2048 : i32
    %dma_wait3A_720 = tpu.memref_slice %arg14[%dma_wait3A_719] : memref<5760xf32, #tpu.memory_space<vmem>> -> memref<128xf32, #tpu.memory_space<vmem>>
    %dma_wait3A_721 = arith.constant 128 : i32
    %dma_wait3A_722 = tpu.memref_slice %arg13[%dma_wait3A_721] : memref<384xi32, #tpu.memory_space<vmem>> -> memref<128xi32, #tpu.memory_space<vmem>>
    %dma_wait3A_723 = arith.constant 0 : i32
    %dma_wait3A_724 = tpu.memref_slice %arg4[%add3A_253, %dma_wait3A_723] : memref<408x20000xf32, #tpu.memory_space<hbm>> -> memref<1x20000xf32, #tpu.memory_space<hbm>>
    %dma_wait3A_725 = tpu.memref_squeeze %dma_wait3A_724 : memref<1x20000xf32, #tpu.memory_space<hbm>> -> memref<20000xf32, #tpu.memory_space<hbm>>
    %dma_wait3A_726 = arith.constant 0 : i32
    %dma_wait3A_727 = tpu.memref_slice %dma_wait3A_725[%dma_wait3A_726] : memref<20000xf32, #tpu.memory_space<hbm>> -> memref<20000xf32, #tpu.memory_space<hbm>>
    tpu.wait_indirect_dma semaphore(%arg17 : memref<!tpu.dma_semaphore, #tpu.memory_space<semaphore_mem>>) src(%dma_wait3A_727 : memref<20000xf32, #tpu.memory_space<hbm>>) dst(%dma_wait3A_720 : memref<128xf32, #tpu.memory_space<vmem>>)
    %dma_wait3A_728 = arith.constant 2176 : i32
    %dma_wait3A_729 = tpu.memref_slice %arg14[%dma_wait3A_728] : memref<5760xf32, #tpu.memory_space<vmem>> -> memref<44xf32, #tpu.memory_space<vmem>>
    %dma_wait3A_730 = arith.constant 256 : i32
    %dma_wait3A_731 = tpu.memref_slice %arg13[%dma_wait3A_730] : memref<384xi32, #tpu.memory_space<vmem>> -> memref<44xi32, #tpu.memory_space<vmem>>
    %dma_wait3A_732 = arith.constant 0 : i32
    %dma_wait3A_733 = tpu.memref_slice %arg4[%add3A_253, %dma_wait3A_732] : memref<408x20000xf32, #tpu.memory_space<hbm>> -> memref<1x20000xf32, #tpu.memory_space<hbm>>
    %dma_wait3A_734 = tpu.memref_squeeze %dma_wait3A_733 : memref<1x20000xf32, #tpu.memory_space<hbm>> -> memref<20000xf32, #tpu.memory_space<hbm>>
    %dma_wait3A_735 = arith.constant 0 : i32
    %dma_wait3A_736 = tpu.memref_slice %dma_wait3A_734[%dma_wait3A_735] : memref<20000xf32, #tpu.memory_space<hbm>> -> memref<20000xf32, #tpu.memory_space<hbm>>
    tpu.wait_indirect_dma semaphore(%arg17 : memref<!tpu.dma_semaphore, #tpu.memory_space<semaphore_mem>>) src(%dma_wait3A_736 : memref<20000xf32, #tpu.memory_space<hbm>>) dst(%dma_wait3A_729 : memref<44xf32, #tpu.memory_space<vmem>>)
    %dma_wait3A_737 = arith.constant 2304 : i32
    %dma_wait3A_738 = tpu.memref_slice %arg14[%dma_wait3A_737] : memref<5760xf32, #tpu.memory_space<vmem>> -> memref<128xf32, #tpu.memory_space<vmem>>
    %dma_wait3A_739 = arith.constant 0 : i32
    %dma_wait3A_740 = tpu.memref_slice %arg13[%dma_wait3A_739] : memref<384xi32, #tpu.memory_space<vmem>> -> memref<128xi32, #tpu.memory_space<vmem>>
    %dma_wait3A_741 = arith.constant 0 : i32
    %dma_wait3A_742 = tpu.memref_slice %arg4[%add3A_287, %dma_wait3A_741] : memref<408x20000xf32, #tpu.memory_space<hbm>> -> memref<1x20000xf32, #tpu.memory_space<hbm>>
    %dma_wait3A_743 = tpu.memref_squeeze %dma_wait3A_742 : memref<1x20000xf32, #tpu.memory_space<hbm>> -> memref<20000xf32, #tpu.memory_space<hbm>>
    %dma_wait3A_744 = arith.constant 0 : i32
    %dma_wait3A_745 = tpu.memref_slice %dma_wait3A_743[%dma_wait3A_744] : memref<20000xf32, #tpu.memory_space<hbm>> -> memref<20000xf32, #tpu.memory_space<hbm>>
    tpu.wait_indirect_dma semaphore(%arg17 : memref<!tpu.dma_semaphore, #tpu.memory_space<semaphore_mem>>) src(%dma_wait3A_745 : memref<20000xf32, #tpu.memory_space<hbm>>) dst(%dma_wait3A_738 : memref<128xf32, #tpu.memory_space<vmem>>)
    %dma_wait3A_746 = arith.constant 2432 : i32
    %dma_wait3A_747 = tpu.memref_slice %arg14[%dma_wait3A_746] : memref<5760xf32, #tpu.memory_space<vmem>> -> memref<128xf32, #tpu.memory_space<vmem>>
    %dma_wait3A_748 = arith.constant 128 : i32
    %dma_wait3A_749 = tpu.memref_slice %arg13[%dma_wait3A_748] : memref<384xi32, #tpu.memory_space<vmem>> -> memref<128xi32, #tpu.memory_space<vmem>>
    %dma_wait3A_750 = arith.constant 0 : i32
    %dma_wait3A_751 = tpu.memref_slice %arg4[%add3A_287, %dma_wait3A_750] : memref<408x20000xf32, #tpu.memory_space<hbm>> -> memref<1x20000xf32, #tpu.memory_space<hbm>>
    %dma_wait3A_752 = tpu.memref_squeeze %dma_wait3A_751 : memref<1x20000xf32, #tpu.memory_space<hbm>> -> memref<20000xf32, #tpu.memory_space<hbm>>
    %dma_wait3A_753 = arith.constant 0 : i32
    %dma_wait3A_754 = tpu.memref_slice %dma_wait3A_752[%dma_wait3A_753] : memref<20000xf32, #tpu.memory_space<hbm>> -> memref<20000xf32, #tpu.memory_space<hbm>>
    tpu.wait_indirect_dma semaphore(%arg17 : memref<!tpu.dma_semaphore, #tpu.memory_space<semaphore_mem>>) src(%dma_wait3A_754 : memref<20000xf32, #tpu.memory_space<hbm>>) dst(%dma_wait3A_747 : memref<128xf32, #tpu.memory_space<vmem>>)
    %dma_wait3A_755 = arith.constant 2560 : i32
    %dma_wait3A_756 = tpu.memref_slice %arg14[%dma_wait3A_755] : memref<5760xf32, #tpu.memory_space<vmem>> -> memref<44xf32, #tpu.memory_space<vmem>>
    %dma_wait3A_757 = arith.constant 256 : i32
    %dma_wait3A_758 = tpu.memref_slice %arg13[%dma_wait3A_757] : memref<384xi32, #tpu.memory_space<vmem>> -> memref<44xi32, #tpu.memory_space<vmem>>
    %dma_wait3A_759 = arith.constant 0 : i32
    %dma_wait3A_760 = tpu.memref_slice %arg4[%add3A_287, %dma_wait3A_759] : memref<408x20000xf32, #tpu.memory_space<hbm>> -> memref<1x20000xf32, #tpu.memory_space<hbm>>
    %dma_wait3A_761 = tpu.memref_squeeze %dma_wait3A_760 : memref<1x20000xf32, #tpu.memory_space<hbm>> -> memref<20000xf32, #tpu.memory_space<hbm>>
    %dma_wait3A_762 = arith.constant 0 : i32
    %dma_wait3A_763 = tpu.memref_slice %dma_wait3A_761[%dma_wait3A_762] : memref<20000xf32, #tpu.memory_space<hbm>> -> memref<20000xf32, #tpu.memory_space<hbm>>
    tpu.wait_indirect_dma semaphore(%arg17 : memref<!tpu.dma_semaphore, #tpu.memory_space<semaphore_mem>>) src(%dma_wait3A_763 : memref<20000xf32, #tpu.memory_space<hbm>>) dst(%dma_wait3A_756 : memref<44xf32, #tpu.memory_space<vmem>>)
    %dma_wait3A_764 = arith.constant 2688 : i32
    %dma_wait3A_765 = tpu.memref_slice %arg14[%dma_wait3A_764] : memref<5760xf32, #tpu.memory_space<vmem>> -> memref<128xf32, #tpu.memory_space<vmem>>
    %dma_wait3A_766 = arith.constant 0 : i32
    %dma_wait3A_767 = tpu.memref_slice %arg13[%dma_wait3A_766] : memref<384xi32, #tpu.memory_space<vmem>> -> memref<128xi32, #tpu.memory_space<vmem>>
    %dma_wait3A_768 = arith.constant 0 : i32
    %dma_wait3A_769 = tpu.memref_slice %arg4[%add3A_321, %dma_wait3A_768] : memref<408x20000xf32, #tpu.memory_space<hbm>> -> memref<1x20000xf32, #tpu.memory_space<hbm>>
    %dma_wait3A_770 = tpu.memref_squeeze %dma_wait3A_769 : memref<1x20000xf32, #tpu.memory_space<hbm>> -> memref<20000xf32, #tpu.memory_space<hbm>>
    %dma_wait3A_771 = arith.constant 0 : i32
    %dma_wait3A_772 = tpu.memref_slice %dma_wait3A_770[%dma_wait3A_771] : memref<20000xf32, #tpu.memory_space<hbm>> -> memref<20000xf32, #tpu.memory_space<hbm>>
    tpu.wait_indirect_dma semaphore(%arg17 : memref<!tpu.dma_semaphore, #tpu.memory_space<semaphore_mem>>) src(%dma_wait3A_772 : memref<20000xf32, #tpu.memory_space<hbm>>) dst(%dma_wait3A_765 : memref<128xf32, #tpu.memory_space<vmem>>)
    %dma_wait3A_773 = arith.constant 2816 : i32
    %dma_wait3A_774 = tpu.memref_slice %arg14[%dma_wait3A_773] : memref<5760xf32, #tpu.memory_space<vmem>> -> memref<128xf32, #tpu.memory_space<vmem>>
    %dma_wait3A_775 = arith.constant 128 : i32
    %dma_wait3A_776 = tpu.memref_slice %arg13[%dma_wait3A_775] : memref<384xi32, #tpu.memory_space<vmem>> -> memref<128xi32, #tpu.memory_space<vmem>>
    %dma_wait3A_777 = arith.constant 0 : i32
    %dma_wait3A_778 = tpu.memref_slice %arg4[%add3A_321, %dma_wait3A_777] : memref<408x20000xf32, #tpu.memory_space<hbm>> -> memref<1x20000xf32, #tpu.memory_space<hbm>>
    %dma_wait3A_779 = tpu.memref_squeeze %dma_wait3A_778 : memref<1x20000xf32, #tpu.memory_space<hbm>> -> memref<20000xf32, #tpu.memory_space<hbm>>
    %dma_wait3A_780 = arith.constant 0 : i32
    %dma_wait3A_781 = tpu.memref_slice %dma_wait3A_779[%dma_wait3A_780] : memref<20000xf32, #tpu.memory_space<hbm>> -> memref<20000xf32, #tpu.memory_space<hbm>>
    tpu.wait_indirect_dma semaphore(%arg17 : memref<!tpu.dma_semaphore, #tpu.memory_space<semaphore_mem>>) src(%dma_wait3A_781 : memref<20000xf32, #tpu.memory_space<hbm>>) dst(%dma_wait3A_774 : memref<128xf32, #tpu.memory_space<vmem>>)
    %dma_wait3A_782 = arith.constant 2944 : i32
    %dma_wait3A_783 = tpu.memref_slice %arg14[%dma_wait3A_782] : memref<5760xf32, #tpu.memory_space<vmem>> -> memref<44xf32, #tpu.memory_space<vmem>>
    %dma_wait3A_784 = arith.constant 256 : i32
    %dma_wait3A_785 = tpu.memref_slice %arg13[%dma_wait3A_784] : memref<384xi32, #tpu.memory_space<vmem>> -> memref<44xi32, #tpu.memory_space<vmem>>
    %dma_wait3A_786 = arith.constant 0 : i32
    %dma_wait3A_787 = tpu.memref_slice %arg4[%add3A_321, %dma_wait3A_786] : memref<408x20000xf32, #tpu.memory_space<hbm>> -> memref<1x20000xf32, #tpu.memory_space<hbm>>
    %dma_wait3A_788 = tpu.memref_squeeze %dma_wait3A_787 : memref<1x20000xf32, #tpu.memory_space<hbm>> -> memref<20000xf32, #tpu.memory_space<hbm>>
    %dma_wait3A_789 = arith.constant 0 : i32
    %dma_wait3A_790 = tpu.memref_slice %dma_wait3A_788[%dma_wait3A_789] : memref<20000xf32, #tpu.memory_space<hbm>> -> memref<20000xf32, #tpu.memory_space<hbm>>
    tpu.wait_indirect_dma semaphore(%arg17 : memref<!tpu.dma_semaphore, #tpu.memory_space<semaphore_mem>>) src(%dma_wait3A_790 : memref<20000xf32, #tpu.memory_space<hbm>>) dst(%dma_wait3A_783 : memref<44xf32, #tpu.memory_space<vmem>>)
    %dma_wait3A_791 = arith.constant 3072 : i32
    %dma_wait3A_792 = tpu.memref_slice %arg14[%dma_wait3A_791] : memref<5760xf32, #tpu.memory_space<vmem>> -> memref<128xf32, #tpu.memory_space<vmem>>
    %dma_wait3A_793 = arith.constant 0 : i32
    %dma_wait3A_794 = tpu.memref_slice %arg13[%dma_wait3A_793] : memref<384xi32, #tpu.memory_space<vmem>> -> memref<128xi32, #tpu.memory_space<vmem>>
    %dma_wait3A_795 = arith.constant 0 : i32
    %dma_wait3A_796 = tpu.memref_slice %arg4[%add3A_355, %dma_wait3A_795] : memref<408x20000xf32, #tpu.memory_space<hbm>> -> memref<1x20000xf32, #tpu.memory_space<hbm>>
    %dma_wait3A_797 = tpu.memref_squeeze %dma_wait3A_796 : memref<1x20000xf32, #tpu.memory_space<hbm>> -> memref<20000xf32, #tpu.memory_space<hbm>>
    %dma_wait3A_798 = arith.constant 0 : i32
    %dma_wait3A_799 = tpu.memref_slice %dma_wait3A_797[%dma_wait3A_798] : memref<20000xf32, #tpu.memory_space<hbm>> -> memref<20000xf32, #tpu.memory_space<hbm>>
    tpu.wait_indirect_dma semaphore(%arg17 : memref<!tpu.dma_semaphore, #tpu.memory_space<semaphore_mem>>) src(%dma_wait3A_799 : memref<20000xf32, #tpu.memory_space<hbm>>) dst(%dma_wait3A_792 : memref<128xf32, #tpu.memory_space<vmem>>)
    %dma_wait3A_800 = arith.constant 3200 : i32
    %dma_wait3A_801 = tpu.memref_slice %arg14[%dma_wait3A_800] : memref<5760xf32, #tpu.memory_space<vmem>> -> memref<128xf32, #tpu.memory_space<vmem>>
    %dma_wait3A_802 = arith.constant 128 : i32
    %dma_wait3A_803 = tpu.memref_slice %arg13[%dma_wait3A_802] : memref<384xi32, #tpu.memory_space<vmem>> -> memref<128xi32, #tpu.memory_space<vmem>>
    %dma_wait3A_804 = arith.constant 0 : i32
    %dma_wait3A_805 = tpu.memref_slice %arg4[%add3A_355, %dma_wait3A_804] : memref<408x20000xf32, #tpu.memory_space<hbm>> -> memref<1x20000xf32, #tpu.memory_space<hbm>>
    %dma_wait3A_806 = tpu.memref_squeeze %dma_wait3A_805 : memref<1x20000xf32, #tpu.memory_space<hbm>> -> memref<20000xf32, #tpu.memory_space<hbm>>
    %dma_wait3A_807 = arith.constant 0 : i32
    %dma_wait3A_808 = tpu.memref_slice %dma_wait3A_806[%dma_wait3A_807] : memref<20000xf32, #tpu.memory_space<hbm>> -> memref<20000xf32, #tpu.memory_space<hbm>>
    tpu.wait_indirect_dma semaphore(%arg17 : memref<!tpu.dma_semaphore, #tpu.memory_space<semaphore_mem>>) src(%dma_wait3A_808 : memref<20000xf32, #tpu.memory_space<hbm>>) dst(%dma_wait3A_801 : memref<128xf32, #tpu.memory_space<vmem>>)
    %dma_wait3A_809 = arith.constant 3328 : i32
    %dma_wait3A_810 = tpu.memref_slice %arg14[%dma_wait3A_809] : memref<5760xf32, #tpu.memory_space<vmem>> -> memref<44xf32, #tpu.memory_space<vmem>>
    %dma_wait3A_811 = arith.constant 256 : i32
    %dma_wait3A_812 = tpu.memref_slice %arg13[%dma_wait3A_811] : memref<384xi32, #tpu.memory_space<vmem>> -> memref<44xi32, #tpu.memory_space<vmem>>
    %dma_wait3A_813 = arith.constant 0 : i32
    %dma_wait3A_814 = tpu.memref_slice %arg4[%add3A_355, %dma_wait3A_813] : memref<408x20000xf32, #tpu.memory_space<hbm>> -> memref<1x20000xf32, #tpu.memory_space<hbm>>
    %dma_wait3A_815 = tpu.memref_squeeze %dma_wait3A_814 : memref<1x20000xf32, #tpu.memory_space<hbm>> -> memref<20000xf32, #tpu.memory_space<hbm>>
    %dma_wait3A_816 = arith.constant 0 : i32
    %dma_wait3A_817 = tpu.memref_slice %dma_wait3A_815[%dma_wait3A_816] : memref<20000xf32, #tpu.memory_space<hbm>> -> memref<20000xf32, #tpu.memory_space<hbm>>
    tpu.wait_indirect_dma semaphore(%arg17 : memref<!tpu.dma_semaphore, #tpu.memory_space<semaphore_mem>>) src(%dma_wait3A_817 : memref<20000xf32, #tpu.memory_space<hbm>>) dst(%dma_wait3A_810 : memref<44xf32, #tpu.memory_space<vmem>>)
    %dma_wait3A_818 = arith.constant 3456 : i32
    %dma_wait3A_819 = tpu.memref_slice %arg14[%dma_wait3A_818] : memref<5760xf32, #tpu.memory_space<vmem>> -> memref<128xf32, #tpu.memory_space<vmem>>
    %dma_wait3A_820 = arith.constant 0 : i32
    %dma_wait3A_821 = tpu.memref_slice %arg13[%dma_wait3A_820] : memref<384xi32, #tpu.memory_space<vmem>> -> memref<128xi32, #tpu.memory_space<vmem>>
    %dma_wait3A_822 = arith.constant 0 : i32
    %dma_wait3A_823 = tpu.memref_slice %arg4[%add3A_389, %dma_wait3A_822] : memref<408x20000xf32, #tpu.memory_space<hbm>> -> memref<1x20000xf32, #tpu.memory_space<hbm>>
    %dma_wait3A_824 = tpu.memref_squeeze %dma_wait3A_823 : memref<1x20000xf32, #tpu.memory_space<hbm>> -> memref<20000xf32, #tpu.memory_space<hbm>>
    %dma_wait3A_825 = arith.constant 0 : i32
    %dma_wait3A_826 = tpu.memref_slice %dma_wait3A_824[%dma_wait3A_825] : memref<20000xf32, #tpu.memory_space<hbm>> -> memref<20000xf32, #tpu.memory_space<hbm>>
    tpu.wait_indirect_dma semaphore(%arg17 : memref<!tpu.dma_semaphore, #tpu.memory_space<semaphore_mem>>) src(%dma_wait3A_826 : memref<20000xf32, #tpu.memory_space<hbm>>) dst(%dma_wait3A_819 : memref<128xf32, #tpu.memory_space<vmem>>)
    %dma_wait3A_827 = arith.constant 3584 : i32
    %dma_wait3A_828 = tpu.memref_slice %arg14[%dma_wait3A_827] : memref<5760xf32, #tpu.memory_space<vmem>> -> memref<128xf32, #tpu.memory_space<vmem>>
    %dma_wait3A_829 = arith.constant 128 : i32
    %dma_wait3A_830 = tpu.memref_slice %arg13[%dma_wait3A_829] : memref<384xi32, #tpu.memory_space<vmem>> -> memref<128xi32, #tpu.memory_space<vmem>>
    %dma_wait3A_831 = arith.constant 0 : i32
    %dma_wait3A_832 = tpu.memref_slice %arg4[%add3A_389, %dma_wait3A_831] : memref<408x20000xf32, #tpu.memory_space<hbm>> -> memref<1x20000xf32, #tpu.memory_space<hbm>>
    %dma_wait3A_833 = tpu.memref_squeeze %dma_wait3A_832 : memref<1x20000xf32, #tpu.memory_space<hbm>> -> memref<20000xf32, #tpu.memory_space<hbm>>
    %dma_wait3A_834 = arith.constant 0 : i32
    %dma_wait3A_835 = tpu.memref_slice %dma_wait3A_833[%dma_wait3A_834] : memref<20000xf32, #tpu.memory_space<hbm>> -> memref<20000xf32, #tpu.memory_space<hbm>>
    tpu.wait_indirect_dma semaphore(%arg17 : memref<!tpu.dma_semaphore, #tpu.memory_space<semaphore_mem>>) src(%dma_wait3A_835 : memref<20000xf32, #tpu.memory_space<hbm>>) dst(%dma_wait3A_828 : memref<128xf32, #tpu.memory_space<vmem>>)
    %dma_wait3A_836 = arith.constant 3712 : i32
    %dma_wait3A_837 = tpu.memref_slice %arg14[%dma_wait3A_836] : memref<5760xf32, #tpu.memory_space<vmem>> -> memref<44xf32, #tpu.memory_space<vmem>>
    %dma_wait3A_838 = arith.constant 256 : i32
    %dma_wait3A_839 = tpu.memref_slice %arg13[%dma_wait3A_838] : memref<384xi32, #tpu.memory_space<vmem>> -> memref<44xi32, #tpu.memory_space<vmem>>
    %dma_wait3A_840 = arith.constant 0 : i32
    %dma_wait3A_841 = tpu.memref_slice %arg4[%add3A_389, %dma_wait3A_840] : memref<408x20000xf32, #tpu.memory_space<hbm>> -> memref<1x20000xf32, #tpu.memory_space<hbm>>
    %dma_wait3A_842 = tpu.memref_squeeze %dma_wait3A_841 : memref<1x20000xf32, #tpu.memory_space<hbm>> -> memref<20000xf32, #tpu.memory_space<hbm>>
    %dma_wait3A_843 = arith.constant 0 : i32
    %dma_wait3A_844 = tpu.memref_slice %dma_wait3A_842[%dma_wait3A_843] : memref<20000xf32, #tpu.memory_space<hbm>> -> memref<20000xf32, #tpu.memory_space<hbm>>
    tpu.wait_indirect_dma semaphore(%arg17 : memref<!tpu.dma_semaphore, #tpu.memory_space<semaphore_mem>>) src(%dma_wait3A_844 : memref<20000xf32, #tpu.memory_space<hbm>>) dst(%dma_wait3A_837 : memref<44xf32, #tpu.memory_space<vmem>>)
    %dma_wait3A_845 = arith.constant 3840 : i32
    %dma_wait3A_846 = tpu.memref_slice %arg14[%dma_wait3A_845] : memref<5760xf32, #tpu.memory_space<vmem>> -> memref<128xf32, #tpu.memory_space<vmem>>
    %dma_wait3A_847 = arith.constant 0 : i32
    %dma_wait3A_848 = tpu.memref_slice %arg13[%dma_wait3A_847] : memref<384xi32, #tpu.memory_space<vmem>> -> memref<128xi32, #tpu.memory_space<vmem>>
    %dma_wait3A_849 = arith.constant 0 : i32
    %dma_wait3A_850 = tpu.memref_slice %arg4[%add3A_423, %dma_wait3A_849] : memref<408x20000xf32, #tpu.memory_space<hbm>> -> memref<1x20000xf32, #tpu.memory_space<hbm>>
    %dma_wait3A_851 = tpu.memref_squeeze %dma_wait3A_850 : memref<1x20000xf32, #tpu.memory_space<hbm>> -> memref<20000xf32, #tpu.memory_space<hbm>>
    %dma_wait3A_852 = arith.constant 0 : i32
    %dma_wait3A_853 = tpu.memref_slice %dma_wait3A_851[%dma_wait3A_852] : memref<20000xf32, #tpu.memory_space<hbm>> -> memref<20000xf32, #tpu.memory_space<hbm>>
    tpu.wait_indirect_dma semaphore(%arg17 : memref<!tpu.dma_semaphore, #tpu.memory_space<semaphore_mem>>) src(%dma_wait3A_853 : memref<20000xf32, #tpu.memory_space<hbm>>) dst(%dma_wait3A_846 : memref<128xf32, #tpu.memory_space<vmem>>)
    %dma_wait3A_854 = arith.constant 3968 : i32
    %dma_wait3A_855 = tpu.memref_slice %arg14[%dma_wait3A_854] : memref<5760xf32, #tpu.memory_space<vmem>> -> memref<128xf32, #tpu.memory_space<vmem>>
    %dma_wait3A_856 = arith.constant 128 : i32
    %dma_wait3A_857 = tpu.memref_slice %arg13[%dma_wait3A_856] : memref<384xi32, #tpu.memory_space<vmem>> -> memref<128xi32, #tpu.memory_space<vmem>>
    %dma_wait3A_858 = arith.constant 0 : i32
    %dma_wait3A_859 = tpu.memref_slice %arg4[%add3A_423, %dma_wait3A_858] : memref<408x20000xf32, #tpu.memory_space<hbm>> -> memref<1x20000xf32, #tpu.memory_space<hbm>>
    %dma_wait3A_860 = tpu.memref_squeeze %dma_wait3A_859 : memref<1x20000xf32, #tpu.memory_space<hbm>> -> memref<20000xf32, #tpu.memory_space<hbm>>
    %dma_wait3A_861 = arith.constant 0 : i32
    %dma_wait3A_862 = tpu.memref_slice %dma_wait3A_860[%dma_wait3A_861] : memref<20000xf32, #tpu.memory_space<hbm>> -> memref<20000xf32, #tpu.memory_space<hbm>>
    tpu.wait_indirect_dma semaphore(%arg17 : memref<!tpu.dma_semaphore, #tpu.memory_space<semaphore_mem>>) src(%dma_wait3A_862 : memref<20000xf32, #tpu.memory_space<hbm>>) dst(%dma_wait3A_855 : memref<128xf32, #tpu.memory_space<vmem>>)
    %dma_wait3A_863 = arith.constant 4096 : i32
    %dma_wait3A_864 = tpu.memref_slice %arg14[%dma_wait3A_863] : memref<5760xf32, #tpu.memory_space<vmem>> -> memref<44xf32, #tpu.memory_space<vmem>>
    %dma_wait3A_865 = arith.constant 256 : i32
    %dma_wait3A_866 = tpu.memref_slice %arg13[%dma_wait3A_865] : memref<384xi32, #tpu.memory_space<vmem>> -> memref<44xi32, #tpu.memory_space<vmem>>
    %dma_wait3A_867 = arith.constant 0 : i32
    %dma_wait3A_868 = tpu.memref_slice %arg4[%add3A_423, %dma_wait3A_867] : memref<408x20000xf32, #tpu.memory_space<hbm>> -> memref<1x20000xf32, #tpu.memory_space<hbm>>
    %dma_wait3A_869 = tpu.memref_squeeze %dma_wait3A_868 : memref<1x20000xf32, #tpu.memory_space<hbm>> -> memref<20000xf32, #tpu.memory_space<hbm>>
    %dma_wait3A_870 = arith.constant 0 : i32
    %dma_wait3A_871 = tpu.memref_slice %dma_wait3A_869[%dma_wait3A_870] : memref<20000xf32, #tpu.memory_space<hbm>> -> memref<20000xf32, #tpu.memory_space<hbm>>
    tpu.wait_indirect_dma semaphore(%arg17 : memref<!tpu.dma_semaphore, #tpu.memory_space<semaphore_mem>>) src(%dma_wait3A_871 : memref<20000xf32, #tpu.memory_space<hbm>>) dst(%dma_wait3A_864 : memref<44xf32, #tpu.memory_space<vmem>>)
    %dma_wait3A_872 = arith.constant 4224 : i32
    %dma_wait3A_873 = tpu.memref_slice %arg14[%dma_wait3A_872] : memref<5760xf32, #tpu.memory_space<vmem>> -> memref<128xf32, #tpu.memory_space<vmem>>
    %dma_wait3A_874 = arith.constant 0 : i32
    %dma_wait3A_875 = tpu.memref_slice %arg13[%dma_wait3A_874] : memref<384xi32, #tpu.memory_space<vmem>> -> memref<128xi32, #tpu.memory_space<vmem>>
    %dma_wait3A_876 = arith.constant 0 : i32
    %dma_wait3A_877 = tpu.memref_slice %arg4[%add3A_457, %dma_wait3A_876] : memref<408x20000xf32, #tpu.memory_space<hbm>> -> memref<1x20000xf32, #tpu.memory_space<hbm>>
    %dma_wait3A_878 = tpu.memref_squeeze %dma_wait3A_877 : memref<1x20000xf32, #tpu.memory_space<hbm>> -> memref<20000xf32, #tpu.memory_space<hbm>>
    %dma_wait3A_879 = arith.constant 0 : i32
    %dma_wait3A_880 = tpu.memref_slice %dma_wait3A_878[%dma_wait3A_879] : memref<20000xf32, #tpu.memory_space<hbm>> -> memref<20000xf32, #tpu.memory_space<hbm>>
    tpu.wait_indirect_dma semaphore(%arg17 : memref<!tpu.dma_semaphore, #tpu.memory_space<semaphore_mem>>) src(%dma_wait3A_880 : memref<20000xf32, #tpu.memory_space<hbm>>) dst(%dma_wait3A_873 : memref<128xf32, #tpu.memory_space<vmem>>)
    %dma_wait3A_881 = arith.constant 4352 : i32
    %dma_wait3A_882 = tpu.memref_slice %arg14[%dma_wait3A_881] : memref<5760xf32, #tpu.memory_space<vmem>> -> memref<128xf32, #tpu.memory_space<vmem>>
    %dma_wait3A_883 = arith.constant 128 : i32
    %dma_wait3A_884 = tpu.memref_slice %arg13[%dma_wait3A_883] : memref<384xi32, #tpu.memory_space<vmem>> -> memref<128xi32, #tpu.memory_space<vmem>>
    %dma_wait3A_885 = arith.constant 0 : i32
    %dma_wait3A_886 = tpu.memref_slice %arg4[%add3A_457, %dma_wait3A_885] : memref<408x20000xf32, #tpu.memory_space<hbm>> -> memref<1x20000xf32, #tpu.memory_space<hbm>>
    %dma_wait3A_887 = tpu.memref_squeeze %dma_wait3A_886 : memref<1x20000xf32, #tpu.memory_space<hbm>> -> memref<20000xf32, #tpu.memory_space<hbm>>
    %dma_wait3A_888 = arith.constant 0 : i32
    %dma_wait3A_889 = tpu.memref_slice %dma_wait3A_887[%dma_wait3A_888] : memref<20000xf32, #tpu.memory_space<hbm>> -> memref<20000xf32, #tpu.memory_space<hbm>>
    tpu.wait_indirect_dma semaphore(%arg17 : memref<!tpu.dma_semaphore, #tpu.memory_space<semaphore_mem>>) src(%dma_wait3A_889 : memref<20000xf32, #tpu.memory_space<hbm>>) dst(%dma_wait3A_882 : memref<128xf32, #tpu.memory_space<vmem>>)
    %dma_wait3A_890 = arith.constant 4480 : i32
    %dma_wait3A_891 = tpu.memref_slice %arg14[%dma_wait3A_890] : memref<5760xf32, #tpu.memory_space<vmem>> -> memref<44xf32, #tpu.memory_space<vmem>>
    %dma_wait3A_892 = arith.constant 256 : i32
    %dma_wait3A_893 = tpu.memref_slice %arg13[%dma_wait3A_892] : memref<384xi32, #tpu.memory_space<vmem>> -> memref<44xi32, #tpu.memory_space<vmem>>
    %dma_wait3A_894 = arith.constant 0 : i32
    %dma_wait3A_895 = tpu.memref_slice %arg4[%add3A_457, %dma_wait3A_894] : memref<408x20000xf32, #tpu.memory_space<hbm>> -> memref<1x20000xf32, #tpu.memory_space<hbm>>
    %dma_wait3A_896 = tpu.memref_squeeze %dma_wait3A_895 : memref<1x20000xf32, #tpu.memory_space<hbm>> -> memref<20000xf32, #tpu.memory_space<hbm>>
    %dma_wait3A_897 = arith.constant 0 : i32
    %dma_wait3A_898 = tpu.memref_slice %dma_wait3A_896[%dma_wait3A_897] : memref<20000xf32, #tpu.memory_space<hbm>> -> memref<20000xf32, #tpu.memory_space<hbm>>
    tpu.wait_indirect_dma semaphore(%arg17 : memref<!tpu.dma_semaphore, #tpu.memory_space<semaphore_mem>>) src(%dma_wait3A_898 : memref<20000xf32, #tpu.memory_space<hbm>>) dst(%dma_wait3A_891 : memref<44xf32, #tpu.memory_space<vmem>>)
    %dma_wait3A_899 = arith.constant 4608 : i32
    %dma_wait3A_900 = tpu.memref_slice %arg14[%dma_wait3A_899] : memref<5760xf32, #tpu.memory_space<vmem>> -> memref<128xf32, #tpu.memory_space<vmem>>
    %dma_wait3A_901 = arith.constant 0 : i32
    %dma_wait3A_902 = tpu.memref_slice %arg13[%dma_wait3A_901] : memref<384xi32, #tpu.memory_space<vmem>> -> memref<128xi32, #tpu.memory_space<vmem>>
    %dma_wait3A_903 = arith.constant 0 : i32
    %dma_wait3A_904 = tpu.memref_slice %arg4[%add3A_491, %dma_wait3A_903] : memref<408x20000xf32, #tpu.memory_space<hbm>> -> memref<1x20000xf32, #tpu.memory_space<hbm>>
    %dma_wait3A_905 = tpu.memref_squeeze %dma_wait3A_904 : memref<1x20000xf32, #tpu.memory_space<hbm>> -> memref<20000xf32, #tpu.memory_space<hbm>>
    %dma_wait3A_906 = arith.constant 0 : i32
    %dma_wait3A_907 = tpu.memref_slice %dma_wait3A_905[%dma_wait3A_906] : memref<20000xf32, #tpu.memory_space<hbm>> -> memref<20000xf32, #tpu.memory_space<hbm>>
    tpu.wait_indirect_dma semaphore(%arg17 : memref<!tpu.dma_semaphore, #tpu.memory_space<semaphore_mem>>) src(%dma_wait3A_907 : memref<20000xf32, #tpu.memory_space<hbm>>) dst(%dma_wait3A_900 : memref<128xf32, #tpu.memory_space<vmem>>)
    %dma_wait3A_908 = arith.constant 4736 : i32
    %dma_wait3A_909 = tpu.memref_slice %arg14[%dma_wait3A_908] : memref<5760xf32, #tpu.memory_space<vmem>> -> memref<128xf32, #tpu.memory_space<vmem>>
    %dma_wait3A_910 = arith.constant 128 : i32
    %dma_wait3A_911 = tpu.memref_slice %arg13[%dma_wait3A_910] : memref<384xi32, #tpu.memory_space<vmem>> -> memref<128xi32, #tpu.memory_space<vmem>>
    %dma_wait3A_912 = arith.constant 0 : i32
    %dma_wait3A_913 = tpu.memref_slice %arg4[%add3A_491, %dma_wait3A_912] : memref<408x20000xf32, #tpu.memory_space<hbm>> -> memref<1x20000xf32, #tpu.memory_space<hbm>>
    %dma_wait3A_914 = tpu.memref_squeeze %dma_wait3A_913 : memref<1x20000xf32, #tpu.memory_space<hbm>> -> memref<20000xf32, #tpu.memory_space<hbm>>
    %dma_wait3A_915 = arith.constant 0 : i32
    %dma_wait3A_916 = tpu.memref_slice %dma_wait3A_914[%dma_wait3A_915] : memref<20000xf32, #tpu.memory_space<hbm>> -> memref<20000xf32, #tpu.memory_space<hbm>>
    tpu.wait_indirect_dma semaphore(%arg17 : memref<!tpu.dma_semaphore, #tpu.memory_space<semaphore_mem>>) src(%dma_wait3A_916 : memref<20000xf32, #tpu.memory_space<hbm>>) dst(%dma_wait3A_909 : memref<128xf32, #tpu.memory_space<vmem>>)
    %dma_wait3A_917 = arith.constant 4864 : i32
    %dma_wait3A_918 = tpu.memref_slice %arg14[%dma_wait3A_917] : memref<5760xf32, #tpu.memory_space<vmem>> -> memref<44xf32, #tpu.memory_space<vmem>>
    %dma_wait3A_919 = arith.constant 256 : i32
    %dma_wait3A_920 = tpu.memref_slice %arg13[%dma_wait3A_919] : memref<384xi32, #tpu.memory_space<vmem>> -> memref<44xi32, #tpu.memory_space<vmem>>
    %dma_wait3A_921 = arith.constant 0 : i32
    %dma_wait3A_922 = tpu.memref_slice %arg4[%add3A_491, %dma_wait3A_921] : memref<408x20000xf32, #tpu.memory_space<hbm>> -> memref<1x20000xf32, #tpu.memory_space<hbm>>
    %dma_wait3A_923 = tpu.memref_squeeze %dma_wait3A_922 : memref<1x20000xf32, #tpu.memory_space<hbm>> -> memref<20000xf32, #tpu.memory_space<hbm>>
    %dma_wait3A_924 = arith.constant 0 : i32
    %dma_wait3A_925 = tpu.memref_slice %dma_wait3A_923[%dma_wait3A_924] : memref<20000xf32, #tpu.memory_space<hbm>> -> memref<20000xf32, #tpu.memory_space<hbm>>
    tpu.wait_indirect_dma semaphore(%arg17 : memref<!tpu.dma_semaphore, #tpu.memory_space<semaphore_mem>>) src(%dma_wait3A_925 : memref<20000xf32, #tpu.memory_space<hbm>>) dst(%dma_wait3A_918 : memref<44xf32, #tpu.memory_space<vmem>>)
    %dma_wait3A_926 = arith.constant 4992 : i32
    %dma_wait3A_927 = tpu.memref_slice %arg14[%dma_wait3A_926] : memref<5760xf32, #tpu.memory_space<vmem>> -> memref<128xf32, #tpu.memory_space<vmem>>
    %dma_wait3A_928 = arith.constant 0 : i32
    %dma_wait3A_929 = tpu.memref_slice %arg13[%dma_wait3A_928] : memref<384xi32, #tpu.memory_space<vmem>> -> memref<128xi32, #tpu.memory_space<vmem>>
    %dma_wait3A_930 = arith.constant 0 : i32
    %dma_wait3A_931 = tpu.memref_slice %arg5[%add3A_521, %dma_wait3A_930] : memref<32x20000xf32, #tpu.memory_space<hbm>> -> memref<1x20000xf32, #tpu.memory_space<hbm>>
    %dma_wait3A_932 = tpu.memref_squeeze %dma_wait3A_931 : memref<1x20000xf32, #tpu.memory_space<hbm>> -> memref<20000xf32, #tpu.memory_space<hbm>>
    %dma_wait3A_933 = arith.constant 0 : i32
    %dma_wait3A_934 = tpu.memref_slice %dma_wait3A_932[%dma_wait3A_933] : memref<20000xf32, #tpu.memory_space<hbm>> -> memref<20000xf32, #tpu.memory_space<hbm>>
    tpu.wait_indirect_dma semaphore(%arg17 : memref<!tpu.dma_semaphore, #tpu.memory_space<semaphore_mem>>) src(%dma_wait3A_934 : memref<20000xf32, #tpu.memory_space<hbm>>) dst(%dma_wait3A_927 : memref<128xf32, #tpu.memory_space<vmem>>)
    %dma_wait3A_935 = arith.constant 5120 : i32
    %dma_wait3A_936 = tpu.memref_slice %arg14[%dma_wait3A_935] : memref<5760xf32, #tpu.memory_space<vmem>> -> memref<128xf32, #tpu.memory_space<vmem>>
    %dma_wait3A_937 = arith.constant 128 : i32
    %dma_wait3A_938 = tpu.memref_slice %arg13[%dma_wait3A_937] : memref<384xi32, #tpu.memory_space<vmem>> -> memref<128xi32, #tpu.memory_space<vmem>>
    %dma_wait3A_939 = arith.constant 0 : i32
    %dma_wait3A_940 = tpu.memref_slice %arg5[%add3A_521, %dma_wait3A_939] : memref<32x20000xf32, #tpu.memory_space<hbm>> -> memref<1x20000xf32, #tpu.memory_space<hbm>>
    %dma_wait3A_941 = tpu.memref_squeeze %dma_wait3A_940 : memref<1x20000xf32, #tpu.memory_space<hbm>> -> memref<20000xf32, #tpu.memory_space<hbm>>
    %dma_wait3A_942 = arith.constant 0 : i32
    %dma_wait3A_943 = tpu.memref_slice %dma_wait3A_941[%dma_wait3A_942] : memref<20000xf32, #tpu.memory_space<hbm>> -> memref<20000xf32, #tpu.memory_space<hbm>>
    tpu.wait_indirect_dma semaphore(%arg17 : memref<!tpu.dma_semaphore, #tpu.memory_space<semaphore_mem>>) src(%dma_wait3A_943 : memref<20000xf32, #tpu.memory_space<hbm>>) dst(%dma_wait3A_936 : memref<128xf32, #tpu.memory_space<vmem>>)
    %dma_wait3A_944 = arith.constant 5248 : i32
    %dma_wait3A_945 = tpu.memref_slice %arg14[%dma_wait3A_944] : memref<5760xf32, #tpu.memory_space<vmem>> -> memref<44xf32, #tpu.memory_space<vmem>>
    %dma_wait3A_946 = arith.constant 256 : i32
    %dma_wait3A_947 = tpu.memref_slice %arg13[%dma_wait3A_946] : memref<384xi32, #tpu.memory_space<vmem>> -> memref<44xi32, #tpu.memory_space<vmem>>
    %dma_wait3A_948 = arith.constant 0 : i32
    %dma_wait3A_949 = tpu.memref_slice %arg5[%add3A_521, %dma_wait3A_948] : memref<32x20000xf32, #tpu.memory_space<hbm>> -> memref<1x20000xf32, #tpu.memory_space<hbm>>
    %dma_wait3A_950 = tpu.memref_squeeze %dma_wait3A_949 : memref<1x20000xf32, #tpu.memory_space<hbm>> -> memref<20000xf32, #tpu.memory_space<hbm>>
    %dma_wait3A_951 = arith.constant 0 : i32
    %dma_wait3A_952 = tpu.memref_slice %dma_wait3A_950[%dma_wait3A_951] : memref<20000xf32, #tpu.memory_space<hbm>> -> memref<20000xf32, #tpu.memory_space<hbm>>
    tpu.wait_indirect_dma semaphore(%arg17 : memref<!tpu.dma_semaphore, #tpu.memory_space<semaphore_mem>>) src(%dma_wait3A_952 : memref<20000xf32, #tpu.memory_space<hbm>>) dst(%dma_wait3A_945 : memref<44xf32, #tpu.memory_space<vmem>>)
    %dma_wait3A_953 = arith.constant 5376 : i32
    %dma_wait3A_954 = tpu.memref_slice %arg14[%dma_wait3A_953] : memref<5760xf32, #tpu.memory_space<vmem>> -> memref<128xf32, #tpu.memory_space<vmem>>
    %dma_wait3A_955 = arith.constant 0 : i32
    %dma_wait3A_956 = tpu.memref_slice %arg13[%dma_wait3A_955] : memref<384xi32, #tpu.memory_space<vmem>> -> memref<128xi32, #tpu.memory_space<vmem>>
    %dma_wait3A_957 = arith.constant 0 : i32
    %dma_wait3A_958 = tpu.memref_slice %arg6[%select_n3A, %dma_wait3A_957] : memref<8x20000xf32, #tpu.memory_space<hbm>> -> memref<1x20000xf32, #tpu.memory_space<hbm>>
    %dma_wait3A_959 = tpu.memref_squeeze %dma_wait3A_958 : memref<1x20000xf32, #tpu.memory_space<hbm>> -> memref<20000xf32, #tpu.memory_space<hbm>>
    %dma_wait3A_960 = arith.constant 0 : i32
    %dma_wait3A_961 = tpu.memref_slice %dma_wait3A_959[%dma_wait3A_960] : memref<20000xf32, #tpu.memory_space<hbm>> -> memref<20000xf32, #tpu.memory_space<hbm>>
    tpu.wait_indirect_dma semaphore(%arg17 : memref<!tpu.dma_semaphore, #tpu.memory_space<semaphore_mem>>) src(%dma_wait3A_961 : memref<20000xf32, #tpu.memory_space<hbm>>) dst(%dma_wait3A_954 : memref<128xf32, #tpu.memory_space<vmem>>)
    %dma_wait3A_962 = arith.constant 5504 : i32
    %dma_wait3A_963 = tpu.memref_slice %arg14[%dma_wait3A_962] : memref<5760xf32, #tpu.memory_space<vmem>> -> memref<128xf32, #tpu.memory_space<vmem>>
    %dma_wait3A_964 = arith.constant 128 : i32
    %dma_wait3A_965 = tpu.memref_slice %arg13[%dma_wait3A_964] : memref<384xi32, #tpu.memory_space<vmem>> -> memref<128xi32, #tpu.memory_space<vmem>>
    %dma_wait3A_966 = arith.constant 0 : i32
    %dma_wait3A_967 = tpu.memref_slice %arg6[%select_n3A, %dma_wait3A_966] : memref<8x20000xf32, #tpu.memory_space<hbm>> -> memref<1x20000xf32, #tpu.memory_space<hbm>>
    %dma_wait3A_968 = tpu.memref_squeeze %dma_wait3A_967 : memref<1x20000xf32, #tpu.memory_space<hbm>> -> memref<20000xf32, #tpu.memory_space<hbm>>
    %dma_wait3A_969 = arith.constant 0 : i32
    %dma_wait3A_970 = tpu.memref_slice %dma_wait3A_968[%dma_wait3A_969] : memref<20000xf32, #tpu.memory_space<hbm>> -> memref<20000xf32, #tpu.memory_space<hbm>>
    tpu.wait_indirect_dma semaphore(%arg17 : memref<!tpu.dma_semaphore, #tpu.memory_space<semaphore_mem>>) src(%dma_wait3A_970 : memref<20000xf32, #tpu.memory_space<hbm>>) dst(%dma_wait3A_963 : memref<128xf32, #tpu.memory_space<vmem>>)
    %dma_wait3A_971 = arith.constant 5632 : i32
    %dma_wait3A_972 = tpu.memref_slice %arg14[%dma_wait3A_971] : memref<5760xf32, #tpu.memory_space<vmem>> -> memref<44xf32, #tpu.memory_space<vmem>>
    %dma_wait3A_973 = arith.constant 256 : i32
    %dma_wait3A_974 = tpu.memref_slice %arg13[%dma_wait3A_973] : memref<384xi32, #tpu.memory_space<vmem>> -> memref<44xi32, #tpu.memory_space<vmem>>
    %dma_wait3A_975 = arith.constant 0 : i32
    %dma_wait3A_976 = tpu.memref_slice %arg6[%select_n3A, %dma_wait3A_975] : memref<8x20000xf32, #tpu.memory_space<hbm>> -> memref<1x20000xf32, #tpu.memory_space<hbm>>
    %dma_wait3A_977 = tpu.memref_squeeze %dma_wait3A_976 : memref<1x20000xf32, #tpu.memory_space<hbm>> -> memref<20000xf32, #tpu.memory_space<hbm>>
    %dma_wait3A_978 = arith.constant 0 : i32
    %dma_wait3A_979 = tpu.memref_slice %dma_wait3A_977[%dma_wait3A_978] : memref<20000xf32, #tpu.memory_space<hbm>> -> memref<20000xf32, #tpu.memory_space<hbm>>
    tpu.wait_indirect_dma semaphore(%arg17 : memref<!tpu.dma_semaphore, #tpu.memory_space<semaphore_mem>>) src(%dma_wait3A_979 : memref<20000xf32, #tpu.memory_space<hbm>>) dst(%dma_wait3A_972 : memref<44xf32, #tpu.memory_space<vmem>>)
    %broadcast_in_dim3A_980 = arith.constant 0.000000e+00 : f32
    %broadcast_in_dim3A_981 = vector.broadcast %broadcast_in_dim3A_980 : f32 to vector<16xf32>
    %add3A_982 = arith.constant 0 : i32
    %add3A_983 = arith.addi %select_n3A_50, %add3A_982 : i32
    %mul3A_984 = arith.constant 8 : i32
    %mul3A_985 = arith.muli %add3A_983, %mul3A_984 : i32
    %add3A_986 = arith.addi %mul3A_985, %select_n3A : i32
    %jit3A_987 = arith.constant 16 : i32
    %div3A_988 = arith.divsi %min3A_71, %jit3A_987 : i32
    %sign3A_989 = arith.constant 0 : i32
    %sign3A_990 = arith.cmpi sgt, %min3A_71, %sign3A_989 : i32
    %sign3A_991 = arith.extui %sign3A_990 : i1 to i32
    %sign3A_992 = arith.constant 0 : i32
    %sign3A_993 = arith.cmpi slt, %min3A_71, %sign3A_992 : i32
    %sign3A_994 = arith.extui %sign3A_993 : i1 to i32
    %sign3A_995 = arith.subi %sign3A_991, %sign3A_994 : i32
    %sign3A_996 = arith.constant 0 : i32
    %sign3A_997 = arith.cmpi sgt, %jit3A_987, %sign3A_996 : i32
    %sign3A_998 = arith.extui %sign3A_997 : i1 to i32
    %sign3A_999 = arith.constant 0 : i32
    %sign3A_1000 = arith.cmpi slt, %jit3A_987, %sign3A_999 : i32
    %sign3A_1001 = arith.extui %sign3A_1000 : i1 to i32
    %sign3A_1002 = arith.subi %sign3A_998, %sign3A_1001 : i32
    %ne3A_1003 = arith.cmpi ne, %sign3A_995, %sign3A_1002 : i32
    %rem3A_1004 = arith.remsi %min3A_71, %jit3A_987 : i32
    %ne3A_1005 = arith.constant 0 : i32
    %ne3A_1006 = arith.cmpi ne, %rem3A_1004, %ne3A_1005 : i32
    %and3A_1007 = arith.andi %ne3A_1003, %ne3A_1006 : i1
    %sub3A_1008 = arith.constant 1 : i32
    %sub3A_1009 = arith.subi %div3A_988, %sub3A_1008 : i32
    %select_n3A_1010 = arith.select %and3A_1007, %sub3A_1009, %div3A_988 : i32
    %while3A = arith.constant 0 : i32
    %while3A_1011 = arith.constant 24 : i32
    %while3A_1012 = arith.subi %while3A_1011, %select_n3A_1010 : i32
    %while3A_1013 = arith.addi %select_n3A_1010, %while3A_1012 : i32
    %while3A_1014 = arith.constant 1 : i32
    %while3A_1015 = arith.divsi %while3A_1012, %while3A_1014 : i32
    %while3A_1016 = arith.muli %while3A_1015, %while3A_1014 : i32
    %while3A_1017 = arith.addi %select_n3A_1010, %while3A_1016 : i32
    %while3A_1018 = arith.constant 1 : i32
    scf.for %while3A_1758 = %select_n3A_1010 to %while3A_1017 step %while3A_1018  : i32 {
      %mul3A_1759 = arith.constant 16 : i32
      %mul3A_1760 = arith.muli %while3A_1758, %mul3A_1759 : i32
      %add3A_1761 = vector.broadcast %mul3A_1760 : i32 to vector<16xi32>
      %add3A_1762 = arith.addi %add3A_1761, %iota3A : vector<16xi32>
      %mul3A_1763 = arith.constant 16 : i32
      %mul3A_1764 = arith.muli %while3A_1758, %mul3A_1763 : i32
      %add3A_1765 = arith.constant 0 : i32
      %add3A_1766 = arith.addi %add3A_1765, %mul3A_1764 : i32
      %get3A = arith.index_cast %add3A_1766 : i32 to index
      %get3A_1767 = tpu.vector_load %arg14[%get3A] {strides = array<i32>} : memref<5760xf32, #tpu.memory_space<vmem>>, vector<16xf32>,
      %ge3A = vector.broadcast %min3A_71 : i32 to vector<16xi32>
      %ge3A_1768 = arith.cmpi sge, %add3A_1762, %ge3A : vector<16xi32>
      %select_n3A_1769 = arith.select %ge3A_1768, %broadcast_in_dim3A_981, %get3A_1767 : vector<16xi1>, vector<16xf32>
      %mul3A_1770 = arith.constant 16 : i32
      %mul3A_1771 = arith.muli %while3A_1758, %mul3A_1770 : i32
      %add3A_1772 = arith.constant 0 : i32
      %add3A_1773 = arith.addi %add3A_1772, %mul3A_1771 : i32
      %swap3A_1774 = arith.index_cast %add3A_1773 : i32 to index
      %swap3A_1775 = tpu.vector_load %arg14[%swap3A_1774] {strides = array<i32>} : memref<5760xf32, #tpu.memory_space<vmem>>, vector<16xf32>,
      tpu.vector_store %arg14[%swap3A_1774], %select_n3A_1769 {strides = array<i32>} : memref<5760xf32, #tpu.memory_space<vmem>>, vector<16xf32>,
    }
    %while3A_1019 = arith.constant 1 : i32
    scf.for %while3A_1758 = %while3A_1017 to %while3A_1013 step %while3A_1019  : i32 {
      %mul3A_1759 = arith.constant 16 : i32
      %mul3A_1760 = arith.muli %while3A_1758, %mul3A_1759 : i32
      %add3A_1761 = vector.broadcast %mul3A_1760 : i32 to vector<16xi32>
      %add3A_1762 = arith.addi %add3A_1761, %iota3A : vector<16xi32>
      %mul3A_1763 = arith.constant 16 : i32
      %mul3A_1764 = arith.muli %while3A_1758, %mul3A_1763 : i32
      %add3A_1765 = arith.constant 0 : i32
      %add3A_1766 = arith.addi %add3A_1765, %mul3A_1764 : i32
      %get3A = arith.index_cast %add3A_1766 : i32 to index
      %get3A_1767 = tpu.vector_load %arg14[%get3A] {strides = array<i32>} : memref<5760xf32, #tpu.memory_space<vmem>>, vector<16xf32>,
      %ge3A = vector.broadcast %min3A_71 : i32 to vector<16xi32>
      %ge3A_1768 = arith.cmpi sge, %add3A_1762, %ge3A : vector<16xi32>
      %select_n3A_1769 = arith.select %ge3A_1768, %broadcast_in_dim3A_981, %get3A_1767 : vector<16xi1>, vector<16xf32>
      %mul3A_1770 = arith.constant 16 : i32
      %mul3A_1771 = arith.muli %while3A_1758, %mul3A_1770 : i32
      %add3A_1772 = arith.constant 0 : i32
      %add3A_1773 = arith.addi %add3A_1772, %mul3A_1771 : i32
      %swap3A_1774 = arith.index_cast %add3A_1773 : i32 to index
      %swap3A_1775 = tpu.vector_load %arg14[%swap3A_1774] {strides = array<i32>} : memref<5760xf32, #tpu.memory_space<vmem>>, vector<16xf32>,
      tpu.vector_store %arg14[%swap3A_1774], %select_n3A_1769 {strides = array<i32>} : memref<5760xf32, #tpu.memory_space<vmem>>, vector<16xf32>,
    }
    %dma_start3A_1020 = arith.constant 0 : i32
    %dma_start3A_1021 = tpu.memref_slice %arg14[%dma_start3A_1020] : memref<5760xf32, #tpu.memory_space<vmem>> -> memref<304xf32, #tpu.memory_space<vmem>>
    %dma_start3A_1022 = arith.constant 0 : i32
    %dma_start3A_1023 = tpu.memref_slice %arg8[%add3A_986, %dma_start3A_1022] : memref<408x304xf32, #tpu.memory_space<hbm>> -> memref<1x304xf32, #tpu.memory_space<hbm>>
    %dma_start3A_1024 = tpu.memref_squeeze %dma_start3A_1023 : memref<1x304xf32, #tpu.memory_space<hbm>> -> memref<304xf32, #tpu.memory_space<hbm>>
    %dma_start3A_1025 = arith.constant 0 : i32
    %dma_start3A_1026 = tpu.memref_slice %arg8[%add3A_986, %dma_start3A_1025] : memref<408x304xf32, #tpu.memory_space<hbm>> -> memref<1x304xf32, #tpu.memory_space<hbm>>
    %dma_start3A_1027 = tpu.memref_squeeze %dma_start3A_1026 : memref<1x304xf32, #tpu.memory_space<hbm>> -> memref<304xf32, #tpu.memory_space<hbm>>
    %dma_start3A_1028 = arith.constant 0 : i32
    %dma_start3A_1029 = tpu.memref_slice %arg14[%dma_start3A_1028] : memref<5760xf32, #tpu.memory_space<vmem>> -> memref<304xf32, #tpu.memory_space<vmem>>
    tpu.enqueue_dma source(%dma_start3A_1029 : memref<304xf32, #tpu.memory_space<vmem>>) target(%dma_start3A_1027 : memref<304xf32, #tpu.memory_space<hbm>>) target_semaphore(%arg18 : memref<!tpu.dma_semaphore, #tpu.memory_space<semaphore_mem>>)
    %add3A_1030 = arith.constant 4 : i32
    %add3A_1031 = arith.addi %select_n3A_50, %add3A_1030 : i32
    %mul3A_1032 = arith.constant 8 : i32
    %mul3A_1033 = arith.muli %add3A_1031, %mul3A_1032 : i32
    %add3A_1034 = arith.addi %mul3A_1033, %select_n3A : i32
    %jit3A_1035 = arith.constant 16 : i32
    %div3A_1036 = arith.divsi %min3A_71, %jit3A_1035 : i32
    %sign3A_1037 = arith.constant 0 : i32
    %sign3A_1038 = arith.cmpi sgt, %min3A_71, %sign3A_1037 : i32
    %sign3A_1039 = arith.extui %sign3A_1038 : i1 to i32
    %sign3A_1040 = arith.constant 0 : i32
    %sign3A_1041 = arith.cmpi slt, %min3A_71, %sign3A_1040 : i32
    %sign3A_1042 = arith.extui %sign3A_1041 : i1 to i32
    %sign3A_1043 = arith.subi %sign3A_1039, %sign3A_1042 : i32
    %sign3A_1044 = arith.constant 0 : i32
    %sign3A_1045 = arith.cmpi sgt, %jit3A_1035, %sign3A_1044 : i32
    %sign3A_1046 = arith.extui %sign3A_1045 : i1 to i32
    %sign3A_1047 = arith.constant 0 : i32
    %sign3A_1048 = arith.cmpi slt, %jit3A_1035, %sign3A_1047 : i32
    %sign3A_1049 = arith.extui %sign3A_1048 : i1 to i32
    %sign3A_1050 = arith.subi %sign3A_1046, %sign3A_1049 : i32
    %ne3A_1051 = arith.cmpi ne, %sign3A_1043, %sign3A_1050 : i32
    %rem3A_1052 = arith.remsi %min3A_71, %jit3A_1035 : i32
    %ne3A_1053 = arith.constant 0 : i32
    %ne3A_1054 = arith.cmpi ne, %rem3A_1052, %ne3A_1053 : i32
    %and3A_1055 = arith.andi %ne3A_1051, %ne3A_1054 : i1
    %sub3A_1056 = arith.constant 1 : i32
    %sub3A_1057 = arith.subi %div3A_1036, %sub3A_1056 : i32
    %select_n3A_1058 = arith.select %and3A_1055, %sub3A_1057, %div3A_1036 : i32
    %while3A_1059 = arith.constant 0 : i32
    %while3A_1060 = arith.constant 24 : i32
    %while3A_1061 = arith.subi %while3A_1060, %select_n3A_1058 : i32
    %while3A_1062 = arith.addi %select_n3A_1058, %while3A_1061 : i32
    %while3A_1063 = arith.constant 1 : i32
    %while3A_1064 = arith.divsi %while3A_1061, %while3A_1063 : i32
    %while3A_1065 = arith.muli %while3A_1064, %while3A_1063 : i32
    %while3A_1066 = arith.addi %select_n3A_1058, %while3A_1065 : i32
    %while3A_1067 = arith.constant 1 : i32
    scf.for %while3A_1758 = %select_n3A_1058 to %while3A_1066 step %while3A_1067  : i32 {
      %mul3A_1759 = arith.constant 16 : i32
      %mul3A_1760 = arith.muli %while3A_1758, %mul3A_1759 : i32
      %add3A_1761 = vector.broadcast %mul3A_1760 : i32 to vector<16xi32>
      %add3A_1762 = arith.addi %add3A_1761, %iota3A : vector<16xi32>
      %mul3A_1763 = arith.constant 16 : i32
      %mul3A_1764 = arith.muli %while3A_1758, %mul3A_1763 : i32
      %add3A_1765 = arith.constant 384 : i32
      %add3A_1766 = arith.addi %add3A_1765, %mul3A_1764 : i32
      %get3A = arith.index_cast %add3A_1766 : i32 to index
      %get3A_1767 = tpu.vector_load %arg14[%get3A] {strides = array<i32>} : memref<5760xf32, #tpu.memory_space<vmem>>, vector<16xf32>,
      %ge3A = vector.broadcast %min3A_71 : i32 to vector<16xi32>
      %ge3A_1768 = arith.cmpi sge, %add3A_1762, %ge3A : vector<16xi32>
      %select_n3A_1769 = arith.select %ge3A_1768, %broadcast_in_dim3A_981, %get3A_1767 : vector<16xi1>, vector<16xf32>
      %mul3A_1770 = arith.constant 16 : i32
      %mul3A_1771 = arith.muli %while3A_1758, %mul3A_1770 : i32
      %add3A_1772 = arith.constant 384 : i32
      %add3A_1773 = arith.addi %add3A_1772, %mul3A_1771 : i32
      %swap3A_1774 = arith.index_cast %add3A_1773 : i32 to index
      %swap3A_1775 = tpu.vector_load %arg14[%swap3A_1774] {strides = array<i32>} : memref<5760xf32, #tpu.memory_space<vmem>>, vector<16xf32>,
      tpu.vector_store %arg14[%swap3A_1774], %select_n3A_1769 {strides = array<i32>} : memref<5760xf32, #tpu.memory_space<vmem>>, vector<16xf32>,
    }
    %while3A_1068 = arith.constant 1 : i32
    scf.for %while3A_1758 = %while3A_1066 to %while3A_1062 step %while3A_1068  : i32 {
      %mul3A_1759 = arith.constant 16 : i32
      %mul3A_1760 = arith.muli %while3A_1758, %mul3A_1759 : i32
      %add3A_1761 = vector.broadcast %mul3A_1760 : i32 to vector<16xi32>
      %add3A_1762 = arith.addi %add3A_1761, %iota3A : vector<16xi32>
      %mul3A_1763 = arith.constant 16 : i32
      %mul3A_1764 = arith.muli %while3A_1758, %mul3A_1763 : i32
      %add3A_1765 = arith.constant 384 : i32
      %add3A_1766 = arith.addi %add3A_1765, %mul3A_1764 : i32
      %get3A = arith.index_cast %add3A_1766 : i32 to index
      %get3A_1767 = tpu.vector_load %arg14[%get3A] {strides = array<i32>} : memref<5760xf32, #tpu.memory_space<vmem>>, vector<16xf32>,
      %ge3A = vector.broadcast %min3A_71 : i32 to vector<16xi32>
      %ge3A_1768 = arith.cmpi sge, %add3A_1762, %ge3A : vector<16xi32>
      %select_n3A_1769 = arith.select %ge3A_1768, %broadcast_in_dim3A_981, %get3A_1767 : vector<16xi1>, vector<16xf32>
      %mul3A_1770 = arith.constant 16 : i32
      %mul3A_1771 = arith.muli %while3A_1758, %mul3A_1770 : i32
      %add3A_1772 = arith.constant 384 : i32
      %add3A_1773 = arith.addi %add3A_1772, %mul3A_1771 : i32
      %swap3A_1774 = arith.index_cast %add3A_1773 : i32 to index
      %swap3A_1775 = tpu.vector_load %arg14[%swap3A_1774] {strides = array<i32>} : memref<5760xf32, #tpu.memory_space<vmem>>, vector<16xf32>,
      tpu.vector_store %arg14[%swap3A_1774], %select_n3A_1769 {strides = array<i32>} : memref<5760xf32, #tpu.memory_space<vmem>>, vector<16xf32>,
    }
    %dma_start3A_1069 = arith.constant 384 : i32
    %dma_start3A_1070 = tpu.memref_slice %arg14[%dma_start3A_1069] : memref<5760xf32, #tpu.memory_space<vmem>> -> memref<304xf32, #tpu.memory_space<vmem>>
    %dma_start3A_1071 = arith.constant 0 : i32
    %dma_start3A_1072 = tpu.memref_slice %arg8[%add3A_1034, %dma_start3A_1071] : memref<408x304xf32, #tpu.memory_space<hbm>> -> memref<1x304xf32, #tpu.memory_space<hbm>>
    %dma_start3A_1073 = tpu.memref_squeeze %dma_start3A_1072 : memref<1x304xf32, #tpu.memory_space<hbm>> -> memref<304xf32, #tpu.memory_space<hbm>>
    %dma_start3A_1074 = arith.constant 0 : i32
    %dma_start3A_1075 = tpu.memref_slice %arg8[%add3A_1034, %dma_start3A_1074] : memref<408x304xf32, #tpu.memory_space<hbm>> -> memref<1x304xf32, #tpu.memory_space<hbm>>
    %dma_start3A_1076 = tpu.memref_squeeze %dma_start3A_1075 : memref<1x304xf32, #tpu.memory_space<hbm>> -> memref<304xf32, #tpu.memory_space<hbm>>
    %dma_start3A_1077 = arith.constant 384 : i32
    %dma_start3A_1078 = tpu.memref_slice %arg14[%dma_start3A_1077] : memref<5760xf32, #tpu.memory_space<vmem>> -> memref<304xf32, #tpu.memory_space<vmem>>
    tpu.enqueue_dma source(%dma_start3A_1078 : memref<304xf32, #tpu.memory_space<vmem>>) target(%dma_start3A_1076 : memref<304xf32, #tpu.memory_space<hbm>>) target_semaphore(%arg18 : memref<!tpu.dma_semaphore, #tpu.memory_space<semaphore_mem>>)
    %add3A_1079 = arith.constant 8 : i32
    %add3A_1080 = arith.addi %select_n3A_50, %add3A_1079 : i32
    %mul3A_1081 = arith.constant 8 : i32
    %mul3A_1082 = arith.muli %add3A_1080, %mul3A_1081 : i32
    %add3A_1083 = arith.addi %mul3A_1082, %select_n3A : i32
    %jit3A_1084 = arith.constant 16 : i32
    %div3A_1085 = arith.divsi %min3A_71, %jit3A_1084 : i32
    %sign3A_1086 = arith.constant 0 : i32
    %sign3A_1087 = arith.cmpi sgt, %min3A_71, %sign3A_1086 : i32
    %sign3A_1088 = arith.extui %sign3A_1087 : i1 to i32
    %sign3A_1089 = arith.constant 0 : i32
    %sign3A_1090 = arith.cmpi slt, %min3A_71, %sign3A_1089 : i32
    %sign3A_1091 = arith.extui %sign3A_1090 : i1 to i32
    %sign3A_1092 = arith.subi %sign3A_1088, %sign3A_1091 : i32
    %sign3A_1093 = arith.constant 0 : i32
    %sign3A_1094 = arith.cmpi sgt, %jit3A_1084, %sign3A_1093 : i32
    %sign3A_1095 = arith.extui %sign3A_1094 : i1 to i32
    %sign3A_1096 = arith.constant 0 : i32
    %sign3A_1097 = arith.cmpi slt, %jit3A_1084, %sign3A_1096 : i32
    %sign3A_1098 = arith.extui %sign3A_1097 : i1 to i32
    %sign3A_1099 = arith.subi %sign3A_1095, %sign3A_1098 : i32
    %ne3A_1100 = arith.cmpi ne, %sign3A_1092, %sign3A_1099 : i32
    %rem3A_1101 = arith.remsi %min3A_71, %jit3A_1084 : i32
    %ne3A_1102 = arith.constant 0 : i32
    %ne3A_1103 = arith.cmpi ne, %rem3A_1101, %ne3A_1102 : i32
    %and3A_1104 = arith.andi %ne3A_1100, %ne3A_1103 : i1
    %sub3A_1105 = arith.constant 1 : i32
    %sub3A_1106 = arith.subi %div3A_1085, %sub3A_1105 : i32
    %select_n3A_1107 = arith.select %and3A_1104, %sub3A_1106, %div3A_1085 : i32
    %while3A_1108 = arith.constant 0 : i32
    %while3A_1109 = arith.constant 24 : i32
    %while3A_1110 = arith.subi %while3A_1109, %select_n3A_1107 : i32
    %while3A_1111 = arith.addi %select_n3A_1107, %while3A_1110 : i32
    %while3A_1112 = arith.constant 1 : i32
    %while3A_1113 = arith.divsi %while3A_1110, %while3A_1112 : i32
    %while3A_1114 = arith.muli %while3A_1113, %while3A_1112 : i32
    %while3A_1115 = arith.addi %select_n3A_1107, %while3A_1114 : i32
    %while3A_1116 = arith.constant 1 : i32
    scf.for %while3A_1758 = %select_n3A_1107 to %while3A_1115 step %while3A_1116  : i32 {
      %mul3A_1759 = arith.constant 16 : i32
      %mul3A_1760 = arith.muli %while3A_1758, %mul3A_1759 : i32
      %add3A_1761 = vector.broadcast %mul3A_1760 : i32 to vector<16xi32>
      %add3A_1762 = arith.addi %add3A_1761, %iota3A : vector<16xi32>
      %mul3A_1763 = arith.constant 16 : i32
      %mul3A_1764 = arith.muli %while3A_1758, %mul3A_1763 : i32
      %add3A_1765 = arith.constant 768 : i32
      %add3A_1766 = arith.addi %add3A_1765, %mul3A_1764 : i32
      %get3A = arith.index_cast %add3A_1766 : i32 to index
      %get3A_1767 = tpu.vector_load %arg14[%get3A] {strides = array<i32>} : memref<5760xf32, #tpu.memory_space<vmem>>, vector<16xf32>,
      %ge3A = vector.broadcast %min3A_71 : i32 to vector<16xi32>
      %ge3A_1768 = arith.cmpi sge, %add3A_1762, %ge3A : vector<16xi32>
      %select_n3A_1769 = arith.select %ge3A_1768, %broadcast_in_dim3A_981, %get3A_1767 : vector<16xi1>, vector<16xf32>
      %mul3A_1770 = arith.constant 16 : i32
      %mul3A_1771 = arith.muli %while3A_1758, %mul3A_1770 : i32
      %add3A_1772 = arith.constant 768 : i32
      %add3A_1773 = arith.addi %add3A_1772, %mul3A_1771 : i32
      %swap3A_1774 = arith.index_cast %add3A_1773 : i32 to index
      %swap3A_1775 = tpu.vector_load %arg14[%swap3A_1774] {strides = array<i32>} : memref<5760xf32, #tpu.memory_space<vmem>>, vector<16xf32>,
      tpu.vector_store %arg14[%swap3A_1774], %select_n3A_1769 {strides = array<i32>} : memref<5760xf32, #tpu.memory_space<vmem>>, vector<16xf32>,
    }
    %while3A_1117 = arith.constant 1 : i32
    scf.for %while3A_1758 = %while3A_1115 to %while3A_1111 step %while3A_1117  : i32 {
      %mul3A_1759 = arith.constant 16 : i32
      %mul3A_1760 = arith.muli %while3A_1758, %mul3A_1759 : i32
      %add3A_1761 = vector.broadcast %mul3A_1760 : i32 to vector<16xi32>
      %add3A_1762 = arith.addi %add3A_1761, %iota3A : vector<16xi32>
      %mul3A_1763 = arith.constant 16 : i32
      %mul3A_1764 = arith.muli %while3A_1758, %mul3A_1763 : i32
      %add3A_1765 = arith.constant 768 : i32
      %add3A_1766 = arith.addi %add3A_1765, %mul3A_1764 : i32
      %get3A = arith.index_cast %add3A_1766 : i32 to index
      %get3A_1767 = tpu.vector_load %arg14[%get3A] {strides = array<i32>} : memref<5760xf32, #tpu.memory_space<vmem>>, vector<16xf32>,
      %ge3A = vector.broadcast %min3A_71 : i32 to vector<16xi32>
      %ge3A_1768 = arith.cmpi sge, %add3A_1762, %ge3A : vector<16xi32>
      %select_n3A_1769 = arith.select %ge3A_1768, %broadcast_in_dim3A_981, %get3A_1767 : vector<16xi1>, vector<16xf32>
      %mul3A_1770 = arith.constant 16 : i32
      %mul3A_1771 = arith.muli %while3A_1758, %mul3A_1770 : i32
      %add3A_1772 = arith.constant 768 : i32
      %add3A_1773 = arith.addi %add3A_1772, %mul3A_1771 : i32
      %swap3A_1774 = arith.index_cast %add3A_1773 : i32 to index
      %swap3A_1775 = tpu.vector_load %arg14[%swap3A_1774] {strides = array<i32>} : memref<5760xf32, #tpu.memory_space<vmem>>, vector<16xf32>,
      tpu.vector_store %arg14[%swap3A_1774], %select_n3A_1769 {strides = array<i32>} : memref<5760xf32, #tpu.memory_space<vmem>>, vector<16xf32>,
    }
    %dma_start3A_1118 = arith.constant 768 : i32
    %dma_start3A_1119 = tpu.memref_slice %arg14[%dma_start3A_1118] : memref<5760xf32, #tpu.memory_space<vmem>> -> memref<304xf32, #tpu.memory_space<vmem>>
    %dma_start3A_1120 = arith.constant 0 : i32
    %dma_start3A_1121 = tpu.memref_slice %arg8[%add3A_1083, %dma_start3A_1120] : memref<408x304xf32, #tpu.memory_space<hbm>> -> memref<1x304xf32, #tpu.memory_space<hbm>>
    %dma_start3A_1122 = tpu.memref_squeeze %dma_start3A_1121 : memref<1x304xf32, #tpu.memory_space<hbm>> -> memref<304xf32, #tpu.memory_space<hbm>>
    %dma_start3A_1123 = arith.constant 0 : i32
    %dma_start3A_1124 = tpu.memref_slice %arg8[%add3A_1083, %dma_start3A_1123] : memref<408x304xf32, #tpu.memory_space<hbm>> -> memref<1x304xf32, #tpu.memory_space<hbm>>
    %dma_start3A_1125 = tpu.memref_squeeze %dma_start3A_1124 : memref<1x304xf32, #tpu.memory_space<hbm>> -> memref<304xf32, #tpu.memory_space<hbm>>
    %dma_start3A_1126 = arith.constant 768 : i32
    %dma_start3A_1127 = tpu.memref_slice %arg14[%dma_start3A_1126] : memref<5760xf32, #tpu.memory_space<vmem>> -> memref<304xf32, #tpu.memory_space<vmem>>
    tpu.enqueue_dma source(%dma_start3A_1127 : memref<304xf32, #tpu.memory_space<vmem>>) target(%dma_start3A_1125 : memref<304xf32, #tpu.memory_space<hbm>>) target_semaphore(%arg18 : memref<!tpu.dma_semaphore, #tpu.memory_space<semaphore_mem>>)
    %add3A_1128 = arith.constant 12 : i32
    %add3A_1129 = arith.addi %select_n3A_50, %add3A_1128 : i32
    %mul3A_1130 = arith.constant 8 : i32
    %mul3A_1131 = arith.muli %add3A_1129, %mul3A_1130 : i32
    %add3A_1132 = arith.addi %mul3A_1131, %select_n3A : i32
    %jit3A_1133 = arith.constant 16 : i32
    %div3A_1134 = arith.divsi %min3A_71, %jit3A_1133 : i32
    %sign3A_1135 = arith.constant 0 : i32
    %sign3A_1136 = arith.cmpi sgt, %min3A_71, %sign3A_1135 : i32
    %sign3A_1137 = arith.extui %sign3A_1136 : i1 to i32
    %sign3A_1138 = arith.constant 0 : i32
    %sign3A_1139 = arith.cmpi slt, %min3A_71, %sign3A_1138 : i32
    %sign3A_1140 = arith.extui %sign3A_1139 : i1 to i32
    %sign3A_1141 = arith.subi %sign3A_1137, %sign3A_1140 : i32
    %sign3A_1142 = arith.constant 0 : i32
    %sign3A_1143 = arith.cmpi sgt, %jit3A_1133, %sign3A_1142 : i32
    %sign3A_1144 = arith.extui %sign3A_1143 : i1 to i32
    %sign3A_1145 = arith.constant 0 : i32
    %sign3A_1146 = arith.cmpi slt, %jit3A_1133, %sign3A_1145 : i32
    %sign3A_1147 = arith.extui %sign3A_1146 : i1 to i32
    %sign3A_1148 = arith.subi %sign3A_1144, %sign3A_1147 : i32
    %ne3A_1149 = arith.cmpi ne, %sign3A_1141, %sign3A_1148 : i32
    %rem3A_1150 = arith.remsi %min3A_71, %jit3A_1133 : i32
    %ne3A_1151 = arith.constant 0 : i32
    %ne3A_1152 = arith.cmpi ne, %rem3A_1150, %ne3A_1151 : i32
    %and3A_1153 = arith.andi %ne3A_1149, %ne3A_1152 : i1
    %sub3A_1154 = arith.constant 1 : i32
    %sub3A_1155 = arith.subi %div3A_1134, %sub3A_1154 : i32
    %select_n3A_1156 = arith.select %and3A_1153, %sub3A_1155, %div3A_1134 : i32
    %while3A_1157 = arith.constant 0 : i32
    %while3A_1158 = arith.constant 24 : i32
    %while3A_1159 = arith.subi %while3A_1158, %select_n3A_1156 : i32
    %while3A_1160 = arith.addi %select_n3A_1156, %while3A_1159 : i32
    %while3A_1161 = arith.constant 1 : i32
    %while3A_1162 = arith.divsi %while3A_1159, %while3A_1161 : i32
    %while3A_1163 = arith.muli %while3A_1162, %while3A_1161 : i32
    %while3A_1164 = arith.addi %select_n3A_1156, %while3A_1163 : i32
    %while3A_1165 = arith.constant 1 : i32
    scf.for %while3A_1758 = %select_n3A_1156 to %while3A_1164 step %while3A_1165  : i32 {
      %mul3A_1759 = arith.constant 16 : i32
      %mul3A_1760 = arith.muli %while3A_1758, %mul3A_1759 : i32
      %add3A_1761 = vector.broadcast %mul3A_1760 : i32 to vector<16xi32>
      %add3A_1762 = arith.addi %add3A_1761, %iota3A : vector<16xi32>
      %mul3A_1763 = arith.constant 16 : i32
      %mul3A_1764 = arith.muli %while3A_1758, %mul3A_1763 : i32
      %add3A_1765 = arith.constant 1152 : i32
      %add3A_1766 = arith.addi %add3A_1765, %mul3A_1764 : i32
      %get3A = arith.index_cast %add3A_1766 : i32 to index
      %get3A_1767 = tpu.vector_load %arg14[%get3A] {strides = array<i32>} : memref<5760xf32, #tpu.memory_space<vmem>>, vector<16xf32>,
      %ge3A = vector.broadcast %min3A_71 : i32 to vector<16xi32>
      %ge3A_1768 = arith.cmpi sge, %add3A_1762, %ge3A : vector<16xi32>
      %select_n3A_1769 = arith.select %ge3A_1768, %broadcast_in_dim3A_981, %get3A_1767 : vector<16xi1>, vector<16xf32>
      %mul3A_1770 = arith.constant 16 : i32
      %mul3A_1771 = arith.muli %while3A_1758, %mul3A_1770 : i32
      %add3A_1772 = arith.constant 1152 : i32
      %add3A_1773 = arith.addi %add3A_1772, %mul3A_1771 : i32
      %swap3A_1774 = arith.index_cast %add3A_1773 : i32 to index
      %swap3A_1775 = tpu.vector_load %arg14[%swap3A_1774] {strides = array<i32>} : memref<5760xf32, #tpu.memory_space<vmem>>, vector<16xf32>,
      tpu.vector_store %arg14[%swap3A_1774], %select_n3A_1769 {strides = array<i32>} : memref<5760xf32, #tpu.memory_space<vmem>>, vector<16xf32>,
    }
    %while3A_1166 = arith.constant 1 : i32
    scf.for %while3A_1758 = %while3A_1164 to %while3A_1160 step %while3A_1166  : i32 {
      %mul3A_1759 = arith.constant 16 : i32
      %mul3A_1760 = arith.muli %while3A_1758, %mul3A_1759 : i32
      %add3A_1761 = vector.broadcast %mul3A_1760 : i32 to vector<16xi32>
      %add3A_1762 = arith.addi %add3A_1761, %iota3A : vector<16xi32>
      %mul3A_1763 = arith.constant 16 : i32
      %mul3A_1764 = arith.muli %while3A_1758, %mul3A_1763 : i32
      %add3A_1765 = arith.constant 1152 : i32
      %add3A_1766 = arith.addi %add3A_1765, %mul3A_1764 : i32
      %get3A = arith.index_cast %add3A_1766 : i32 to index
      %get3A_1767 = tpu.vector_load %arg14[%get3A] {strides = array<i32>} : memref<5760xf32, #tpu.memory_space<vmem>>, vector<16xf32>,
      %ge3A = vector.broadcast %min3A_71 : i32 to vector<16xi32>
      %ge3A_1768 = arith.cmpi sge, %add3A_1762, %ge3A : vector<16xi32>
      %select_n3A_1769 = arith.select %ge3A_1768, %broadcast_in_dim3A_981, %get3A_1767 : vector<16xi1>, vector<16xf32>
      %mul3A_1770 = arith.constant 16 : i32
      %mul3A_1771 = arith.muli %while3A_1758, %mul3A_1770 : i32
      %add3A_1772 = arith.constant 1152 : i32
      %add3A_1773 = arith.addi %add3A_1772, %mul3A_1771 : i32
      %swap3A_1774 = arith.index_cast %add3A_1773 : i32 to index
      %swap3A_1775 = tpu.vector_load %arg14[%swap3A_1774] {strides = array<i32>} : memref<5760xf32, #tpu.memory_space<vmem>>, vector<16xf32>,
      tpu.vector_store %arg14[%swap3A_1774], %select_n3A_1769 {strides = array<i32>} : memref<5760xf32, #tpu.memory_space<vmem>>, vector<16xf32>,
    }
    %dma_start3A_1167 = arith.constant 1152 : i32
    %dma_start3A_1168 = tpu.memref_slice %arg14[%dma_start3A_1167] : memref<5760xf32, #tpu.memory_space<vmem>> -> memref<304xf32, #tpu.memory_space<vmem>>
    %dma_start3A_1169 = arith.constant 0 : i32
    %dma_start3A_1170 = tpu.memref_slice %arg8[%add3A_1132, %dma_start3A_1169] : memref<408x304xf32, #tpu.memory_space<hbm>> -> memref<1x304xf32, #tpu.memory_space<hbm>>
    %dma_start3A_1171 = tpu.memref_squeeze %dma_start3A_1170 : memref<1x304xf32, #tpu.memory_space<hbm>> -> memref<304xf32, #tpu.memory_space<hbm>>
    %dma_start3A_1172 = arith.constant 0 : i32
    %dma_start3A_1173 = tpu.memref_slice %arg8[%add3A_1132, %dma_start3A_1172] : memref<408x304xf32, #tpu.memory_space<hbm>> -> memref<1x304xf32, #tpu.memory_space<hbm>>
    %dma_start3A_1174 = tpu.memref_squeeze %dma_start3A_1173 : memref<1x304xf32, #tpu.memory_space<hbm>> -> memref<304xf32, #tpu.memory_space<hbm>>
    %dma_start3A_1175 = arith.constant 1152 : i32
    %dma_start3A_1176 = tpu.memref_slice %arg14[%dma_start3A_1175] : memref<5760xf32, #tpu.memory_space<vmem>> -> memref<304xf32, #tpu.memory_space<vmem>>
    tpu.enqueue_dma source(%dma_start3A_1176 : memref<304xf32, #tpu.memory_space<vmem>>) target(%dma_start3A_1174 : memref<304xf32, #tpu.memory_space<hbm>>) target_semaphore(%arg18 : memref<!tpu.dma_semaphore, #tpu.memory_space<semaphore_mem>>)
    %add3A_1177 = arith.constant 16 : i32
    %add3A_1178 = arith.addi %select_n3A_50, %add3A_1177 : i32
    %mul3A_1179 = arith.constant 8 : i32
    %mul3A_1180 = arith.muli %add3A_1178, %mul3A_1179 : i32
    %add3A_1181 = arith.addi %mul3A_1180, %select_n3A : i32
    %jit3A_1182 = arith.constant 16 : i32
    %div3A_1183 = arith.divsi %min3A_71, %jit3A_1182 : i32
    %sign3A_1184 = arith.constant 0 : i32
    %sign3A_1185 = arith.cmpi sgt, %min3A_71, %sign3A_1184 : i32
    %sign3A_1186 = arith.extui %sign3A_1185 : i1 to i32
    %sign3A_1187 = arith.constant 0 : i32
    %sign3A_1188 = arith.cmpi slt, %min3A_71, %sign3A_1187 : i32
    %sign3A_1189 = arith.extui %sign3A_1188 : i1 to i32
    %sign3A_1190 = arith.subi %sign3A_1186, %sign3A_1189 : i32
    %sign3A_1191 = arith.constant 0 : i32
    %sign3A_1192 = arith.cmpi sgt, %jit3A_1182, %sign3A_1191 : i32
    %sign3A_1193 = arith.extui %sign3A_1192 : i1 to i32
    %sign3A_1194 = arith.constant 0 : i32
    %sign3A_1195 = arith.cmpi slt, %jit3A_1182, %sign3A_1194 : i32
    %sign3A_1196 = arith.extui %sign3A_1195 : i1 to i32
    %sign3A_1197 = arith.subi %sign3A_1193, %sign3A_1196 : i32
    %ne3A_1198 = arith.cmpi ne, %sign3A_1190, %sign3A_1197 : i32
    %rem3A_1199 = arith.remsi %min3A_71, %jit3A_1182 : i32
    %ne3A_1200 = arith.constant 0 : i32
    %ne3A_1201 = arith.cmpi ne, %rem3A_1199, %ne3A_1200 : i32
    %and3A_1202 = arith.andi %ne3A_1198, %ne3A_1201 : i1
    %sub3A_1203 = arith.constant 1 : i32
    %sub3A_1204 = arith.subi %div3A_1183, %sub3A_1203 : i32
    %select_n3A_1205 = arith.select %and3A_1202, %sub3A_1204, %div3A_1183 : i32
    %while3A_1206 = arith.constant 0 : i32
    %while3A_1207 = arith.constant 24 : i32
    %while3A_1208 = arith.subi %while3A_1207, %select_n3A_1205 : i32
    %while3A_1209 = arith.addi %select_n3A_1205, %while3A_1208 : i32
    %while3A_1210 = arith.constant 1 : i32
    %while3A_1211 = arith.divsi %while3A_1208, %while3A_1210 : i32
    %while3A_1212 = arith.muli %while3A_1211, %while3A_1210 : i32
    %while3A_1213 = arith.addi %select_n3A_1205, %while3A_1212 : i32
    %while3A_1214 = arith.constant 1 : i32
    scf.for %while3A_1758 = %select_n3A_1205 to %while3A_1213 step %while3A_1214  : i32 {
      %mul3A_1759 = arith.constant 16 : i32
      %mul3A_1760 = arith.muli %while3A_1758, %mul3A_1759 : i32
      %add3A_1761 = vector.broadcast %mul3A_1760 : i32 to vector<16xi32>
      %add3A_1762 = arith.addi %add3A_1761, %iota3A : vector<16xi32>
      %mul3A_1763 = arith.constant 16 : i32
      %mul3A_1764 = arith.muli %while3A_1758, %mul3A_1763 : i32
      %add3A_1765 = arith.constant 1536 : i32
      %add3A_1766 = arith.addi %add3A_1765, %mul3A_1764 : i32
      %get3A = arith.index_cast %add3A_1766 : i32 to index
      %get3A_1767 = tpu.vector_load %arg14[%get3A] {strides = array<i32>} : memref<5760xf32, #tpu.memory_space<vmem>>, vector<16xf32>,
      %ge3A = vector.broadcast %min3A_71 : i32 to vector<16xi32>
      %ge3A_1768 = arith.cmpi sge, %add3A_1762, %ge3A : vector<16xi32>
      %select_n3A_1769 = arith.select %ge3A_1768, %broadcast_in_dim3A_981, %get3A_1767 : vector<16xi1>, vector<16xf32>
      %mul3A_1770 = arith.constant 16 : i32
      %mul3A_1771 = arith.muli %while3A_1758, %mul3A_1770 : i32
      %add3A_1772 = arith.constant 1536 : i32
      %add3A_1773 = arith.addi %add3A_1772, %mul3A_1771 : i32
      %swap3A_1774 = arith.index_cast %add3A_1773 : i32 to index
      %swap3A_1775 = tpu.vector_load %arg14[%swap3A_1774] {strides = array<i32>} : memref<5760xf32, #tpu.memory_space<vmem>>, vector<16xf32>,
      tpu.vector_store %arg14[%swap3A_1774], %select_n3A_1769 {strides = array<i32>} : memref<5760xf32, #tpu.memory_space<vmem>>, vector<16xf32>,
    }
    %while3A_1215 = arith.constant 1 : i32
    scf.for %while3A_1758 = %while3A_1213 to %while3A_1209 step %while3A_1215  : i32 {
      %mul3A_1759 = arith.constant 16 : i32
      %mul3A_1760 = arith.muli %while3A_1758, %mul3A_1759 : i32
      %add3A_1761 = vector.broadcast %mul3A_1760 : i32 to vector<16xi32>
      %add3A_1762 = arith.addi %add3A_1761, %iota3A : vector<16xi32>
      %mul3A_1763 = arith.constant 16 : i32
      %mul3A_1764 = arith.muli %while3A_1758, %mul3A_1763 : i32
      %add3A_1765 = arith.constant 1536 : i32
      %add3A_1766 = arith.addi %add3A_1765, %mul3A_1764 : i32
      %get3A = arith.index_cast %add3A_1766 : i32 to index
      %get3A_1767 = tpu.vector_load %arg14[%get3A] {strides = array<i32>} : memref<5760xf32, #tpu.memory_space<vmem>>, vector<16xf32>,
      %ge3A = vector.broadcast %min3A_71 : i32 to vector<16xi32>
      %ge3A_1768 = arith.cmpi sge, %add3A_1762, %ge3A : vector<16xi32>
      %select_n3A_1769 = arith.select %ge3A_1768, %broadcast_in_dim3A_981, %get3A_1767 : vector<16xi1>, vector<16xf32>
      %mul3A_1770 = arith.constant 16 : i32
      %mul3A_1771 = arith.muli %while3A_1758, %mul3A_1770 : i32
      %add3A_1772 = arith.constant 1536 : i32
      %add3A_1773 = arith.addi %add3A_1772, %mul3A_1771 : i32
      %swap3A_1774 = arith.index_cast %add3A_1773 : i32 to index
      %swap3A_1775 = tpu.vector_load %arg14[%swap3A_1774] {strides = array<i32>} : memref<5760xf32, #tpu.memory_space<vmem>>, vector<16xf32>,
      tpu.vector_store %arg14[%swap3A_1774], %select_n3A_1769 {strides = array<i32>} : memref<5760xf32, #tpu.memory_space<vmem>>, vector<16xf32>,
    }
    %dma_start3A_1216 = arith.constant 1536 : i32
    %dma_start3A_1217 = tpu.memref_slice %arg14[%dma_start3A_1216] : memref<5760xf32, #tpu.memory_space<vmem>> -> memref<304xf32, #tpu.memory_space<vmem>>
    %dma_start3A_1218 = arith.constant 0 : i32
    %dma_start3A_1219 = tpu.memref_slice %arg8[%add3A_1181, %dma_start3A_1218] : memref<408x304xf32, #tpu.memory_space<hbm>> -> memref<1x304xf32, #tpu.memory_space<hbm>>
    %dma_start3A_1220 = tpu.memref_squeeze %dma_start3A_1219 : memref<1x304xf32, #tpu.memory_space<hbm>> -> memref<304xf32, #tpu.memory_space<hbm>>
    %dma_start3A_1221 = arith.constant 0 : i32
    %dma_start3A_1222 = tpu.memref_slice %arg8[%add3A_1181, %dma_start3A_1221] : memref<408x304xf32, #tpu.memory_space<hbm>> -> memref<1x304xf32, #tpu.memory_space<hbm>>
    %dma_start3A_1223 = tpu.memref_squeeze %dma_start3A_1222 : memref<1x304xf32, #tpu.memory_space<hbm>> -> memref<304xf32, #tpu.memory_space<hbm>>
    %dma_start3A_1224 = arith.constant 1536 : i32
    %dma_start3A_1225 = tpu.memref_slice %arg14[%dma_start3A_1224] : memref<5760xf32, #tpu.memory_space<vmem>> -> memref<304xf32, #tpu.memory_space<vmem>>
    tpu.enqueue_dma source(%dma_start3A_1225 : memref<304xf32, #tpu.memory_space<vmem>>) target(%dma_start3A_1223 : memref<304xf32, #tpu.memory_space<hbm>>) target_semaphore(%arg18 : memref<!tpu.dma_semaphore, #tpu.memory_space<semaphore_mem>>)
    %add3A_1226 = arith.constant 20 : i32
    %add3A_1227 = arith.addi %select_n3A_50, %add3A_1226 : i32
    %mul3A_1228 = arith.constant 8 : i32
    %mul3A_1229 = arith.muli %add3A_1227, %mul3A_1228 : i32
    %add3A_1230 = arith.addi %mul3A_1229, %select_n3A : i32
    %jit3A_1231 = arith.constant 16 : i32
    %div3A_1232 = arith.divsi %min3A_71, %jit3A_1231 : i32
    %sign3A_1233 = arith.constant 0 : i32
    %sign3A_1234 = arith.cmpi sgt, %min3A_71, %sign3A_1233 : i32
    %sign3A_1235 = arith.extui %sign3A_1234 : i1 to i32
    %sign3A_1236 = arith.constant 0 : i32
    %sign3A_1237 = arith.cmpi slt, %min3A_71, %sign3A_1236 : i32
    %sign3A_1238 = arith.extui %sign3A_1237 : i1 to i32
    %sign3A_1239 = arith.subi %sign3A_1235, %sign3A_1238 : i32
    %sign3A_1240 = arith.constant 0 : i32
    %sign3A_1241 = arith.cmpi sgt, %jit3A_1231, %sign3A_1240 : i32
    %sign3A_1242 = arith.extui %sign3A_1241 : i1 to i32
    %sign3A_1243 = arith.constant 0 : i32
    %sign3A_1244 = arith.cmpi slt, %jit3A_1231, %sign3A_1243 : i32
    %sign3A_1245 = arith.extui %sign3A_1244 : i1 to i32
    %sign3A_1246 = arith.subi %sign3A_1242, %sign3A_1245 : i32
    %ne3A_1247 = arith.cmpi ne, %sign3A_1239, %sign3A_1246 : i32
    %rem3A_1248 = arith.remsi %min3A_71, %jit3A_1231 : i32
    %ne3A_1249 = arith.constant 0 : i32
    %ne3A_1250 = arith.cmpi ne, %rem3A_1248, %ne3A_1249 : i32
    %and3A_1251 = arith.andi %ne3A_1247, %ne3A_1250 : i1
    %sub3A_1252 = arith.constant 1 : i32
    %sub3A_1253 = arith.subi %div3A_1232, %sub3A_1252 : i32
    %select_n3A_1254 = arith.select %and3A_1251, %sub3A_1253, %div3A_1232 : i32
    %while3A_1255 = arith.constant 0 : i32
    %while3A_1256 = arith.constant 24 : i32
    %while3A_1257 = arith.subi %while3A_1256, %select_n3A_1254 : i32
    %while3A_1258 = arith.addi %select_n3A_1254, %while3A_1257 : i32
    %while3A_1259 = arith.constant 1 : i32
    %while3A_1260 = arith.divsi %while3A_1257, %while3A_1259 : i32
    %while3A_1261 = arith.muli %while3A_1260, %while3A_1259 : i32
    %while3A_1262 = arith.addi %select_n3A_1254, %while3A_1261 : i32
    %while3A_1263 = arith.constant 1 : i32
    scf.for %while3A_1758 = %select_n3A_1254 to %while3A_1262 step %while3A_1263  : i32 {
      %mul3A_1759 = arith.constant 16 : i32
      %mul3A_1760 = arith.muli %while3A_1758, %mul3A_1759 : i32
      %add3A_1761 = vector.broadcast %mul3A_1760 : i32 to vector<16xi32>
      %add3A_1762 = arith.addi %add3A_1761, %iota3A : vector<16xi32>
      %mul3A_1763 = arith.constant 16 : i32
      %mul3A_1764 = arith.muli %while3A_1758, %mul3A_1763 : i32
      %add3A_1765 = arith.constant 1920 : i32
      %add3A_1766 = arith.addi %add3A_1765, %mul3A_1764 : i32
      %get3A = arith.index_cast %add3A_1766 : i32 to index
      %get3A_1767 = tpu.vector_load %arg14[%get3A] {strides = array<i32>} : memref<5760xf32, #tpu.memory_space<vmem>>, vector<16xf32>,
      %ge3A = vector.broadcast %min3A_71 : i32 to vector<16xi32>
      %ge3A_1768 = arith.cmpi sge, %add3A_1762, %ge3A : vector<16xi32>
      %select_n3A_1769 = arith.select %ge3A_1768, %broadcast_in_dim3A_981, %get3A_1767 : vector<16xi1>, vector<16xf32>
      %mul3A_1770 = arith.constant 16 : i32
      %mul3A_1771 = arith.muli %while3A_1758, %mul3A_1770 : i32
      %add3A_1772 = arith.constant 1920 : i32
      %add3A_1773 = arith.addi %add3A_1772, %mul3A_1771 : i32
      %swap3A_1774 = arith.index_cast %add3A_1773 : i32 to index
      %swap3A_1775 = tpu.vector_load %arg14[%swap3A_1774] {strides = array<i32>} : memref<5760xf32, #tpu.memory_space<vmem>>, vector<16xf32>,
      tpu.vector_store %arg14[%swap3A_1774], %select_n3A_1769 {strides = array<i32>} : memref<5760xf32, #tpu.memory_space<vmem>>, vector<16xf32>,
    }
    %while3A_1264 = arith.constant 1 : i32
    scf.for %while3A_1758 = %while3A_1262 to %while3A_1258 step %while3A_1264  : i32 {
      %mul3A_1759 = arith.constant 16 : i32
      %mul3A_1760 = arith.muli %while3A_1758, %mul3A_1759 : i32
      %add3A_1761 = vector.broadcast %mul3A_1760 : i32 to vector<16xi32>
      %add3A_1762 = arith.addi %add3A_1761, %iota3A : vector<16xi32>
      %mul3A_1763 = arith.constant 16 : i32
      %mul3A_1764 = arith.muli %while3A_1758, %mul3A_1763 : i32
      %add3A_1765 = arith.constant 1920 : i32
      %add3A_1766 = arith.addi %add3A_1765, %mul3A_1764 : i32
      %get3A = arith.index_cast %add3A_1766 : i32 to index
      %get3A_1767 = tpu.vector_load %arg14[%get3A] {strides = array<i32>} : memref<5760xf32, #tpu.memory_space<vmem>>, vector<16xf32>,
      %ge3A = vector.broadcast %min3A_71 : i32 to vector<16xi32>
      %ge3A_1768 = arith.cmpi sge, %add3A_1762, %ge3A : vector<16xi32>
      %select_n3A_1769 = arith.select %ge3A_1768, %broadcast_in_dim3A_981, %get3A_1767 : vector<16xi1>, vector<16xf32>
      %mul3A_1770 = arith.constant 16 : i32
      %mul3A_1771 = arith.muli %while3A_1758, %mul3A_1770 : i32
      %add3A_1772 = arith.constant 1920 : i32
      %add3A_1773 = arith.addi %add3A_1772, %mul3A_1771 : i32
      %swap3A_1774 = arith.index_cast %add3A_1773 : i32 to index
      %swap3A_1775 = tpu.vector_load %arg14[%swap3A_1774] {strides = array<i32>} : memref<5760xf32, #tpu.memory_space<vmem>>, vector<16xf32>,
      tpu.vector_store %arg14[%swap3A_1774], %select_n3A_1769 {strides = array<i32>} : memref<5760xf32, #tpu.memory_space<vmem>>, vector<16xf32>,
    }
    %dma_start3A_1265 = arith.constant 1920 : i32
    %dma_start3A_1266 = tpu.memref_slice %arg14[%dma_start3A_1265] : memref<5760xf32, #tpu.memory_space<vmem>> -> memref<304xf32, #tpu.memory_space<vmem>>
    %dma_start3A_1267 = arith.constant 0 : i32
    %dma_start3A_1268 = tpu.memref_slice %arg8[%add3A_1230, %dma_start3A_1267] : memref<408x304xf32, #tpu.memory_space<hbm>> -> memref<1x304xf32, #tpu.memory_space<hbm>>
    %dma_start3A_1269 = tpu.memref_squeeze %dma_start3A_1268 : memref<1x304xf32, #tpu.memory_space<hbm>> -> memref<304xf32, #tpu.memory_space<hbm>>
    %dma_start3A_1270 = arith.constant 0 : i32
    %dma_start3A_1271 = tpu.memref_slice %arg8[%add3A_1230, %dma_start3A_1270] : memref<408x304xf32, #tpu.memory_space<hbm>> -> memref<1x304xf32, #tpu.memory_space<hbm>>
    %dma_start3A_1272 = tpu.memref_squeeze %dma_start3A_1271 : memref<1x304xf32, #tpu.memory_space<hbm>> -> memref<304xf32, #tpu.memory_space<hbm>>
    %dma_start3A_1273 = arith.constant 1920 : i32
    %dma_start3A_1274 = tpu.memref_slice %arg14[%dma_start3A_1273] : memref<5760xf32, #tpu.memory_space<vmem>> -> memref<304xf32, #tpu.memory_space<vmem>>
    tpu.enqueue_dma source(%dma_start3A_1274 : memref<304xf32, #tpu.memory_space<vmem>>) target(%dma_start3A_1272 : memref<304xf32, #tpu.memory_space<hbm>>) target_semaphore(%arg18 : memref<!tpu.dma_semaphore, #tpu.memory_space<semaphore_mem>>)
    %add3A_1275 = arith.constant 24 : i32
    %add3A_1276 = arith.addi %select_n3A_50, %add3A_1275 : i32
    %mul3A_1277 = arith.constant 8 : i32
    %mul3A_1278 = arith.muli %add3A_1276, %mul3A_1277 : i32
    %add3A_1279 = arith.addi %mul3A_1278, %select_n3A : i32
    %jit3A_1280 = arith.constant 16 : i32
    %div3A_1281 = arith.divsi %min3A_71, %jit3A_1280 : i32
    %sign3A_1282 = arith.constant 0 : i32
    %sign3A_1283 = arith.cmpi sgt, %min3A_71, %sign3A_1282 : i32
    %sign3A_1284 = arith.extui %sign3A_1283 : i1 to i32
    %sign3A_1285 = arith.constant 0 : i32
    %sign3A_1286 = arith.cmpi slt, %min3A_71, %sign3A_1285 : i32
    %sign3A_1287 = arith.extui %sign3A_1286 : i1 to i32
    %sign3A_1288 = arith.subi %sign3A_1284, %sign3A_1287 : i32
    %sign3A_1289 = arith.constant 0 : i32
    %sign3A_1290 = arith.cmpi sgt, %jit3A_1280, %sign3A_1289 : i32
    %sign3A_1291 = arith.extui %sign3A_1290 : i1 to i32
    %sign3A_1292 = arith.constant 0 : i32
    %sign3A_1293 = arith.cmpi slt, %jit3A_1280, %sign3A_1292 : i32
    %sign3A_1294 = arith.extui %sign3A_1293 : i1 to i32
    %sign3A_1295 = arith.subi %sign3A_1291, %sign3A_1294 : i32
    %ne3A_1296 = arith.cmpi ne, %sign3A_1288, %sign3A_1295 : i32
    %rem3A_1297 = arith.remsi %min3A_71, %jit3A_1280 : i32
    %ne3A_1298 = arith.constant 0 : i32
    %ne3A_1299 = arith.cmpi ne, %rem3A_1297, %ne3A_1298 : i32
    %and3A_1300 = arith.andi %ne3A_1296, %ne3A_1299 : i1
    %sub3A_1301 = arith.constant 1 : i32
    %sub3A_1302 = arith.subi %div3A_1281, %sub3A_1301 : i32
    %select_n3A_1303 = arith.select %and3A_1300, %sub3A_1302, %div3A_1281 : i32
    %while3A_1304 = arith.constant 0 : i32
    %while3A_1305 = arith.constant 24 : i32
    %while3A_1306 = arith.subi %while3A_1305, %select_n3A_1303 : i32
    %while3A_1307 = arith.addi %select_n3A_1303, %while3A_1306 : i32
    %while3A_1308 = arith.constant 1 : i32
    %while3A_1309 = arith.divsi %while3A_1306, %while3A_1308 : i32
    %while3A_1310 = arith.muli %while3A_1309, %while3A_1308 : i32
    %while3A_1311 = arith.addi %select_n3A_1303, %while3A_1310 : i32
    %while3A_1312 = arith.constant 1 : i32
    scf.for %while3A_1758 = %select_n3A_1303 to %while3A_1311 step %while3A_1312  : i32 {
      %mul3A_1759 = arith.constant 16 : i32
      %mul3A_1760 = arith.muli %while3A_1758, %mul3A_1759 : i32
      %add3A_1761 = vector.broadcast %mul3A_1760 : i32 to vector<16xi32>
      %add3A_1762 = arith.addi %add3A_1761, %iota3A : vector<16xi32>
      %mul3A_1763 = arith.constant 16 : i32
      %mul3A_1764 = arith.muli %while3A_1758, %mul3A_1763 : i32
      %add3A_1765 = arith.constant 2304 : i32
      %add3A_1766 = arith.addi %add3A_1765, %mul3A_1764 : i32
      %get3A = arith.index_cast %add3A_1766 : i32 to index
      %get3A_1767 = tpu.vector_load %arg14[%get3A] {strides = array<i32>} : memref<5760xf32, #tpu.memory_space<vmem>>, vector<16xf32>,
      %ge3A = vector.broadcast %min3A_71 : i32 to vector<16xi32>
      %ge3A_1768 = arith.cmpi sge, %add3A_1762, %ge3A : vector<16xi32>
      %select_n3A_1769 = arith.select %ge3A_1768, %broadcast_in_dim3A_981, %get3A_1767 : vector<16xi1>, vector<16xf32>
      %mul3A_1770 = arith.constant 16 : i32
      %mul3A_1771 = arith.muli %while3A_1758, %mul3A_1770 : i32
      %add3A_1772 = arith.constant 2304 : i32
      %add3A_1773 = arith.addi %add3A_1772, %mul3A_1771 : i32
      %swap3A_1774 = arith.index_cast %add3A_1773 : i32 to index
      %swap3A_1775 = tpu.vector_load %arg14[%swap3A_1774] {strides = array<i32>} : memref<5760xf32, #tpu.memory_space<vmem>>, vector<16xf32>,
      tpu.vector_store %arg14[%swap3A_1774], %select_n3A_1769 {strides = array<i32>} : memref<5760xf32, #tpu.memory_space<vmem>>, vector<16xf32>,
    }
    %while3A_1313 = arith.constant 1 : i32
    scf.for %while3A_1758 = %while3A_1311 to %while3A_1307 step %while3A_1313  : i32 {
      %mul3A_1759 = arith.constant 16 : i32
      %mul3A_1760 = arith.muli %while3A_1758, %mul3A_1759 : i32
      %add3A_1761 = vector.broadcast %mul3A_1760 : i32 to vector<16xi32>
      %add3A_1762 = arith.addi %add3A_1761, %iota3A : vector<16xi32>
      %mul3A_1763 = arith.constant 16 : i32
      %mul3A_1764 = arith.muli %while3A_1758, %mul3A_1763 : i32
      %add3A_1765 = arith.constant 2304 : i32
      %add3A_1766 = arith.addi %add3A_1765, %mul3A_1764 : i32
      %get3A = arith.index_cast %add3A_1766 : i32 to index
      %get3A_1767 = tpu.vector_load %arg14[%get3A] {strides = array<i32>} : memref<5760xf32, #tpu.memory_space<vmem>>, vector<16xf32>,
      %ge3A = vector.broadcast %min3A_71 : i32 to vector<16xi32>
      %ge3A_1768 = arith.cmpi sge, %add3A_1762, %ge3A : vector<16xi32>
      %select_n3A_1769 = arith.select %ge3A_1768, %broadcast_in_dim3A_981, %get3A_1767 : vector<16xi1>, vector<16xf32>
      %mul3A_1770 = arith.constant 16 : i32
      %mul3A_1771 = arith.muli %while3A_1758, %mul3A_1770 : i32
      %add3A_1772 = arith.constant 2304 : i32
      %add3A_1773 = arith.addi %add3A_1772, %mul3A_1771 : i32
      %swap3A_1774 = arith.index_cast %add3A_1773 : i32 to index
      %swap3A_1775 = tpu.vector_load %arg14[%swap3A_1774] {strides = array<i32>} : memref<5760xf32, #tpu.memory_space<vmem>>, vector<16xf32>,
      tpu.vector_store %arg14[%swap3A_1774], %select_n3A_1769 {strides = array<i32>} : memref<5760xf32, #tpu.memory_space<vmem>>, vector<16xf32>,
    }
    %dma_start3A_1314 = arith.constant 2304 : i32
    %dma_start3A_1315 = tpu.memref_slice %arg14[%dma_start3A_1314] : memref<5760xf32, #tpu.memory_space<vmem>> -> memref<304xf32, #tpu.memory_space<vmem>>
    %dma_start3A_1316 = arith.constant 0 : i32
    %dma_start3A_1317 = tpu.memref_slice %arg8[%add3A_1279, %dma_start3A_1316] : memref<408x304xf32, #tpu.memory_space<hbm>> -> memref<1x304xf32, #tpu.memory_space<hbm>>
    %dma_start3A_1318 = tpu.memref_squeeze %dma_start3A_1317 : memref<1x304xf32, #tpu.memory_space<hbm>> -> memref<304xf32, #tpu.memory_space<hbm>>
    %dma_start3A_1319 = arith.constant 0 : i32
    %dma_start3A_1320 = tpu.memref_slice %arg8[%add3A_1279, %dma_start3A_1319] : memref<408x304xf32, #tpu.memory_space<hbm>> -> memref<1x304xf32, #tpu.memory_space<hbm>>
    %dma_start3A_1321 = tpu.memref_squeeze %dma_start3A_1320 : memref<1x304xf32, #tpu.memory_space<hbm>> -> memref<304xf32, #tpu.memory_space<hbm>>
    %dma_start3A_1322 = arith.constant 2304 : i32
    %dma_start3A_1323 = tpu.memref_slice %arg14[%dma_start3A_1322] : memref<5760xf32, #tpu.memory_space<vmem>> -> memref<304xf32, #tpu.memory_space<vmem>>
    tpu.enqueue_dma source(%dma_start3A_1323 : memref<304xf32, #tpu.memory_space<vmem>>) target(%dma_start3A_1321 : memref<304xf32, #tpu.memory_space<hbm>>) target_semaphore(%arg18 : memref<!tpu.dma_semaphore, #tpu.memory_space<semaphore_mem>>)
    %add3A_1324 = arith.constant 28 : i32
    %add3A_1325 = arith.addi %select_n3A_50, %add3A_1324 : i32
    %mul3A_1326 = arith.constant 8 : i32
    %mul3A_1327 = arith.muli %add3A_1325, %mul3A_1326 : i32
    %add3A_1328 = arith.addi %mul3A_1327, %select_n3A : i32
    %jit3A_1329 = arith.constant 16 : i32
    %div3A_1330 = arith.divsi %min3A_71, %jit3A_1329 : i32
    %sign3A_1331 = arith.constant 0 : i32
    %sign3A_1332 = arith.cmpi sgt, %min3A_71, %sign3A_1331 : i32
    %sign3A_1333 = arith.extui %sign3A_1332 : i1 to i32
    %sign3A_1334 = arith.constant 0 : i32
    %sign3A_1335 = arith.cmpi slt, %min3A_71, %sign3A_1334 : i32
    %sign3A_1336 = arith.extui %sign3A_1335 : i1 to i32
    %sign3A_1337 = arith.subi %sign3A_1333, %sign3A_1336 : i32
    %sign3A_1338 = arith.constant 0 : i32
    %sign3A_1339 = arith.cmpi sgt, %jit3A_1329, %sign3A_1338 : i32
    %sign3A_1340 = arith.extui %sign3A_1339 : i1 to i32
    %sign3A_1341 = arith.constant 0 : i32
    %sign3A_1342 = arith.cmpi slt, %jit3A_1329, %sign3A_1341 : i32
    %sign3A_1343 = arith.extui %sign3A_1342 : i1 to i32
    %sign3A_1344 = arith.subi %sign3A_1340, %sign3A_1343 : i32
    %ne3A_1345 = arith.cmpi ne, %sign3A_1337, %sign3A_1344 : i32
    %rem3A_1346 = arith.remsi %min3A_71, %jit3A_1329 : i32
    %ne3A_1347 = arith.constant 0 : i32
    %ne3A_1348 = arith.cmpi ne, %rem3A_1346, %ne3A_1347 : i32
    %and3A_1349 = arith.andi %ne3A_1345, %ne3A_1348 : i1
    %sub3A_1350 = arith.constant 1 : i32
    %sub3A_1351 = arith.subi %div3A_1330, %sub3A_1350 : i32
    %select_n3A_1352 = arith.select %and3A_1349, %sub3A_1351, %div3A_1330 : i32
    %while3A_1353 = arith.constant 0 : i32
    %while3A_1354 = arith.constant 24 : i32
    %while3A_1355 = arith.subi %while3A_1354, %select_n3A_1352 : i32
    %while3A_1356 = arith.addi %select_n3A_1352, %while3A_1355 : i32
    %while3A_1357 = arith.constant 1 : i32
    %while3A_1358 = arith.divsi %while3A_1355, %while3A_1357 : i32
    %while3A_1359 = arith.muli %while3A_1358, %while3A_1357 : i32
    %while3A_1360 = arith.addi %select_n3A_1352, %while3A_1359 : i32
    %while3A_1361 = arith.constant 1 : i32
    scf.for %while3A_1758 = %select_n3A_1352 to %while3A_1360 step %while3A_1361  : i32 {
      %mul3A_1759 = arith.constant 16 : i32
      %mul3A_1760 = arith.muli %while3A_1758, %mul3A_1759 : i32
      %add3A_1761 = vector.broadcast %mul3A_1760 : i32 to vector<16xi32>
      %add3A_1762 = arith.addi %add3A_1761, %iota3A : vector<16xi32>
      %mul3A_1763 = arith.constant 16 : i32
      %mul3A_1764 = arith.muli %while3A_1758, %mul3A_1763 : i32
      %add3A_1765 = arith.constant 2688 : i32
      %add3A_1766 = arith.addi %add3A_1765, %mul3A_1764 : i32
      %get3A = arith.index_cast %add3A_1766 : i32 to index
      %get3A_1767 = tpu.vector_load %arg14[%get3A] {strides = array<i32>} : memref<5760xf32, #tpu.memory_space<vmem>>, vector<16xf32>,
      %ge3A = vector.broadcast %min3A_71 : i32 to vector<16xi32>
      %ge3A_1768 = arith.cmpi sge, %add3A_1762, %ge3A : vector<16xi32>
      %select_n3A_1769 = arith.select %ge3A_1768, %broadcast_in_dim3A_981, %get3A_1767 : vector<16xi1>, vector<16xf32>
      %mul3A_1770 = arith.constant 16 : i32
      %mul3A_1771 = arith.muli %while3A_1758, %mul3A_1770 : i32
      %add3A_1772 = arith.constant 2688 : i32
      %add3A_1773 = arith.addi %add3A_1772, %mul3A_1771 : i32
      %swap3A_1774 = arith.index_cast %add3A_1773 : i32 to index
      %swap3A_1775 = tpu.vector_load %arg14[%swap3A_1774] {strides = array<i32>} : memref<5760xf32, #tpu.memory_space<vmem>>, vector<16xf32>,
      tpu.vector_store %arg14[%swap3A_1774], %select_n3A_1769 {strides = array<i32>} : memref<5760xf32, #tpu.memory_space<vmem>>, vector<16xf32>,
    }
    %while3A_1362 = arith.constant 1 : i32
    scf.for %while3A_1758 = %while3A_1360 to %while3A_1356 step %while3A_1362  : i32 {
      %mul3A_1759 = arith.constant 16 : i32
      %mul3A_1760 = arith.muli %while3A_1758, %mul3A_1759 : i32
      %add3A_1761 = vector.broadcast %mul3A_1760 : i32 to vector<16xi32>
      %add3A_1762 = arith.addi %add3A_1761, %iota3A : vector<16xi32>
      %mul3A_1763 = arith.constant 16 : i32
      %mul3A_1764 = arith.muli %while3A_1758, %mul3A_1763 : i32
      %add3A_1765 = arith.constant 2688 : i32
      %add3A_1766 = arith.addi %add3A_1765, %mul3A_1764 : i32
      %get3A = arith.index_cast %add3A_1766 : i32 to index
      %get3A_1767 = tpu.vector_load %arg14[%get3A] {strides = array<i32>} : memref<5760xf32, #tpu.memory_space<vmem>>, vector<16xf32>,
      %ge3A = vector.broadcast %min3A_71 : i32 to vector<16xi32>
      %ge3A_1768 = arith.cmpi sge, %add3A_1762, %ge3A : vector<16xi32>
      %select_n3A_1769 = arith.select %ge3A_1768, %broadcast_in_dim3A_981, %get3A_1767 : vector<16xi1>, vector<16xf32>
      %mul3A_1770 = arith.constant 16 : i32
      %mul3A_1771 = arith.muli %while3A_1758, %mul3A_1770 : i32
      %add3A_1772 = arith.constant 2688 : i32
      %add3A_1773 = arith.addi %add3A_1772, %mul3A_1771 : i32
      %swap3A_1774 = arith.index_cast %add3A_1773 : i32 to index
      %swap3A_1775 = tpu.vector_load %arg14[%swap3A_1774] {strides = array<i32>} : memref<5760xf32, #tpu.memory_space<vmem>>, vector<16xf32>,
      tpu.vector_store %arg14[%swap3A_1774], %select_n3A_1769 {strides = array<i32>} : memref<5760xf32, #tpu.memory_space<vmem>>, vector<16xf32>,
    }
    %dma_start3A_1363 = arith.constant 2688 : i32
    %dma_start3A_1364 = tpu.memref_slice %arg14[%dma_start3A_1363] : memref<5760xf32, #tpu.memory_space<vmem>> -> memref<304xf32, #tpu.memory_space<vmem>>
    %dma_start3A_1365 = arith.constant 0 : i32
    %dma_start3A_1366 = tpu.memref_slice %arg8[%add3A_1328, %dma_start3A_1365] : memref<408x304xf32, #tpu.memory_space<hbm>> -> memref<1x304xf32, #tpu.memory_space<hbm>>
    %dma_start3A_1367 = tpu.memref_squeeze %dma_start3A_1366 : memref<1x304xf32, #tpu.memory_space<hbm>> -> memref<304xf32, #tpu.memory_space<hbm>>
    %dma_start3A_1368 = arith.constant 0 : i32
    %dma_start3A_1369 = tpu.memref_slice %arg8[%add3A_1328, %dma_start3A_1368] : memref<408x304xf32, #tpu.memory_space<hbm>> -> memref<1x304xf32, #tpu.memory_space<hbm>>
    %dma_start3A_1370 = tpu.memref_squeeze %dma_start3A_1369 : memref<1x304xf32, #tpu.memory_space<hbm>> -> memref<304xf32, #tpu.memory_space<hbm>>
    %dma_start3A_1371 = arith.constant 2688 : i32
    %dma_start3A_1372 = tpu.memref_slice %arg14[%dma_start3A_1371] : memref<5760xf32, #tpu.memory_space<vmem>> -> memref<304xf32, #tpu.memory_space<vmem>>
    tpu.enqueue_dma source(%dma_start3A_1372 : memref<304xf32, #tpu.memory_space<vmem>>) target(%dma_start3A_1370 : memref<304xf32, #tpu.memory_space<hbm>>) target_semaphore(%arg18 : memref<!tpu.dma_semaphore, #tpu.memory_space<semaphore_mem>>)
    %add3A_1373 = arith.constant 32 : i32
    %add3A_1374 = arith.addi %select_n3A_50, %add3A_1373 : i32
    %mul3A_1375 = arith.constant 8 : i32
    %mul3A_1376 = arith.muli %add3A_1374, %mul3A_1375 : i32
    %add3A_1377 = arith.addi %mul3A_1376, %select_n3A : i32
    %jit3A_1378 = arith.constant 16 : i32
    %div3A_1379 = arith.divsi %min3A_71, %jit3A_1378 : i32
    %sign3A_1380 = arith.constant 0 : i32
    %sign3A_1381 = arith.cmpi sgt, %min3A_71, %sign3A_1380 : i32
    %sign3A_1382 = arith.extui %sign3A_1381 : i1 to i32
    %sign3A_1383 = arith.constant 0 : i32
    %sign3A_1384 = arith.cmpi slt, %min3A_71, %sign3A_1383 : i32
    %sign3A_1385 = arith.extui %sign3A_1384 : i1 to i32
    %sign3A_1386 = arith.subi %sign3A_1382, %sign3A_1385 : i32
    %sign3A_1387 = arith.constant 0 : i32
    %sign3A_1388 = arith.cmpi sgt, %jit3A_1378, %sign3A_1387 : i32
    %sign3A_1389 = arith.extui %sign3A_1388 : i1 to i32
    %sign3A_1390 = arith.constant 0 : i32
    %sign3A_1391 = arith.cmpi slt, %jit3A_1378, %sign3A_1390 : i32
    %sign3A_1392 = arith.extui %sign3A_1391 : i1 to i32
    %sign3A_1393 = arith.subi %sign3A_1389, %sign3A_1392 : i32
    %ne3A_1394 = arith.cmpi ne, %sign3A_1386, %sign3A_1393 : i32
    %rem3A_1395 = arith.remsi %min3A_71, %jit3A_1378 : i32
    %ne3A_1396 = arith.constant 0 : i32
    %ne3A_1397 = arith.cmpi ne, %rem3A_1395, %ne3A_1396 : i32
    %and3A_1398 = arith.andi %ne3A_1394, %ne3A_1397 : i1
    %sub3A_1399 = arith.constant 1 : i32
    %sub3A_1400 = arith.subi %div3A_1379, %sub3A_1399 : i32
    %select_n3A_1401 = arith.select %and3A_1398, %sub3A_1400, %div3A_1379 : i32
    %while3A_1402 = arith.constant 0 : i32
    %while3A_1403 = arith.constant 24 : i32
    %while3A_1404 = arith.subi %while3A_1403, %select_n3A_1401 : i32
    %while3A_1405 = arith.addi %select_n3A_1401, %while3A_1404 : i32
    %while3A_1406 = arith.constant 1 : i32
    %while3A_1407 = arith.divsi %while3A_1404, %while3A_1406 : i32
    %while3A_1408 = arith.muli %while3A_1407, %while3A_1406 : i32
    %while3A_1409 = arith.addi %select_n3A_1401, %while3A_1408 : i32
    %while3A_1410 = arith.constant 1 : i32
    scf.for %while3A_1758 = %select_n3A_1401 to %while3A_1409 step %while3A_1410  : i32 {
      %mul3A_1759 = arith.constant 16 : i32
      %mul3A_1760 = arith.muli %while3A_1758, %mul3A_1759 : i32
      %add3A_1761 = vector.broadcast %mul3A_1760 : i32 to vector<16xi32>
      %add3A_1762 = arith.addi %add3A_1761, %iota3A : vector<16xi32>
      %mul3A_1763 = arith.constant 16 : i32
      %mul3A_1764 = arith.muli %while3A_1758, %mul3A_1763 : i32
      %add3A_1765 = arith.constant 3072 : i32
      %add3A_1766 = arith.addi %add3A_1765, %mul3A_1764 : i32
      %get3A = arith.index_cast %add3A_1766 : i32 to index
      %get3A_1767 = tpu.vector_load %arg14[%get3A] {strides = array<i32>} : memref<5760xf32, #tpu.memory_space<vmem>>, vector<16xf32>,
      %ge3A = vector.broadcast %min3A_71 : i32 to vector<16xi32>
      %ge3A_1768 = arith.cmpi sge, %add3A_1762, %ge3A : vector<16xi32>
      %select_n3A_1769 = arith.select %ge3A_1768, %broadcast_in_dim3A_981, %get3A_1767 : vector<16xi1>, vector<16xf32>
      %mul3A_1770 = arith.constant 16 : i32
      %mul3A_1771 = arith.muli %while3A_1758, %mul3A_1770 : i32
      %add3A_1772 = arith.constant 3072 : i32
      %add3A_1773 = arith.addi %add3A_1772, %mul3A_1771 : i32
      %swap3A_1774 = arith.index_cast %add3A_1773 : i32 to index
      %swap3A_1775 = tpu.vector_load %arg14[%swap3A_1774] {strides = array<i32>} : memref<5760xf32, #tpu.memory_space<vmem>>, vector<16xf32>,
      tpu.vector_store %arg14[%swap3A_1774], %select_n3A_1769 {strides = array<i32>} : memref<5760xf32, #tpu.memory_space<vmem>>, vector<16xf32>,
    }
    %while3A_1411 = arith.constant 1 : i32
    scf.for %while3A_1758 = %while3A_1409 to %while3A_1405 step %while3A_1411  : i32 {
      %mul3A_1759 = arith.constant 16 : i32
      %mul3A_1760 = arith.muli %while3A_1758, %mul3A_1759 : i32
      %add3A_1761 = vector.broadcast %mul3A_1760 : i32 to vector<16xi32>
      %add3A_1762 = arith.addi %add3A_1761, %iota3A : vector<16xi32>
      %mul3A_1763 = arith.constant 16 : i32
      %mul3A_1764 = arith.muli %while3A_1758, %mul3A_1763 : i32
      %add3A_1765 = arith.constant 3072 : i32
      %add3A_1766 = arith.addi %add3A_1765, %mul3A_1764 : i32
      %get3A = arith.index_cast %add3A_1766 : i32 to index
      %get3A_1767 = tpu.vector_load %arg14[%get3A] {strides = array<i32>} : memref<5760xf32, #tpu.memory_space<vmem>>, vector<16xf32>,
      %ge3A = vector.broadcast %min3A_71 : i32 to vector<16xi32>
      %ge3A_1768 = arith.cmpi sge, %add3A_1762, %ge3A : vector<16xi32>
      %select_n3A_1769 = arith.select %ge3A_1768, %broadcast_in_dim3A_981, %get3A_1767 : vector<16xi1>, vector<16xf32>
      %mul3A_1770 = arith.constant 16 : i32
      %mul3A_1771 = arith.muli %while3A_1758, %mul3A_1770 : i32
      %add3A_1772 = arith.constant 3072 : i32
      %add3A_1773 = arith.addi %add3A_1772, %mul3A_1771 : i32
      %swap3A_1774 = arith.index_cast %add3A_1773 : i32 to index
      %swap3A_1775 = tpu.vector_load %arg14[%swap3A_1774] {strides = array<i32>} : memref<5760xf32, #tpu.memory_space<vmem>>, vector<16xf32>,
      tpu.vector_store %arg14[%swap3A_1774], %select_n3A_1769 {strides = array<i32>} : memref<5760xf32, #tpu.memory_space<vmem>>, vector<16xf32>,
    }
    %dma_start3A_1412 = arith.constant 3072 : i32
    %dma_start3A_1413 = tpu.memref_slice %arg14[%dma_start3A_1412] : memref<5760xf32, #tpu.memory_space<vmem>> -> memref<304xf32, #tpu.memory_space<vmem>>
    %dma_start3A_1414 = arith.constant 0 : i32
    %dma_start3A_1415 = tpu.memref_slice %arg8[%add3A_1377, %dma_start3A_1414] : memref<408x304xf32, #tpu.memory_space<hbm>> -> memref<1x304xf32, #tpu.memory_space<hbm>>
    %dma_start3A_1416 = tpu.memref_squeeze %dma_start3A_1415 : memref<1x304xf32, #tpu.memory_space<hbm>> -> memref<304xf32, #tpu.memory_space<hbm>>
    %dma_start3A_1417 = arith.constant 0 : i32
    %dma_start3A_1418 = tpu.memref_slice %arg8[%add3A_1377, %dma_start3A_1417] : memref<408x304xf32, #tpu.memory_space<hbm>> -> memref<1x304xf32, #tpu.memory_space<hbm>>
    %dma_start3A_1419 = tpu.memref_squeeze %dma_start3A_1418 : memref<1x304xf32, #tpu.memory_space<hbm>> -> memref<304xf32, #tpu.memory_space<hbm>>
    %dma_start3A_1420 = arith.constant 3072 : i32
    %dma_start3A_1421 = tpu.memref_slice %arg14[%dma_start3A_1420] : memref<5760xf32, #tpu.memory_space<vmem>> -> memref<304xf32, #tpu.memory_space<vmem>>
    tpu.enqueue_dma source(%dma_start3A_1421 : memref<304xf32, #tpu.memory_space<vmem>>) target(%dma_start3A_1419 : memref<304xf32, #tpu.memory_space<hbm>>) target_semaphore(%arg18 : memref<!tpu.dma_semaphore, #tpu.memory_space<semaphore_mem>>)
    %add3A_1422 = arith.constant 36 : i32
    %add3A_1423 = arith.addi %select_n3A_50, %add3A_1422 : i32
    %mul3A_1424 = arith.constant 8 : i32
    %mul3A_1425 = arith.muli %add3A_1423, %mul3A_1424 : i32
    %add3A_1426 = arith.addi %mul3A_1425, %select_n3A : i32
    %jit3A_1427 = arith.constant 16 : i32
    %div3A_1428 = arith.divsi %min3A_71, %jit3A_1427 : i32
    %sign3A_1429 = arith.constant 0 : i32
    %sign3A_1430 = arith.cmpi sgt, %min3A_71, %sign3A_1429 : i32
    %sign3A_1431 = arith.extui %sign3A_1430 : i1 to i32
    %sign3A_1432 = arith.constant 0 : i32
    %sign3A_1433 = arith.cmpi slt, %min3A_71, %sign3A_1432 : i32
    %sign3A_1434 = arith.extui %sign3A_1433 : i1 to i32
    %sign3A_1435 = arith.subi %sign3A_1431, %sign3A_1434 : i32
    %sign3A_1436 = arith.constant 0 : i32
    %sign3A_1437 = arith.cmpi sgt, %jit3A_1427, %sign3A_1436 : i32
    %sign3A_1438 = arith.extui %sign3A_1437 : i1 to i32
    %sign3A_1439 = arith.constant 0 : i32
    %sign3A_1440 = arith.cmpi slt, %jit3A_1427, %sign3A_1439 : i32
    %sign3A_1441 = arith.extui %sign3A_1440 : i1 to i32
    %sign3A_1442 = arith.subi %sign3A_1438, %sign3A_1441 : i32
    %ne3A_1443 = arith.cmpi ne, %sign3A_1435, %sign3A_1442 : i32
    %rem3A_1444 = arith.remsi %min3A_71, %jit3A_1427 : i32
    %ne3A_1445 = arith.constant 0 : i32
    %ne3A_1446 = arith.cmpi ne, %rem3A_1444, %ne3A_1445 : i32
    %and3A_1447 = arith.andi %ne3A_1443, %ne3A_1446 : i1
    %sub3A_1448 = arith.constant 1 : i32
    %sub3A_1449 = arith.subi %div3A_1428, %sub3A_1448 : i32
    %select_n3A_1450 = arith.select %and3A_1447, %sub3A_1449, %div3A_1428 : i32
    %while3A_1451 = arith.constant 0 : i32
    %while3A_1452 = arith.constant 24 : i32
    %while3A_1453 = arith.subi %while3A_1452, %select_n3A_1450 : i32
    %while3A_1454 = arith.addi %select_n3A_1450, %while3A_1453 : i32
    %while3A_1455 = arith.constant 1 : i32
    %while3A_1456 = arith.divsi %while3A_1453, %while3A_1455 : i32
    %while3A_1457 = arith.muli %while3A_1456, %while3A_1455 : i32
    %while3A_1458 = arith.addi %select_n3A_1450, %while3A_1457 : i32
    %while3A_1459 = arith.constant 1 : i32
    scf.for %while3A_1758 = %select_n3A_1450 to %while3A_1458 step %while3A_1459  : i32 {
      %mul3A_1759 = arith.constant 16 : i32
      %mul3A_1760 = arith.muli %while3A_1758, %mul3A_1759 : i32
      %add3A_1761 = vector.broadcast %mul3A_1760 : i32 to vector<16xi32>
      %add3A_1762 = arith.addi %add3A_1761, %iota3A : vector<16xi32>
      %mul3A_1763 = arith.constant 16 : i32
      %mul3A_1764 = arith.muli %while3A_1758, %mul3A_1763 : i32
      %add3A_1765 = arith.constant 3456 : i32
      %add3A_1766 = arith.addi %add3A_1765, %mul3A_1764 : i32
      %get3A = arith.index_cast %add3A_1766 : i32 to index
      %get3A_1767 = tpu.vector_load %arg14[%get3A] {strides = array<i32>} : memref<5760xf32, #tpu.memory_space<vmem>>, vector<16xf32>,
      %ge3A = vector.broadcast %min3A_71 : i32 to vector<16xi32>
      %ge3A_1768 = arith.cmpi sge, %add3A_1762, %ge3A : vector<16xi32>
      %select_n3A_1769 = arith.select %ge3A_1768, %broadcast_in_dim3A_981, %get3A_1767 : vector<16xi1>, vector<16xf32>
      %mul3A_1770 = arith.constant 16 : i32
      %mul3A_1771 = arith.muli %while3A_1758, %mul3A_1770 : i32
      %add3A_1772 = arith.constant 3456 : i32
      %add3A_1773 = arith.addi %add3A_1772, %mul3A_1771 : i32
      %swap3A_1774 = arith.index_cast %add3A_1773 : i32 to index
      %swap3A_1775 = tpu.vector_load %arg14[%swap3A_1774] {strides = array<i32>} : memref<5760xf32, #tpu.memory_space<vmem>>, vector<16xf32>,
      tpu.vector_store %arg14[%swap3A_1774], %select_n3A_1769 {strides = array<i32>} : memref<5760xf32, #tpu.memory_space<vmem>>, vector<16xf32>,
    }
    %while3A_1460 = arith.constant 1 : i32
    scf.for %while3A_1758 = %while3A_1458 to %while3A_1454 step %while3A_1460  : i32 {
      %mul3A_1759 = arith.constant 16 : i32
      %mul3A_1760 = arith.muli %while3A_1758, %mul3A_1759 : i32
      %add3A_1761 = vector.broadcast %mul3A_1760 : i32 to vector<16xi32>
      %add3A_1762 = arith.addi %add3A_1761, %iota3A : vector<16xi32>
      %mul3A_1763 = arith.constant 16 : i32
      %mul3A_1764 = arith.muli %while3A_1758, %mul3A_1763 : i32
      %add3A_1765 = arith.constant 3456 : i32
      %add3A_1766 = arith.addi %add3A_1765, %mul3A_1764 : i32
      %get3A = arith.index_cast %add3A_1766 : i32 to index
      %get3A_1767 = tpu.vector_load %arg14[%get3A] {strides = array<i32>} : memref<5760xf32, #tpu.memory_space<vmem>>, vector<16xf32>,
      %ge3A = vector.broadcast %min3A_71 : i32 to vector<16xi32>
      %ge3A_1768 = arith.cmpi sge, %add3A_1762, %ge3A : vector<16xi32>
      %select_n3A_1769 = arith.select %ge3A_1768, %broadcast_in_dim3A_981, %get3A_1767 : vector<16xi1>, vector<16xf32>
      %mul3A_1770 = arith.constant 16 : i32
      %mul3A_1771 = arith.muli %while3A_1758, %mul3A_1770 : i32
      %add3A_1772 = arith.constant 3456 : i32
      %add3A_1773 = arith.addi %add3A_1772, %mul3A_1771 : i32
      %swap3A_1774 = arith.index_cast %add3A_1773 : i32 to index
      %swap3A_1775 = tpu.vector_load %arg14[%swap3A_1774] {strides = array<i32>} : memref<5760xf32, #tpu.memory_space<vmem>>, vector<16xf32>,
      tpu.vector_store %arg14[%swap3A_1774], %select_n3A_1769 {strides = array<i32>} : memref<5760xf32, #tpu.memory_space<vmem>>, vector<16xf32>,
    }
    %dma_start3A_1461 = arith.constant 3456 : i32
    %dma_start3A_1462 = tpu.memref_slice %arg14[%dma_start3A_1461] : memref<5760xf32, #tpu.memory_space<vmem>> -> memref<304xf32, #tpu.memory_space<vmem>>
    %dma_start3A_1463 = arith.constant 0 : i32
    %dma_start3A_1464 = tpu.memref_slice %arg8[%add3A_1426, %dma_start3A_1463] : memref<408x304xf32, #tpu.memory_space<hbm>> -> memref<1x304xf32, #tpu.memory_space<hbm>>
    %dma_start3A_1465 = tpu.memref_squeeze %dma_start3A_1464 : memref<1x304xf32, #tpu.memory_space<hbm>> -> memref<304xf32, #tpu.memory_space<hbm>>
    %dma_start3A_1466 = arith.constant 0 : i32
    %dma_start3A_1467 = tpu.memref_slice %arg8[%add3A_1426, %dma_start3A_1466] : memref<408x304xf32, #tpu.memory_space<hbm>> -> memref<1x304xf32, #tpu.memory_space<hbm>>
    %dma_start3A_1468 = tpu.memref_squeeze %dma_start3A_1467 : memref<1x304xf32, #tpu.memory_space<hbm>> -> memref<304xf32, #tpu.memory_space<hbm>>
    %dma_start3A_1469 = arith.constant 3456 : i32
    %dma_start3A_1470 = tpu.memref_slice %arg14[%dma_start3A_1469] : memref<5760xf32, #tpu.memory_space<vmem>> -> memref<304xf32, #tpu.memory_space<vmem>>
    tpu.enqueue_dma source(%dma_start3A_1470 : memref<304xf32, #tpu.memory_space<vmem>>) target(%dma_start3A_1468 : memref<304xf32, #tpu.memory_space<hbm>>) target_semaphore(%arg18 : memref<!tpu.dma_semaphore, #tpu.memory_space<semaphore_mem>>)
    %add3A_1471 = arith.constant 40 : i32
    %add3A_1472 = arith.addi %select_n3A_50, %add3A_1471 : i32
    %mul3A_1473 = arith.constant 8 : i32
    %mul3A_1474 = arith.muli %add3A_1472, %mul3A_1473 : i32
    %add3A_1475 = arith.addi %mul3A_1474, %select_n3A : i32
    %jit3A_1476 = arith.constant 16 : i32
    %div3A_1477 = arith.divsi %min3A_71, %jit3A_1476 : i32
    %sign3A_1478 = arith.constant 0 : i32
    %sign3A_1479 = arith.cmpi sgt, %min3A_71, %sign3A_1478 : i32
    %sign3A_1480 = arith.extui %sign3A_1479 : i1 to i32
    %sign3A_1481 = arith.constant 0 : i32
    %sign3A_1482 = arith.cmpi slt, %min3A_71, %sign3A_1481 : i32
    %sign3A_1483 = arith.extui %sign3A_1482 : i1 to i32
    %sign3A_1484 = arith.subi %sign3A_1480, %sign3A_1483 : i32
    %sign3A_1485 = arith.constant 0 : i32
    %sign3A_1486 = arith.cmpi sgt, %jit3A_1476, %sign3A_1485 : i32
    %sign3A_1487 = arith.extui %sign3A_1486 : i1 to i32
    %sign3A_1488 = arith.constant 0 : i32
    %sign3A_1489 = arith.cmpi slt, %jit3A_1476, %sign3A_1488 : i32
    %sign3A_1490 = arith.extui %sign3A_1489 : i1 to i32
    %sign3A_1491 = arith.subi %sign3A_1487, %sign3A_1490 : i32
    %ne3A_1492 = arith.cmpi ne, %sign3A_1484, %sign3A_1491 : i32
    %rem3A_1493 = arith.remsi %min3A_71, %jit3A_1476 : i32
    %ne3A_1494 = arith.constant 0 : i32
    %ne3A_1495 = arith.cmpi ne, %rem3A_1493, %ne3A_1494 : i32
    %and3A_1496 = arith.andi %ne3A_1492, %ne3A_1495 : i1
    %sub3A_1497 = arith.constant 1 : i32
    %sub3A_1498 = arith.subi %div3A_1477, %sub3A_1497 : i32
    %select_n3A_1499 = arith.select %and3A_1496, %sub3A_1498, %div3A_1477 : i32
    %while3A_1500 = arith.constant 0 : i32
    %while3A_1501 = arith.constant 24 : i32
    %while3A_1502 = arith.subi %while3A_1501, %select_n3A_1499 : i32
    %while3A_1503 = arith.addi %select_n3A_1499, %while3A_1502 : i32
    %while3A_1504 = arith.constant 1 : i32
    %while3A_1505 = arith.divsi %while3A_1502, %while3A_1504 : i32
    %while3A_1506 = arith.muli %while3A_1505, %while3A_1504 : i32
    %while3A_1507 = arith.addi %select_n3A_1499, %while3A_1506 : i32
    %while3A_1508 = arith.constant 1 : i32
    scf.for %while3A_1758 = %select_n3A_1499 to %while3A_1507 step %while3A_1508  : i32 {
      %mul3A_1759 = arith.constant 16 : i32
      %mul3A_1760 = arith.muli %while3A_1758, %mul3A_1759 : i32
      %add3A_1761 = vector.broadcast %mul3A_1760 : i32 to vector<16xi32>
      %add3A_1762 = arith.addi %add3A_1761, %iota3A : vector<16xi32>
      %mul3A_1763 = arith.constant 16 : i32
      %mul3A_1764 = arith.muli %while3A_1758, %mul3A_1763 : i32
      %add3A_1765 = arith.constant 3840 : i32
      %add3A_1766 = arith.addi %add3A_1765, %mul3A_1764 : i32
      %get3A = arith.index_cast %add3A_1766 : i32 to index
      %get3A_1767 = tpu.vector_load %arg14[%get3A] {strides = array<i32>} : memref<5760xf32, #tpu.memory_space<vmem>>, vector<16xf32>,
      %ge3A = vector.broadcast %min3A_71 : i32 to vector<16xi32>
      %ge3A_1768 = arith.cmpi sge, %add3A_1762, %ge3A : vector<16xi32>
      %select_n3A_1769 = arith.select %ge3A_1768, %broadcast_in_dim3A_981, %get3A_1767 : vector<16xi1>, vector<16xf32>
      %mul3A_1770 = arith.constant 16 : i32
      %mul3A_1771 = arith.muli %while3A_1758, %mul3A_1770 : i32
      %add3A_1772 = arith.constant 3840 : i32
      %add3A_1773 = arith.addi %add3A_1772, %mul3A_1771 : i32
      %swap3A_1774 = arith.index_cast %add3A_1773 : i32 to index
      %swap3A_1775 = tpu.vector_load %arg14[%swap3A_1774] {strides = array<i32>} : memref<5760xf32, #tpu.memory_space<vmem>>, vector<16xf32>,
      tpu.vector_store %arg14[%swap3A_1774], %select_n3A_1769 {strides = array<i32>} : memref<5760xf32, #tpu.memory_space<vmem>>, vector<16xf32>,
    }
    %while3A_1509 = arith.constant 1 : i32
    scf.for %while3A_1758 = %while3A_1507 to %while3A_1503 step %while3A_1509  : i32 {
      %mul3A_1759 = arith.constant 16 : i32
      %mul3A_1760 = arith.muli %while3A_1758, %mul3A_1759 : i32
      %add3A_1761 = vector.broadcast %mul3A_1760 : i32 to vector<16xi32>
      %add3A_1762 = arith.addi %add3A_1761, %iota3A : vector<16xi32>
      %mul3A_1763 = arith.constant 16 : i32
      %mul3A_1764 = arith.muli %while3A_1758, %mul3A_1763 : i32
      %add3A_1765 = arith.constant 3840 : i32
      %add3A_1766 = arith.addi %add3A_1765, %mul3A_1764 : i32
      %get3A = arith.index_cast %add3A_1766 : i32 to index
      %get3A_1767 = tpu.vector_load %arg14[%get3A] {strides = array<i32>} : memref<5760xf32, #tpu.memory_space<vmem>>, vector<16xf32>,
      %ge3A = vector.broadcast %min3A_71 : i32 to vector<16xi32>
      %ge3A_1768 = arith.cmpi sge, %add3A_1762, %ge3A : vector<16xi32>
      %select_n3A_1769 = arith.select %ge3A_1768, %broadcast_in_dim3A_981, %get3A_1767 : vector<16xi1>, vector<16xf32>
      %mul3A_1770 = arith.constant 16 : i32
      %mul3A_1771 = arith.muli %while3A_1758, %mul3A_1770 : i32
      %add3A_1772 = arith.constant 3840 : i32
      %add3A_1773 = arith.addi %add3A_1772, %mul3A_1771 : i32
      %swap3A_1774 = arith.index_cast %add3A_1773 : i32 to index
      %swap3A_1775 = tpu.vector_load %arg14[%swap3A_1774] {strides = array<i32>} : memref<5760xf32, #tpu.memory_space<vmem>>, vector<16xf32>,
      tpu.vector_store %arg14[%swap3A_1774], %select_n3A_1769 {strides = array<i32>} : memref<5760xf32, #tpu.memory_space<vmem>>, vector<16xf32>,
    }
    %dma_start3A_1510 = arith.constant 3840 : i32
    %dma_start3A_1511 = tpu.memref_slice %arg14[%dma_start3A_1510] : memref<5760xf32, #tpu.memory_space<vmem>> -> memref<304xf32, #tpu.memory_space<vmem>>
    %dma_start3A_1512 = arith.constant 0 : i32
    %dma_start3A_1513 = tpu.memref_slice %arg8[%add3A_1475, %dma_start3A_1512] : memref<408x304xf32, #tpu.memory_space<hbm>> -> memref<1x304xf32, #tpu.memory_space<hbm>>
    %dma_start3A_1514 = tpu.memref_squeeze %dma_start3A_1513 : memref<1x304xf32, #tpu.memory_space<hbm>> -> memref<304xf32, #tpu.memory_space<hbm>>
    %dma_start3A_1515 = arith.constant 0 : i32
    %dma_start3A_1516 = tpu.memref_slice %arg8[%add3A_1475, %dma_start3A_1515] : memref<408x304xf32, #tpu.memory_space<hbm>> -> memref<1x304xf32, #tpu.memory_space<hbm>>
    %dma_start3A_1517 = tpu.memref_squeeze %dma_start3A_1516 : memref<1x304xf32, #tpu.memory_space<hbm>> -> memref<304xf32, #tpu.memory_space<hbm>>
    %dma_start3A_1518 = arith.constant 3840 : i32
    %dma_start3A_1519 = tpu.memref_slice %arg14[%dma_start3A_1518] : memref<5760xf32, #tpu.memory_space<vmem>> -> memref<304xf32, #tpu.memory_space<vmem>>
    tpu.enqueue_dma source(%dma_start3A_1519 : memref<304xf32, #tpu.memory_space<vmem>>) target(%dma_start3A_1517 : memref<304xf32, #tpu.memory_space<hbm>>) target_semaphore(%arg18 : memref<!tpu.dma_semaphore, #tpu.memory_space<semaphore_mem>>)
    %add3A_1520 = arith.constant 44 : i32
    %add3A_1521 = arith.addi %select_n3A_50, %add3A_1520 : i32
    %mul3A_1522 = arith.constant 8 : i32
    %mul3A_1523 = arith.muli %add3A_1521, %mul3A_1522 : i32
    %add3A_1524 = arith.addi %mul3A_1523, %select_n3A : i32
    %jit3A_1525 = arith.constant 16 : i32
    %div3A_1526 = arith.divsi %min3A_71, %jit3A_1525 : i32
    %sign3A_1527 = arith.constant 0 : i32
    %sign3A_1528 = arith.cmpi sgt, %min3A_71, %sign3A_1527 : i32
    %sign3A_1529 = arith.extui %sign3A_1528 : i1 to i32
    %sign3A_1530 = arith.constant 0 : i32
    %sign3A_1531 = arith.cmpi slt, %min3A_71, %sign3A_1530 : i32
    %sign3A_1532 = arith.extui %sign3A_1531 : i1 to i32
    %sign3A_1533 = arith.subi %sign3A_1529, %sign3A_1532 : i32
    %sign3A_1534 = arith.constant 0 : i32
    %sign3A_1535 = arith.cmpi sgt, %jit3A_1525, %sign3A_1534 : i32
    %sign3A_1536 = arith.extui %sign3A_1535 : i1 to i32
    %sign3A_1537 = arith.constant 0 : i32
    %sign3A_1538 = arith.cmpi slt, %jit3A_1525, %sign3A_1537 : i32
    %sign3A_1539 = arith.extui %sign3A_1538 : i1 to i32
    %sign3A_1540 = arith.subi %sign3A_1536, %sign3A_1539 : i32
    %ne3A_1541 = arith.cmpi ne, %sign3A_1533, %sign3A_1540 : i32
    %rem3A_1542 = arith.remsi %min3A_71, %jit3A_1525 : i32
    %ne3A_1543 = arith.constant 0 : i32
    %ne3A_1544 = arith.cmpi ne, %rem3A_1542, %ne3A_1543 : i32
    %and3A_1545 = arith.andi %ne3A_1541, %ne3A_1544 : i1
    %sub3A_1546 = arith.constant 1 : i32
    %sub3A_1547 = arith.subi %div3A_1526, %sub3A_1546 : i32
    %select_n3A_1548 = arith.select %and3A_1545, %sub3A_1547, %div3A_1526 : i32
    %while3A_1549 = arith.constant 0 : i32
    %while3A_1550 = arith.constant 24 : i32
    %while3A_1551 = arith.subi %while3A_1550, %select_n3A_1548 : i32
    %while3A_1552 = arith.addi %select_n3A_1548, %while3A_1551 : i32
    %while3A_1553 = arith.constant 1 : i32
    %while3A_1554 = arith.divsi %while3A_1551, %while3A_1553 : i32
    %while3A_1555 = arith.muli %while3A_1554, %while3A_1553 : i32
    %while3A_1556 = arith.addi %select_n3A_1548, %while3A_1555 : i32
    %while3A_1557 = arith.constant 1 : i32
    scf.for %while3A_1758 = %select_n3A_1548 to %while3A_1556 step %while3A_1557  : i32 {
      %mul3A_1759 = arith.constant 16 : i32
      %mul3A_1760 = arith.muli %while3A_1758, %mul3A_1759 : i32
      %add3A_1761 = vector.broadcast %mul3A_1760 : i32 to vector<16xi32>
      %add3A_1762 = arith.addi %add3A_1761, %iota3A : vector<16xi32>
      %mul3A_1763 = arith.constant 16 : i32
      %mul3A_1764 = arith.muli %while3A_1758, %mul3A_1763 : i32
      %add3A_1765 = arith.constant 4224 : i32
      %add3A_1766 = arith.addi %add3A_1765, %mul3A_1764 : i32
      %get3A = arith.index_cast %add3A_1766 : i32 to index
      %get3A_1767 = tpu.vector_load %arg14[%get3A] {strides = array<i32>} : memref<5760xf32, #tpu.memory_space<vmem>>, vector<16xf32>,
      %ge3A = vector.broadcast %min3A_71 : i32 to vector<16xi32>
      %ge3A_1768 = arith.cmpi sge, %add3A_1762, %ge3A : vector<16xi32>
      %select_n3A_1769 = arith.select %ge3A_1768, %broadcast_in_dim3A_981, %get3A_1767 : vector<16xi1>, vector<16xf32>
      %mul3A_1770 = arith.constant 16 : i32
      %mul3A_1771 = arith.muli %while3A_1758, %mul3A_1770 : i32
      %add3A_1772 = arith.constant 4224 : i32
      %add3A_1773 = arith.addi %add3A_1772, %mul3A_1771 : i32
      %swap3A_1774 = arith.index_cast %add3A_1773 : i32 to index
      %swap3A_1775 = tpu.vector_load %arg14[%swap3A_1774] {strides = array<i32>} : memref<5760xf32, #tpu.memory_space<vmem>>, vector<16xf32>,
      tpu.vector_store %arg14[%swap3A_1774], %select_n3A_1769 {strides = array<i32>} : memref<5760xf32, #tpu.memory_space<vmem>>, vector<16xf32>,
    }
    %while3A_1558 = arith.constant 1 : i32
    scf.for %while3A_1758 = %while3A_1556 to %while3A_1552 step %while3A_1558  : i32 {
      %mul3A_1759 = arith.constant 16 : i32
      %mul3A_1760 = arith.muli %while3A_1758, %mul3A_1759 : i32
      %add3A_1761 = vector.broadcast %mul3A_1760 : i32 to vector<16xi32>
      %add3A_1762 = arith.addi %add3A_1761, %iota3A : vector<16xi32>
      %mul3A_1763 = arith.constant 16 : i32
      %mul3A_1764 = arith.muli %while3A_1758, %mul3A_1763 : i32
      %add3A_1765 = arith.constant 4224 : i32
      %add3A_1766 = arith.addi %add3A_1765, %mul3A_1764 : i32
      %get3A = arith.index_cast %add3A_1766 : i32 to index
      %get3A_1767 = tpu.vector_load %arg14[%get3A] {strides = array<i32>} : memref<5760xf32, #tpu.memory_space<vmem>>, vector<16xf32>,
      %ge3A = vector.broadcast %min3A_71 : i32 to vector<16xi32>
      %ge3A_1768 = arith.cmpi sge, %add3A_1762, %ge3A : vector<16xi32>
      %select_n3A_1769 = arith.select %ge3A_1768, %broadcast_in_dim3A_981, %get3A_1767 : vector<16xi1>, vector<16xf32>
      %mul3A_1770 = arith.constant 16 : i32
      %mul3A_1771 = arith.muli %while3A_1758, %mul3A_1770 : i32
      %add3A_1772 = arith.constant 4224 : i32
      %add3A_1773 = arith.addi %add3A_1772, %mul3A_1771 : i32
      %swap3A_1774 = arith.index_cast %add3A_1773 : i32 to index
      %swap3A_1775 = tpu.vector_load %arg14[%swap3A_1774] {strides = array<i32>} : memref<5760xf32, #tpu.memory_space<vmem>>, vector<16xf32>,
      tpu.vector_store %arg14[%swap3A_1774], %select_n3A_1769 {strides = array<i32>} : memref<5760xf32, #tpu.memory_space<vmem>>, vector<16xf32>,
    }
    %dma_start3A_1559 = arith.constant 4224 : i32
    %dma_start3A_1560 = tpu.memref_slice %arg14[%dma_start3A_1559] : memref<5760xf32, #tpu.memory_space<vmem>> -> memref<304xf32, #tpu.memory_space<vmem>>
    %dma_start3A_1561 = arith.constant 0 : i32
    %dma_start3A_1562 = tpu.memref_slice %arg8[%add3A_1524, %dma_start3A_1561] : memref<408x304xf32, #tpu.memory_space<hbm>> -> memref<1x304xf32, #tpu.memory_space<hbm>>
    %dma_start3A_1563 = tpu.memref_squeeze %dma_start3A_1562 : memref<1x304xf32, #tpu.memory_space<hbm>> -> memref<304xf32, #tpu.memory_space<hbm>>
    %dma_start3A_1564 = arith.constant 0 : i32
    %dma_start3A_1565 = tpu.memref_slice %arg8[%add3A_1524, %dma_start3A_1564] : memref<408x304xf32, #tpu.memory_space<hbm>> -> memref<1x304xf32, #tpu.memory_space<hbm>>
    %dma_start3A_1566 = tpu.memref_squeeze %dma_start3A_1565 : memref<1x304xf32, #tpu.memory_space<hbm>> -> memref<304xf32, #tpu.memory_space<hbm>>
    %dma_start3A_1567 = arith.constant 4224 : i32
    %dma_start3A_1568 = tpu.memref_slice %arg14[%dma_start3A_1567] : memref<5760xf32, #tpu.memory_space<vmem>> -> memref<304xf32, #tpu.memory_space<vmem>>
    tpu.enqueue_dma source(%dma_start3A_1568 : memref<304xf32, #tpu.memory_space<vmem>>) target(%dma_start3A_1566 : memref<304xf32, #tpu.memory_space<hbm>>) target_semaphore(%arg18 : memref<!tpu.dma_semaphore, #tpu.memory_space<semaphore_mem>>)
    %add3A_1569 = arith.constant 48 : i32
    %add3A_1570 = arith.addi %select_n3A_50, %add3A_1569 : i32
    %lt3A_1571 = arith.constant 51 : i32
    %lt3A_1572 = arith.cmpi slt, %add3A_1570, %lt3A_1571 : i32
    %convert_element_type3A_1573 = arith.extui %lt3A_1572 : i1 to i32
    %cond3A_1574 = arith.constant 0 : i32
    %cond3A_1575 = arith.cmpi ne, %convert_element_type3A_1573, %cond3A_1574 : i32
    scf.if %cond3A_1575 {
      %mul3A_1758 = arith.constant 8 : i32
      %mul3A_1759 = arith.muli %add3A_1570, %mul3A_1758 : i32
      %add3A_1760 = arith.addi %mul3A_1759, %select_n3A : i32
      %jit3A_1761 = arith.constant 16 : i32
      %div3A_1762 = arith.divsi %min3A_71, %jit3A_1761 : i32
      %sign3A_1763 = arith.constant 0 : i32
      %sign3A_1764 = arith.cmpi sgt, %min3A_71, %sign3A_1763 : i32
      %sign3A_1765 = arith.extui %sign3A_1764 : i1 to i32
      %sign3A_1766 = arith.constant 0 : i32
      %sign3A_1767 = arith.cmpi slt, %min3A_71, %sign3A_1766 : i32
      %sign3A_1768 = arith.extui %sign3A_1767 : i1 to i32
      %sign3A_1769 = arith.subi %sign3A_1765, %sign3A_1768 : i32
      %sign3A_1770 = arith.constant 0 : i32
      %sign3A_1771 = arith.cmpi sgt, %jit3A_1761, %sign3A_1770 : i32
      %sign3A_1772 = arith.extui %sign3A_1771 : i1 to i32
      %sign3A_1773 = arith.constant 0 : i32
      %sign3A_1774 = arith.cmpi slt, %jit3A_1761, %sign3A_1773 : i32
      %sign3A_1775 = arith.extui %sign3A_1774 : i1 to i32
      %sign3A_1776 = arith.subi %sign3A_1772, %sign3A_1775 : i32
      %ne3A_1777 = arith.cmpi ne, %sign3A_1769, %sign3A_1776 : i32
      %rem3A_1778 = arith.remsi %min3A_71, %jit3A_1761 : i32
      %ne3A_1779 = arith.constant 0 : i32
      %ne3A_1780 = arith.cmpi ne, %rem3A_1778, %ne3A_1779 : i32
      %and3A_1781 = arith.andi %ne3A_1777, %ne3A_1780 : i1
      %sub3A_1782 = arith.constant 1 : i32
      %sub3A_1783 = arith.subi %div3A_1762, %sub3A_1782 : i32
      %select_n3A_1784 = arith.select %and3A_1781, %sub3A_1783, %div3A_1762 : i32
      %while3A_1785 = arith.constant 0 : i32
      %while3A_1786 = arith.constant 24 : i32
      %while3A_1787 = arith.subi %while3A_1786, %select_n3A_1784 : i32
      %while3A_1788 = arith.addi %select_n3A_1784, %while3A_1787 : i32
      %while3A_1789 = arith.constant 1 : i32
      %while3A_1790 = arith.divsi %while3A_1787, %while3A_1789 : i32
      %while3A_1791 = arith.muli %while3A_1790, %while3A_1789 : i32
      %while3A_1792 = arith.addi %select_n3A_1784, %while3A_1791 : i32
      %while3A_1793 = arith.constant 1 : i32
      scf.for %while3A_1795 = %select_n3A_1784 to %while3A_1792 step %while3A_1793  : i32 {
        %mul3A_1796 = arith.constant 16 : i32
        %mul3A_1797 = arith.muli %while3A_1795, %mul3A_1796 : i32
        %add3A_1798 = vector.broadcast %mul3A_1797 : i32 to vector<16xi32>
        %add3A_1799 = arith.addi %add3A_1798, %iota3A : vector<16xi32>
        %mul3A_1800 = arith.constant 16 : i32
        %mul3A_1801 = arith.muli %while3A_1795, %mul3A_1800 : i32
        %add3A_1802 = arith.constant 4608 : i32
        %add3A_1803 = arith.addi %add3A_1802, %mul3A_1801 : i32
        %get3A = arith.index_cast %add3A_1803 : i32 to index
        %get3A_1804 = tpu.vector_load %arg14[%get3A] {strides = array<i32>} : memref<5760xf32, #tpu.memory_space<vmem>>, vector<16xf32>,
        %ge3A = vector.broadcast %min3A_71 : i32 to vector<16xi32>
        %ge3A_1805 = arith.cmpi sge, %add3A_1799, %ge3A : vector<16xi32>
        %select_n3A_1806 = arith.select %ge3A_1805, %broadcast_in_dim3A_981, %get3A_1804 : vector<16xi1>, vector<16xf32>
        %mul3A_1807 = arith.constant 16 : i32
        %mul3A_1808 = arith.muli %while3A_1795, %mul3A_1807 : i32
        %add3A_1809 = arith.constant 4608 : i32
        %add3A_1810 = arith.addi %add3A_1809, %mul3A_1808 : i32
        %swap3A_1811 = arith.index_cast %add3A_1810 : i32 to index
        %swap3A_1812 = tpu.vector_load %arg14[%swap3A_1811] {strides = array<i32>} : memref<5760xf32, #tpu.memory_space<vmem>>, vector<16xf32>,
        tpu.vector_store %arg14[%swap3A_1811], %select_n3A_1806 {strides = array<i32>} : memref<5760xf32, #tpu.memory_space<vmem>>, vector<16xf32>,
      }
      %while3A_1794 = arith.constant 1 : i32
      scf.for %while3A_1795 = %while3A_1792 to %while3A_1788 step %while3A_1794  : i32 {
        %mul3A_1796 = arith.constant 16 : i32
        %mul3A_1797 = arith.muli %while3A_1795, %mul3A_1796 : i32
        %add3A_1798 = vector.broadcast %mul3A_1797 : i32 to vector<16xi32>
        %add3A_1799 = arith.addi %add3A_1798, %iota3A : vector<16xi32>
        %mul3A_1800 = arith.constant 16 : i32
        %mul3A_1801 = arith.muli %while3A_1795, %mul3A_1800 : i32
        %add3A_1802 = arith.constant 4608 : i32
        %add3A_1803 = arith.addi %add3A_1802, %mul3A_1801 : i32
        %get3A = arith.index_cast %add3A_1803 : i32 to index
        %get3A_1804 = tpu.vector_load %arg14[%get3A] {strides = array<i32>} : memref<5760xf32, #tpu.memory_space<vmem>>, vector<16xf32>,
        %ge3A = vector.broadcast %min3A_71 : i32 to vector<16xi32>
        %ge3A_1805 = arith.cmpi sge, %add3A_1799, %ge3A : vector<16xi32>
        %select_n3A_1806 = arith.select %ge3A_1805, %broadcast_in_dim3A_981, %get3A_1804 : vector<16xi1>, vector<16xf32>
        %mul3A_1807 = arith.constant 16 : i32
        %mul3A_1808 = arith.muli %while3A_1795, %mul3A_1807 : i32
        %add3A_1809 = arith.constant 4608 : i32
        %add3A_1810 = arith.addi %add3A_1809, %mul3A_1808 : i32
        %swap3A_1811 = arith.index_cast %add3A_1810 : i32 to index
        %swap3A_1812 = tpu.vector_load %arg14[%swap3A_1811] {strides = array<i32>} : memref<5760xf32, #tpu.memory_space<vmem>>, vector<16xf32>,
        tpu.vector_store %arg14[%swap3A_1811], %select_n3A_1806 {strides = array<i32>} : memref<5760xf32, #tpu.memory_space<vmem>>, vector<16xf32>,
      }
      "tpu.region"() ({
        %run_scoped3A = tpu.sem_alloc : memref<!tpu.dma_semaphore, #tpu.memory_space<semaphore_mem>>
        %dma_start3A_1795 = arith.constant 4608 : i32
        %dma_start3A_1796 = tpu.memref_slice %arg14[%dma_start3A_1795] : memref<5760xf32, #tpu.memory_space<vmem>> -> memref<304xf32, #tpu.memory_space<vmem>>
        %dma_start3A_1797 = arith.constant 0 : i32
        %dma_start3A_1798 = tpu.memref_slice %arg8[%add3A_1760, %dma_start3A_1797] : memref<408x304xf32, #tpu.memory_space<hbm>> -> memref<1x304xf32, #tpu.memory_space<hbm>>
        %dma_start3A_1799 = tpu.memref_squeeze %dma_start3A_1798 : memref<1x304xf32, #tpu.memory_space<hbm>> -> memref<304xf32, #tpu.memory_space<hbm>>
        %dma_start3A_1800 = arith.constant 0 : i32
        %dma_start3A_1801 = tpu.memref_slice %arg8[%add3A_1760, %dma_start3A_1800] : memref<408x304xf32, #tpu.memory_space<hbm>> -> memref<1x304xf32, #tpu.memory_space<hbm>>
        %dma_start3A_1802 = tpu.memref_squeeze %dma_start3A_1801 : memref<1x304xf32, #tpu.memory_space<hbm>> -> memref<304xf32, #tpu.memory_space<hbm>>
        %dma_start3A_1803 = arith.constant 4608 : i32
        %dma_start3A_1804 = tpu.memref_slice %arg14[%dma_start3A_1803] : memref<5760xf32, #tpu.memory_space<vmem>> -> memref<304xf32, #tpu.memory_space<vmem>>
        tpu.enqueue_dma source(%dma_start3A_1804 : memref<304xf32, #tpu.memory_space<vmem>>) target(%dma_start3A_1802 : memref<304xf32, #tpu.memory_space<hbm>>) target_semaphore(%run_scoped3A : memref<!tpu.dma_semaphore, #tpu.memory_space<semaphore_mem>>)
        %dma_wait3A_1805 = arith.constant 4608 : i32
        %dma_wait3A_1806 = tpu.memref_slice %arg14[%dma_wait3A_1805] : memref<5760xf32, #tpu.memory_space<vmem>> -> memref<304xf32, #tpu.memory_space<vmem>>
        %dma_wait3A_1807 = arith.constant 0 : i32
        %dma_wait3A_1808 = tpu.memref_slice %arg8[%add3A_1760, %dma_wait3A_1807] : memref<408x304xf32, #tpu.memory_space<hbm>> -> memref<1x304xf32, #tpu.memory_space<hbm>>
        %dma_wait3A_1809 = tpu.memref_squeeze %dma_wait3A_1808 : memref<1x304xf32, #tpu.memory_space<hbm>> -> memref<304xf32, #tpu.memory_space<hbm>>
        %dma_wait3A_1810 = arith.constant 0 : i32
        %dma_wait3A_1811 = tpu.memref_slice %arg8[%add3A_1760, %dma_wait3A_1810] : memref<408x304xf32, #tpu.memory_space<hbm>> -> memref<1x304xf32, #tpu.memory_space<hbm>>
        %dma_wait3A_1812 = tpu.memref_squeeze %dma_wait3A_1811 : memref<1x304xf32, #tpu.memory_space<hbm>> -> memref<304xf32, #tpu.memory_space<hbm>>
        %dma_wait3A_1813 = arith.constant 4608 : i32
        %dma_wait3A_1814 = tpu.memref_slice %arg14[%dma_wait3A_1813] : memref<5760xf32, #tpu.memory_space<vmem>> -> memref<304xf32, #tpu.memory_space<vmem>>
        tpu.wait_dma2 semaphore(%run_scoped3A : memref<!tpu.dma_semaphore, #tpu.memory_space<semaphore_mem>>) src(%dma_wait3A_1814 : memref<304xf32, #tpu.memory_space<vmem>>) dst(%dma_wait3A_1812 : memref<304xf32, #tpu.memory_space<hbm>>)
        tpu.yield
      }) : () -> ()
    } else {
    }
    %mul3A_1576 = arith.constant 4 : i32
    %mul3A_1577 = arith.muli %select_n3A, %mul3A_1576 : i32
    %add3A_1578 = arith.addi %mul3A_1577, %select_n3A_50 : i32
    %jit3A_1579 = arith.constant 16 : i32
    %div3A_1580 = arith.divsi %min3A_71, %jit3A_1579 : i32
    %sign3A_1581 = arith.constant 0 : i32
    %sign3A_1582 = arith.cmpi sgt, %min3A_71, %sign3A_1581 : i32
    %sign3A_1583 = arith.extui %sign3A_1582 : i1 to i32
    %sign3A_1584 = arith.constant 0 : i32
    %sign3A_1585 = arith.cmpi slt, %min3A_71, %sign3A_1584 : i32
    %sign3A_1586 = arith.extui %sign3A_1585 : i1 to i32
    %sign3A_1587 = arith.subi %sign3A_1583, %sign3A_1586 : i32
    %sign3A_1588 = arith.constant 0 : i32
    %sign3A_1589 = arith.cmpi sgt, %jit3A_1579, %sign3A_1588 : i32
    %sign3A_1590 = arith.extui %sign3A_1589 : i1 to i32
    %sign3A_1591 = arith.constant 0 : i32
    %sign3A_1592 = arith.cmpi slt, %jit3A_1579, %sign3A_1591 : i32
    %sign3A_1593 = arith.extui %sign3A_1592 : i1 to i32
    %sign3A_1594 = arith.subi %sign3A_1590, %sign3A_1593 : i32
    %ne3A_1595 = arith.cmpi ne, %sign3A_1587, %sign3A_1594 : i32
    %rem3A_1596 = arith.remsi %min3A_71, %jit3A_1579 : i32
    %ne3A_1597 = arith.constant 0 : i32
    %ne3A_1598 = arith.cmpi ne, %rem3A_1596, %ne3A_1597 : i32
    %and3A_1599 = arith.andi %ne3A_1595, %ne3A_1598 : i1
    %sub3A_1600 = arith.constant 1 : i32
    %sub3A_1601 = arith.subi %div3A_1580, %sub3A_1600 : i32
    %select_n3A_1602 = arith.select %and3A_1599, %sub3A_1601, %div3A_1580 : i32
    %while3A_1603 = arith.constant 0 : i32
    %while3A_1604 = arith.constant 24 : i32
    %while3A_1605 = arith.subi %while3A_1604, %select_n3A_1602 : i32
    %while3A_1606 = arith.addi %select_n3A_1602, %while3A_1605 : i32
    %while3A_1607 = arith.constant 1 : i32
    %while3A_1608 = arith.divsi %while3A_1605, %while3A_1607 : i32
    %while3A_1609 = arith.muli %while3A_1608, %while3A_1607 : i32
    %while3A_1610 = arith.addi %select_n3A_1602, %while3A_1609 : i32
    %while3A_1611 = arith.constant 1 : i32
    scf.for %while3A_1758 = %select_n3A_1602 to %while3A_1610 step %while3A_1611  : i32 {
      %mul3A_1759 = arith.constant 16 : i32
      %mul3A_1760 = arith.muli %while3A_1758, %mul3A_1759 : i32
      %add3A_1761 = vector.broadcast %mul3A_1760 : i32 to vector<16xi32>
      %add3A_1762 = arith.addi %add3A_1761, %iota3A : vector<16xi32>
      %mul3A_1763 = arith.constant 16 : i32
      %mul3A_1764 = arith.muli %while3A_1758, %mul3A_1763 : i32
      %add3A_1765 = arith.constant 4992 : i32
      %add3A_1766 = arith.addi %add3A_1765, %mul3A_1764 : i32
      %get3A = arith.index_cast %add3A_1766 : i32 to index
      %get3A_1767 = tpu.vector_load %arg14[%get3A] {strides = array<i32>} : memref<5760xf32, #tpu.memory_space<vmem>>, vector<16xf32>,
      %ge3A = vector.broadcast %min3A_71 : i32 to vector<16xi32>
      %ge3A_1768 = arith.cmpi sge, %add3A_1762, %ge3A : vector<16xi32>
      %select_n3A_1769 = arith.select %ge3A_1768, %broadcast_in_dim3A_981, %get3A_1767 : vector<16xi1>, vector<16xf32>
      %mul3A_1770 = arith.constant 16 : i32
      %mul3A_1771 = arith.muli %while3A_1758, %mul3A_1770 : i32
      %add3A_1772 = arith.constant 4992 : i32
      %add3A_1773 = arith.addi %add3A_1772, %mul3A_1771 : i32
      %swap3A_1774 = arith.index_cast %add3A_1773 : i32 to index
      %swap3A_1775 = tpu.vector_load %arg14[%swap3A_1774] {strides = array<i32>} : memref<5760xf32, #tpu.memory_space<vmem>>, vector<16xf32>,
      tpu.vector_store %arg14[%swap3A_1774], %select_n3A_1769 {strides = array<i32>} : memref<5760xf32, #tpu.memory_space<vmem>>, vector<16xf32>,
    }
    %while3A_1612 = arith.constant 1 : i32
    scf.for %while3A_1758 = %while3A_1610 to %while3A_1606 step %while3A_1612  : i32 {
      %mul3A_1759 = arith.constant 16 : i32
      %mul3A_1760 = arith.muli %while3A_1758, %mul3A_1759 : i32
      %add3A_1761 = vector.broadcast %mul3A_1760 : i32 to vector<16xi32>
      %add3A_1762 = arith.addi %add3A_1761, %iota3A : vector<16xi32>
      %mul3A_1763 = arith.constant 16 : i32
      %mul3A_1764 = arith.muli %while3A_1758, %mul3A_1763 : i32
      %add3A_1765 = arith.constant 4992 : i32
      %add3A_1766 = arith.addi %add3A_1765, %mul3A_1764 : i32
      %get3A = arith.index_cast %add3A_1766 : i32 to index
      %get3A_1767 = tpu.vector_load %arg14[%get3A] {strides = array<i32>} : memref<5760xf32, #tpu.memory_space<vmem>>, vector<16xf32>,
      %ge3A = vector.broadcast %min3A_71 : i32 to vector<16xi32>
      %ge3A_1768 = arith.cmpi sge, %add3A_1762, %ge3A : vector<16xi32>
      %select_n3A_1769 = arith.select %ge3A_1768, %broadcast_in_dim3A_981, %get3A_1767 : vector<16xi1>, vector<16xf32>
      %mul3A_1770 = arith.constant 16 : i32
      %mul3A_1771 = arith.muli %while3A_1758, %mul3A_1770 : i32
      %add3A_1772 = arith.constant 4992 : i32
      %add3A_1773 = arith.addi %add3A_1772, %mul3A_1771 : i32
      %swap3A_1774 = arith.index_cast %add3A_1773 : i32 to index
      %swap3A_1775 = tpu.vector_load %arg14[%swap3A_1774] {strides = array<i32>} : memref<5760xf32, #tpu.memory_space<vmem>>, vector<16xf32>,
      tpu.vector_store %arg14[%swap3A_1774], %select_n3A_1769 {strides = array<i32>} : memref<5760xf32, #tpu.memory_space<vmem>>, vector<16xf32>,
    }
    %dma_start3A_1613 = arith.constant 4992 : i32
    %dma_start3A_1614 = tpu.memref_slice %arg14[%dma_start3A_1613] : memref<5760xf32, #tpu.memory_space<vmem>> -> memref<304xf32, #tpu.memory_space<vmem>>
    %dma_start3A_1615 = arith.constant 0 : i32
    %dma_start3A_1616 = tpu.memref_slice %arg9[%add3A_1578, %dma_start3A_1615] : memref<32x304xf32, #tpu.memory_space<hbm>> -> memref<1x304xf32, #tpu.memory_space<hbm>>
    %dma_start3A_1617 = tpu.memref_squeeze %dma_start3A_1616 : memref<1x304xf32, #tpu.memory_space<hbm>> -> memref<304xf32, #tpu.memory_space<hbm>>
    %dma_start3A_1618 = arith.constant 0 : i32
    %dma_start3A_1619 = tpu.memref_slice %arg9[%add3A_1578, %dma_start3A_1618] : memref<32x304xf32, #tpu.memory_space<hbm>> -> memref<1x304xf32, #tpu.memory_space<hbm>>
    %dma_start3A_1620 = tpu.memref_squeeze %dma_start3A_1619 : memref<1x304xf32, #tpu.memory_space<hbm>> -> memref<304xf32, #tpu.memory_space<hbm>>
    %dma_start3A_1621 = arith.constant 4992 : i32
    %dma_start3A_1622 = tpu.memref_slice %arg14[%dma_start3A_1621] : memref<5760xf32, #tpu.memory_space<vmem>> -> memref<304xf32, #tpu.memory_space<vmem>>
    tpu.enqueue_dma source(%dma_start3A_1622 : memref<304xf32, #tpu.memory_space<vmem>>) target(%dma_start3A_1620 : memref<304xf32, #tpu.memory_space<hbm>>) target_semaphore(%arg18 : memref<!tpu.dma_semaphore, #tpu.memory_space<semaphore_mem>>)
    %eq3A_1623 = arith.constant 0 : i32
    %eq3A_1624 = arith.cmpi eq, %select_n3A_50, %eq3A_1623 : i32
    %convert_element_type3A_1625 = arith.extui %eq3A_1624 : i1 to i32
    %cond3A_1626 = arith.constant 0 : i32
    %cond3A_1627 = arith.cmpi ne, %convert_element_type3A_1625, %cond3A_1626 : i32
    scf.if %cond3A_1627 {
      %jit3A_1758 = arith.constant 16 : i32
      %div3A_1759 = arith.divsi %min3A_71, %jit3A_1758 : i32
      %sign3A_1760 = arith.constant 0 : i32
      %sign3A_1761 = arith.cmpi sgt, %min3A_71, %sign3A_1760 : i32
      %sign3A_1762 = arith.extui %sign3A_1761 : i1 to i32
      %sign3A_1763 = arith.constant 0 : i32
      %sign3A_1764 = arith.cmpi slt, %min3A_71, %sign3A_1763 : i32
      %sign3A_1765 = arith.extui %sign3A_1764 : i1 to i32
      %sign3A_1766 = arith.subi %sign3A_1762, %sign3A_1765 : i32
      %sign3A_1767 = arith.constant 0 : i32
      %sign3A_1768 = arith.cmpi sgt, %jit3A_1758, %sign3A_1767 : i32
      %sign3A_1769 = arith.extui %sign3A_1768 : i1 to i32
      %sign3A_1770 = arith.constant 0 : i32
      %sign3A_1771 = arith.cmpi slt, %jit3A_1758, %sign3A_1770 : i32
      %sign3A_1772 = arith.extui %sign3A_1771 : i1 to i32
      %sign3A_1773 = arith.subi %sign3A_1769, %sign3A_1772 : i32
      %ne3A_1774 = arith.cmpi ne, %sign3A_1766, %sign3A_1773 : i32
      %rem3A_1775 = arith.remsi %min3A_71, %jit3A_1758 : i32
      %ne3A_1776 = arith.constant 0 : i32
      %ne3A_1777 = arith.cmpi ne, %rem3A_1775, %ne3A_1776 : i32
      %and3A_1778 = arith.andi %ne3A_1774, %ne3A_1777 : i1
      %sub3A_1779 = arith.constant 1 : i32
      %sub3A_1780 = arith.subi %div3A_1759, %sub3A_1779 : i32
      %select_n3A_1781 = arith.select %and3A_1778, %sub3A_1780, %div3A_1759 : i32
      %while3A_1782 = arith.constant 0 : i32
      %while3A_1783 = arith.constant 24 : i32
      %while3A_1784 = arith.subi %while3A_1783, %select_n3A_1781 : i32
      %while3A_1785 = arith.addi %select_n3A_1781, %while3A_1784 : i32
      %while3A_1786 = arith.constant 1 : i32
      %while3A_1787 = arith.divsi %while3A_1784, %while3A_1786 : i32
      %while3A_1788 = arith.muli %while3A_1787, %while3A_1786 : i32
      %while3A_1789 = arith.addi %select_n3A_1781, %while3A_1788 : i32
      %while3A_1790 = arith.constant 1 : i32
      scf.for %while3A_1792 = %select_n3A_1781 to %while3A_1789 step %while3A_1790  : i32 {
        %mul3A_1793 = arith.constant 16 : i32
        %mul3A_1794 = arith.muli %while3A_1792, %mul3A_1793 : i32
        %add3A_1795 = vector.broadcast %mul3A_1794 : i32 to vector<16xi32>
        %add3A_1796 = arith.addi %add3A_1795, %iota3A : vector<16xi32>
        %mul3A_1797 = arith.constant 16 : i32
        %mul3A_1798 = arith.muli %while3A_1792, %mul3A_1797 : i32
        %add3A_1799 = arith.constant 5376 : i32
        %add3A_1800 = arith.addi %add3A_1799, %mul3A_1798 : i32
        %get3A = arith.index_cast %add3A_1800 : i32 to index
        %get3A_1801 = tpu.vector_load %arg14[%get3A] {strides = array<i32>} : memref<5760xf32, #tpu.memory_space<vmem>>, vector<16xf32>,
        %ge3A = vector.broadcast %min3A_71 : i32 to vector<16xi32>
        %ge3A_1802 = arith.cmpi sge, %add3A_1796, %ge3A : vector<16xi32>
        %select_n3A_1803 = arith.select %ge3A_1802, %broadcast_in_dim3A_981, %get3A_1801 : vector<16xi1>, vector<16xf32>
        %mul3A_1804 = arith.constant 16 : i32
        %mul3A_1805 = arith.muli %while3A_1792, %mul3A_1804 : i32
        %add3A_1806 = arith.constant 5376 : i32
        %add3A_1807 = arith.addi %add3A_1806, %mul3A_1805 : i32
        %swap3A_1808 = arith.index_cast %add3A_1807 : i32 to index
        %swap3A_1809 = tpu.vector_load %arg14[%swap3A_1808] {strides = array<i32>} : memref<5760xf32, #tpu.memory_space<vmem>>, vector<16xf32>,
        tpu.vector_store %arg14[%swap3A_1808], %select_n3A_1803 {strides = array<i32>} : memref<5760xf32, #tpu.memory_space<vmem>>, vector<16xf32>,
      }
      %while3A_1791 = arith.constant 1 : i32
      scf.for %while3A_1792 = %while3A_1789 to %while3A_1785 step %while3A_1791  : i32 {
        %mul3A_1793 = arith.constant 16 : i32
        %mul3A_1794 = arith.muli %while3A_1792, %mul3A_1793 : i32
        %add3A_1795 = vector.broadcast %mul3A_1794 : i32 to vector<16xi32>
        %add3A_1796 = arith.addi %add3A_1795, %iota3A : vector<16xi32>
        %mul3A_1797 = arith.constant 16 : i32
        %mul3A_1798 = arith.muli %while3A_1792, %mul3A_1797 : i32
        %add3A_1799 = arith.constant 5376 : i32
        %add3A_1800 = arith.addi %add3A_1799, %mul3A_1798 : i32
        %get3A = arith.index_cast %add3A_1800 : i32 to index
        %get3A_1801 = tpu.vector_load %arg14[%get3A] {strides = array<i32>} : memref<5760xf32, #tpu.memory_space<vmem>>, vector<16xf32>,
        %ge3A = vector.broadcast %min3A_71 : i32 to vector<16xi32>
        %ge3A_1802 = arith.cmpi sge, %add3A_1796, %ge3A : vector<16xi32>
        %select_n3A_1803 = arith.select %ge3A_1802, %broadcast_in_dim3A_981, %get3A_1801 : vector<16xi1>, vector<16xf32>
        %mul3A_1804 = arith.constant 16 : i32
        %mul3A_1805 = arith.muli %while3A_1792, %mul3A_1804 : i32
        %add3A_1806 = arith.constant 5376 : i32
        %add3A_1807 = arith.addi %add3A_1806, %mul3A_1805 : i32
        %swap3A_1808 = arith.index_cast %add3A_1807 : i32 to index
        %swap3A_1809 = tpu.vector_load %arg14[%swap3A_1808] {strides = array<i32>} : memref<5760xf32, #tpu.memory_space<vmem>>, vector<16xf32>,
        tpu.vector_store %arg14[%swap3A_1808], %select_n3A_1803 {strides = array<i32>} : memref<5760xf32, #tpu.memory_space<vmem>>, vector<16xf32>,
      }
      "tpu.region"() ({
        %run_scoped3A = tpu.sem_alloc : memref<!tpu.dma_semaphore, #tpu.memory_space<semaphore_mem>>
        %dma_start3A_1792 = arith.constant 5376 : i32
        %dma_start3A_1793 = tpu.memref_slice %arg14[%dma_start3A_1792] : memref<5760xf32, #tpu.memory_space<vmem>> -> memref<304xf32, #tpu.memory_space<vmem>>
        %dma_start3A_1794 = arith.constant 0 : i32
        %dma_start3A_1795 = tpu.memref_slice %arg10[%select_n3A, %dma_start3A_1794] : memref<8x304xf32, #tpu.memory_space<hbm>> -> memref<1x304xf32, #tpu.memory_space<hbm>>
        %dma_start3A_1796 = tpu.memref_squeeze %dma_start3A_1795 : memref<1x304xf32, #tpu.memory_space<hbm>> -> memref<304xf32, #tpu.memory_space<hbm>>
        %dma_start3A_1797 = arith.constant 0 : i32
        %dma_start3A_1798 = tpu.memref_slice %arg10[%select_n3A, %dma_start3A_1797] : memref<8x304xf32, #tpu.memory_space<hbm>> -> memref<1x304xf32, #tpu.memory_space<hbm>>
        %dma_start3A_1799 = tpu.memref_squeeze %dma_start3A_1798 : memref<1x304xf32, #tpu.memory_space<hbm>> -> memref<304xf32, #tpu.memory_space<hbm>>
        %dma_start3A_1800 = arith.constant 5376 : i32
        %dma_start3A_1801 = tpu.memref_slice %arg14[%dma_start3A_1800] : memref<5760xf32, #tpu.memory_space<vmem>> -> memref<304xf32, #tpu.memory_space<vmem>>
        tpu.enqueue_dma source(%dma_start3A_1801 : memref<304xf32, #tpu.memory_space<vmem>>) target(%dma_start3A_1799 : memref<304xf32, #tpu.memory_space<hbm>>) target_semaphore(%run_scoped3A : memref<!tpu.dma_semaphore, #tpu.memory_space<semaphore_mem>>)
        %dma_wait3A_1802 = arith.constant 5376 : i32
        %dma_wait3A_1803 = tpu.memref_slice %arg14[%dma_wait3A_1802] : memref<5760xf32, #tpu.memory_space<vmem>> -> memref<304xf32, #tpu.memory_space<vmem>>
        %dma_wait3A_1804 = arith.constant 0 : i32
        %dma_wait3A_1805 = tpu.memref_slice %arg10[%select_n3A, %dma_wait3A_1804] : memref<8x304xf32, #tpu.memory_space<hbm>> -> memref<1x304xf32, #tpu.memory_space<hbm>>
        %dma_wait3A_1806 = tpu.memref_squeeze %dma_wait3A_1805 : memref<1x304xf32, #tpu.memory_space<hbm>> -> memref<304xf32, #tpu.memory_space<hbm>>
        %dma_wait3A_1807 = arith.constant 0 : i32
        %dma_wait3A_1808 = tpu.memref_slice %arg10[%select_n3A, %dma_wait3A_1807] : memref<8x304xf32, #tpu.memory_space<hbm>> -> memref<1x304xf32, #tpu.memory_space<hbm>>
        %dma_wait3A_1809 = tpu.memref_squeeze %dma_wait3A_1808 : memref<1x304xf32, #tpu.memory_space<hbm>> -> memref<304xf32, #tpu.memory_space<hbm>>
        %dma_wait3A_1810 = arith.constant 5376 : i32
        %dma_wait3A_1811 = tpu.memref_slice %arg14[%dma_wait3A_1810] : memref<5760xf32, #tpu.memory_space<vmem>> -> memref<304xf32, #tpu.memory_space<vmem>>
        tpu.wait_dma2 semaphore(%run_scoped3A : memref<!tpu.dma_semaphore, #tpu.memory_space<semaphore_mem>>) src(%dma_wait3A_1811 : memref<304xf32, #tpu.memory_space<vmem>>) dst(%dma_wait3A_1809 : memref<304xf32, #tpu.memory_space<hbm>>)
        tpu.yield
      }) : () -> ()
    } else {
    }
    %dma_wait3A_1628 = arith.constant 0 : i32
    %dma_wait3A_1629 = tpu.memref_slice %arg14[%dma_wait3A_1628] : memref<5760xf32, #tpu.memory_space<vmem>> -> memref<304xf32, #tpu.memory_space<vmem>>
    %dma_wait3A_1630 = arith.constant 0 : i32
    %dma_wait3A_1631 = tpu.memref_slice %arg8[%add3A_986, %dma_wait3A_1630] : memref<408x304xf32, #tpu.memory_space<hbm>> -> memref<1x304xf32, #tpu.memory_space<hbm>>
    %dma_wait3A_1632 = tpu.memref_squeeze %dma_wait3A_1631 : memref<1x304xf32, #tpu.memory_space<hbm>> -> memref<304xf32, #tpu.memory_space<hbm>>
    %dma_wait3A_1633 = arith.constant 0 : i32
    %dma_wait3A_1634 = tpu.memref_slice %arg8[%add3A_986, %dma_wait3A_1633] : memref<408x304xf32, #tpu.memory_space<hbm>> -> memref<1x304xf32, #tpu.memory_space<hbm>>
    %dma_wait3A_1635 = tpu.memref_squeeze %dma_wait3A_1634 : memref<1x304xf32, #tpu.memory_space<hbm>> -> memref<304xf32, #tpu.memory_space<hbm>>
    %dma_wait3A_1636 = arith.constant 0 : i32
    %dma_wait3A_1637 = tpu.memref_slice %arg14[%dma_wait3A_1636] : memref<5760xf32, #tpu.memory_space<vmem>> -> memref<304xf32, #tpu.memory_space<vmem>>
    tpu.wait_dma2 semaphore(%arg18 : memref<!tpu.dma_semaphore, #tpu.memory_space<semaphore_mem>>) src(%dma_wait3A_1637 : memref<304xf32, #tpu.memory_space<vmem>>) dst(%dma_wait3A_1635 : memref<304xf32, #tpu.memory_space<hbm>>)
    %dma_wait3A_1638 = arith.constant 384 : i32
    %dma_wait3A_1639 = tpu.memref_slice %arg14[%dma_wait3A_1638] : memref<5760xf32, #tpu.memory_space<vmem>> -> memref<304xf32, #tpu.memory_space<vmem>>
    %dma_wait3A_1640 = arith.constant 0 : i32
    %dma_wait3A_1641 = tpu.memref_slice %arg8[%add3A_1034, %dma_wait3A_1640] : memref<408x304xf32, #tpu.memory_space<hbm>> -> memref<1x304xf32, #tpu.memory_space<hbm>>
    %dma_wait3A_1642 = tpu.memref_squeeze %dma_wait3A_1641 : memref<1x304xf32, #tpu.memory_space<hbm>> -> memref<304xf32, #tpu.memory_space<hbm>>
    %dma_wait3A_1643 = arith.constant 0 : i32
    %dma_wait3A_1644 = tpu.memref_slice %arg8[%add3A_1034, %dma_wait3A_1643] : memref<408x304xf32, #tpu.memory_space<hbm>> -> memref<1x304xf32, #tpu.memory_space<hbm>>
    %dma_wait3A_1645 = tpu.memref_squeeze %dma_wait3A_1644 : memref<1x304xf32, #tpu.memory_space<hbm>> -> memref<304xf32, #tpu.memory_space<hbm>>
    %dma_wait3A_1646 = arith.constant 384 : i32
    %dma_wait3A_1647 = tpu.memref_slice %arg14[%dma_wait3A_1646] : memref<5760xf32, #tpu.memory_space<vmem>> -> memref<304xf32, #tpu.memory_space<vmem>>
    tpu.wait_dma2 semaphore(%arg18 : memref<!tpu.dma_semaphore, #tpu.memory_space<semaphore_mem>>) src(%dma_wait3A_1647 : memref<304xf32, #tpu.memory_space<vmem>>) dst(%dma_wait3A_1645 : memref<304xf32, #tpu.memory_space<hbm>>)
    %dma_wait3A_1648 = arith.constant 768 : i32
    %dma_wait3A_1649 = tpu.memref_slice %arg14[%dma_wait3A_1648] : memref<5760xf32, #tpu.memory_space<vmem>> -> memref<304xf32, #tpu.memory_space<vmem>>
    %dma_wait3A_1650 = arith.constant 0 : i32
    %dma_wait3A_1651 = tpu.memref_slice %arg8[%add3A_1083, %dma_wait3A_1650] : memref<408x304xf32, #tpu.memory_space<hbm>> -> memref<1x304xf32, #tpu.memory_space<hbm>>
    %dma_wait3A_1652 = tpu.memref_squeeze %dma_wait3A_1651 : memref<1x304xf32, #tpu.memory_space<hbm>> -> memref<304xf32, #tpu.memory_space<hbm>>
    %dma_wait3A_1653 = arith.constant 0 : i32
    %dma_wait3A_1654 = tpu.memref_slice %arg8[%add3A_1083, %dma_wait3A_1653] : memref<408x304xf32, #tpu.memory_space<hbm>> -> memref<1x304xf32, #tpu.memory_space<hbm>>
    %dma_wait3A_1655 = tpu.memref_squeeze %dma_wait3A_1654 : memref<1x304xf32, #tpu.memory_space<hbm>> -> memref<304xf32, #tpu.memory_space<hbm>>
    %dma_wait3A_1656 = arith.constant 768 : i32
    %dma_wait3A_1657 = tpu.memref_slice %arg14[%dma_wait3A_1656] : memref<5760xf32, #tpu.memory_space<vmem>> -> memref<304xf32, #tpu.memory_space<vmem>>
    tpu.wait_dma2 semaphore(%arg18 : memref<!tpu.dma_semaphore, #tpu.memory_space<semaphore_mem>>) src(%dma_wait3A_1657 : memref<304xf32, #tpu.memory_space<vmem>>) dst(%dma_wait3A_1655 : memref<304xf32, #tpu.memory_space<hbm>>)
    %dma_wait3A_1658 = arith.constant 1152 : i32
    %dma_wait3A_1659 = tpu.memref_slice %arg14[%dma_wait3A_1658] : memref<5760xf32, #tpu.memory_space<vmem>> -> memref<304xf32, #tpu.memory_space<vmem>>
    %dma_wait3A_1660 = arith.constant 0 : i32
    %dma_wait3A_1661 = tpu.memref_slice %arg8[%add3A_1132, %dma_wait3A_1660] : memref<408x304xf32, #tpu.memory_space<hbm>> -> memref<1x304xf32, #tpu.memory_space<hbm>>
    %dma_wait3A_1662 = tpu.memref_squeeze %dma_wait3A_1661 : memref<1x304xf32, #tpu.memory_space<hbm>> -> memref<304xf32, #tpu.memory_space<hbm>>
    %dma_wait3A_1663 = arith.constant 0 : i32
    %dma_wait3A_1664 = tpu.memref_slice %arg8[%add3A_1132, %dma_wait3A_1663] : memref<408x304xf32, #tpu.memory_space<hbm>> -> memref<1x304xf32, #tpu.memory_space<hbm>>
    %dma_wait3A_1665 = tpu.memref_squeeze %dma_wait3A_1664 : memref<1x304xf32, #tpu.memory_space<hbm>> -> memref<304xf32, #tpu.memory_space<hbm>>
    %dma_wait3A_1666 = arith.constant 1152 : i32
    %dma_wait3A_1667 = tpu.memref_slice %arg14[%dma_wait3A_1666] : memref<5760xf32, #tpu.memory_space<vmem>> -> memref<304xf32, #tpu.memory_space<vmem>>
    tpu.wait_dma2 semaphore(%arg18 : memref<!tpu.dma_semaphore, #tpu.memory_space<semaphore_mem>>) src(%dma_wait3A_1667 : memref<304xf32, #tpu.memory_space<vmem>>) dst(%dma_wait3A_1665 : memref<304xf32, #tpu.memory_space<hbm>>)
    %dma_wait3A_1668 = arith.constant 1536 : i32
    %dma_wait3A_1669 = tpu.memref_slice %arg14[%dma_wait3A_1668] : memref<5760xf32, #tpu.memory_space<vmem>> -> memref<304xf32, #tpu.memory_space<vmem>>
    %dma_wait3A_1670 = arith.constant 0 : i32
    %dma_wait3A_1671 = tpu.memref_slice %arg8[%add3A_1181, %dma_wait3A_1670] : memref<408x304xf32, #tpu.memory_space<hbm>> -> memref<1x304xf32, #tpu.memory_space<hbm>>
    %dma_wait3A_1672 = tpu.memref_squeeze %dma_wait3A_1671 : memref<1x304xf32, #tpu.memory_space<hbm>> -> memref<304xf32, #tpu.memory_space<hbm>>
    %dma_wait3A_1673 = arith.constant 0 : i32
    %dma_wait3A_1674 = tpu.memref_slice %arg8[%add3A_1181, %dma_wait3A_1673] : memref<408x304xf32, #tpu.memory_space<hbm>> -> memref<1x304xf32, #tpu.memory_space<hbm>>
    %dma_wait3A_1675 = tpu.memref_squeeze %dma_wait3A_1674 : memref<1x304xf32, #tpu.memory_space<hbm>> -> memref<304xf32, #tpu.memory_space<hbm>>
    %dma_wait3A_1676 = arith.constant 1536 : i32
    %dma_wait3A_1677 = tpu.memref_slice %arg14[%dma_wait3A_1676] : memref<5760xf32, #tpu.memory_space<vmem>> -> memref<304xf32, #tpu.memory_space<vmem>>
    tpu.wait_dma2 semaphore(%arg18 : memref<!tpu.dma_semaphore, #tpu.memory_space<semaphore_mem>>) src(%dma_wait3A_1677 : memref<304xf32, #tpu.memory_space<vmem>>) dst(%dma_wait3A_1675 : memref<304xf32, #tpu.memory_space<hbm>>)
    %dma_wait3A_1678 = arith.constant 1920 : i32
    %dma_wait3A_1679 = tpu.memref_slice %arg14[%dma_wait3A_1678] : memref<5760xf32, #tpu.memory_space<vmem>> -> memref<304xf32, #tpu.memory_space<vmem>>
    %dma_wait3A_1680 = arith.constant 0 : i32
    %dma_wait3A_1681 = tpu.memref_slice %arg8[%add3A_1230, %dma_wait3A_1680] : memref<408x304xf32, #tpu.memory_space<hbm>> -> memref<1x304xf32, #tpu.memory_space<hbm>>
    %dma_wait3A_1682 = tpu.memref_squeeze %dma_wait3A_1681 : memref<1x304xf32, #tpu.memory_space<hbm>> -> memref<304xf32, #tpu.memory_space<hbm>>
    %dma_wait3A_1683 = arith.constant 0 : i32
    %dma_wait3A_1684 = tpu.memref_slice %arg8[%add3A_1230, %dma_wait3A_1683] : memref<408x304xf32, #tpu.memory_space<hbm>> -> memref<1x304xf32, #tpu.memory_space<hbm>>
    %dma_wait3A_1685 = tpu.memref_squeeze %dma_wait3A_1684 : memref<1x304xf32, #tpu.memory_space<hbm>> -> memref<304xf32, #tpu.memory_space<hbm>>
    %dma_wait3A_1686 = arith.constant 1920 : i32
    %dma_wait3A_1687 = tpu.memref_slice %arg14[%dma_wait3A_1686] : memref<5760xf32, #tpu.memory_space<vmem>> -> memref<304xf32, #tpu.memory_space<vmem>>
    tpu.wait_dma2 semaphore(%arg18 : memref<!tpu.dma_semaphore, #tpu.memory_space<semaphore_mem>>) src(%dma_wait3A_1687 : memref<304xf32, #tpu.memory_space<vmem>>) dst(%dma_wait3A_1685 : memref<304xf32, #tpu.memory_space<hbm>>)
    %dma_wait3A_1688 = arith.constant 2304 : i32
    %dma_wait3A_1689 = tpu.memref_slice %arg14[%dma_wait3A_1688] : memref<5760xf32, #tpu.memory_space<vmem>> -> memref<304xf32, #tpu.memory_space<vmem>>
    %dma_wait3A_1690 = arith.constant 0 : i32
    %dma_wait3A_1691 = tpu.memref_slice %arg8[%add3A_1279, %dma_wait3A_1690] : memref<408x304xf32, #tpu.memory_space<hbm>> -> memref<1x304xf32, #tpu.memory_space<hbm>>
    %dma_wait3A_1692 = tpu.memref_squeeze %dma_wait3A_1691 : memref<1x304xf32, #tpu.memory_space<hbm>> -> memref<304xf32, #tpu.memory_space<hbm>>
    %dma_wait3A_1693 = arith.constant 0 : i32
    %dma_wait3A_1694 = tpu.memref_slice %arg8[%add3A_1279, %dma_wait3A_1693] : memref<408x304xf32, #tpu.memory_space<hbm>> -> memref<1x304xf32, #tpu.memory_space<hbm>>
    %dma_wait3A_1695 = tpu.memref_squeeze %dma_wait3A_1694 : memref<1x304xf32, #tpu.memory_space<hbm>> -> memref<304xf32, #tpu.memory_space<hbm>>
    %dma_wait3A_1696 = arith.constant 2304 : i32
    %dma_wait3A_1697 = tpu.memref_slice %arg14[%dma_wait3A_1696] : memref<5760xf32, #tpu.memory_space<vmem>> -> memref<304xf32, #tpu.memory_space<vmem>>
    tpu.wait_dma2 semaphore(%arg18 : memref<!tpu.dma_semaphore, #tpu.memory_space<semaphore_mem>>) src(%dma_wait3A_1697 : memref<304xf32, #tpu.memory_space<vmem>>) dst(%dma_wait3A_1695 : memref<304xf32, #tpu.memory_space<hbm>>)
    %dma_wait3A_1698 = arith.constant 2688 : i32
    %dma_wait3A_1699 = tpu.memref_slice %arg14[%dma_wait3A_1698] : memref<5760xf32, #tpu.memory_space<vmem>> -> memref<304xf32, #tpu.memory_space<vmem>>
    %dma_wait3A_1700 = arith.constant 0 : i32
    %dma_wait3A_1701 = tpu.memref_slice %arg8[%add3A_1328, %dma_wait3A_1700] : memref<408x304xf32, #tpu.memory_space<hbm>> -> memref<1x304xf32, #tpu.memory_space<hbm>>
    %dma_wait3A_1702 = tpu.memref_squeeze %dma_wait3A_1701 : memref<1x304xf32, #tpu.memory_space<hbm>> -> memref<304xf32, #tpu.memory_space<hbm>>
    %dma_wait3A_1703 = arith.constant 0 : i32
    %dma_wait3A_1704 = tpu.memref_slice %arg8[%add3A_1328, %dma_wait3A_1703] : memref<408x304xf32, #tpu.memory_space<hbm>> -> memref<1x304xf32, #tpu.memory_space<hbm>>
    %dma_wait3A_1705 = tpu.memref_squeeze %dma_wait3A_1704 : memref<1x304xf32, #tpu.memory_space<hbm>> -> memref<304xf32, #tpu.memory_space<hbm>>
    %dma_wait3A_1706 = arith.constant 2688 : i32
    %dma_wait3A_1707 = tpu.memref_slice %arg14[%dma_wait3A_1706] : memref<5760xf32, #tpu.memory_space<vmem>> -> memref<304xf32, #tpu.memory_space<vmem>>
    tpu.wait_dma2 semaphore(%arg18 : memref<!tpu.dma_semaphore, #tpu.memory_space<semaphore_mem>>) src(%dma_wait3A_1707 : memref<304xf32, #tpu.memory_space<vmem>>) dst(%dma_wait3A_1705 : memref<304xf32, #tpu.memory_space<hbm>>)
    %dma_wait3A_1708 = arith.constant 3072 : i32
    %dma_wait3A_1709 = tpu.memref_slice %arg14[%dma_wait3A_1708] : memref<5760xf32, #tpu.memory_space<vmem>> -> memref<304xf32, #tpu.memory_space<vmem>>
    %dma_wait3A_1710 = arith.constant 0 : i32
    %dma_wait3A_1711 = tpu.memref_slice %arg8[%add3A_1377, %dma_wait3A_1710] : memref<408x304xf32, #tpu.memory_space<hbm>> -> memref<1x304xf32, #tpu.memory_space<hbm>>
    %dma_wait3A_1712 = tpu.memref_squeeze %dma_wait3A_1711 : memref<1x304xf32, #tpu.memory_space<hbm>> -> memref<304xf32, #tpu.memory_space<hbm>>
    %dma_wait3A_1713 = arith.constant 0 : i32
    %dma_wait3A_1714 = tpu.memref_slice %arg8[%add3A_1377, %dma_wait3A_1713] : memref<408x304xf32, #tpu.memory_space<hbm>> -> memref<1x304xf32, #tpu.memory_space<hbm>>
    %dma_wait3A_1715 = tpu.memref_squeeze %dma_wait3A_1714 : memref<1x304xf32, #tpu.memory_space<hbm>> -> memref<304xf32, #tpu.memory_space<hbm>>
    %dma_wait3A_1716 = arith.constant 3072 : i32
    %dma_wait3A_1717 = tpu.memref_slice %arg14[%dma_wait3A_1716] : memref<5760xf32, #tpu.memory_space<vmem>> -> memref<304xf32, #tpu.memory_space<vmem>>
    tpu.wait_dma2 semaphore(%arg18 : memref<!tpu.dma_semaphore, #tpu.memory_space<semaphore_mem>>) src(%dma_wait3A_1717 : memref<304xf32, #tpu.memory_space<vmem>>) dst(%dma_wait3A_1715 : memref<304xf32, #tpu.memory_space<hbm>>)
    %dma_wait3A_1718 = arith.constant 3456 : i32
    %dma_wait3A_1719 = tpu.memref_slice %arg14[%dma_wait3A_1718] : memref<5760xf32, #tpu.memory_space<vmem>> -> memref<304xf32, #tpu.memory_space<vmem>>
    %dma_wait3A_1720 = arith.constant 0 : i32
    %dma_wait3A_1721 = tpu.memref_slice %arg8[%add3A_1426, %dma_wait3A_1720] : memref<408x304xf32, #tpu.memory_space<hbm>> -> memref<1x304xf32, #tpu.memory_space<hbm>>
    %dma_wait3A_1722 = tpu.memref_squeeze %dma_wait3A_1721 : memref<1x304xf32, #tpu.memory_space<hbm>> -> memref<304xf32, #tpu.memory_space<hbm>>
    %dma_wait3A_1723 = arith.constant 0 : i32
    %dma_wait3A_1724 = tpu.memref_slice %arg8[%add3A_1426, %dma_wait3A_1723] : memref<408x304xf32, #tpu.memory_space<hbm>> -> memref<1x304xf32, #tpu.memory_space<hbm>>
    %dma_wait3A_1725 = tpu.memref_squeeze %dma_wait3A_1724 : memref<1x304xf32, #tpu.memory_space<hbm>> -> memref<304xf32, #tpu.memory_space<hbm>>
    %dma_wait3A_1726 = arith.constant 3456 : i32
    %dma_wait3A_1727 = tpu.memref_slice %arg14[%dma_wait3A_1726] : memref<5760xf32, #tpu.memory_space<vmem>> -> memref<304xf32, #tpu.memory_space<vmem>>
    tpu.wait_dma2 semaphore(%arg18 : memref<!tpu.dma_semaphore, #tpu.memory_space<semaphore_mem>>) src(%dma_wait3A_1727 : memref<304xf32, #tpu.memory_space<vmem>>) dst(%dma_wait3A_1725 : memref<304xf32, #tpu.memory_space<hbm>>)
    %dma_wait3A_1728 = arith.constant 3840 : i32
    %dma_wait3A_1729 = tpu.memref_slice %arg14[%dma_wait3A_1728] : memref<5760xf32, #tpu.memory_space<vmem>> -> memref<304xf32, #tpu.memory_space<vmem>>
    %dma_wait3A_1730 = arith.constant 0 : i32
    %dma_wait3A_1731 = tpu.memref_slice %arg8[%add3A_1475, %dma_wait3A_1730] : memref<408x304xf32, #tpu.memory_space<hbm>> -> memref<1x304xf32, #tpu.memory_space<hbm>>
    %dma_wait3A_1732 = tpu.memref_squeeze %dma_wait3A_1731 : memref<1x304xf32, #tpu.memory_space<hbm>> -> memref<304xf32, #tpu.memory_space<hbm>>
    %dma_wait3A_1733 = arith.constant 0 : i32
    %dma_wait3A_1734 = tpu.memref_slice %arg8[%add3A_1475, %dma_wait3A_1733] : memref<408x304xf32, #tpu.memory_space<hbm>> -> memref<1x304xf32, #tpu.memory_space<hbm>>
    %dma_wait3A_1735 = tpu.memref_squeeze %dma_wait3A_1734 : memref<1x304xf32, #tpu.memory_space<hbm>> -> memref<304xf32, #tpu.memory_space<hbm>>
    %dma_wait3A_1736 = arith.constant 3840 : i32
    %dma_wait3A_1737 = tpu.memref_slice %arg14[%dma_wait3A_1736] : memref<5760xf32, #tpu.memory_space<vmem>> -> memref<304xf32, #tpu.memory_space<vmem>>
    tpu.wait_dma2 semaphore(%arg18 : memref<!tpu.dma_semaphore, #tpu.memory_space<semaphore_mem>>) src(%dma_wait3A_1737 : memref<304xf32, #tpu.memory_space<vmem>>) dst(%dma_wait3A_1735 : memref<304xf32, #tpu.memory_space<hbm>>)
    %dma_wait3A_1738 = arith.constant 4224 : i32
    %dma_wait3A_1739 = tpu.memref_slice %arg14[%dma_wait3A_1738] : memref<5760xf32, #tpu.memory_space<vmem>> -> memref<304xf32, #tpu.memory_space<vmem>>
    %dma_wait3A_1740 = arith.constant 0 : i32
    %dma_wait3A_1741 = tpu.memref_slice %arg8[%add3A_1524, %dma_wait3A_1740] : memref<408x304xf32, #tpu.memory_space<hbm>> -> memref<1x304xf32, #tpu.memory_space<hbm>>
    %dma_wait3A_1742 = tpu.memref_squeeze %dma_wait3A_1741 : memref<1x304xf32, #tpu.memory_space<hbm>> -> memref<304xf32, #tpu.memory_space<hbm>>
    %dma_wait3A_1743 = arith.constant 0 : i32
    %dma_wait3A_1744 = tpu.memref_slice %arg8[%add3A_1524, %dma_wait3A_1743] : memref<408x304xf32, #tpu.memory_space<hbm>> -> memref<1x304xf32, #tpu.memory_space<hbm>>
    %dma_wait3A_1745 = tpu.memref_squeeze %dma_wait3A_1744 : memref<1x304xf32, #tpu.memory_space<hbm>> -> memref<304xf32, #tpu.memory_space<hbm>>
    %dma_wait3A_1746 = arith.constant 4224 : i32
    %dma_wait3A_1747 = tpu.memref_slice %arg14[%dma_wait3A_1746] : memref<5760xf32, #tpu.memory_space<vmem>> -> memref<304xf32, #tpu.memory_space<vmem>>
    tpu.wait_dma2 semaphore(%arg18 : memref<!tpu.dma_semaphore, #tpu.memory_space<semaphore_mem>>) src(%dma_wait3A_1747 : memref<304xf32, #tpu.memory_space<vmem>>) dst(%dma_wait3A_1745 : memref<304xf32, #tpu.memory_space<hbm>>)
    %dma_wait3A_1748 = arith.constant 4992 : i32
    %dma_wait3A_1749 = tpu.memref_slice %arg14[%dma_wait3A_1748] : memref<5760xf32, #tpu.memory_space<vmem>> -> memref<304xf32, #tpu.memory_space<vmem>>
    %dma_wait3A_1750 = arith.constant 0 : i32
    %dma_wait3A_1751 = tpu.memref_slice %arg9[%add3A_1578, %dma_wait3A_1750] : memref<32x304xf32, #tpu.memory_space<hbm>> -> memref<1x304xf32, #tpu.memory_space<hbm>>
    %dma_wait3A_1752 = tpu.memref_squeeze %dma_wait3A_1751 : memref<1x304xf32, #tpu.memory_space<hbm>> -> memref<304xf32, #tpu.memory_space<hbm>>
    %dma_wait3A_1753 = arith.constant 0 : i32
    %dma_wait3A_1754 = tpu.memref_slice %arg9[%add3A_1578, %dma_wait3A_1753] : memref<32x304xf32, #tpu.memory_space<hbm>> -> memref<1x304xf32, #tpu.memory_space<hbm>>
    %dma_wait3A_1755 = tpu.memref_squeeze %dma_wait3A_1754 : memref<1x304xf32, #tpu.memory_space<hbm>> -> memref<304xf32, #tpu.memory_space<hbm>>
    %dma_wait3A_1756 = arith.constant 4992 : i32
    %dma_wait3A_1757 = tpu.memref_slice %arg14[%dma_wait3A_1756] : memref<5760xf32, #tpu.memory_space<vmem>> -> memref<304xf32, #tpu.memory_space<vmem>>
    tpu.wait_dma2 semaphore(%arg18 : memref<!tpu.dma_semaphore, #tpu.memory_space<semaphore_mem>>) src(%dma_wait3A_1757 : memref<304xf32, #tpu.memory_space<vmem>>) dst(%dma_wait3A_1755 : memref<304xf32, #tpu.memory_space<hbm>>)
    return
  }
}

</mosaic_0001>

<sc_bundles>
// kernel: kernel.3.cloned.1.call-start
scs
__scs_entry_jumppad:
0x0: {  	(pc) =	sbr.rel $0x88, $3  }
0x1: {  	(tag) =	ssettag $0x0;
	lr =	simm.s32 $0x1  }
0x2: {  	[smem:$0x3F9D] =	sst lr;
	_ =	strace $0xD0000000  }
0x3: {  	_ = 	snop  }
0x4: {  	_ = 	snop  }
0x5: {  	_ = 	snop  }
0x6: {  	_ = 	snop  }
0x7: {  	_ = 	snop  }
__scs_overlays_trampoline_lowered:
0x8: {  	[smem:$0x3FAC] =	sst s0  }
0x9: {  	[smem:$0x3FAD] =	sst s1  }
0xa: {  	[smem:$0x3FAE] =	sst s2  }
0xb: {  	[smem:$0x3FAF] =	sst s3  }
0xc: {  	[smem:$0x3FB0] =	sst s4  }
0xd: {  	[smem:$0x3FB1] =	sst s5  }
0xe: {  	[smem:$0x3FB2] =	sst s6  }
0xf: {  	[smem:$0x3FB3] =	sst s7  }
0x10: {  	[smem:$0x3FB4] =	sst s8  }
0x11: {  	[smem:$0x3FB5] =	sst s9;
	s0 =	simm.s32 @!p0 $0x0  }
0x12: {  	s1 =	sld [smem:$0x3F9B];
	s0 =	simm.s32 @p0 $0x1  }
0x13: {  	[smem:$0x3FB6] =	sst s0;
	s0 =	simm.s32 @!p1 $0x0  }
0x14: {  	s2 =	sld [smem:$0x3F9A];
	s0 =	simm.s32 @p1 $0x1  }
0x15: {  	[smem:$0x3FB7] =	sst s0;
	s0 =	simm.s32 @!p2 $0x0  }
0x16: {  	s3 =	sld [smem:$0x3FDB];
	s0 =	simm.s32 @p2 $0x1  }
0x17: {  	s4 =	simm.s32 $0x1BF5;
	[smem:$0x3FB9] =	sst s0  }
0x18: {  	s0 =	sld [smem:$0x3F9C];
	_ =	swait.ge [sflag:s4], $0x0  }
0x19: {  	s7 =	sld [smem:$0x3F9D]  }
0x1a: {  	s8 =	sadd.s32 $0xFFFFE003, lr  }
0x1b: {  	s9 =	sadd.s32 $0xFFFFFEF7, lr;
	s5 =	simm.s32 $0xFFFFFFFF;
	p2 =	slt.u32 s8, $0xFFFFF086  }
0x1c: {  	p1 =	slt.u32 s9, $0xF7A;
	s5 =	simm.s32 @!p2 $0x0  }
0x1d: {  	s5 =	simm.s32 @p1 $0x1;
	p0 =	seq.s32 s7, s2  }
0x1e: {  	s7 =	smul.u32 @!p0 $0xF7A, s2;
	p2 =	seq.s32 @!p0 s5, $0x0  }
0x1f: {  	s9 =	smul.u32 $0xF7A, s1;
	s8 =	simm.s32 @!p0 $0x1BF5;
	p2 =	por !p2, p0  }
0x20: {  	[sflag:s8] =	ssyncset.s32 @!p0 $0xFFFFF086;
	s6 =	sadd.s32 @!p0 s3, s7;
	s7 =	simm.s32 @!p0 $0x108  }
0x21: {  	s3 =	sadd.s32 s3, s9;
	s6 =	sadd.s32 @!p0 $0x88, s6;
	s7 =	simm.s32 @p2 $0x1082  }
0x22: {  	[simem:s7], [sflag:s8] =	dma.local @!p0 [hbm:s6], $0xF7A  }
0x23: {  	s9 =	sor.u32 $0xD0000000, s2;
	s6 =	simm.s32 $0x108;
	_ =	swait.ge @!p0 [sflag:s8], $0x0  }
0x24: {  	s3 =	sadd.s32 $0x88, s3;
	s6 =	simm.s32 @!p1 $0x1082;
	[sflag:s4] =	ssyncset.s32 $0xFFFFF086  }
0x25: {  	[simem:s6], [sflag:s4] =	dma.local [hbm:s3], $0xF7A  }
0x26: {  	[smem:$0x3F9D] =	sst s1;
	(tag) =	ssettag s2;
	_ =	strace s9  }
0x27: {  	s1 =	sld [smem:$0x3FAD]  }
0x28: {  	s2 =	sld [smem:$0x3FAE]  }
0x29: {  	s4 =	sld [smem:$0x3FB0]  }
0x2a: {  	p0 =	seq.s32 s5, $0x0;
	s5 =	sld [smem:$0x3FB1]  }
0x2b: {  	s6 =	sld [smem:$0x3FB2]  }
0x2c: {  	s7 =	sld [smem:$0x3FB3]  }
0x2d: {  	s3 =	simm.s32 $0x108;
	s8 =	sld [smem:$0x3FB4]  }
0x2e: {  	s3 =	simm.s32 @!p0 $0x1082;
	s9 =	sld [smem:$0x3FB5]  }
0x2f: {  	lr =	sadd.s32 s0, s3;
	s0 =	sld [smem:$0x3FAC]  }
0x30: {  	s3 =	sld [smem:$0x3FAF]  }
0x31: {  	[smem:$0x3FB8] =	sst s10  }
0x32: {  	s10 =	sld [smem:$0x3FB6];
	_ =	sdelay $0x3  }
0x33: {  	p0 =	seq.s32 s10, $0x1;
	s10 =	sld [smem:$0x3FB8];
	_ =	sdelay $0x3  }
0x34: {  	[smem:$0x3FB8] =	sst s10  }
0x35: {  	s10 =	sld [smem:$0x3FB7];
	_ =	sdelay $0x3  }
0x36: {  	p1 =	seq.s32 s10, $0x1;
	s10 =	sld [smem:$0x3FB8];
	_ =	sdelay $0x3  }
0x37: {  	[smem:$0x3FB8] =	sst s10  }
0x38: {  	s10 =	sld [smem:$0x3FB9]  }
0x39: {  	_ = 	snop;
	(pc) =	sbr.ind lr, $3  }
0x3a: {  	_ = 	snop  }
0x3b: {  	_ = 	snop  }
0x3c: {  	p2 =	seq.s32 s10, $0x1;
	s10 =	sld [smem:$0x3FB8]  }
0x3d: {  	_ =	shalt  }
0x3e: {  	_ =	shalt  }
0x3f: {  	_ =	shalt  }
0x40: {  	_ =	shalt  }
0x41: {  	_ =	shalt  }
0x42: {  	_ =	shalt  }
0x43: {  	_ =	shalt  }
0x44: {  	_ =	shalt  }
0x45: {  	_ =	shalt  }
0x46: {  	_ =	shalt  }
0x47: {  	_ =	shalt  }
0x48: {  	_ =	shalt  }
0x49: {  	_ =	shalt  }
0x4a: {  	_ =	shalt  }
0x4b: {  	_ =	shalt  }
0x4c: {  	_ =	shalt  }
0x4d: {  	_ =	shalt  }
0x4e: {  	_ =	shalt  }
0x4f: {  	_ =	shalt  }
0x50: {  	_ =	shalt  }
0x51: {  	_ =	shalt  }
0x52: {  	_ =	shalt  }
0x53: {  	_ =	shalt  }
0x54: {  	_ =	shalt  }
0x55: {  	_ =	shalt  }
0x56: {  	_ =	shalt  }
0x57: {  	_ =	shalt  }
0x58: {  	_ =	shalt  }
0x59: {  	_ =	shalt  }
0x5a: {  	_ =	shalt  }
0x5b: {  	_ =	shalt  }
0x5c: {  	_ =	shalt  }
0x5d: {  	_ =	shalt  }
0x5e: {  	_ =	shalt  }
0x5f: {  	_ =	shalt  }
0x60: {  	_ =	shalt  }
0x61: {  	_ =	shalt  }
0x62: {  	_ =	shalt  }
0x63: {  	_ =	shalt  }
0x64: {  	_ =	shalt  }
0x65: {  	_ =	shalt  }
0x66: {  	_ =	shalt  }
0x67: {  	_ =	shalt  }
0x68: {  	_ =	shalt  }
0x69: {  	_ =	shalt  }
0x6a: {  	_ =	shalt  }
0x6b: {  	_ =	shalt  }
0x6c: {  	_ =	shalt  }
0x6d: {  	_ =	shalt  }
0x6e: {  	_ =	shalt  }
0x6f: {  	_ =	shalt  }
0x70: {  	_ =	shalt  }
0x71: {  	_ =	shalt  }
0x72: {  	_ =	shalt  }
0x73: {  	_ =	shalt  }
0x74: {  	_ =	shalt  }
0x75: {  	_ =	shalt  }
0x76: {  	_ =	shalt  }
0x77: {  	_ =	shalt  }
0x78: {  	_ =	shalt  }
0x79: {  	_ =	shalt  }
0x7a: {  	_ =	shalt  }
0x7b: {  	_ =	shalt  }
0x7c: {  	_ =	shalt  }
0x7d: {  	_ =	shalt  }
0x7e: {  	_ =	shalt  }
0x7f: {  	_ =	shalt  }
0x80: {  	_ =	shalt  }
0x81: {  	_ =	shalt  }
0x82: {  	_ =	shalt  }
0x83: {  	_ =	shalt  }
0x84: {  	_ =	shalt  }
0x85: {  	_ =	shalt  }
0x86: {  	_ =	shalt  }
0x87: {  	_ =	shalt  }
.Lfunc_end0:
.L_simem_size_0:
called_computation_lowered:
.L_overlay_start_0:
0x88: {  	s2 =	sld [smem:$0x3FD9]  }
0x89: {  	s3 =	sld [smem:$0x3FFE];
	_ =	sdelay $0x1  }
0x8a: {  	s1 =	srdreg.scid  }
0x8b: {  	s0 =	sand.u32 $0x1, s1  }
0x8c: {  	s14 =	sshll.u32 s0, $0xA;
	s2 =	sadd.s32 s3, s2  }
0x8d: {  	s2 =	sadd.s32 s2, s14  }
0x8e: {  	[smem:$0x3FC4] =	sst s2  }
0x8f: {  	_ = 	snop  }
0x90: {  	s2 =	sld [smem:$0x3FD0];
	_ =	sdelay $0x2  }
0x91: {  	s15 =	simm.s32 $0xA;
	s4 =	simm.s32 $0x10  }
0x92: {  	[smem:s4], [sflag:s15] =	dma.local [hbm:s2], $0x1  }
0x93: {  	_ =	swait.eq [sflag:s15], $0x1  }
0x94: {  	s16 =	sld [smem:$0x10]  }
0x95: {  	s17 =	sld [smem:$0x11];
	[sflag:s15] =	ssyncset.done $0x0  }
0x96: {  	s5 =	sld [smem:$0x12];
	[sflag:s15] =	ssyncadd.s32 $0xFFFFFFFF  }
0x97: {  	s18 =	sld [smem:$0x13];
	(tm) =	ssettm $0x1  }
0x98: {  	s6 =	sld [smem:$0x3FFB];
	_ =	sdelay $0x3  }
0x99: {  	_ =	strace s6  }
0x9a: {  	s6 =	sld [smem:$0x3FFC];
	_ =	sdelay $0x3  }
0x9b: {  	_ =	strace s6  }
0x9c: {  	s6 =	sld [smem:$0x3FFD];
	_ =	sdelay $0x3  }
0x9d: {  	_ =	strace s6  }
0x9e: {  	_ =	strace $0x8FFFFFFF  }
0x9f: {  	s19 =	sld [smem:$0x3FDB];
	_ =	sdelay $0x1  }
0xa0: {  	s7 =	simm.s32 $_scs_section_size  }
0xa1: {  	s8 =	simm.s32 $_size__tile_overlayer_lowered;
	s9 =	simm.s32 $_tile_overlayer_lowered  }
0xa2: {  	s22 =	simm.s32 $0x1BFF;
	s21 =	sshll.u32 s9, $0x1;
	s6 =	sadd.s32 s7, s19  }
0xa3: {  	s10 =	simm.s32 $0x0;
	s20 =	sshll.u32 s8, $0x1;
	s8 =	sadd.s32 s21, s6  }
0xa4: {  	[timem:s10], [sflag:s22] =	dma.local [hbm:s8], s20  }
0xa5: {  	_ =	swait.ge [sflag:s22], s20  }
0xa6: {  	s7 =	ssub.s32 $0x0, s20;
	[sflag:s22] =	ssyncset.done $0x0  }
0xa7: {  	[sflag:s22] =	ssyncadd.s32 s7;
	_ =	sdelay $0x1  }
0xa8: {  	s23 =	simm.s32 $0x1B8B  }
0xa9: {  	_ =	swait.ge [sflag:s23], $0x1  }
0xaa: {  	[sflag:s23] =	ssyncset.done $0x0  }
0xab: {  	s25 =	simm.s32 $0x1B8E;
	s24 =	sld [smem:$0x3FFE];
	[sflag:s23] =	ssyncadd.s32 $0xFFFFFFFF  }
0xac: {  	s26 =	simm.s32 $execute0_lowered;
	[smem:$0x3FD2] =	sst s25  }
0xad: {  	s8 =	sshll.u32 s26, $0x1;
	_ =	strace $0x80000046;
	[dreg:$0x1] =	wrdreg $0xFFFFFFFF  }
0xae: {  	s28 =	simm.s32 $_size_execute0_lowered;
	s6 =	sadd.s32 s6, s8;
	[dreg:$0x0] =	wrdreg $0x0  }
0xaf: {  	s8 =	sshll.u32 s28, $0x1;
	[dreg:$0x2] =	wrdreg s6  }
0xb0: {  	[dreg:$0x3] =	wrdreg s8  }
0xb1: {  	[dreg:$0x4] =	wrdreg $0xC0  }
0xb2: {  	_ =	task [dreg:s10], $0x5FFFF  }
0xb3: {  	[dreg:$0x1] =	wrdreg $0xFFFFFFFF  }
0xb4: {  	[dreg:$0x0] =	wrdreg $0x60  }
0xb5: {  	[dreg:$0x2] =	wrdreg s18  }
0xb6: {  	[dreg:$0x3] =	wrdreg s5  }
0xb7: {  	[dreg:$0x4] =	wrdreg s24  }
0xb8: {  	[dreg:$0x5] =	wrdreg s16  }
0xb9: {  	[dreg:$0x6] =	wrdreg s17  }
0xba: {  	[dreg:$0x7] =	wrdreg $0x9  }
0xbb: {  	_ =	task.clear_ibuf [dreg:s10], $0x8FFFF;
	_ =	strace $0x90000046  }
0xbc: {  	s29 =	simm.s32 $0x9;
	_ =	strace $0x80000048  }
0xbd: {  	_ =	swait.ge [sflag:s29], $0x1  }
0xbe: {  	[sflag:s29] =	ssyncadd.s32 $0xFFFFFFFF  }
0xbf: {  	_ =	strace $0x90000048  }
0xc0: {  	_ =	sfence  }
0xc1: {  	s30 =	sld [smem:$0x0];
	_ =	sdelay $0x2  }
0xc2: {  	s31 =	sshll.u32 s1, $0xD;
	s1 =	sshrl.u32 s1, $0x2  }
0xc3: {  	s3 =	sand.u32 $0x4000, s31;
	s1 =	sadd.s32 s1, s30  }
0xc4: {  	s0 =	sor.u32 s3, s0;
	s1 =	sshll.u32 s1, $0x11  }
0xc5: {  	s0 =	sor.u32 s1, s0  }
0xc6: {  	s0 =	sadd.s32 $0x8F2B, s0  }
0xc7: {  	[sflag:s0] =	ssyncadd.remote.s32 $0x1  }
0xc8: {  	_ =	sfence.sel $0xFFFF  }
0xc9: {  	[dreg:$0x0] =	wrdreg $0xFFFFFFFF;
	(pc) =	sbr.abs _section_cstart, $3  }
0xca: {  	[dreg:$0x1] =	wrdreg $0xFFFFFFFF  }
0xcb: {  	_ =	task.clear_ibuf [dreg:s10], $0x2FFFF;
	_ =	strace $0x9FFFFFFF  }
0xcc: {  	(tm) =	ssettm $0x7FFFFFFF  }
0xcd: {  	_ =	shalt  }
tec
execute0_lowered:
.L_overlay_start_1:
0x0: {  	(tag) =	ssettag $0x1  }
0x1: {  	s0 =	srdreg.scid;
	s2 =	stileid.u32  }
0x2: {  	s1 =	sand.u32 $0x1, s0;
	s21 =	sshll.u32 s2, $0x1  }
0x3: {  	s0 =	sor.u32 s1, s21  }
0x4: {  	s20 =	sshrl.u32 s2, $0x1;
	s18 =	sand.u32 $0x3, s0  }
0x5: {  	s12 =	sshll.u32 s0, $0x3;
	s22 =	sshll.u32 s18, $0x3;
	s23 =	sor.u32 $0x30, s18  }
0x6: {  	s12 =	sor.u32 s20, s12;
	s8 =	sor.u32 s20, s22;
	[dreg:$0x18] =	wrdreg s23  }
0x7: {  	s13 =	smin.u32 s23, $0x32;
	s23 =	sor.u32 $0xE0, s12;
	s2 =	smul.u32 $0x9C4, s8  }
0x8: {  	s24 =	sshll.u32 s13, $0x3;
	s13 =	smul.u32 $0x9C4, s23  }
0x9: {  	s3 =	sor.u32 $0x20, s8;
	s21 =	smul.u32 $0x26, s8  }
0xa: {  	s5 =	sor.u32 $0x40, s8;
	s4 =	smul.u32 $0x9C4, s3  }
0xb: {  	s7 =	sor.u32 $0x60, s8;
	s6 =	smul.u32 $0x9C4, s5  }
0xc: {  	s26 =	sor.u32 $0x80, s8;
	s9 =	smul.u32 $0x9C4, s7  }
0xd: {  	s28 =	rddreg [dreg:$0x2];
	s25 =	sor.u32 $0xA0, s8;
	s10 =	smul.u32 $0x9C4, s26  }
0xe: {  	s1 =	ssub.s32 $0x2, s1;
	s22 =	sor.u32 $0xC0, s8;
	s11 =	smul.u32 $0x9C4, s25  }
0xf: {  	s31 =	sshll.u32 s20, $0x2;
	s17 =	sshrl.u32 s1, $0x1;
	s14 =	smul.u32 $0x9C4, s22  }
0x10: {  	[dreg:$0x16] =	wrdreg s0;
	s29 =	ssub.s32 s1, s17;
	s3 =	smul.u32 $0x26, s3  }
0x11: {  	[dreg:$0x17] =	wrdreg s29;
	s19 =	sor.u32 $0x120, s8;
	s5 =	smul.u32 $0x26, s5  }
0x12: {  	s29 =	sor.u32 s31, s18;
	s17 =	sor.u32 $0x140, s8;
	s15 =	smul.u32 $0x9C4, s19  }
0x13: {  	s31 =	sor.u32 $0x100, s8;
	s12 =	sor.u32 s20, s24;
	s0 =	smul.u32 $0x9C4, s17  }
0x14: {  	s16 =	sor.u32 $0x160, s8;
	s24 =	sadd.s32 $0x18A00, s28;
	s30 =	smul.u32 $0x9C4, s12  }
0x15: {  	s1 =	sadd.s32 s24, s2;
	s12 =	smul.u32 $0x26, s7;
	[dreg:$0x19] =	wrdreg s3  }
0x16: {  	s8 =	sadd.s32 s24, s13;
	[dreg:$0x1a] =	wrdreg s5;
	s2 =	sadd.s32 s24, s4  }
0x17: {  	s3 =	sadd.s32 s24, s6;
	s4 =	sadd.s32 s24, s9;
	s5 =	sadd.s32 s24, s10  }
0x18: {  	s6 =	sadd.s32 s24, s11;
	[dreg:$0x1b] =	wrdreg s12;
	s12 =	smul.u32 $0x9C4, s31  }
0x19: {  	s7 =	sadd.s32 s24, s14;
	s14 =	smul.u32 $0x9C4, s16;
	s10 =	sadd.s32 s24, s15  }
0x1a: {  	s11 =	sadd.s32 s24, s0;
	s15 =	smul.u32 $0x9C4, s29;
	s9 =	sadd.s32 s24, s12  }
0x1b: {  	s12 =	sadd.s32 s24, s14;
	s14 =	sadd.s32 s24, s30;
	s24 =	smul.u32 $0x9C4, s20  }
0x1c: {  	s13 =	simm.s32 $0x0  }
0x1d: {  	s30 =	sadd.s32 s15, s28;
	s15 =	sadd.s32 s28, s24;
	s24 =	sadd.s32 $0x111E00, s28  }
0x1e: {  	s26 =	smul.u32 $0x26, s26;
	[smem:$0x7FF] =	sst s13;
	s21 =	sadd.s32 s24, s21  }
0x1f: {  	s19 =	smul.u32 $0x26, s19;
	[dreg:$0x6] =	wrdreg s21  }
0x20: {  	s17 =	smul.u32 $0x26, s17;
	s26 =	sadd.s32 s24, s26;
	s21 =	rddreg [dreg:$0x19]  }
0x21: {  	s16 =	smul.u32 $0x26, s16;
	s19 =	sadd.s32 s24, s19;
	[dreg:$0xa] =	wrdreg s26  }
0x22: {  	s25 =	smul.u32 $0x26, s25;
	s17 =	sadd.s32 s24, s17;
	[dreg:$0xf] =	wrdreg s19  }
0x23: {  	s16 =	sadd.s32 s24, s16;
	[dreg:$0x10] =	wrdreg s17  }
0x24: {  	s31 =	smul.u32 $0x26, s31;
	s26 =	sadd.s32 s24, s25;
	[dreg:$0x11] =	wrdreg s16  }
0x25: {  	[dreg:$0xb] =	wrdreg s26  }
0x26: {  	s21 =	sadd.s32 s24, s21;
	s26 =	sadd.s32 s24, s31;
	s31 =	rddreg [dreg:$0x18]  }
0x27: {  	[dreg:$0x7] =	wrdreg s21  }
0x28: {  	p1 =	seq.s32 s18, $0x3;
	s21 =	smul.u32 $0x26, s22;
	s22 =	rddreg [dreg:$0x1a]  }
0x29: {  	s0 =	smul.u32 $0x26, s20;
	[dreg:$0xe] =	wrdreg s26;
	s22 =	sadd.s32 s24, s22  }
0x2a: {  	p2 =	sne.s32 s18, $0x0;
	s18 =	simm.s32 $0x80;
	[dreg:$0x8] =	wrdreg s22  }
0x2b: {  	s0 =	sadd.s32 s0, s28;
	s22 =	rddreg [dreg:$0x1b];
	s21 =	sadd.s32 s24, s21  }
0x2c: {  	s0 =	sadd.s32 $0x111C00, s0;
	s22 =	sadd.s32 s24, s22;
	[dreg:$0xc] =	wrdreg s21  }
0x2d: {  	s21 =	sshll.u32 s31, $0x3;
	[dreg:$0x9] =	wrdreg s22;
	s22 =	smul.u32 $0x26, s23  }
0x2e: {  	s26 =	rddreg [dreg:$0x4];
	s21 =	sor.u32 s20, s21;
	s23 =	smul.u32 $0x26, s29  }
0x2f: {  	v0 =	vimm.s32 $0xFFEDCBA9;
	v1 =	vimm.s32 $0x87654321;
	s29 =	rddreg [dreg:$0x16];
	s25 =	sadd.s32 s24, s22;
	s22 =	smul.u32 $0x26, s21  }
0x30: {  	v0 =	vunpack.c.l.s4.s8 v0;
	v1 =	vunpack.c.l.s4.s8 v1;
	s28 =	sadd.s32 $0x5000, s30;
	s16 =	sadd.s32 s26, s23;
	[dreg:$0xd] =	wrdreg s25  }
0x31: {  	s30 =	simm.s32 $0x2;
	[dreg:$0x13] =	wrdreg s16;
	s25 =	sadd.s32 s24, s22  }
.Ltmp0:
0x32: {  	v0 =	vunpack.c.0.s8.s32 v0;
	v1 =	vunpack.c.0.s8.s32 v1;
	s19 =	simm.s32 $0x12C0;
	[dreg:$0x12] =	wrdreg s25;
	(pc) =	sbr.rel .LBB2_1-.Ltmp0, $4  }
0x33: {  	p0 =	sne.s32 s29, $0x0;
	s21 =	simm.s32 $0x1340;
	_ =	strace $0x80000047  }
0x34: {  	v3 =	vcombine.low v1, v0;
	s23 =	simm.s32 $0x13C0;
	s16 =	simm.s32 $0x1;
	s31 =	rddreg [dreg:$0x17]  }
0x35: {  	v2 =	vlaneseq.u32;
	s22 =	simm.s32 $0x2C;
	[dreg:$0x14] =	wrdreg s0;
	s0 =	smax.u32 s31, $0x1  }
0x36: {  	v0 =	vmov s20;
	v1 =	vimm.s32 $0x0;
	v3 =	vand.u32 $0xF, v3;
	s25 =	simm.s32 $0x0;
	[dreg:$0x15] =	wrdreg s0;
	s0 =	simm.s32 $0x960  }
.LBB2_79:
0x37: {  	s24 =	smov.u32 s29  }
.LBB2_83:
0x38: {  	s20 =	sadd.s32 @p4 $0x10, s24  }
0x39: {  	s29 =	smov.u32 @p4 s20  }
0x3a: {  	v5 =	vor.u32 s29, v2  }
0x3b: {  	vm0 =	vlt.s32 v5, v4  }
0x3c: {  	v4 =	vnsel vm0, $0x0, v6  }
0x3d: {  	s26 =	rddreg [dreg:$0x14];
	s31 =	simm.s32 $0x3;
	s29 =	simm.s32 $0x2940;
	[tilespmem:s17+$0x0] =	vst v4  }
0x3e: {  	[hbm4b:s26+s13] =	stream.linear.scatter [tilespmem:s29], [sflag:$0x3], $0x130, $0x38;
	[tilespmem:$0x2AE0] =	vst v63  }
0x3f: {  	_ =	swait.ge [sflag:s31], $0x130  }
0x40: {  	[sflag:s31] =	ssyncset.done $0x0  }
0x41: {  	[sflag:s31] =	ssyncadd.s32 $0xFFFFFED0  }
.LBB2_84:
0x42: {  	_ =	swait.ge [sflag:s30], $0x130  }
0x43: {  	[sflag:s30] =	ssyncset.done $0x0  }
0x44: {  	[sflag:s30] =	ssyncadd.s32 $0xFFFFFED0  }
0x45: {  	_ =	swait.ge [sflag:s30], $0x130  }
0x46: {  	[sflag:s30] =	ssyncset.done $0x0  }
0x47: {  	[sflag:s30] =	ssyncadd.s32 $0xFFFFFED0  }
0x48: {  	_ =	swait.ge [sflag:s30], $0x130  }
0x49: {  	[sflag:s30] =	ssyncset.done $0x0  }
0x4a: {  	[sflag:s30] =	ssyncadd.s32 $0xFFFFFED0  }
0x4b: {  	_ =	swait.ge [sflag:s30], $0x130  }
0x4c: {  	[sflag:s30] =	ssyncset.done $0x0  }
0x4d: {  	[sflag:s30] =	ssyncadd.s32 $0xFFFFFED0  }
0x4e: {  	_ =	swait.ge [sflag:s30], $0x130  }
0x4f: {  	[sflag:s30] =	ssyncset.done $0x0  }
0x50: {  	[sflag:s30] =	ssyncadd.s32 $0xFFFFFED0  }
0x51: {  	_ =	swait.ge [sflag:s30], $0x130  }
0x52: {  	[sflag:s30] =	ssyncset.done $0x0  }
0x53: {  	[sflag:s30] =	ssyncadd.s32 $0xFFFFFED0  }
0x54: {  	_ =	swait.ge [sflag:s30], $0x130  }
0x55: {  	[sflag:s30] =	ssyncset.done $0x0  }
0x56: {  	[sflag:s30] =	ssyncadd.s32 $0xFFFFFED0  }
0x57: {  	_ =	swait.ge [sflag:s30], $0x130  }
0x58: {  	[sflag:s30] =	ssyncset.done $0x0  }
0x59: {  	[sflag:s30] =	ssyncadd.s32 $0xFFFFFED0  }
0x5a: {  	_ =	swait.ge [sflag:s30], $0x130  }
0x5b: {  	[sflag:s30] =	ssyncset.done $0x0  }
0x5c: {  	[sflag:s30] =	ssyncadd.s32 $0xFFFFFED0  }
0x5d: {  	_ =	swait.ge [sflag:s30], $0x130  }
0x5e: {  	[sflag:s30] =	ssyncset.done $0x0  }
0x5f: {  	[sflag:s30] =	ssyncadd.s32 $0xFFFFFED0  }
0x60: {  	_ =	swait.ge [sflag:s30], $0x130  }
0x61: {  	[sflag:s30] =	ssyncset.done $0x0  }
0x62: {  	[sflag:s30] =	ssyncadd.s32 $0xFFFFFED0  }
0x63: {  	_ =	swait.ge [sflag:s30], $0x130  }
0x64: {  	[sflag:s30] =	ssyncset.done $0x0  }
0x65: {  	[sflag:s30] =	ssyncadd.s32 $0xFFFFFED0  }
0x66: {  	_ =	swait.ge [sflag:s30], $0x130  }
0x67: {  	s25 =	sadd.s32 $0x1, s25;
	s17 =	rddreg [dreg:$0x15]  }
0x68: {  	p3 =	sne.s32 s25, s17  }
.Ltmp1:
0x69: {  	_ = 	snop;
	(pc) =	sbr.rel @!p3 .LBB2_85-.Ltmp1, $3  }
0x6a: {  	_ =	sdelay $0x1  }
0x6b: {  	[sflag:s30] =	ssyncset.done $0x0  }
0x6c: {  	[sflag:s30] =	ssyncadd.s32 $0xFFFFFED0  }
.LBB2_1:
0x6d: {  	s17 =	rddreg [dreg:$0x0]  }
0x6e: {  	[tilespmem:s13], [sflag:$0x1] =	stream.linear.gather [hbm4b:s17+s13], $0x960, $0x38;
	[tilespmem:$0x2AE0] =	vst v63  }
0x6f: {  	s31 =	rddreg [dreg:$0x1]  }
0x70: {  	[tilespmem:s0], [sflag:$0x1] =	stream.linear.gather [hbm4b:s31+s13], $0x960, $0x38;
	[tilespmem:$0x2AE0] =	vst v63  }
0x71: {  	_ =	swait.ge [sflag:s16], $0x960  }
0x72: {  	[sflag:s16] =	ssyncset.done $0x0  }
0x73: {  	[sflag:s16] =	ssyncadd.s32 $0xFFFFF6A0  }
0x74: {  	_ =	swait.ge [sflag:s16], $0x960  }
0x75: {  	[sflag:s16] =	ssyncset.done $0x0  }
0x76: {  	v5 =	vimm.s32 $0x960;
	v4 =	vimm.s32 $0x0;
	s17 =	simm.s32 $0xC;
	[sflag:s16] =	ssyncadd.s32 $0xFFFFF6A0  }
.LBB2_2:
0x77: {  	p3 =	sne.s32 s17, $0x1;
	vm0 =	vlt.s32 v4, v5;
	v6 =	vadd.s32 v4, v5  }
0x78: {  	v7 =	vand.u32 $0x1, v6  }
0x79: {  	v8 =	vshrl.u32 v6, $0x1F;
	vm1 =	vlt.s32 v6, $0x1;
	vm2 =	veq.s32 v7, $0x1  }
0x7a: {  	v6 =	vadd.s32 v8, v6;
	vm1 =	vmand vm1, vm2  }
0x7b: {  	v6 =	vshra.s32 v6, $0x1;
	v7 =	vsel vm1, $0xFFFFFFFF, v1  }
0x7c: {  	v6 =	vadd.s32 v7, v6  }
0x7d: {  	vm1 =	vlt.s32 v6, $0x95F  }
0x7e: {  	v7 =	vnsel vm1, $0x95F, v6;
	_ =	sdelay $0x4  }
0x7f: {  	v7 =	vld.idx.msk [tilespmem:v7+s13+$0x0], $0xffff;
	_ =	sdelay $0x4  }
.Ltmp2:
0x80: {  	(pc) =	sbr.rel @p3 .LBB2_2-.Ltmp2, $4  }
0x81: {  	vm1 =	vlt.s32 v7, v2  }
0x82: {  	v7 =	vadd.s32 $0x1, v6;
	vm1 =	vmand vm0, vm1  }
0x83: {  	v4 =	vsel vm1, v7, v4;
	vm0 =	vmxor vm0, vm1  }
0x84: {  	s17 =	sadd.s32 $0xFFFFFFFF, s17;
	v5 =	vsel vm0, v6, v5  }
0x85: {  	v6 =	vadd.s32 v4, v5  }
0x86: {  	v7 =	vand.u32 $0x1, v6  }
0x87: {  	v8 =	vshrl.u32 v6, $0x1F;
	vm0 =	vlt.s32 v6, $0x1;
	vm1 =	veq.s32 v7, $0x1  }
0x88: {  	v6 =	vadd.s32 v8, v6;
	vm0 =	vmand vm0, vm1  }
0x89: {  	v6 =	vshra.s32 v6, $0x1;
	v7 =	vsel vm0, $0xFFFFFFFF, v1  }
0x8a: {  	v6 =	vadd.s32 v7, v6  }
0x8b: {  	vm10 =	vlt.s32 v6, $0x95F  }
0x8c: {  	v7 =	vnsel vm10, $0x95F, v6;
	_ =	sdelay $0x4  }
0x8d: {  	v7 =	vld.idx.msk [tilespmem:v7+s13+$0x0], $0xffff;
	_ =	sdelay $0x4  }
0x8e: {  	vm11 =	vlt.s32 v4, v5;
	vm12 =	vlt.s32 v7, v2  }
0x8f: {  	v5 =	vadd.s32 $0x1, v6;
	vm0 =	vmand vm11, vm12  }
0x90: {  	v4 =	vsel vm0, v5, v4  }
0x91: {  	s26 =	simm.s32 $0x2AC0;
	[tilespmem:$0x2AC0] =	vst v4  }
0x92: {  	v5 =	vld.idx.msk [tilespmem:v3+s26+$0x0], $0xffff;
	_ =	sdelay $0x4  }
0x93: {  	v4 =	vsub.s32 v5, v4  }
0x94: {  	s17 =	simm.s32 @!p0 $0x0;
	s20 =	simm.s32 @!p0 $0x2AD0;
	s24 =	rddreg [dreg:$0x3];
	[tilespmem:$0x2AD0] =	vst v4  }
0x95: {  	[hbm4b:s24+s17] =	stream.linear.scatter @!p0 [tilespmem:s20], [sflag:$0x3], $0x8, $0x38;
	[tilespmem:$0x2AE0] =	vst v63  }
0x96: {  	s17 =	simm.s32 @!p0 $0x3  }
0x97: {  	_ =	swait.ge @!p0 [sflag:s17], $0x8  }
0x98: {  	[sflag:s17] =	ssyncset.done @!p0 $0x0  }
0x99: {  	[sflag:s17] =	ssyncadd.s32 @!p0 $0xFFFFFFF8  }
0x9a: {  	v4 =	vld.idx.msk [tilespmem:v0+s26+$0x0], $0xffff;
	_ =	sdelay $0x4  }
0x9b: {  	v4 =	vxor.u32 $0x80000000, v4  }
0x9c: {  	(xrf0) =	vmax.scan.msk.u32 $0xffff, v4;
	_ =	sdelay $0x1  }
0x9d: {  	s20 =	simm.s32 $0x2AD0  }
0x9e: {  	v4 =	vld.idx.msk [tilespmem:v0+s20+$0x0], $0xffff;
	_ =	sdelay $0x2  }
0x9f: {  	v5, _, _ =	vpop (xrf0)  }
0xa0: {  	(v2sf) =	vpush v5, $0xF  }
0xa1: {  	v4 =	vxor.u32 $0x80000000, v4  }
0xa2: {  	(xrf0) =	vmax.scan.msk.u32 $0xffff, v4;
	_ =	sdelay $0x5  }
0xa3: {  	v4, _, _ =	vpop (xrf0)  }
0xa4: {  	(v2sf) =	vpush v4, $0xF;
	_ =	sdelay $0x5  }
0xa5: {  	s24 =	spop (v2sf)  }
0xa6: {  	s26 =	simm.s32 $0x0;
	s17 =	sxor.u32 $0x80000000, s24  }
0xa7: {  	v7 =	vor.u32 s26, v2;
	v5 =	vmov s17  }
0xa8: {  	v4 =	vadd.s32 v5, v7  }
0xa9: {  	vm13 =	vlt.s32 v4, $0x95F  }
0xaa: {  	v4 =	vnsel vm13, $0x95F, v4;
	_ =	sdelay $0x2  }
0xab: {  	s24 =	simm.s32 $0x10  }
0xac: {  	v6 =	vor.u32 s24, v2;
	s26 =	spop (v2sf)  }
0xad: {  	s31 =	sxor.u32 $0x80000000, s26;
	v8 =	vld.idx.msk [tilespmem:v4+s0+$0x0], $0xffff;
	v4 =	vadd.s32 v5, v6  }
0xae: {  	p3 =	slt.s32 s31, $0x12C;
	s24 =	smov.u32 s31;
	vm14 =	vlt.s32 v4, $0x95F  }
0xaf: {  	s24 =	simm.s32 @!p3 $0x12C;
	v9 =	vnsel vm14, $0x95F, v4  }
0xb0: {  	v4 =	vmov s24  }
0xb1: {  	vm15 =	vlt.s32 v7, v4  }
0xb2: {  	s17 =	simm.s32 $0x12C0;
	v7 =	vnsel vm15, $0x0, v8  }
0xb3: {  	s20 =	simm.s32 $0x20;
	[tilespmem:s17+$0x0] =	vst v7  }
0xb4: {  	s29 =	simm.s32 $0x30;
	v7 =	vor.u32 s20, v2;
	v8 =	vld.idx.msk [tilespmem:v9+s0+$0x0], $0xffff  }
.LBB2_4:
0xb5: {  	p3 =	sne.s32 s29, $0x170;
	v9 =	vadd.s32 v5, v7  }
0xb6: {  	vm0 =	vlt.s32 v9, $0x95F  }
0xb7: {  	v9 =	vnsel vm0, $0x95F, v9  }
.Ltmp3:
0xb8: {  	(pc) =	sbr.rel @p3 .LBB2_4-.Ltmp3, $4  }
0xb9: {  	vm0 =	vlt.s32 v6, v4;
	v6 =	vmov v7  }
0xba: {  	s17 =	sadd.s32 $0x10, s17;
	v7 =	vnsel vm0, $0x0, v8  }
0xbb: {  	[tilespmem:s17+$0x0] =	vst v7  }
0xbc: {  	v7 =	vor.u32 s29, v2;
	s29 =	sadd.s32 $0x10, s29;
	v8 =	vld.idx.msk [tilespmem:v9+s0+$0x0], $0xffff  }
0xbd: {  	v5 =	vadd.s32 v5, v7  }
0xbe: {  	vm0 =	vlt.s32 v5, $0x95F  }
0xbf: {  	v5 =	vnsel vm0, $0x95F, v5;
	_ =	sdelay $0x1  }
0xc0: {  	vm14 =	vlt.s32 v6, v4  }
0xc1: {  	s17 =	sadd.s32 $0x10, s17;
	v6 =	vnsel vm14, $0x0, v8  }
0xc2: {  	[tilespmem:s17+$0x0] =	vst v6  }
0xc3: {  	v5 =	vld.idx.msk [tilespmem:v5+s0+$0x0], $0xffff;
	_ =	sdelay $0x3  }
0xc4: {  	vm15 =	vlt.s32 v7, v4  }
0xc5: {  	s17 =	sadd.s32 $0x10, s17;
	v5 =	vnsel vm15, $0x0, v5  }
0xc6: {  	s20 =	simm.s32 $0x1440;
	[tilespmem:s17+$0x0] =	vst v5  }
0xc7: {  	[tilespmem:s20], [sflag:$0x1] =	stream.indirect.gather [hbm4b:s1+s18], $0x1, s19, s18, $0xb8;
	[tilespmem:$0x2AE0] =	vst v63  }
0xc8: {  	s20 =	simm.s32 $0x14C0  }
0xc9: {  	[tilespmem:s20], [sflag:$0x1] =	stream.indirect.gather [hbm4b:s1+s18], $0x1, s21, s18, $0xb8;
	[tilespmem:$0x2AE0] =	vst v63  }
0xca: {  	s20 =	simm.s32 $0x1540  }
0xcb: {  	[tilespmem:s20], [sflag:$0x1] =	stream.indirect.gather [hbm4b:s1+s22], $0x1, s23, s22, $0xb8;
	[tilespmem:$0x2AE0] =	vst v63  }
0xcc: {  	s20 =	simm.s32 $0x15C0  }
0xcd: {  	[tilespmem:s20], [sflag:$0x1] =	stream.indirect.gather [hbm4b:s2+s18], $0x1, s19, s18, $0xb8;
	[tilespmem:$0x2AE0] =	vst v63  }
0xce: {  	s20 =	simm.s32 $0x1640  }
0xcf: {  	[tilespmem:s20], [sflag:$0x1] =	stream.indirect.gather [hbm4b:s2+s18], $0x1, s21, s18, $0xb8;
	[tilespmem:$0x2AE0] =	vst v63  }
0xd0: {  	s20 =	simm.s32 $0x16C0  }
0xd1: {  	[tilespmem:s20], [sflag:$0x1] =	stream.indirect.gather [hbm4b:s2+s22], $0x1, s23, s22, $0xb8;
	[tilespmem:$0x2AE0] =	vst v63  }
0xd2: {  	s20 =	simm.s32 $0x1740  }
0xd3: {  	[tilespmem:s20], [sflag:$0x1] =	stream.indirect.gather [hbm4b:s3+s18], $0x1, s19, s18, $0xb8;
	[tilespmem:$0x2AE0] =	vst v63  }
0xd4: {  	s20 =	simm.s32 $0x17C0  }
0xd5: {  	[tilespmem:s20], [sflag:$0x1] =	stream.indirect.gather [hbm4b:s3+s18], $0x1, s21, s18, $0xb8;
	[tilespmem:$0x2AE0] =	vst v63  }
0xd6: {  	s20 =	simm.s32 $0x1840  }
0xd7: {  	[tilespmem:s20], [sflag:$0x1] =	stream.indirect.gather [hbm4b:s3+s22], $0x1, s23, s22, $0xb8;
	[tilespmem:$0x2AE0] =	vst v63  }
0xd8: {  	s20 =	simm.s32 $0x18C0  }
0xd9: {  	[tilespmem:s20], [sflag:$0x1] =	stream.indirect.gather [hbm4b:s4+s18], $0x1, s19, s18, $0xb8;
	[tilespmem:$0x2AE0] =	vst v63  }
0xda: {  	s20 =	simm.s32 $0x1940  }
0xdb: {  	[tilespmem:s20], [sflag:$0x1] =	stream.indirect.gather [hbm4b:s4+s18], $0x1, s21, s18, $0xb8;
	[tilespmem:$0x2AE0] =	vst v63  }
0xdc: {  	s20 =	simm.s32 $0x19C0  }
0xdd: {  	[tilespmem:s20], [sflag:$0x1] =	stream.indirect.gather [hbm4b:s4+s22], $0x1, s23, s22, $0xb8;
	[tilespmem:$0x2AE0] =	vst v63  }
0xde: {  	s20 =	simm.s32 $0x1A40  }
0xdf: {  	[tilespmem:s20], [sflag:$0x1] =	stream.indirect.gather [hbm4b:s5+s18], $0x1, s19, s18, $0xb8;
	[tilespmem:$0x2AE0] =	vst v63  }
0xe0: {  	s20 =	simm.s32 $0x1AC0  }
0xe1: {  	[tilespmem:s20], [sflag:$0x1] =	stream.indirect.gather [hbm4b:s5+s18], $0x1, s21, s18, $0xb8;
	[tilespmem:$0x2AE0] =	vst v63  }
0xe2: {  	s20 =	simm.s32 $0x1B40  }
0xe3: {  	[tilespmem:s20], [sflag:$0x1] =	stream.indirect.gather [hbm4b:s5+s22], $0x1, s23, s22, $0xb8;
	[tilespmem:$0x2AE0] =	vst v63  }
0xe4: {  	s20 =	simm.s32 $0x1BC0  }
0xe5: {  	[tilespmem:s20], [sflag:$0x1] =	stream.indirect.gather [hbm4b:s6+s18], $0x1, s19, s18, $0xb8;
	[tilespmem:$0x2AE0] =	vst v63  }
0xe6: {  	s20 =	simm.s32 $0x1C40  }
0xe7: {  	[tilespmem:s20], [sflag:$0x1] =	stream.indirect.gather [hbm4b:s6+s18], $0x1, s21, s18, $0xb8;
	[tilespmem:$0x2AE0] =	vst v63  }
0xe8: {  	s20 =	simm.s32 $0x1CC0  }
0xe9: {  	[tilespmem:s20], [sflag:$0x1] =	stream.indirect.gather [hbm4b:s6+s22], $0x1, s23, s22, $0xb8;
	[tilespmem:$0x2AE0] =	vst v63  }
0xea: {  	s20 =	simm.s32 $0x1D40  }
0xeb: {  	[tilespmem:s20], [sflag:$0x1] =	stream.indirect.gather [hbm4b:s7+s18], $0x1, s19, s18, $0xb8;
	[tilespmem:$0x2AE0] =	vst v63  }
0xec: {  	s20 =	simm.s32 $0x1DC0  }
0xed: {  	[tilespmem:s20], [sflag:$0x1] =	stream.indirect.gather [hbm4b:s7+s18], $0x1, s21, s18, $0xb8;
	[tilespmem:$0x2AE0] =	vst v63  }
0xee: {  	s20 =	simm.s32 $0x1E40  }
0xef: {  	[tilespmem:s20], [sflag:$0x1] =	stream.indirect.gather [hbm4b:s7+s22], $0x1, s23, s22, $0xb8;
	[tilespmem:$0x2AE0] =	vst v63  }
0xf0: {  	s20 =	simm.s32 $0x1EC0  }
0xf1: {  	[tilespmem:s20], [sflag:$0x1] =	stream.indirect.gather [hbm4b:s8+s18], $0x1, s19, s18, $0xb8;
	[tilespmem:$0x2AE0] =	vst v63  }
0xf2: {  	s20 =	simm.s32 $0x1F40  }
0xf3: {  	[tilespmem:s20], [sflag:$0x1] =	stream.indirect.gather [hbm4b:s8+s18], $0x1, s21, s18, $0xb8;
	[tilespmem:$0x2AE0] =	vst v63  }
0xf4: {  	s20 =	simm.s32 $0x1FC0  }
0xf5: {  	[tilespmem:s20], [sflag:$0x1] =	stream.indirect.gather [hbm4b:s8+s22], $0x1, s23, s22, $0xb8;
	[tilespmem:$0x2AE0] =	vst v63  }
0xf6: {  	s20 =	simm.s32 $0x2040  }
0xf7: {  	[tilespmem:s20], [sflag:$0x1] =	stream.indirect.gather [hbm4b:s9+s18], $0x1, s19, s18, $0xb8;
	[tilespmem:$0x2AE0] =	vst v63  }
0xf8: {  	s20 =	simm.s32 $0x20C0  }
0xf9: {  	[tilespmem:s20], [sflag:$0x1] =	stream.indirect.gather [hbm4b:s9+s18], $0x1, s21, s18, $0xb8;
	[tilespmem:$0x2AE0] =	vst v63  }
0xfa: {  	s20 =	simm.s32 $0x2140  }
0xfb: {  	[tilespmem:s20], [sflag:$0x1] =	stream.indirect.gather [hbm4b:s9+s22], $0x1, s23, s22, $0xb8;
	[tilespmem:$0x2AE0] =	vst v63  }
0xfc: {  	s20 =	simm.s32 $0x21C0  }
0xfd: {  	[tilespmem:s20], [sflag:$0x1] =	stream.indirect.gather [hbm4b:s10+s18], $0x1, s19, s18, $0xb8;
	[tilespmem:$0x2AE0] =	vst v63  }
0xfe: {  	s20 =	simm.s32 $0x2240  }
0xff: {  	[tilespmem:s20], [sflag:$0x1] =	stream.indirect.gather [hbm4b:s10+s18], $0x1, s21, s18, $0xb8;
	[tilespmem:$0x2AE0] =	vst v63  }
0x100: {  	s20 =	simm.s32 $0x22C0  }
0x101: {  	[tilespmem:s20], [sflag:$0x1] =	stream.indirect.gather [hbm4b:s10+s22], $0x1, s23, s22, $0xb8;
	[tilespmem:$0x2AE0] =	vst v63  }
0x102: {  	s20 =	simm.s32 $0x2340  }
0x103: {  	[tilespmem:s20], [sflag:$0x1] =	stream.indirect.gather [hbm4b:s11+s18], $0x1, s19, s18, $0xb8;
	[tilespmem:$0x2AE0] =	vst v63  }
0x104: {  	s20 =	simm.s32 $0x23C0  }
0x105: {  	[tilespmem:s20], [sflag:$0x1] =	stream.indirect.gather [hbm4b:s11+s18], $0x1, s21, s18, $0xb8;
	[tilespmem:$0x2AE0] =	vst v63  }
0x106: {  	s20 =	simm.s32 $0x2440  }
0x107: {  	[tilespmem:s20], [sflag:$0x1] =	stream.indirect.gather [hbm4b:s11+s22], $0x1, s23, s22, $0xb8;
	[tilespmem:$0x2AE0] =	vst v63  }
0x108: {  	s20 =	simm.s32 $0x24C0  }
0x109: {  	[tilespmem:s20], [sflag:$0x1] =	stream.indirect.gather [hbm4b:s12+s18], $0x1, s19, s18, $0xb8;
	[tilespmem:$0x2AE0] =	vst v63  }
0x10a: {  	s20 =	simm.s32 $0x2540  }
0x10b: {  	[tilespmem:s20], [sflag:$0x1] =	stream.indirect.gather [hbm4b:s12+s18], $0x1, s21, s18, $0xb8;
	[tilespmem:$0x2AE0] =	vst v63  }
0x10c: {  	s20 =	simm.s32 $0x25C0  }
0x10d: {  	[tilespmem:s20], [sflag:$0x1] =	stream.indirect.gather [hbm4b:s12+s22], $0x1, s23, s22, $0xb8;
	[tilespmem:$0x2AE0] =	vst v63  }
0x10e: {  	s20 =	simm.s32 $0x2640  }
0x10f: {  	[tilespmem:s20], [sflag:$0x1] =	stream.indirect.gather [hbm4b:s14+s18], $0x1, s19, s18, $0xb8;
	[tilespmem:$0x2AE0] =	vst v63  }
0x110: {  	s20 =	simm.s32 $0x26C0  }
0x111: {  	[tilespmem:s20], [sflag:$0x1] =	stream.indirect.gather [hbm4b:s14+s18], $0x1, s21, s18, $0xb8;
	[tilespmem:$0x2AE0] =	vst v63  }
0x112: {  	s20 =	simm.s32 $0x2740  }
0x113: {  	[tilespmem:s20], [sflag:$0x1] =	stream.indirect.gather [hbm4b:s14+s22], $0x1, s23, s22, $0xb8;
	[tilespmem:$0x2AE0] =	vst v63  }
0x114: {  	s20 =	simm.s32 $0x27C0  }
0x115: {  	[tilespmem:s20], [sflag:$0x1] =	stream.indirect.gather [hbm4b:s28+s18], $0x1, s19, s18, $0xb8;
	[tilespmem:$0x2AE0] =	vst v63  }
0x116: {  	s20 =	simm.s32 $0x2840  }
0x117: {  	[tilespmem:s20], [sflag:$0x1] =	stream.indirect.gather [hbm4b:s28+s18], $0x1, s21, s18, $0xb8;
	[tilespmem:$0x2AE0] =	vst v63  }
0x118: {  	s20 =	simm.s32 $0x28C0  }
0x119: {  	[tilespmem:s20], [sflag:$0x1] =	stream.indirect.gather [hbm4b:s28+s22], $0x1, s23, s22, $0xb8;
	[tilespmem:$0x2AE0] =	vst v63  }
0x11a: {  	s20 =	simm.s32 $0x2940  }
0x11b: {  	[tilespmem:s20], [sflag:$0x1] =	stream.indirect.gather [hbm4b:s15+s18], $0x1, s19, s18, $0xb8;
	[tilespmem:$0x2AE0] =	vst v63  }
0x11c: {  	s20 =	simm.s32 $0x29C0  }
0x11d: {  	[tilespmem:s20], [sflag:$0x1] =	stream.indirect.gather [hbm4b:s15+s18], $0x1, s21, s18, $0xb8;
	[tilespmem:$0x2AE0] =	vst v63  }
0x11e: {  	s20 =	simm.s32 $0x2A40  }
0x11f: {  	[tilespmem:s20], [sflag:$0x1] =	stream.indirect.gather [hbm4b:s15+s22], $0x1, s23, s22, $0xb8;
	[tilespmem:$0x2AE0] =	vst v63  }
0x120: {  	_ =	swait.ge [sflag:s16], $0x80  }
0x121: {  	[sflag:s16] =	ssyncset.done $0x0  }
0x122: {  	[sflag:s16] =	ssyncadd.s32 $0xFFFFFF80  }
0x123: {  	_ =	swait.ge [sflag:s16], $0x80  }
0x124: {  	[sflag:s16] =	ssyncset.done $0x0  }
0x125: {  	[sflag:s16] =	ssyncadd.s32 $0xFFFFFF80  }
0x126: {  	_ =	swait.ge [sflag:s16], $0x2C  }
0x127: {  	[sflag:s16] =	ssyncset.done $0x0  }
0x128: {  	[sflag:s16] =	ssyncadd.s32 $0xFFFFFFD4  }
0x129: {  	_ =	swait.ge [sflag:s16], $0x80  }
0x12a: {  	[sflag:s16] =	ssyncset.done $0x0  }
0x12b: {  	[sflag:s16] =	ssyncadd.s32 $0xFFFFFF80  }
0x12c: {  	_ =	swait.ge [sflag:s16], $0x80  }
0x12d: {  	[sflag:s16] =	ssyncset.done $0x0  }
0x12e: {  	[sflag:s16] =	ssyncadd.s32 $0xFFFFFF80  }
0x12f: {  	_ =	swait.ge [sflag:s16], $0x2C  }
0x130: {  	[sflag:s16] =	ssyncset.done $0x0  }
0x131: {  	[sflag:s16] =	ssyncadd.s32 $0xFFFFFFD4  }
0x132: {  	_ =	swait.ge [sflag:s16], $0x80  }
0x133: {  	[sflag:s16] =	ssyncset.done $0x0  }
0x134: {  	[sflag:s16] =	ssyncadd.s32 $0xFFFFFF80  }
0x135: {  	_ =	swait.ge [sflag:s16], $0x80  }
0x136: {  	[sflag:s16] =	ssyncset.done $0x0  }
0x137: {  	[sflag:s16] =	ssyncadd.s32 $0xFFFFFF80  }
0x138: {  	_ =	swait.ge [sflag:s16], $0x2C  }
0x139: {  	[sflag:s16] =	ssyncset.done $0x0  }
0x13a: {  	[sflag:s16] =	ssyncadd.s32 $0xFFFFFFD4  }
0x13b: {  	_ =	swait.ge [sflag:s16], $0x80  }
0x13c: {  	[sflag:s16] =	ssyncset.done $0x0  }
0x13d: {  	[sflag:s16] =	ssyncadd.s32 $0xFFFFFF80  }
0x13e: {  	_ =	swait.ge [sflag:s16], $0x80  }
0x13f: {  	[sflag:s16] =	ssyncset.done $0x0  }
0x140: {  	[sflag:s16] =	ssyncadd.s32 $0xFFFFFF80  }
0x141: {  	_ =	swait.ge [sflag:s16], $0x2C  }
0x142: {  	[sflag:s16] =	ssyncset.done $0x0  }
0x143: {  	[sflag:s16] =	ssyncadd.s32 $0xFFFFFFD4  }
0x144: {  	_ =	swait.ge [sflag:s16], $0x80  }
0x145: {  	[sflag:s16] =	ssyncset.done $0x0  }
0x146: {  	[sflag:s16] =	ssyncadd.s32 $0xFFFFFF80  }
0x147: {  	_ =	swait.ge [sflag:s16], $0x80  }
0x148: {  	[sflag:s16] =	ssyncset.done $0x0  }
0x149: {  	[sflag:s16] =	ssyncadd.s32 $0xFFFFFF80  }
0x14a: {  	_ =	swait.ge [sflag:s16], $0x2C  }
0x14b: {  	[sflag:s16] =	ssyncset.done $0x0  }
0x14c: {  	[sflag:s16] =	ssyncadd.s32 $0xFFFFFFD4  }
0x14d: {  	_ =	swait.ge [sflag:s16], $0x80  }
0x14e: {  	[sflag:s16] =	ssyncset.done $0x0  }
0x14f: {  	[sflag:s16] =	ssyncadd.s32 $0xFFFFFF80  }
0x150: {  	_ =	swait.ge [sflag:s16], $0x80  }
0x151: {  	[sflag:s16] =	ssyncset.done $0x0  }
0x152: {  	[sflag:s16] =	ssyncadd.s32 $0xFFFFFF80  }
0x153: {  	_ =	swait.ge [sflag:s16], $0x2C  }
0x154: {  	[sflag:s16] =	ssyncset.done $0x0  }
0x155: {  	[sflag:s16] =	ssyncadd.s32 $0xFFFFFFD4  }
0x156: {  	_ =	swait.ge [sflag:s16], $0x80  }
0x157: {  	[sflag:s16] =	ssyncset.done $0x0  }
0x158: {  	[sflag:s16] =	ssyncadd.s32 $0xFFFFFF80  }
0x159: {  	_ =	swait.ge [sflag:s16], $0x80  }
0x15a: {  	[sflag:s16] =	ssyncset.done $0x0  }
0x15b: {  	[sflag:s16] =	ssyncadd.s32 $0xFFFFFF80  }
0x15c: {  	_ =	swait.ge [sflag:s16], $0x2C  }
0x15d: {  	[sflag:s16] =	ssyncset.done $0x0  }
0x15e: {  	[sflag:s16] =	ssyncadd.s32 $0xFFFFFFD4  }
0x15f: {  	_ =	swait.ge [sflag:s16], $0x80  }
0x160: {  	[sflag:s16] =	ssyncset.done $0x0  }
0x161: {  	[sflag:s16] =	ssyncadd.s32 $0xFFFFFF80  }
0x162: {  	_ =	swait.ge [sflag:s16], $0x80  }
0x163: {  	[sflag:s16] =	ssyncset.done $0x0  }
0x164: {  	[sflag:s16] =	ssyncadd.s32 $0xFFFFFF80  }
0x165: {  	_ =	swait.ge [sflag:s16], $0x2C  }
0x166: {  	[sflag:s16] =	ssyncset.done $0x0  }
0x167: {  	[sflag:s16] =	ssyncadd.s32 $0xFFFFFFD4  }
0x168: {  	_ =	swait.ge [sflag:s16], $0x80  }
0x169: {  	[sflag:s16] =	ssyncset.done $0x0  }
0x16a: {  	[sflag:s16] =	ssyncadd.s32 $0xFFFFFF80  }
0x16b: {  	_ =	swait.ge [sflag:s16], $0x80  }
0x16c: {  	[sflag:s16] =	ssyncset.done $0x0  }
0x16d: {  	[sflag:s16] =	ssyncadd.s32 $0xFFFFFF80  }
0x16e: {  	_ =	swait.ge [sflag:s16], $0x2C  }
0x16f: {  	[sflag:s16] =	ssyncset.done $0x0  }
0x170: {  	[sflag:s16] =	ssyncadd.s32 $0xFFFFFFD4  }
0x171: {  	_ =	swait.ge [sflag:s16], $0x80  }
0x172: {  	[sflag:s16] =	ssyncset.done $0x0  }
0x173: {  	[sflag:s16] =	ssyncadd.s32 $0xFFFFFF80  }
0x174: {  	_ =	swait.ge [sflag:s16], $0x80  }
0x175: {  	[sflag:s16] =	ssyncset.done $0x0  }
0x176: {  	[sflag:s16] =	ssyncadd.s32 $0xFFFFFF80  }
0x177: {  	_ =	swait.ge [sflag:s16], $0x2C  }
0x178: {  	[sflag:s16] =	ssyncset.done $0x0  }
0x179: {  	[sflag:s16] =	ssyncadd.s32 $0xFFFFFFD4  }
0x17a: {  	_ =	swait.ge [sflag:s16], $0x80  }
0x17b: {  	[sflag:s16] =	ssyncset.done $0x0  }
0x17c: {  	[sflag:s16] =	ssyncadd.s32 $0xFFFFFF80  }
0x17d: {  	_ =	swait.ge [sflag:s16], $0x80  }
0x17e: {  	[sflag:s16] =	ssyncset.done $0x0  }
0x17f: {  	[sflag:s16] =	ssyncadd.s32 $0xFFFFFF80  }
0x180: {  	_ =	swait.ge [sflag:s16], $0x2C  }
0x181: {  	[sflag:s16] =	ssyncset.done $0x0  }
0x182: {  	[sflag:s16] =	ssyncadd.s32 $0xFFFFFFD4  }
0x183: {  	_ =	swait.ge [sflag:s16], $0x80  }
0x184: {  	[sflag:s16] =	ssyncset.done $0x0  }
0x185: {  	[sflag:s16] =	ssyncadd.s32 $0xFFFFFF80  }
0x186: {  	_ =	swait.ge [sflag:s16], $0x80  }
0x187: {  	[sflag:s16] =	ssyncset.done $0x0  }
0x188: {  	[sflag:s16] =	ssyncadd.s32 $0xFFFFFF80  }
0x189: {  	_ =	swait.ge [sflag:s16], $0x2C  }
0x18a: {  	[sflag:s16] =	ssyncset.done $0x0  }
0x18b: {  	[sflag:s16] =	ssyncadd.s32 $0xFFFFFFD4  }
0x18c: {  	_ =	swait.ge [sflag:s16], $0x80  }
0x18d: {  	[sflag:s16] =	ssyncset.done $0x0  }
0x18e: {  	[sflag:s16] =	ssyncadd.s32 $0xFFFFFF80  }
0x18f: {  	_ =	swait.ge [sflag:s16], $0x80  }
0x190: {  	[sflag:s16] =	ssyncset.done $0x0  }
0x191: {  	[sflag:s16] =	ssyncadd.s32 $0xFFFFFF80  }
0x192: {  	_ =	swait.ge [sflag:s16], $0x2C  }
0x193: {  	[sflag:s16] =	ssyncset.done $0x0  }
0x194: {  	[sflag:s16] =	ssyncadd.s32 $0xFFFFFFD4  }
0x195: {  	_ =	swait.ge [sflag:s16], $0x80  }
0x196: {  	[sflag:s16] =	ssyncset.done $0x0  }
0x197: {  	[sflag:s16] =	ssyncadd.s32 $0xFFFFFF80  }
0x198: {  	_ =	swait.ge [sflag:s16], $0x80  }
0x199: {  	p3 =	slt.s32 s31, $0x1;
	[sflag:s16] =	ssyncset.done $0x0  }
0x19a: {  	p4 =	sgt.s32 s26, $0xFFFFFFFF;
	s26 =	sand.u32 $0xF, s24;
	[sflag:s16] =	ssyncadd.s32 $0xFFFFFF80  }
0x19b: {  	p3 =	por p4, p3;
	p6 =	sne.s32 s26, $0x0;
	_ =	swait.ge [sflag:s16], $0x2C  }
0x19c: {  	p3 =	por !p3, !p6;
	s20 =	sshra.s32 s24, $0x1F;
	[sflag:s16] =	ssyncset.done $0x0  }
0x19d: {  	p3 =	por !p3, !p3;
	s20 =	sshrl.u32 s20, $0x1C;
	[sflag:s16] =	ssyncadd.s32 $0xFFFFFFD4  }
0x19e: {  	s17 =	sadd.s32 s20, s24;
	s20 =	simm.s32 $0x1;
	_ =	swait.ge [sflag:s16], $0x80  }
0x19f: {  	s17 =	sshra.s32 s17, $0x4;
	s20 =	simm.s32 @!p3 $0x0;
	[sflag:s16] =	ssyncset.done $0x0  }
0x1a0: {  	s20 =	ssub.s32 s17, s20;
	[sflag:s16] =	ssyncadd.s32 $0xFFFFFF80  }
0x1a1: {  	s26 =	ssub.s32 $0x18, s20;
	_ =	swait.ge [sflag:s16], $0x80  }
0x1a2: {  	p3 =	sne.s32 s26, $0x1;
	[sflag:s16] =	ssyncset.done $0x0  }
.Ltmp4:
0x1a3: {  	[sflag:s16] =	ssyncadd.s32 $0xFFFFFF80;
	(pc) =	sbr.rel @!p3 .LBB2_6-.Ltmp4, $4  }
0x1a4: {  	s17 =	sshll.u32 s20, $0x6;
	_ =	swait.ge [sflag:s16], $0x2C  }
0x1a5: {  	s31 =	sshra.s32 s17, $0x2;
	[sflag:s16] =	ssyncset.done $0x0  }
0x1a6: {  	s29 =	sshll.u32 s20, $0x4;
	s17 =	sadd.s32 $0x1440, s31;
	[sflag:s16] =	ssyncadd.s32 $0xFFFFFFD4  }
0x1a7: {  	p4 =	por $0x0, $0x0;
	s26 =	sadd.s32 $0xFFFFFFFF, s26;
	v5 =	vor.u32 s29, v2;
	v6 =	vld [tilespmem:s17+$0x0]  }
0x1a8: {  	_ = 	snop  }
0x1a9: {  	p6 =	sne.s32 s26, $0x1  }
.Ltmp5:
0x1aa: {  	_ = 	snop;
	(pc) =	sbr.rel @!p6 .LBB2_8-.Ltmp5, $4  }
0x1ab: {  	vm0 =	vlt.s32 v5, v4  }
0x1ac: {  	v6 =	vnsel vm0, $0x0, v6  }
0x1ad: {  	[tilespmem:s17+$0x0] =	vst v6;
	s17 =	sadd.s32 $0x10, s17  }
0x1ae: {  	s20 =	sadd.s32 $0xFFFFFFFF, s26;
	p5 =	por $0x1, $0x1;
	s24 =	smov.u32 s29;
	v6 =	vld [tilespmem:s17+$0x0]  }
.LBB2_9:
0x1af: {  	p6 =	sne.s32 s20, $0x1  }
0x1b0: {  	s24 =	sadd.s32 $0x10, s24  }
.Ltmp6:
0x1b1: {  	v7 =	vor.u32 s24, v2;
	(pc) =	sbr.rel @p6 .LBB2_9-.Ltmp6, $4  }
0x1b2: {  	vm0 =	vlt.s32 v7, v4  }
0x1b3: {  	v6 =	vnsel vm0, $0x0, v6  }
0x1b4: {  	[tilespmem:s17+$0x0] =	vst v6;
	s17 =	sadd.s32 $0x10, s17  }
0x1b5: {  	s20 =	sadd.s32 $0xFFFFFFFF, s20;
	v6 =	vld [tilespmem:s17+$0x0]  }
.LBB2_10:
0x1b6: {  	s20 =	sadd.s32 @p5 $0x10, s24;
	s24 =	smov.u32 s29  }
0x1b7: {  	s24 =	smov.u32 @p5 s20  }
0x1b8: {  	v7 =	vor.u32 s24, v2  }
.Ltmp7:
0x1b9: {  	vm0 =	vlt.s32 v7, v4;
	(pc) =	sbr.rel @!p3 .LBB2_11-.Ltmp7, $4  }
0x1ba: {  	v6 =	vnsel vm0, $0x0, v6  }
0x1bb: {  	s20 =	rddreg [dreg:$0x6];
	s24 =	simm.s32 $0x1440;
	[tilespmem:s17+$0x0] =	vst v6;
	s17 =	sadd.s32 $0x15C0, s31  }
0x1bc: {  	[hbm4b:s20+s13] =	stream.linear.scatter [tilespmem:s24], [sflag:$0x2], $0x130, $0x38;
	[tilespmem:$0x2AE0] =	vst v63  }
0x1bd: {  	v6 =	vld [tilespmem:s17+$0x0]  }
0x1be: {  	_ = 	snop  }
0x1bf: {  	p5 =	sne.s32 s26, $0x1  }
.Ltmp8:
0x1c0: {  	_ = 	snop;
	(pc) =	sbr.rel @!p5 .LBB2_13-.Ltmp8, $4  }
0x1c1: {  	vm0 =	vlt.s32 v5, v4  }
0x1c2: {  	v6 =	vnsel vm0, $0x0, v6  }
0x1c3: {  	[tilespmem:s17+$0x0] =	vst v6;
	s17 =	sadd.s32 $0x10, s17  }
0x1c4: {  	s20 =	sadd.s32 $0xFFFFFFFF, s26;
	p4 =	por $0x1, $0x1;
	s24 =	smov.u32 s29;
	v6 =	vld [tilespmem:s17+$0x0]  }
.LBB2_14:
0x1c5: {  	p5 =	sne.s32 s20, $0x1  }
0x1c6: {  	s24 =	sadd.s32 $0x10, s24  }
.Ltmp9:
0x1c7: {  	v7 =	vor.u32 s24, v2;
	(pc) =	sbr.rel @p5 .LBB2_14-.Ltmp9, $4  }
0x1c8: {  	vm0 =	vlt.s32 v7, v4  }
0x1c9: {  	v6 =	vnsel vm0, $0x0, v6  }
0x1ca: {  	[tilespmem:s17+$0x0] =	vst v6;
	s17 =	sadd.s32 $0x10, s17  }
0x1cb: {  	s20 =	sadd.s32 $0xFFFFFFFF, s20;
	v6 =	vld [tilespmem:s17+$0x0]  }
.LBB2_15:
0x1cc: {  	s20 =	sadd.s32 @p4 $0x10, s24;
	s24 =	smov.u32 s29  }
0x1cd: {  	s24 =	smov.u32 @p4 s20  }
0x1ce: {  	v7 =	vor.u32 s24, v2  }
.Ltmp10:
0x1cf: {  	vm0 =	vlt.s32 v7, v4;
	(pc) =	sbr.rel @!p3 .LBB2_16-.Ltmp10, $4  }
0x1d0: {  	v6 =	vnsel vm0, $0x0, v6  }
0x1d1: {  	s20 =	rddreg [dreg:$0x7];
	s24 =	simm.s32 $0x15C0;
	[tilespmem:s17+$0x0] =	vst v6;
	s17 =	sadd.s32 $0x1740, s31  }
0x1d2: {  	[hbm4b:s20+s13] =	stream.linear.scatter [tilespmem:s24], [sflag:$0x2], $0x130, $0x38;
	[tilespmem:$0x2AE0] =	vst v63  }
0x1d3: {  	p4 =	por $0x0, $0x0;
	v6 =	vld [tilespmem:s17+$0x0]  }
0x1d4: {  	_ = 	snop  }
0x1d5: {  	p6 =	sne.s32 s26, $0x1  }
.Ltmp11:
0x1d6: {  	_ = 	snop;
	(pc) =	sbr.rel @!p6 .LBB2_18-.Ltmp11, $4  }
0x1d7: {  	vm0 =	vlt.s32 v5, v4  }
0x1d8: {  	v6 =	vnsel vm0, $0x0, v6  }
0x1d9: {  	[tilespmem:s17+$0x0] =	vst v6;
	s17 =	sadd.s32 $0x10, s17  }
0x1da: {  	s20 =	sadd.s32 $0xFFFFFFFF, s26;
	p5 =	por $0x1, $0x1;
	s24 =	smov.u32 s29;
	v6 =	vld [tilespmem:s17+$0x0]  }
.LBB2_19:
0x1db: {  	p6 =	sne.s32 s20, $0x1  }
0x1dc: {  	s24 =	sadd.s32 $0x10, s24  }
.Ltmp12:
0x1dd: {  	v7 =	vor.u32 s24, v2;
	(pc) =	sbr.rel @p6 .LBB2_19-.Ltmp12, $4  }
0x1de: {  	vm0 =	vlt.s32 v7, v4  }
0x1df: {  	v6 =	vnsel vm0, $0x0, v6  }
0x1e0: {  	[tilespmem:s17+$0x0] =	vst v6;
	s17 =	sadd.s32 $0x10, s17  }
0x1e1: {  	s20 =	sadd.s32 $0xFFFFFFFF, s20;
	v6 =	vld [tilespmem:s17+$0x0]  }
.LBB2_20:
0x1e2: {  	s20 =	sadd.s32 @p5 $0x10, s24;
	s24 =	smov.u32 s29  }
0x1e3: {  	s24 =	smov.u32 @p5 s20  }
0x1e4: {  	v7 =	vor.u32 s24, v2  }
.Ltmp13:
0x1e5: {  	vm0 =	vlt.s32 v7, v4;
	(pc) =	sbr.rel @!p3 .LBB2_21-.Ltmp13, $4  }
0x1e6: {  	v6 =	vnsel vm0, $0x0, v6  }
0x1e7: {  	s20 =	rddreg [dreg:$0x8];
	s24 =	simm.s32 $0x1740;
	[tilespmem:s17+$0x0] =	vst v6;
	s17 =	sadd.s32 $0x18C0, s31  }
0x1e8: {  	[hbm4b:s20+s13] =	stream.linear.scatter [tilespmem:s24], [sflag:$0x2], $0x130, $0x38;
	[tilespmem:$0x2AE0] =	vst v63  }
0x1e9: {  	v6 =	vld [tilespmem:s17+$0x0]  }
0x1ea: {  	_ = 	snop  }
0x1eb: {  	p5 =	sne.s32 s26, $0x1  }
.Ltmp14:
0x1ec: {  	_ = 	snop;
	(pc) =	sbr.rel @!p5 .LBB2_23-.Ltmp14, $4  }
0x1ed: {  	vm0 =	vlt.s32 v5, v4  }
0x1ee: {  	v6 =	vnsel vm0, $0x0, v6  }
0x1ef: {  	[tilespmem:s17+$0x0] =	vst v6;
	s17 =	sadd.s32 $0x10, s17  }
0x1f0: {  	s20 =	sadd.s32 $0xFFFFFFFF, s26;
	p4 =	por $0x1, $0x1;
	s24 =	smov.u32 s29;
	v6 =	vld [tilespmem:s17+$0x0]  }
.LBB2_24:
0x1f1: {  	p5 =	sne.s32 s20, $0x1  }
0x1f2: {  	s24 =	sadd.s32 $0x10, s24  }
.Ltmp15:
0x1f3: {  	v7 =	vor.u32 s24, v2;
	(pc) =	sbr.rel @p5 .LBB2_24-.Ltmp15, $4  }
0x1f4: {  	vm0 =	vlt.s32 v7, v4  }
0x1f5: {  	v6 =	vnsel vm0, $0x0, v6  }
0x1f6: {  	[tilespmem:s17+$0x0] =	vst v6;
	s17 =	sadd.s32 $0x10, s17  }
0x1f7: {  	s20 =	sadd.s32 $0xFFFFFFFF, s20;
	v6 =	vld [tilespmem:s17+$0x0]  }
.LBB2_25:
0x1f8: {  	s20 =	sadd.s32 @p4 $0x10, s24;
	s24 =	smov.u32 s29  }
0x1f9: {  	s24 =	smov.u32 @p4 s20  }
0x1fa: {  	v7 =	vor.u32 s24, v2  }
.Ltmp16:
0x1fb: {  	vm0 =	vlt.s32 v7, v4;
	(pc) =	sbr.rel @!p3 .LBB2_26-.Ltmp16, $4  }
0x1fc: {  	v6 =	vnsel vm0, $0x0, v6  }
0x1fd: {  	s20 =	rddreg [dreg:$0x9];
	s24 =	simm.s32 $0x18C0;
	[tilespmem:s17+$0x0] =	vst v6;
	s17 =	sadd.s32 $0x1A40, s31  }
0x1fe: {  	[hbm4b:s20+s13] =	stream.linear.scatter [tilespmem:s24], [sflag:$0x2], $0x130, $0x38;
	[tilespmem:$0x2AE0] =	vst v63  }
0x1ff: {  	p4 =	por $0x0, $0x0;
	v6 =	vld [tilespmem:s17+$0x0]  }
0x200: {  	_ = 	snop  }
0x201: {  	p6 =	sne.s32 s26, $0x1  }
.Ltmp17:
0x202: {  	_ = 	snop;
	(pc) =	sbr.rel @!p6 .LBB2_28-.Ltmp17, $4  }
0x203: {  	vm0 =	vlt.s32 v5, v4  }
0x204: {  	v6 =	vnsel vm0, $0x0, v6  }
0x205: {  	[tilespmem:s17+$0x0] =	vst v6;
	s17 =	sadd.s32 $0x10, s17  }
0x206: {  	s20 =	sadd.s32 $0xFFFFFFFF, s26;
	p5 =	por $0x1, $0x1;
	s24 =	smov.u32 s29;
	v6 =	vld [tilespmem:s17+$0x0]  }
.LBB2_29:
0x207: {  	p6 =	sne.s32 s20, $0x1  }
0x208: {  	s24 =	sadd.s32 $0x10, s24  }
.Ltmp18:
0x209: {  	v7 =	vor.u32 s24, v2;
	(pc) =	sbr.rel @p6 .LBB2_29-.Ltmp18, $4  }
0x20a: {  	vm0 =	vlt.s32 v7, v4  }
0x20b: {  	v6 =	vnsel vm0, $0x0, v6  }
0x20c: {  	[tilespmem:s17+$0x0] =	vst v6;
	s17 =	sadd.s32 $0x10, s17  }
0x20d: {  	s20 =	sadd.s32 $0xFFFFFFFF, s20;
	v6 =	vld [tilespmem:s17+$0x0]  }
.LBB2_30:
0x20e: {  	s20 =	sadd.s32 @p5 $0x10, s24;
	s24 =	smov.u32 s29  }
0x20f: {  	s24 =	smov.u32 @p5 s20  }
0x210: {  	v7 =	vor.u32 s24, v2  }
.Ltmp19:
0x211: {  	vm0 =	vlt.s32 v7, v4;
	(pc) =	sbr.rel @!p3 .LBB2_31-.Ltmp19, $4  }
0x212: {  	v6 =	vnsel vm0, $0x0, v6  }
0x213: {  	s20 =	rddreg [dreg:$0xa];
	s24 =	simm.s32 $0x1A40;
	[tilespmem:s17+$0x0] =	vst v6;
	s17 =	sadd.s32 $0x1BC0, s31  }
0x214: {  	[hbm4b:s20+s13] =	stream.linear.scatter [tilespmem:s24], [sflag:$0x2], $0x130, $0x38;
	[tilespmem:$0x2AE0] =	vst v63  }
0x215: {  	v6 =	vld [tilespmem:s17+$0x0]  }
0x216: {  	_ = 	snop  }
0x217: {  	p5 =	sne.s32 s26, $0x1  }
.Ltmp20:
0x218: {  	_ = 	snop;
	(pc) =	sbr.rel @!p5 .LBB2_33-.Ltmp20, $4  }
0x219: {  	vm0 =	vlt.s32 v5, v4  }
0x21a: {  	v6 =	vnsel vm0, $0x0, v6  }
0x21b: {  	[tilespmem:s17+$0x0] =	vst v6;
	s17 =	sadd.s32 $0x10, s17  }
0x21c: {  	s20 =	sadd.s32 $0xFFFFFFFF, s26;
	p4 =	por $0x1, $0x1;
	s24 =	smov.u32 s29;
	v6 =	vld [tilespmem:s17+$0x0]  }
.LBB2_34:
0x21d: {  	p5 =	sne.s32 s20, $0x1  }
0x21e: {  	s24 =	sadd.s32 $0x10, s24  }
.Ltmp21:
0x21f: {  	v7 =	vor.u32 s24, v2;
	(pc) =	sbr.rel @p5 .LBB2_34-.Ltmp21, $4  }
0x220: {  	vm0 =	vlt.s32 v7, v4  }
0x221: {  	v6 =	vnsel vm0, $0x0, v6  }
0x222: {  	[tilespmem:s17+$0x0] =	vst v6;
	s17 =	sadd.s32 $0x10, s17  }
0x223: {  	s20 =	sadd.s32 $0xFFFFFFFF, s20;
	v6 =	vld [tilespmem:s17+$0x0]  }
.LBB2_35:
0x224: {  	s20 =	sadd.s32 @p4 $0x10, s24;
	s24 =	smov.u32 s29  }
0x225: {  	s24 =	smov.u32 @p4 s20  }
0x226: {  	v7 =	vor.u32 s24, v2  }
.Ltmp22:
0x227: {  	vm0 =	vlt.s32 v7, v4;
	(pc) =	sbr.rel @!p3 .LBB2_36-.Ltmp22, $4  }
0x228: {  	v6 =	vnsel vm0, $0x0, v6  }
0x229: {  	s20 =	rddreg [dreg:$0xb];
	s24 =	simm.s32 $0x1BC0;
	[tilespmem:s17+$0x0] =	vst v6;
	s17 =	sadd.s32 $0x1D40, s31  }
0x22a: {  	[hbm4b:s20+s13] =	stream.linear.scatter [tilespmem:s24], [sflag:$0x2], $0x130, $0x38;
	[tilespmem:$0x2AE0] =	vst v63  }
0x22b: {  	p4 =	por $0x0, $0x0;
	v6 =	vld [tilespmem:s17+$0x0]  }
0x22c: {  	_ = 	snop  }
0x22d: {  	p6 =	sne.s32 s26, $0x1  }
.Ltmp23:
0x22e: {  	_ = 	snop;
	(pc) =	sbr.rel @!p6 .LBB2_38-.Ltmp23, $4  }
0x22f: {  	vm0 =	vlt.s32 v5, v4  }
0x230: {  	v6 =	vnsel vm0, $0x0, v6  }
0x231: {  	[tilespmem:s17+$0x0] =	vst v6;
	s17 =	sadd.s32 $0x10, s17  }
0x232: {  	s20 =	sadd.s32 $0xFFFFFFFF, s26;
	p5 =	por $0x1, $0x1;
	s24 =	smov.u32 s29;
	v6 =	vld [tilespmem:s17+$0x0]  }
.LBB2_39:
0x233: {  	p6 =	sne.s32 s20, $0x1  }
0x234: {  	s24 =	sadd.s32 $0x10, s24  }
.Ltmp24:
0x235: {  	v7 =	vor.u32 s24, v2;
	(pc) =	sbr.rel @p6 .LBB2_39-.Ltmp24, $4  }
0x236: {  	vm0 =	vlt.s32 v7, v4  }
0x237: {  	v6 =	vnsel vm0, $0x0, v6  }
0x238: {  	[tilespmem:s17+$0x0] =	vst v6;
	s17 =	sadd.s32 $0x10, s17  }
0x239: {  	s20 =	sadd.s32 $0xFFFFFFFF, s20;
	v6 =	vld [tilespmem:s17+$0x0]  }
.LBB2_40:
0x23a: {  	s20 =	sadd.s32 @p5 $0x10, s24;
	s24 =	smov.u32 s29  }
0x23b: {  	s24 =	smov.u32 @p5 s20  }
0x23c: {  	v7 =	vor.u32 s24, v2  }
.Ltmp25:
0x23d: {  	vm0 =	vlt.s32 v7, v4;
	(pc) =	sbr.rel @!p3 .LBB2_41-.Ltmp25, $4  }
0x23e: {  	v6 =	vnsel vm0, $0x0, v6  }
0x23f: {  	s20 =	rddreg [dreg:$0xc];
	s24 =	simm.s32 $0x1D40;
	[tilespmem:s17+$0x0] =	vst v6;
	s17 =	sadd.s32 $0x1EC0, s31  }
0x240: {  	[hbm4b:s20+s13] =	stream.linear.scatter [tilespmem:s24], [sflag:$0x2], $0x130, $0x38;
	[tilespmem:$0x2AE0] =	vst v63  }
0x241: {  	v6 =	vld [tilespmem:s17+$0x0]  }
0x242: {  	_ = 	snop  }
0x243: {  	p5 =	sne.s32 s26, $0x1  }
.Ltmp26:
0x244: {  	_ = 	snop;
	(pc) =	sbr.rel @!p5 .LBB2_43-.Ltmp26, $4  }
0x245: {  	vm0 =	vlt.s32 v5, v4  }
0x246: {  	v6 =	vnsel vm0, $0x0, v6  }
0x247: {  	[tilespmem:s17+$0x0] =	vst v6;
	s17 =	sadd.s32 $0x10, s17  }
0x248: {  	s20 =	sadd.s32 $0xFFFFFFFF, s26;
	p4 =	por $0x1, $0x1;
	s24 =	smov.u32 s29;
	v6 =	vld [tilespmem:s17+$0x0]  }
.LBB2_44:
0x249: {  	p5 =	sne.s32 s20, $0x1  }
0x24a: {  	s24 =	sadd.s32 $0x10, s24  }
.Ltmp27:
0x24b: {  	v7 =	vor.u32 s24, v2;
	(pc) =	sbr.rel @p5 .LBB2_44-.Ltmp27, $4  }
0x24c: {  	vm0 =	vlt.s32 v7, v4  }
0x24d: {  	v6 =	vnsel vm0, $0x0, v6  }
0x24e: {  	[tilespmem:s17+$0x0] =	vst v6;
	s17 =	sadd.s32 $0x10, s17  }
0x24f: {  	s20 =	sadd.s32 $0xFFFFFFFF, s20;
	v6 =	vld [tilespmem:s17+$0x0]  }
.LBB2_45:
0x250: {  	s20 =	sadd.s32 @p4 $0x10, s24;
	s24 =	smov.u32 s29  }
0x251: {  	s24 =	smov.u32 @p4 s20  }
0x252: {  	v7 =	vor.u32 s24, v2  }
.Ltmp28:
0x253: {  	vm0 =	vlt.s32 v7, v4;
	(pc) =	sbr.rel @!p3 .LBB2_46-.Ltmp28, $4  }
0x254: {  	v6 =	vnsel vm0, $0x0, v6  }
0x255: {  	s20 =	rddreg [dreg:$0xd];
	s24 =	simm.s32 $0x1EC0;
	[tilespmem:s17+$0x0] =	vst v6;
	s17 =	sadd.s32 $0x2040, s31  }
0x256: {  	[hbm4b:s20+s13] =	stream.linear.scatter [tilespmem:s24], [sflag:$0x2], $0x130, $0x38;
	[tilespmem:$0x2AE0] =	vst v63  }
0x257: {  	p4 =	por $0x0, $0x0;
	v6 =	vld [tilespmem:s17+$0x0]  }
0x258: {  	_ = 	snop  }
0x259: {  	p6 =	sne.s32 s26, $0x1  }
.Ltmp29:
0x25a: {  	_ = 	snop;
	(pc) =	sbr.rel @!p6 .LBB2_48-.Ltmp29, $4  }
0x25b: {  	vm0 =	vlt.s32 v5, v4  }
0x25c: {  	v6 =	vnsel vm0, $0x0, v6  }
0x25d: {  	[tilespmem:s17+$0x0] =	vst v6;
	s17 =	sadd.s32 $0x10, s17  }
0x25e: {  	s20 =	sadd.s32 $0xFFFFFFFF, s26;
	p5 =	por $0x1, $0x1;
	s24 =	smov.u32 s29;
	v6 =	vld [tilespmem:s17+$0x0]  }
.LBB2_49:
0x25f: {  	p6 =	sne.s32 s20, $0x1  }
0x260: {  	s24 =	sadd.s32 $0x10, s24  }
.Ltmp30:
0x261: {  	v7 =	vor.u32 s24, v2;
	(pc) =	sbr.rel @p6 .LBB2_49-.Ltmp30, $4  }
0x262: {  	vm0 =	vlt.s32 v7, v4  }
0x263: {  	v6 =	vnsel vm0, $0x0, v6  }
0x264: {  	[tilespmem:s17+$0x0] =	vst v6;
	s17 =	sadd.s32 $0x10, s17  }
0x265: {  	s20 =	sadd.s32 $0xFFFFFFFF, s20;
	v6 =	vld [tilespmem:s17+$0x0]  }
.LBB2_50:
0x266: {  	s20 =	sadd.s32 @p5 $0x10, s24;
	s24 =	smov.u32 s29  }
0x267: {  	s24 =	smov.u32 @p5 s20  }
0x268: {  	v7 =	vor.u32 s24, v2  }
.Ltmp31:
0x269: {  	vm0 =	vlt.s32 v7, v4;
	(pc) =	sbr.rel @!p3 .LBB2_51-.Ltmp31, $4  }
0x26a: {  	v6 =	vnsel vm0, $0x0, v6  }
0x26b: {  	s20 =	rddreg [dreg:$0xe];
	s24 =	simm.s32 $0x2040;
	[tilespmem:s17+$0x0] =	vst v6;
	s17 =	sadd.s32 $0x21C0, s31  }
0x26c: {  	[hbm4b:s20+s13] =	stream.linear.scatter [tilespmem:s24], [sflag:$0x2], $0x130, $0x38;
	[tilespmem:$0x2AE0] =	vst v63  }
0x26d: {  	v6 =	vld [tilespmem:s17+$0x0]  }
0x26e: {  	_ = 	snop  }
0x26f: {  	p5 =	sne.s32 s26, $0x1  }
.Ltmp32:
0x270: {  	_ = 	snop;
	(pc) =	sbr.rel @!p5 .LBB2_53-.Ltmp32, $4  }
0x271: {  	vm0 =	vlt.s32 v5, v4  }
0x272: {  	v6 =	vnsel vm0, $0x0, v6  }
0x273: {  	[tilespmem:s17+$0x0] =	vst v6;
	s17 =	sadd.s32 $0x10, s17  }
0x274: {  	s20 =	sadd.s32 $0xFFFFFFFF, s26;
	p4 =	por $0x1, $0x1;
	s24 =	smov.u32 s29;
	v6 =	vld [tilespmem:s17+$0x0]  }
.LBB2_54:
0x275: {  	p5 =	sne.s32 s20, $0x1  }
0x276: {  	s24 =	sadd.s32 $0x10, s24  }
.Ltmp33:
0x277: {  	v7 =	vor.u32 s24, v2;
	(pc) =	sbr.rel @p5 .LBB2_54-.Ltmp33, $4  }
0x278: {  	vm0 =	vlt.s32 v7, v4  }
0x279: {  	v6 =	vnsel vm0, $0x0, v6  }
0x27a: {  	[tilespmem:s17+$0x0] =	vst v6;
	s17 =	sadd.s32 $0x10, s17  }
0x27b: {  	s20 =	sadd.s32 $0xFFFFFFFF, s20;
	v6 =	vld [tilespmem:s17+$0x0]  }
.LBB2_55:
0x27c: {  	s20 =	sadd.s32 @p4 $0x10, s24;
	s24 =	smov.u32 s29  }
0x27d: {  	s24 =	smov.u32 @p4 s20  }
0x27e: {  	v7 =	vor.u32 s24, v2  }
.Ltmp34:
0x27f: {  	vm0 =	vlt.s32 v7, v4;
	(pc) =	sbr.rel @!p3 .LBB2_56-.Ltmp34, $4  }
0x280: {  	v6 =	vnsel vm0, $0x0, v6  }
0x281: {  	s20 =	rddreg [dreg:$0xf];
	s24 =	simm.s32 $0x21C0;
	[tilespmem:s17+$0x0] =	vst v6;
	s17 =	sadd.s32 $0x2340, s31  }
0x282: {  	[hbm4b:s20+s13] =	stream.linear.scatter [tilespmem:s24], [sflag:$0x2], $0x130, $0x38;
	[tilespmem:$0x2AE0] =	vst v63  }
0x283: {  	p4 =	por $0x0, $0x0;
	v6 =	vld [tilespmem:s17+$0x0]  }
0x284: {  	_ = 	snop  }
0x285: {  	p6 =	sne.s32 s26, $0x1  }
.Ltmp35:
0x286: {  	_ = 	snop;
	(pc) =	sbr.rel @!p6 .LBB2_58-.Ltmp35, $4  }
0x287: {  	vm0 =	vlt.s32 v5, v4  }
0x288: {  	v6 =	vnsel vm0, $0x0, v6  }
0x289: {  	[tilespmem:s17+$0x0] =	vst v6;
	s17 =	sadd.s32 $0x10, s17  }
0x28a: {  	s20 =	sadd.s32 $0xFFFFFFFF, s26;
	p5 =	por $0x1, $0x1;
	s24 =	smov.u32 s29;
	v6 =	vld [tilespmem:s17+$0x0]  }
.LBB2_59:
0x28b: {  	p6 =	sne.s32 s20, $0x1  }
0x28c: {  	s24 =	sadd.s32 $0x10, s24  }
.Ltmp36:
0x28d: {  	v7 =	vor.u32 s24, v2;
	(pc) =	sbr.rel @p6 .LBB2_59-.Ltmp36, $4  }
0x28e: {  	vm0 =	vlt.s32 v7, v4  }
0x28f: {  	v6 =	vnsel vm0, $0x0, v6  }
0x290: {  	[tilespmem:s17+$0x0] =	vst v6;
	s17 =	sadd.s32 $0x10, s17  }
0x291: {  	s20 =	sadd.s32 $0xFFFFFFFF, s20;
	v6 =	vld [tilespmem:s17+$0x0]  }
.LBB2_60:
0x292: {  	s20 =	sadd.s32 @p5 $0x10, s24;
	s24 =	smov.u32 s29  }
0x293: {  	s24 =	smov.u32 @p5 s20  }
0x294: {  	v7 =	vor.u32 s24, v2  }
.Ltmp37:
0x295: {  	vm0 =	vlt.s32 v7, v4;
	(pc) =	sbr.rel @!p3 .LBB2_61-.Ltmp37, $4  }
0x296: {  	v6 =	vnsel vm0, $0x0, v6  }
0x297: {  	s20 =	rddreg [dreg:$0x10];
	s24 =	simm.s32 $0x2340;
	[tilespmem:s17+$0x0] =	vst v6;
	s17 =	sadd.s32 $0x24C0, s31  }
0x298: {  	[hbm4b:s20+s13] =	stream.linear.scatter [tilespmem:s24], [sflag:$0x2], $0x130, $0x38;
	[tilespmem:$0x2AE0] =	vst v63  }
0x299: {  	v6 =	vld [tilespmem:s17+$0x0]  }
0x29a: {  	_ = 	snop  }
0x29b: {  	p5 =	sne.s32 s26, $0x1  }
.Ltmp38:
0x29c: {  	_ = 	snop;
	(pc) =	sbr.rel @!p5 .LBB2_63-.Ltmp38, $4  }
0x29d: {  	vm0 =	vlt.s32 v5, v4  }
0x29e: {  	v6 =	vnsel vm0, $0x0, v6  }
0x29f: {  	[tilespmem:s17+$0x0] =	vst v6;
	s17 =	sadd.s32 $0x10, s17  }
0x2a0: {  	s20 =	sadd.s32 $0xFFFFFFFF, s26;
	p4 =	por $0x1, $0x1;
	s24 =	smov.u32 s29;
	v6 =	vld [tilespmem:s17+$0x0]  }
.LBB2_64:
0x2a1: {  	p5 =	sne.s32 s20, $0x1  }
0x2a2: {  	s24 =	sadd.s32 $0x10, s24  }
.Ltmp39:
0x2a3: {  	v7 =	vor.u32 s24, v2;
	(pc) =	sbr.rel @p5 .LBB2_64-.Ltmp39, $4  }
0x2a4: {  	vm0 =	vlt.s32 v7, v4  }
0x2a5: {  	v6 =	vnsel vm0, $0x0, v6  }
0x2a6: {  	[tilespmem:s17+$0x0] =	vst v6;
	s17 =	sadd.s32 $0x10, s17  }
0x2a7: {  	s20 =	sadd.s32 $0xFFFFFFFF, s20;
	v6 =	vld [tilespmem:s17+$0x0]  }
.LBB2_65:
0x2a8: {  	s20 =	sadd.s32 @p4 $0x10, s24;
	s24 =	smov.u32 s29  }
0x2a9: {  	s24 =	smov.u32 @p4 s20  }
.Ltmp40:
0x2aa: {  	v7 =	vor.u32 s24, v2;
	(pc) =	sbr.rel @p1 .LBB2_72-.Ltmp40, $4  }
0x2ab: {  	vm0 =	vlt.s32 v7, v4  }
0x2ac: {  	v6 =	vnsel vm0, $0x0, v6  }
0x2ad: {  	s20 =	rddreg [dreg:$0x11];
	s24 =	simm.s32 $0x24C0;
	[tilespmem:s17+$0x0] =	vst v6  }
0x2ae: {  	[hbm4b:s20+s13] =	stream.linear.scatter [tilespmem:s24], [sflag:$0x2], $0x130, $0x38;
	[tilespmem:$0x2AE0] =	vst v63  }
.Ltmp41:
0x2af: {  	(pc) =	sbr.rel @!p3 .LBB2_67-.Ltmp41, $3  }
0x2b0: {  	_ =	sdelay $0x1  }
0x2b1: {  	s17 =	sadd.s32 $0x2640, s31  }
0x2b2: {  	p4 =	por $0x0, $0x0;
	v6 =	vld [tilespmem:s17+$0x0]  }
0x2b3: {  	_ = 	snop  }
0x2b4: {  	p5 =	sne.s32 s26, $0x1  }
.Ltmp42:
0x2b5: {  	_ = 	snop;
	(pc) =	sbr.rel @!p5 .LBB2_69-.Ltmp42, $4  }
0x2b6: {  	vm0 =	vlt.s32 v5, v4  }
0x2b7: {  	v6 =	vnsel vm0, $0x0, v6  }
0x2b8: {  	[tilespmem:s17+$0x0] =	vst v6;
	s17 =	sadd.s32 $0x10, s17  }
0x2b9: {  	s20 =	sadd.s32 $0xFFFFFFFF, s26;
	p4 =	por $0x1, $0x1;
	s24 =	smov.u32 s29;
	v6 =	vld [tilespmem:s17+$0x0]  }
.LBB2_70:
0x2ba: {  	p5 =	sne.s32 s20, $0x1  }
0x2bb: {  	s24 =	sadd.s32 $0x10, s24  }
.Ltmp43:
0x2bc: {  	v7 =	vor.u32 s24, v2;
	(pc) =	sbr.rel @p5 .LBB2_70-.Ltmp43, $4  }
0x2bd: {  	vm0 =	vlt.s32 v7, v4  }
0x2be: {  	v6 =	vnsel vm0, $0x0, v6  }
0x2bf: {  	[tilespmem:s17+$0x0] =	vst v6;
	s17 =	sadd.s32 $0x10, s17  }
0x2c0: {  	s20 =	sadd.s32 $0xFFFFFFFF, s20;
	v6 =	vld [tilespmem:s17+$0x0]  }
.LBB2_71:
0x2c1: {  	s20 =	sadd.s32 @p4 $0x10, s24;
	s24 =	smov.u32 s29  }
0x2c2: {  	s24 =	smov.u32 @p4 s20  }
0x2c3: {  	v7 =	vor.u32 s24, v2  }
0x2c4: {  	vm0 =	vlt.s32 v7, v4  }
0x2c5: {  	v6 =	vnsel vm0, $0x0, v6  }
0x2c6: {  	s20 =	rddreg [dreg:$0x12];
	s24 =	simm.s32 $0x2640;
	[tilespmem:s17+$0x0] =	vst v6  }
0x2c7: {  	[hbm4b:s20+s13] =	stream.linear.scatter [tilespmem:s24], [sflag:$0x3], $0x130, $0x38;
	[tilespmem:$0x2AE0] =	vst v63  }
0x2c8: {  	s24 =	simm.s32 $0x3  }
0x2c9: {  	_ =	swait.ge [sflag:s24], $0x130  }
0x2ca: {  	[sflag:s24] =	ssyncset.done $0x0  }
0x2cb: {  	[sflag:s24] =	ssyncadd.s32 $0xFFFFFED0  }
.LBB2_72:
.Ltmp44:
0x2cc: {  	(pc) =	sbr.rel @!p3 .LBB2_73-.Ltmp44, $3  }
0x2cd: {  	_ =	sdelay $0x1  }
0x2ce: {  	s17 =	sadd.s32 $0x27C0, s31  }
0x2cf: {  	p4 =	por $0x0, $0x0;
	v6 =	vld [tilespmem:s17+$0x0]  }
0x2d0: {  	_ = 	snop  }
0x2d1: {  	p5 =	sne.s32 s26, $0x1  }
.Ltmp45:
0x2d2: {  	_ = 	snop;
	(pc) =	sbr.rel @!p5 .LBB2_75-.Ltmp45, $4  }
0x2d3: {  	vm0 =	vlt.s32 v5, v4  }
0x2d4: {  	v6 =	vnsel vm0, $0x0, v6  }
0x2d5: {  	[tilespmem:s17+$0x0] =	vst v6;
	s17 =	sadd.s32 $0x10, s17  }
0x2d6: {  	s20 =	sadd.s32 $0xFFFFFFFF, s26;
	p4 =	por $0x1, $0x1;
	s24 =	smov.u32 s29;
	v6 =	vld [tilespmem:s17+$0x0]  }
.LBB2_76:
0x2d7: {  	p5 =	sne.s32 s20, $0x1  }
0x2d8: {  	s24 =	sadd.s32 $0x10, s24  }
.Ltmp46:
0x2d9: {  	v7 =	vor.u32 s24, v2;
	(pc) =	sbr.rel @p5 .LBB2_76-.Ltmp46, $4  }
0x2da: {  	vm0 =	vlt.s32 v7, v4  }
0x2db: {  	v6 =	vnsel vm0, $0x0, v6  }
0x2dc: {  	[tilespmem:s17+$0x0] =	vst v6;
	s17 =	sadd.s32 $0x10, s17  }
0x2dd: {  	s20 =	sadd.s32 $0xFFFFFFFF, s20;
	v6 =	vld [tilespmem:s17+$0x0]  }
.LBB2_77:
0x2de: {  	s20 =	sadd.s32 @p4 $0x10, s24;
	s24 =	smov.u32 s29  }
0x2df: {  	s24 =	smov.u32 @p4 s20  }
.Ltmp47:
0x2e0: {  	v7 =	vor.u32 s24, v2;
	(pc) =	sbr.rel @p2 .LBB2_84-.Ltmp47, $4  }
0x2e1: {  	vm0 =	vlt.s32 v7, v4  }
0x2e2: {  	v6 =	vnsel vm0, $0x0, v6  }
0x2e3: {  	s20 =	rddreg [dreg:$0x13];
	s24 =	simm.s32 $0x27C0;
	[tilespmem:s17+$0x0] =	vst v6  }
0x2e4: {  	[hbm4b:s20+s13] =	stream.linear.scatter [tilespmem:s24], [sflag:$0x2], $0x130, $0x38;
	[tilespmem:$0x2AE0] =	vst v63  }
.Ltmp48:
0x2e5: {  	(pc) =	sbr.rel @!p3 .LBB2_79-.Ltmp48, $3  }
0x2e6: {  	_ =	sdelay $0x1  }
0x2e7: {  	s17 =	sadd.s32 $0x2940, s31  }
0x2e8: {  	p4 =	por $0x0, $0x0;
	v6 =	vld [tilespmem:s17+$0x0]  }
0x2e9: {  	_ = 	snop  }
0x2ea: {  	p3 =	sne.s32 s26, $0x1  }
.Ltmp49:
0x2eb: {  	_ = 	snop;
	(pc) =	sbr.rel @!p3 .LBB2_81-.Ltmp49, $4  }
0x2ec: {  	vm0 =	vlt.s32 v5, v4  }
0x2ed: {  	v5 =	vnsel vm0, $0x0, v6  }
0x2ee: {  	[tilespmem:s17+$0x0] =	vst v5;
	s17 =	sadd.s32 $0x10, s17  }
0x2ef: {  	s20 =	sadd.s32 $0xFFFFFFFF, s26;
	p4 =	por $0x1, $0x1;
	s24 =	smov.u32 s29;
	v6 =	vld [tilespmem:s17+$0x0]  }
.LBB2_82:
0x2f0: {  	p3 =	sne.s32 s20, $0x1  }
0x2f1: {  	s24 =	sadd.s32 $0x10, s24  }
.Ltmp50:
0x2f2: {  	v5 =	vor.u32 s24, v2;
	(pc) =	sbr.rel @p3 .LBB2_82-.Ltmp50, $4  }
0x2f3: {  	vm0 =	vlt.s32 v5, v4  }
0x2f4: {  	v5 =	vnsel vm0, $0x0, v6  }
0x2f5: {  	[tilespmem:s17+$0x0] =	vst v5;
	s17 =	sadd.s32 $0x10, s17  }
0x2f6: {  	s20 =	sadd.s32 $0xFFFFFFFF, s20;
	v6 =	vld [tilespmem:s17+$0x0]  }
.Ltmp51:
0x2f7: {  	_ = 	snop;
	(pc) =	sbr.rel .LBB2_83-.Ltmp51, $1  }
0x2f8: {  	_ =	sdelay $0x3  }
.LBB2_6:
.Ltmp52:
0x2f9: {  	(pc) =	sbr.rel .LBB2_10-.Ltmp52, $2  }
0x2fa: {  	_ =	sdelay $0x2  }
0x2fb: {  	s24 =	smov.u32 s29;
	p5 =	por $0x0, $0x0  }
.LBB2_11:
.Ltmp53:
0x2fc: {  	(pc) =	sbr.rel .LBB2_15-.Ltmp53, $2  }
0x2fd: {  	_ =	sdelay $0x2  }
0x2fe: {  	s24 =	smov.u32 s29  }
.LBB2_16:
.Ltmp54:
0x2ff: {  	(pc) =	sbr.rel .LBB2_20-.Ltmp54, $2  }
0x300: {  	_ =	sdelay $0x2  }
0x301: {  	s24 =	smov.u32 s29;
	p5 =	por $0x0, $0x0  }
.LBB2_21:
.Ltmp55:
0x302: {  	(pc) =	sbr.rel .LBB2_25-.Ltmp55, $2  }
0x303: {  	_ =	sdelay $0x2  }
0x304: {  	s24 =	smov.u32 s29  }
.LBB2_26:
.Ltmp56:
0x305: {  	(pc) =	sbr.rel .LBB2_30-.Ltmp56, $2  }
0x306: {  	_ =	sdelay $0x2  }
0x307: {  	s24 =	smov.u32 s29;
	p5 =	por $0x0, $0x0  }
.LBB2_31:
.Ltmp57:
0x308: {  	(pc) =	sbr.rel .LBB2_35-.Ltmp57, $2  }
0x309: {  	_ =	sdelay $0x2  }
0x30a: {  	s24 =	smov.u32 s29  }
.LBB2_36:
.Ltmp58:
0x30b: {  	(pc) =	sbr.rel .LBB2_40-.Ltmp58, $2  }
0x30c: {  	_ =	sdelay $0x2  }
0x30d: {  	s24 =	smov.u32 s29;
	p5 =	por $0x0, $0x0  }
.LBB2_41:
.Ltmp59:
0x30e: {  	(pc) =	sbr.rel .LBB2_45-.Ltmp59, $2  }
0x30f: {  	_ =	sdelay $0x2  }
0x310: {  	s24 =	smov.u32 s29  }
.LBB2_46:
.Ltmp60:
0x311: {  	(pc) =	sbr.rel .LBB2_50-.Ltmp60, $2  }
0x312: {  	_ =	sdelay $0x2  }
0x313: {  	s24 =	smov.u32 s29;
	p5 =	por $0x0, $0x0  }
.LBB2_51:
.Ltmp61:
0x314: {  	(pc) =	sbr.rel .LBB2_55-.Ltmp61, $2  }
0x315: {  	_ =	sdelay $0x2  }
0x316: {  	s24 =	smov.u32 s29  }
.LBB2_56:
.Ltmp62:
0x317: {  	(pc) =	sbr.rel .LBB2_60-.Ltmp62, $2  }
0x318: {  	_ =	sdelay $0x2  }
0x319: {  	s24 =	smov.u32 s29;
	p5 =	por $0x0, $0x0  }
.LBB2_61:
.Ltmp63:
0x31a: {  	(pc) =	sbr.rel .LBB2_65-.Ltmp63, $2  }
0x31b: {  	_ =	sdelay $0x2  }
0x31c: {  	s24 =	smov.u32 s29  }
.LBB2_73:
.Ltmp64:
0x31d: {  	(pc) =	sbr.rel .LBB2_77-.Ltmp64, $2  }
0x31e: {  	_ =	sdelay $0x2  }
0x31f: {  	s24 =	smov.u32 s29  }
.LBB2_8:
.Ltmp65:
0x320: {  	(pc) =	sbr.rel .LBB2_10-.Ltmp65, $2  }
0x321: {  	_ =	sdelay $0x2  }
0x322: {  	s24 =	smov.u32 s29  }
.LBB2_13:
.Ltmp66:
0x323: {  	(pc) =	sbr.rel .LBB2_15-.Ltmp66, $2  }
0x324: {  	_ =	sdelay $0x2  }
0x325: {  	s24 =	smov.u32 s29  }
.LBB2_18:
.Ltmp67:
0x326: {  	(pc) =	sbr.rel .LBB2_20-.Ltmp67, $2  }
0x327: {  	_ =	sdelay $0x2  }
0x328: {  	s24 =	smov.u32 s29  }
.LBB2_23:
.Ltmp68:
0x329: {  	(pc) =	sbr.rel .LBB2_25-.Ltmp68, $2  }
0x32a: {  	_ =	sdelay $0x2  }
0x32b: {  	s24 =	smov.u32 s29  }
.LBB2_28:
.Ltmp69:
0x32c: {  	(pc) =	sbr.rel .LBB2_30-.Ltmp69, $2  }
0x32d: {  	_ =	sdelay $0x2  }
0x32e: {  	s24 =	smov.u32 s29  }
.LBB2_33:
.Ltmp70:
0x32f: {  	(pc) =	sbr.rel .LBB2_35-.Ltmp70, $2  }
0x330: {  	_ =	sdelay $0x2  }
0x331: {  	s24 =	smov.u32 s29  }
.LBB2_38:
.Ltmp71:
0x332: {  	(pc) =	sbr.rel .LBB2_40-.Ltmp71, $2  }
0x333: {  	_ =	sdelay $0x2  }
0x334: {  	s24 =	smov.u32 s29  }
.LBB2_43:
.Ltmp72:
0x335: {  	(pc) =	sbr.rel .LBB2_45-.Ltmp72, $2  }
0x336: {  	_ =	sdelay $0x2  }
0x337: {  	s24 =	smov.u32 s29  }
.LBB2_48:
.Ltmp73:
0x338: {  	(pc) =	sbr.rel .LBB2_50-.Ltmp73, $2  }
0x339: {  	_ =	sdelay $0x2  }
0x33a: {  	s24 =	smov.u32 s29  }
.LBB2_53:
.Ltmp74:
0x33b: {  	(pc) =	sbr.rel .LBB2_55-.Ltmp74, $2  }
0x33c: {  	_ =	sdelay $0x2  }
0x33d: {  	s24 =	smov.u32 s29  }
.LBB2_58:
.Ltmp75:
0x33e: {  	(pc) =	sbr.rel .LBB2_60-.Ltmp75, $2  }
0x33f: {  	_ =	sdelay $0x2  }
0x340: {  	s24 =	smov.u32 s29  }
.LBB2_63:
.Ltmp76:
0x341: {  	(pc) =	sbr.rel .LBB2_65-.Ltmp76, $2  }
0x342: {  	_ =	sdelay $0x2  }
0x343: {  	s24 =	smov.u32 s29  }
.LBB2_75:
.Ltmp77:
0x344: {  	(pc) =	sbr.rel .LBB2_77-.Ltmp77, $2  }
0x345: {  	_ =	sdelay $0x2  }
0x346: {  	s24 =	smov.u32 s29  }
.LBB2_67:
.Ltmp78:
0x347: {  	(pc) =	sbr.rel .LBB2_71-.Ltmp78, $2  }
0x348: {  	_ =	sdelay $0x2  }
0x349: {  	s24 =	smov.u32 s29  }
.LBB2_69:
.Ltmp79:
0x34a: {  	(pc) =	sbr.rel .LBB2_71-.Ltmp79, $2  }
0x34b: {  	_ =	sdelay $0x2  }
0x34c: {  	s24 =	smov.u32 s29  }
.LBB2_81:
.Ltmp80:
0x34d: {  	(pc) =	sbr.rel .LBB2_83-.Ltmp80, $2  }
0x34e: {  	_ =	sdelay $0x2  }
0x34f: {  	s24 =	smov.u32 s29  }
.LBB2_85:
0x350: {  	_ =	sfence.sel $0x180000  }
0x351: {  	[bflag:$0x0] =	sbarrier.arrive $0xFFFF  }
0x352: {  	_ =	strace $0x90000047  }
0x353: {  	s0 =	stileid.u32;
	[bflag:$0x2] =	sbarrier.arrive $0xFFFF  }
0x354: {  	p0 =	sne.s32 s0, $0x0;
	s0 =	rddreg [dreg:$0x5]  }
0x355: {  	s0 =	sadd.s32 @!p0 $0x100000, s0  }
0x356: {  	[sflag:s0] =	ssyncadd.tile.s32 @!p0 $0x1;
	_ =	shalt  }
.Lfunc_end2:
_tile_overlayer_lowered:
.L_overlay_start_2:
0x357: {  	(tag) =	ssettag $0x2  }
0x358: {  	s0 =	rddreg [dreg:$0x0];
	s2 =	stileid.u32  }
0x359: {  	s1 =	rddreg [dreg:$0x1];
	p0 =	sne.s32 s2, $0x0  }
0x35a: {  	s3 =	rddreg [dreg:$0x2];
	[bflag:$0x3] =	sbarrier.arrive $0xFFFF;
	s2 =	simm.s32 @!p0 $0x1C03  }
0x35b: {  	[timem:s3], [sflag:s2] =	dma.local @!p0 [hbm:s0], s1  }
0x35c: {  	s0 =	simm.s32 @!p0 $0x3  }
0x35d: {  	_ =	swait.ge @!p0 [sflag:s0], s1  }
0x35e: {  	s1 =	ssub.s32 @!p0 $0x0, s1;
	[sflag:s0] =	ssyncset.done @!p0 $0x0  }
0x35f: {  	[sflag:s0] =	ssyncadd.s32 @!p0 s1  }
0x360: {  	[bflag:$0x3] =	sbarrier.arrive $0xFFFF  }
0x361: {  	_ =	shalt  }

</sc_bundles>
